<compile_context>
chip_gen: v7x
topology: tpu7x:2x2x1
jax: 0.10.2.dev20260603
libtpu: 0.0.44.dev20260713+nightly
codegen_flags: <defaults>
</compile_context>

<pallas_src>
import functools

import jax
import jax.numpy as jnp
from jax import lax
from jax.experimental import pallas as pl
from jax.experimental.pallas import tpu as pltpu
from jax.experimental.pallas import tpu_sc as plsc

N_NODES = 10000
N_PAD = 10240
D_IN = 128
D_HID = 16
D_OUT = 3
N_EDGES = 320000
NC = 2
NS = 16
NW = NC * NS
CHUNK = 128
NCHUNK = 80
EPT = CHUNK * NCHUNK
E_PAD = NW * EPT
EPT3 = N_EDGES // NW
RPS = N_PAD // NS
VR = N_PAD // 8
KB = 4
NBLK = NCHUNK // KB


def _sc_mesh():
  return plsc.VectorSubcoreMesh(core_axis_name="c", subcore_axis_name="s")


_SC_PARAMS = pltpu.CompilerParams(needs_layout_passes=False,
                                  use_tc_tiling_on_sc=False)


def _rsqrt16(d):
  bits = plsc.bitcast(d, jnp.int32)
  y = plsc.bitcast(jnp.int32(0x5F3759DF) - (bits >> 1), jnp.float32)
  for _ in range(3):
    y = y * (1.5 - 0.5 * d * y * y)
  return y


def _sc_deg(edge_full):

  @functools.partial(
      pl.kernel,
      out_type=jax.ShapeDtypeStruct((NC, N_PAD), jnp.float32),
      mesh=_sc_mesh(),
      compiler_params=_SC_PARAMS,
      scratch_types=[
          pltpu.VMEM((EPT3,), jnp.int32),
          pltpu.VMEM((N_PAD,), jnp.float32),
          pltpu.VMEM((RPS,), jnp.float32),
          pltpu.VMEM((RPS,), jnp.float32),
          pltpu.VMEM_SHARED((NS, N_PAD), jnp.float32),
      ],
  )
  def k(dst_hbm, hist_hbm, dst_v, hist_v, tmp_v, acc_v, hist_sh):
    c = lax.axis_index("c")
    s = lax.axis_index("s")
    wid = c * NS + s
    zero16 = jnp.zeros((16,), jnp.float32)

    @pl.loop(0, N_PAD, step=16)
    def _(i):
      hist_v[pl.ds(i, 16)] = zero16

    pltpu.sync_copy(dst_hbm.at[1].at[pl.ds(wid * EPT3, EPT3)], dst_v)

    @pl.loop(0, EPT3, step=80)
    def _(t):
      for u in (0, 16, 32, 48, 64):
        idx = dst_v[pl.ds(t + u, 16)]
        cnt, last = plsc.scan_count(idx)
        plsc.addupdate_scatter(hist_v, [idx], cnt.astype(jnp.float32),
                               mask=last)

    pltpu.sync_copy(hist_v, hist_sh.at[s])
    plsc.subcore_barrier()

    @pl.loop(0, RPS, step=16)
    def _(i):
      acc_v[pl.ds(i, 16)] = zero16

    for j in range(NS):
      pltpu.sync_copy(hist_sh.at[j].at[pl.ds(s * RPS, RPS)], tmp_v)

      @pl.loop(0, RPS, step=16)
      def _(i):
        acc_v[pl.ds(i, 16)] += tmp_v[pl.ds(i, 16)]

    pltpu.sync_copy(acc_v, hist_hbm.at[c].at[pl.ds(s * RPS, RPS)])

  return k(edge_full)


def _sc_agg(table, src2d, dst2d, hist2, zeros):

  @functools.partial(
      pl.kernel,
      out_type=jax.ShapeDtypeStruct((NC, N_PAD, D_HID), jnp.float32),
      mesh=_sc_mesh(),
      compiler_params=_SC_PARAMS,
      scratch_types=[
          pltpu.VMEM((NCHUNK, CHUNK), jnp.int32),
          pltpu.VMEM((NCHUNK, CHUNK), jnp.int32),
          pltpu.VMEM((KB, CHUNK, D_HID), jnp.float32),
          pltpu.VMEM((KB, CHUNK, D_HID), jnp.float32),
          pltpu.VMEM((RPS, D_HID), jnp.float32),
          pltpu.VMEM((RPS, D_HID), jnp.float32),
          pltpu.VMEM((RPS,), jnp.float32),
          pltpu.VMEM((RPS,), jnp.float32),
          pltpu.VMEM_SHARED((N_PAD, D_HID), jnp.float32),
          pltpu.VMEM_SHARED((N_PAD, D_HID), jnp.float32),
          pltpu.SemaphoreType.DMA,
          pltpu.SemaphoreType.DMA,
      ],
  )
  def k(tab_hbm, src_hbm, dst_hbm, hist_hbm, z_hbm, out_hbm, src_v, dst_v,
        buf_a, buf_b, tab_v, acc_v, dis_v, tmp_v, acc_sh, tab_sh, sem_a,
        sem_b):
    c = lax.axis_index("c")
    s = lax.axis_index("s")
    wid = c * NS + s
    rows = pl.ds(s * RPS, RPS)

    pltpu.sync_copy(z_hbm.at[rows], acc_sh.at[rows])
    pltpu.sync_copy(tab_hbm.at[rows], tab_v)
    pltpu.sync_copy(hist_hbm.at[0].at[rows], dis_v)
    pltpu.sync_copy(hist_hbm.at[1].at[rows], tmp_v)
    pltpu.sync_copy(src_hbm.at[pl.ds(wid * NCHUNK, NCHUNK)], src_v)
    pltpu.sync_copy(dst_hbm.at[pl.ds(wid * NCHUNK, NCHUNK)], dst_v)

    @pl.loop(0, RPS, step=16)
    def _(i):
      dis_v[pl.ds(i, 16)] = _rsqrt16(dis_v[pl.ds(i, 16)]
                                     + tmp_v[pl.ds(i, 16)] + 1.0)

    @pl.loop(0, RPS, step=2)
    def _(r):
      for u in (0, 1):
        dr = plsc.load_gather(dis_v, [jnp.full((16,), r + u, jnp.int32)])
        tab_v[r + u, :] = tab_v[r + u, :] * dr

    pltpu.sync_copy(tab_v, tab_sh.at[rows])
    plsc.subcore_barrier()

    def fire_g(b, bufs, sem):
      for t in range(KB):
        pltpu.async_copy(tab_sh.at[src_v.at[b * KB + t]], bufs.at[t], sem)

    def drain_g(bufs, sem):
      for t in range(KB):
        pltpu.make_async_copy(tab_hbm.at[src_v.at[0]], bufs.at[t], sem).wait()

    def scatter(b, bufs):
      for t in range(KB):
        pltpu.sync_copy(bufs.at[t], acc_sh.at[dst_v.at[b * KB + t]], add=True)

    fire_g(0, buf_a, sem_a)

    @pl.loop(0, NBLK - 2, step=2)
    def _(b):
      fire_g(b + 1, buf_b, sem_b)
      drain_g(buf_a, sem_a)
      scatter(b, buf_a)
      fire_g(b + 2, buf_a, sem_a)
      drain_g(buf_b, sem_b)
      scatter(b + 1, buf_b)

    fire_g(NBLK - 1, buf_b, sem_b)
    drain_g(buf_a, sem_a)
    scatter(NBLK - 2, buf_a)
    drain_g(buf_b, sem_b)
    scatter(NBLK - 1, buf_b)

    plsc.subcore_barrier()

    pltpu.sync_copy(acc_sh.at[rows], acc_v)
    f16 = jnp.where(jnp.broadcast_to(c, (16,)) == 0, 1.0, 0.0)

    @pl.loop(0, RPS, step=2)
    def _(r):
      for u in (0, 1):
        dr = plsc.load_gather(dis_v, [jnp.full((16,), r + u, jnp.int32)])
        acc_v[r + u, :] = (acc_v[r + u, :] + f16 * tab_v[r + u, :]) * dr

    pltpu.sync_copy(acc_v, out_hbm.at[c].at[rows])

  return k(table, src2d, dst2d, hist2, zeros)


def _tc_mm(xv, w1):
  def body(x_ref, w_ref, o_ref):
    w = w_ref[...]
    for r in range(8):
      o_ref[:, 16 * r:16 * (r + 1)] = jnp.dot(
          x_ref[:, 128 * r:128 * (r + 1)], w,
          preferred_element_type=jnp.float32)

  return pl.pallas_call(
      body,
      out_shape=jax.ShapeDtypeStruct((VR, 128), jnp.float32),
  )(xv, w1)


def _tc_mid(q1, b1t):
  def body(q_ref, b_ref, o_ref):
    o_ref[...] = jnp.maximum(q_ref[0] + q_ref[1] + b_ref[...], 0.0)

  return pl.pallas_call(
      body,
      out_shape=jax.ShapeDtypeStruct((VR, 128), jnp.float32),
  )(q1, b1t)


def _tc_final(q2, w2, b2r):
  def body(q_ref, w_ref, b_ref, o_ref):
    ah = q_ref[0] + q_ref[1]
    w = w_ref[...]
    b = b_ref[...]
    for r in range(8):
      o_ref[:, D_OUT * r:D_OUT * (r + 1)] = jnp.dot(
          ah[:, 16 * r:16 * (r + 1)], w,
          preferred_element_type=jnp.float32) + b

  return pl.pallas_call(
      body,
      out_shape=jax.ShapeDtypeStruct((VR, 8 * D_OUT), jnp.float32),
  )(q2, w2, b2r)


@jax.jit
def kernel(x, edge_index, W1, b1, W2, b2):
  x_pad = jnp.pad(x, ((0, N_PAD - N_NODES), (0, 0)))
  xv = x_pad.reshape(VR, 8 * D_IN)
  edges = jnp.pad(edge_index, ((0, 0), (0, E_PAD - N_EDGES)),
                  constant_values=N_PAD - 1)
  src2 = edges[0].reshape(NW * NCHUNK, CHUNK)
  dst2 = edges[1].reshape(NW * NCHUNK, CHUNK)
  z16 = jnp.zeros((N_PAD, D_HID), jnp.float32)
  b1t = jnp.tile(b1, 8).reshape(1, 128)

  hist2 = _sc_deg(edge_index)
  xw1 = _tc_mm(xv, W1)
  q1 = _sc_agg(xw1.reshape(N_PAD, D_HID), src2, dst2, hist2, z16)
  h = _tc_mid(q1.reshape(NC, VR, 128), b1t)
  q2 = _sc_agg(h.reshape(N_PAD, D_HID), src2, dst2, hist2, z16)
  out = _tc_final(q2.reshape(NC, VR, 128), W2, b2.reshape(1, D_OUT))
  return out.reshape(N_PAD, D_OUT)[:N_NODES]

# --- scband reference (transcript-rebuilt; emitter-appended) ---
"""Pipeline reference for scband-gcn-65008624993013 (READ-ONLY COPY).

The authoritative reference and input builder live on the scoring server;
editing this copy changes nothing except your own understanding.
"""

import jax, jax.numpy as jnp
import numpy as np

N_NODES = 10000
N_EDGES = 320000
D_IN = 128
D_HID = 16
D_OUT = 3


def setup_inputs(seed: int = 0) -> dict:
    key = jax.random.key(seed)
    k1, k2, k3, k4 = jax.random.split(key, 4)
    x = jax.random.normal(k1, (N_NODES, D_IN), dtype=jnp.float32)
    edge_index = jax.random.randint(k2, (2, N_EDGES), 0, N_NODES, dtype=jnp.int32)
    W1 = jax.random.normal(k3, (D_IN, D_HID), dtype=jnp.float32) * (1.0 / np.sqrt(D_IN))
    b1 = jnp.zeros((D_HID,), dtype=jnp.float32)
    W2 = jax.random.normal(k4, (D_HID, D_OUT), dtype=jnp.float32) * (1.0 / np.sqrt(D_HID))
    b2 = jnp.zeros((D_OUT,), dtype=jnp.float32)
    return {"x": x, "edge_index": edge_index, "W1": W1, "b1": b1, "W2": W2, "b2": b2}


def _gcn_conv(x, edge_index, W, b):
    # GCNConv: out = D^{-1/2} (A + I) D^{-1/2} X W + b  (symmetric normalization, self-loops)
    N = x.shape[0]
    src = edge_index[0]
    dst = edge_index[1]
    loop = jnp.arange(N, dtype=src.dtype)
    src = jnp.concatenate([src, loop])
    dst = jnp.concatenate([dst, loop])
    xw = x @ W
    deg = jnp.zeros((N,), dtype=xw.dtype).at[dst].add(1.0)
    deg_inv_sqrt = jnp.where(deg > 0, jax.lax.rsqrt(jnp.maximum(deg, 1e-12)), 0.0)
    norm = deg_inv_sqrt[src] * deg_inv_sqrt[dst]
    msg = jnp.take(xw, src, axis=0) * norm[:, None]
    out = jnp.zeros((N, xw.shape[1]), dtype=xw.dtype).at[dst].add(msg)
    return out + b


def reference(x, edge_index, W1, b1, W2, b2):
    h = _gcn_conv(x, edge_index, W1, b1)
    h = jax.nn.relu(h)
    # F.dropout(training=self.training): identity in eval mode
    return _gcn_conv(h, edge_index, W2, b2)

if __name__ == "__main__":
    import jax
    _d = setup_inputs()
    print(jax.jit(kernel)(*tuple(_d.values())))

</pallas_src>

<mosaic_0001>
#map = affine_map<(d0, d1) -> (0, 0)>
module attributes {stable_mosaic.version = 14 : i64} {
  func.func @k(%arg0: i32, %arg1: i32, %arg2: memref<2x320000xi32, #tpu.memory_space<hbm>>, %arg3: memref<2x10240xf32, #tpu.memory_space<hbm>>, %arg4: memref<10000xi32, #tpu.memory_space<vmem>>, %arg5: memref<10240xf32, #tpu.memory_space<vmem>>, %arg6: memref<640xf32, #tpu.memory_space<vmem>>, %arg7: memref<640xf32, #tpu.memory_space<vmem>>, %arg8: memref<16x10240xf32, #tpu.memory_space<vmem_shared>>) attributes {dimension_semantics = [#tpu.dimension_semantics<core_parallel>, #tpu.dimension_semantics<subcore_parallel>], iteration_bounds = array<i64: 2, 16>, scalar_prefetch = 0 : i64, scratch_operands = 5 : i64, tpu.core_type = #tpu.core_type<sc_vector_subcore>, window_params = [{transform_indices = #map}, {transform_indices = #map}]} {
    %mul3A = arith.constant 16 : i32
    %mul3A_0 = arith.muli %arg0, %mul3A : i32
    %add3A = arith.addi %mul3A_0, %arg1 : i32
    %broadcast_in_dim3A = arith.constant 0.000000e+00 : f32
    %broadcast_in_dim3A_1 = vector.broadcast %broadcast_in_dim3A : f32 to vector<16xf32>
    %scan3A = arith.constant 0 : i32
    %scan3A_2 = arith.constant 640 : i32
    %scan3A_3 = arith.addi %scan3A, %scan3A_2 : i32
    %scan3A_4 = arith.constant 1 : i32
    scf.for %scan3A_148 = %scan3A to %scan3A_3 step %scan3A_4  : i32 {
      %mul3A_149 = arith.constant 16 : i32
      %mul3A_150 = arith.muli %scan3A_148, %mul3A_149 : i32
      %add3A_151 = arith.constant 0 : i32
      %add3A_152 = arith.addi %add3A_151, %mul3A_150 : i32
      %swap3A = arith.index_cast %add3A_152 : i32 to index
      %swap3A_153 = tpu.vector_load %arg5[%swap3A] {strides = array<i32>} : memref<10240xf32, #tpu.memory_space<vmem>>, vector<16xf32>,
      tpu.vector_store %arg5[%swap3A], %broadcast_in_dim3A_1 {strides = array<i32>} : memref<10240xf32, #tpu.memory_space<vmem>>, vector<16xf32>,
    }
    %scan3A_5 = arith.constant 640 : i32
    %mul3A_6 = arith.constant 10000 : i32
    %mul3A_7 = arith.muli %add3A, %mul3A_6 : i32
    %run_scoped3A = arith.constant 1 : i32
    "tpu.region"() ({
      %run_scoped3A_148 = tpu.sem_alloc : memref<!tpu.dma_semaphore, #tpu.memory_space<semaphore_mem>>
      %dma_start3A = arith.constant 0 : i32
      %dma_start3A_149 = tpu.memref_slice %arg2[%run_scoped3A, %dma_start3A] : memref<2x320000xi32, #tpu.memory_space<hbm>> -> memref<1x320000xi32, #tpu.memory_space<hbm>>
      %dma_start3A_150 = tpu.memref_squeeze %dma_start3A_149 : memref<1x320000xi32, #tpu.memory_space<hbm>> -> memref<320000xi32, #tpu.memory_space<hbm>>
      %dma_start3A_151 = tpu.memref_slice %dma_start3A_150[%mul3A_7] : memref<320000xi32, #tpu.memory_space<hbm>> -> memref<10000xi32, #tpu.memory_space<hbm>>
      %dma_start3A_152 = arith.constant 0 : i32
      %dma_start3A_153 = tpu.memref_slice %arg2[%run_scoped3A, %dma_start3A_152] : memref<2x320000xi32, #tpu.memory_space<hbm>> -> memref<1x320000xi32, #tpu.memory_space<hbm>>
      %dma_start3A_154 = tpu.memref_squeeze %dma_start3A_153 : memref<1x320000xi32, #tpu.memory_space<hbm>> -> memref<320000xi32, #tpu.memory_space<hbm>>
      %dma_start3A_155 = tpu.memref_slice %dma_start3A_154[%mul3A_7] : memref<320000xi32, #tpu.memory_space<hbm>> -> memref<10000xi32, #tpu.memory_space<hbm>>
      tpu.enqueue_dma source(%dma_start3A_155 : memref<10000xi32, #tpu.memory_space<hbm>>) target(%arg4 : memref<10000xi32, #tpu.memory_space<vmem>>) target_semaphore(%run_scoped3A_148 : memref<!tpu.dma_semaphore, #tpu.memory_space<semaphore_mem>>)
      %dma_wait3A = arith.constant 0 : i32
      %dma_wait3A_156 = tpu.memref_slice %arg2[%run_scoped3A, %dma_wait3A] : memref<2x320000xi32, #tpu.memory_space<hbm>> -> memref<1x320000xi32, #tpu.memory_space<hbm>>
      %dma_wait3A_157 = tpu.memref_squeeze %dma_wait3A_156 : memref<1x320000xi32, #tpu.memory_space<hbm>> -> memref<320000xi32, #tpu.memory_space<hbm>>
      %dma_wait3A_158 = tpu.memref_slice %dma_wait3A_157[%mul3A_7] : memref<320000xi32, #tpu.memory_space<hbm>> -> memref<10000xi32, #tpu.memory_space<hbm>>
      %dma_wait3A_159 = arith.constant 0 : i32
      %dma_wait3A_160 = tpu.memref_slice %arg2[%run_scoped3A, %dma_wait3A_159] : memref<2x320000xi32, #tpu.memory_space<hbm>> -> memref<1x320000xi32, #tpu.memory_space<hbm>>
      %dma_wait3A_161 = tpu.memref_squeeze %dma_wait3A_160 : memref<1x320000xi32, #tpu.memory_space<hbm>> -> memref<320000xi32, #tpu.memory_space<hbm>>
      %dma_wait3A_162 = tpu.memref_slice %dma_wait3A_161[%mul3A_7] : memref<320000xi32, #tpu.memory_space<hbm>> -> memref<10000xi32, #tpu.memory_space<hbm>>
      tpu.wait_dma2 semaphore(%run_scoped3A_148 : memref<!tpu.dma_semaphore, #tpu.memory_space<semaphore_mem>>) src(%dma_wait3A_162 : memref<10000xi32, #tpu.memory_space<hbm>>) dst(%arg4 : memref<10000xi32, #tpu.memory_space<vmem>>)
      tpu.yield
    }) : () -> ()
    %scan3A_8 = arith.constant 0 : i32
    %scan3A_9 = arith.constant 125 : i32
    %scan3A_10 = arith.addi %scan3A_8, %scan3A_9 : i32
    %scan3A_11 = arith.constant 1 : i32
    scf.for %scan3A_148 = %scan3A_8 to %scan3A_10 step %scan3A_11  : i32 {
      %mul3A_149 = arith.constant 80 : i32
      %mul3A_150 = arith.muli %scan3A_148, %mul3A_149 : i32
      %add3A_151 = arith.constant 0 : i32
      %add3A_152 = arith.addi %add3A_151, %mul3A_150 : i32
      %add3A_153 = arith.constant 0 : i32
      %add3A_154 = arith.addi %add3A_152, %add3A_153 : i32
      %get3A = arith.index_cast %add3A_154 : i32 to index
      %get3A_155 = tpu.vector_load %arg4[%get3A] {strides = array<i32>} : memref<10000xi32, #tpu.memory_space<vmem>>, vector<16xi32>,
      %broadcast_in_dim3A_156 = arith.constant true
      %broadcast_in_dim3A_157 = vector.broadcast %broadcast_in_dim3A_156 : i1 to vector<16xi1>
      %unique3A, %unique3A_158 = tpu.scan_count mask(%broadcast_in_dim3A_157 : vector<16xi1>) value(%get3A_155 : vector<16xi32>) : vector<16xi1>, vector<16xi32>
      %convert_element_type3A = arith.sitofp %unique3A_158 : vector<16xi32> to vector<16xf32>
      tpu.vector_store_idx %arg5[%get3A_155], %convert_element_type3A masked %unique3A {add = true} : memref<10240xf32, #tpu.memory_space<vmem>>[vector<16xi32>], vector<16xf32>, vector<16xi1>
      %add3A_159 = arith.constant 16 : i32
      %add3A_160 = arith.addi %add3A_152, %add3A_159 : i32
      %get3A_161 = arith.index_cast %add3A_160 : i32 to index
      %get3A_162 = tpu.vector_load %arg4[%get3A_161] {strides = array<i32>} : memref<10000xi32, #tpu.memory_space<vmem>>, vector<16xi32>,
      %broadcast_in_dim3A_163 = arith.constant true
      %broadcast_in_dim3A_164 = vector.broadcast %broadcast_in_dim3A_163 : i1 to vector<16xi1>
      %unique3A_165, %unique3A_166 = tpu.scan_count mask(%broadcast_in_dim3A_164 : vector<16xi1>) value(%get3A_162 : vector<16xi32>) : vector<16xi1>, vector<16xi32>
      %convert_element_type3A_167 = arith.sitofp %unique3A_166 : vector<16xi32> to vector<16xf32>
      tpu.vector_store_idx %arg5[%get3A_162], %convert_element_type3A_167 masked %unique3A_165 {add = true} : memref<10240xf32, #tpu.memory_space<vmem>>[vector<16xi32>], vector<16xf32>, vector<16xi1>
      %add3A_168 = arith.constant 32 : i32
      %add3A_169 = arith.addi %add3A_152, %add3A_168 : i32
      %get3A_170 = arith.index_cast %add3A_169 : i32 to index
      %get3A_171 = tpu.vector_load %arg4[%get3A_170] {strides = array<i32>} : memref<10000xi32, #tpu.memory_space<vmem>>, vector<16xi32>,
      %broadcast_in_dim3A_172 = arith.constant true
      %broadcast_in_dim3A_173 = vector.broadcast %broadcast_in_dim3A_172 : i1 to vector<16xi1>
      %unique3A_174, %unique3A_175 = tpu.scan_count mask(%broadcast_in_dim3A_173 : vector<16xi1>) value(%get3A_171 : vector<16xi32>) : vector<16xi1>, vector<16xi32>
      %convert_element_type3A_176 = arith.sitofp %unique3A_175 : vector<16xi32> to vector<16xf32>
      tpu.vector_store_idx %arg5[%get3A_171], %convert_element_type3A_176 masked %unique3A_174 {add = true} : memref<10240xf32, #tpu.memory_space<vmem>>[vector<16xi32>], vector<16xf32>, vector<16xi1>
      %add3A_177 = arith.constant 48 : i32
      %add3A_178 = arith.addi %add3A_152, %add3A_177 : i32
      %get3A_179 = arith.index_cast %add3A_178 : i32 to index
      %get3A_180 = tpu.vector_load %arg4[%get3A_179] {strides = array<i32>} : memref<10000xi32, #tpu.memory_space<vmem>>, vector<16xi32>,
      %broadcast_in_dim3A_181 = arith.constant true
      %broadcast_in_dim3A_182 = vector.broadcast %broadcast_in_dim3A_181 : i1 to vector<16xi1>
      %unique3A_183, %unique3A_184 = tpu.scan_count mask(%broadcast_in_dim3A_182 : vector<16xi1>) value(%get3A_180 : vector<16xi32>) : vector<16xi1>, vector<16xi32>
      %convert_element_type3A_185 = arith.sitofp %unique3A_184 : vector<16xi32> to vector<16xf32>
      tpu.vector_store_idx %arg5[%get3A_180], %convert_element_type3A_185 masked %unique3A_183 {add = true} : memref<10240xf32, #tpu.memory_space<vmem>>[vector<16xi32>], vector<16xf32>, vector<16xi1>
      %add3A_186 = arith.constant 64 : i32
      %add3A_187 = arith.addi %add3A_152, %add3A_186 : i32
      %get3A_188 = arith.index_cast %add3A_187 : i32 to index
      %get3A_189 = tpu.vector_load %arg4[%get3A_188] {strides = array<i32>} : memref<10000xi32, #tpu.memory_space<vmem>>, vector<16xi32>,
      %broadcast_in_dim3A_190 = arith.constant true
      %broadcast_in_dim3A_191 = vector.broadcast %broadcast_in_dim3A_190 : i1 to vector<16xi1>
      %unique3A_192, %unique3A_193 = tpu.scan_count mask(%broadcast_in_dim3A_191 : vector<16xi1>) value(%get3A_189 : vector<16xi32>) : vector<16xi1>, vector<16xi32>
      %convert_element_type3A_194 = arith.sitofp %unique3A_193 : vector<16xi32> to vector<16xf32>
      tpu.vector_store_idx %arg5[%get3A_189], %convert_element_type3A_194 masked %unique3A_192 {add = true} : memref<10240xf32, #tpu.memory_space<vmem>>[vector<16xi32>], vector<16xf32>, vector<16xi1>
    }
    %scan3A_12 = arith.constant 125 : i32
    "tpu.region"() ({
      %run_scoped3A_148 = tpu.sem_alloc : memref<!tpu.dma_semaphore, #tpu.memory_space<semaphore_mem>>
      %dma_start3A = arith.constant 0 : i32
      %dma_start3A_149 = tpu.memref_slice %arg8[%arg1, %dma_start3A] : memref<16x10240xf32, #tpu.memory_space<vmem_shared>> -> memref<1x10240xf32, #tpu.memory_space<vmem_shared>>
      %dma_start3A_150 = tpu.memref_squeeze %dma_start3A_149 : memref<1x10240xf32, #tpu.memory_space<vmem_shared>> -> memref<10240xf32, #tpu.memory_space<vmem_shared>>
      %dma_start3A_151 = arith.constant 0 : i32
      %dma_start3A_152 = tpu.memref_slice %arg8[%arg1, %dma_start3A_151] : memref<16x10240xf32, #tpu.memory_space<vmem_shared>> -> memref<1x10240xf32, #tpu.memory_space<vmem_shared>>
      %dma_start3A_153 = tpu.memref_squeeze %dma_start3A_152 : memref<1x10240xf32, #tpu.memory_space<vmem_shared>> -> memref<10240xf32, #tpu.memory_space<vmem_shared>>
      tpu.enqueue_dma source(%arg5 : memref<10240xf32, #tpu.memory_space<vmem>>) target(%dma_start3A_153 : memref<10240xf32, #tpu.memory_space<vmem_shared>>) target_semaphore(%run_scoped3A_148 : memref<!tpu.dma_semaphore, #tpu.memory_space<semaphore_mem>>)
      %dma_wait3A = arith.constant 0 : i32
      %dma_wait3A_154 = tpu.memref_slice %arg8[%arg1, %dma_wait3A] : memref<16x10240xf32, #tpu.memory_space<vmem_shared>> -> memref<1x10240xf32, #tpu.memory_space<vmem_shared>>
      %dma_wait3A_155 = tpu.memref_squeeze %dma_wait3A_154 : memref<1x10240xf32, #tpu.memory_space<vmem_shared>> -> memref<10240xf32, #tpu.memory_space<vmem_shared>>
      %dma_wait3A_156 = arith.constant 0 : i32
      %dma_wait3A_157 = tpu.memref_slice %arg8[%arg1, %dma_wait3A_156] : memref<16x10240xf32, #tpu.memory_space<vmem_shared>> -> memref<1x10240xf32, #tpu.memory_space<vmem_shared>>
      %dma_wait3A_158 = tpu.memref_squeeze %dma_wait3A_157 : memref<1x10240xf32, #tpu.memory_space<vmem_shared>> -> memref<10240xf32, #tpu.memory_space<vmem_shared>>
      tpu.wait_dma2 semaphore(%run_scoped3A_148 : memref<!tpu.dma_semaphore, #tpu.memory_space<semaphore_mem>>) src(%arg5 : memref<10240xf32, #tpu.memory_space<vmem>>) dst(%dma_wait3A_158 : memref<10240xf32, #tpu.memory_space<vmem_shared>>)
      tpu.yield
    }) : () -> ()
    %barrier3A = arith.constant 0 : index
    tpu.barrier barrier_id(%barrier3A)
    %scan3A_13 = arith.constant 0 : i32
    %scan3A_14 = arith.constant 40 : i32
    %scan3A_15 = arith.addi %scan3A_13, %scan3A_14 : i32
    %scan3A_16 = arith.constant 1 : i32
    scf.for %scan3A_148 = %scan3A_13 to %scan3A_15 step %scan3A_16  : i32 {
      %mul3A_149 = arith.constant 16 : i32
      %mul3A_150 = arith.muli %scan3A_148, %mul3A_149 : i32
      %add3A_151 = arith.constant 0 : i32
      %add3A_152 = arith.addi %add3A_151, %mul3A_150 : i32
      %swap3A = arith.index_cast %add3A_152 : i32 to index
      %swap3A_153 = tpu.vector_load %arg7[%swap3A] {strides = array<i32>} : memref<640xf32, #tpu.memory_space<vmem>>, vector<16xf32>,
      tpu.vector_store %arg7[%swap3A], %broadcast_in_dim3A_1 {strides = array<i32>} : memref<640xf32, #tpu.memory_space<vmem>>, vector<16xf32>,
    }
    %scan3A_17 = arith.constant 40 : i32
    %mul3A_18 = arith.constant 640 : i32
    %mul3A_19 = arith.muli %arg1, %mul3A_18 : i32
    %run_scoped3A_20 = arith.constant 0 : i32
    "tpu.region"() ({
      %run_scoped3A_148 = tpu.sem_alloc : memref<!tpu.dma_semaphore, #tpu.memory_space<semaphore_mem>>
      %dma_start3A = arith.constant 0 : i32
      %dma_start3A_149 = tpu.memref_slice %arg8[%run_scoped3A_20, %dma_start3A] : memref<16x10240xf32, #tpu.memory_space<vmem_shared>> -> memref<1x10240xf32, #tpu.memory_space<vmem_shared>>
      %dma_start3A_150 = tpu.memref_squeeze %dma_start3A_149 : memref<1x10240xf32, #tpu.memory_space<vmem_shared>> -> memref<10240xf32, #tpu.memory_space<vmem_shared>>
      %dma_start3A_151 = tpu.memref_slice %dma_start3A_150[%mul3A_19] : memref<10240xf32, #tpu.memory_space<vmem_shared>> -> memref<640xf32, #tpu.memory_space<vmem_shared>>
      %dma_start3A_152 = arith.constant 0 : i32
      %dma_start3A_153 = tpu.memref_slice %arg8[%run_scoped3A_20, %dma_start3A_152] : memref<16x10240xf32, #tpu.memory_space<vmem_shared>> -> memref<1x10240xf32, #tpu.memory_space<vmem_shared>>
      %dma_start3A_154 = tpu.memref_squeeze %dma_start3A_153 : memref<1x10240xf32, #tpu.memory_space<vmem_shared>> -> memref<10240xf32, #tpu.memory_space<vmem_shared>>
      %dma_start3A_155 = tpu.memref_slice %dma_start3A_154[%mul3A_19] : memref<10240xf32, #tpu.memory_space<vmem_shared>> -> memref<640xf32, #tpu.memory_space<vmem_shared>>
      tpu.enqueue_dma source(%dma_start3A_155 : memref<640xf32, #tpu.memory_space<vmem_shared>>) target(%arg6 : memref<640xf32, #tpu.memory_space<vmem>>) target_semaphore(%run_scoped3A_148 : memref<!tpu.dma_semaphore, #tpu.memory_space<semaphore_mem>>)
      %dma_wait3A = arith.constant 0 : i32
      %dma_wait3A_156 = tpu.memref_slice %arg8[%run_scoped3A_20, %dma_wait3A] : memref<16x10240xf32, #tpu.memory_space<vmem_shared>> -> memref<1x10240xf32, #tpu.memory_space<vmem_shared>>
      %dma_wait3A_157 = tpu.memref_squeeze %dma_wait3A_156 : memref<1x10240xf32, #tpu.memory_space<vmem_shared>> -> memref<10240xf32, #tpu.memory_space<vmem_shared>>
      %dma_wait3A_158 = tpu.memref_slice %dma_wait3A_157[%mul3A_19] : memref<10240xf32, #tpu.memory_space<vmem_shared>> -> memref<640xf32, #tpu.memory_space<vmem_shared>>
      %dma_wait3A_159 = arith.constant 0 : i32
      %dma_wait3A_160 = tpu.memref_slice %arg8[%run_scoped3A_20, %dma_wait3A_159] : memref<16x10240xf32, #tpu.memory_space<vmem_shared>> -> memref<1x10240xf32, #tpu.memory_space<vmem_shared>>
      %dma_wait3A_161 = tpu.memref_squeeze %dma_wait3A_160 : memref<1x10240xf32, #tpu.memory_space<vmem_shared>> -> memref<10240xf32, #tpu.memory_space<vmem_shared>>
      %dma_wait3A_162 = tpu.memref_slice %dma_wait3A_161[%mul3A_19] : memref<10240xf32, #tpu.memory_space<vmem_shared>> -> memref<640xf32, #tpu.memory_space<vmem_shared>>
      tpu.wait_dma2 semaphore(%run_scoped3A_148 : memref<!tpu.dma_semaphore, #tpu.memory_space<semaphore_mem>>) src(%dma_wait3A_162 : memref<640xf32, #tpu.memory_space<vmem_shared>>) dst(%arg6 : memref<640xf32, #tpu.memory_space<vmem>>)
      tpu.yield
    }) : () -> ()
    %scan3A_21 = arith.constant 0 : i32
    %scan3A_22 = arith.constant 40 : i32
    %scan3A_23 = arith.addi %scan3A_21, %scan3A_22 : i32
    %scan3A_24 = arith.constant 1 : i32
    scf.for %scan3A_148 = %scan3A_21 to %scan3A_23 step %scan3A_24  : i32 {
      %mul3A_149 = arith.constant 16 : i32
      %mul3A_150 = arith.muli %scan3A_148, %mul3A_149 : i32
      %add3A_151 = arith.constant 0 : i32
      %add3A_152 = arith.addi %add3A_151, %mul3A_150 : i32
      %get3A = arith.index_cast %add3A_152 : i32 to index
      %get3A_153 = tpu.vector_load %arg7[%get3A] {strides = array<i32>} : memref<640xf32, #tpu.memory_space<vmem>>, vector<16xf32>,
      %get3A_154 = arith.index_cast %add3A_152 : i32 to index
      %get3A_155 = tpu.vector_load %arg6[%get3A_154] {strides = array<i32>} : memref<640xf32, #tpu.memory_space<vmem>>, vector<16xf32>,
      %add3A_156 = arith.addf %get3A_153, %get3A_155 : vector<16xf32>
      %swap3A = arith.index_cast %add3A_152 : i32 to index
      %swap3A_157 = tpu.vector_load %arg7[%swap3A] {strides = array<i32>} : memref<640xf32, #tpu.memory_space<vmem>>, vector<16xf32>,
      tpu.vector_store %arg7[%swap3A], %add3A_156 {strides = array<i32>} : memref<640xf32, #tpu.memory_space<vmem>>, vector<16xf32>,
    }
    %scan3A_25 = arith.constant 40 : i32
    %mul3A_26 = arith.constant 640 : i32
    %mul3A_27 = arith.muli %arg1, %mul3A_26 : i32
    %run_scoped3A_28 = arith.constant 1 : i32
    "tpu.region"() ({
      %run_scoped3A_148 = tpu.sem_alloc : memref<!tpu.dma_semaphore, #tpu.memory_space<semaphore_mem>>
      %dma_start3A = arith.constant 0 : i32
      %dma_start3A_149 = tpu.memref_slice %arg8[%run_scoped3A_28, %dma_start3A] : memref<16x10240xf32, #tpu.memory_space<vmem_shared>> -> memref<1x10240xf32, #tpu.memory_space<vmem_shared>>
      %dma_start3A_150 = tpu.memref_squeeze %dma_start3A_149 : memref<1x10240xf32, #tpu.memory_space<vmem_shared>> -> memref<10240xf32, #tpu.memory_space<vmem_shared>>
      %dma_start3A_151 = tpu.memref_slice %dma_start3A_150[%mul3A_27] : memref<10240xf32, #tpu.memory_space<vmem_shared>> -> memref<640xf32, #tpu.memory_space<vmem_shared>>
      %dma_start3A_152 = arith.constant 0 : i32
      %dma_start3A_153 = tpu.memref_slice %arg8[%run_scoped3A_28, %dma_start3A_152] : memref<16x10240xf32, #tpu.memory_space<vmem_shared>> -> memref<1x10240xf32, #tpu.memory_space<vmem_shared>>
      %dma_start3A_154 = tpu.memref_squeeze %dma_start3A_153 : memref<1x10240xf32, #tpu.memory_space<vmem_shared>> -> memref<10240xf32, #tpu.memory_space<vmem_shared>>
      %dma_start3A_155 = tpu.memref_slice %dma_start3A_154[%mul3A_27] : memref<10240xf32, #tpu.memory_space<vmem_shared>> -> memref<640xf32, #tpu.memory_space<vmem_shared>>
      tpu.enqueue_dma source(%dma_start3A_155 : memref<640xf32, #tpu.memory_space<vmem_shared>>) target(%arg6 : memref<640xf32, #tpu.memory_space<vmem>>) target_semaphore(%run_scoped3A_148 : memref<!tpu.dma_semaphore, #tpu.memory_space<semaphore_mem>>)
      %dma_wait3A = arith.constant 0 : i32
      %dma_wait3A_156 = tpu.memref_slice %arg8[%run_scoped3A_28, %dma_wait3A] : memref<16x10240xf32, #tpu.memory_space<vmem_shared>> -> memref<1x10240xf32, #tpu.memory_space<vmem_shared>>
      %dma_wait3A_157 = tpu.memref_squeeze %dma_wait3A_156 : memref<1x10240xf32, #tpu.memory_space<vmem_shared>> -> memref<10240xf32, #tpu.memory_space<vmem_shared>>
      %dma_wait3A_158 = tpu.memref_slice %dma_wait3A_157[%mul3A_27] : memref<10240xf32, #tpu.memory_space<vmem_shared>> -> memref<640xf32, #tpu.memory_space<vmem_shared>>
      %dma_wait3A_159 = arith.constant 0 : i32
      %dma_wait3A_160 = tpu.memref_slice %arg8[%run_scoped3A_28, %dma_wait3A_159] : memref<16x10240xf32, #tpu.memory_space<vmem_shared>> -> memref<1x10240xf32, #tpu.memory_space<vmem_shared>>
      %dma_wait3A_161 = tpu.memref_squeeze %dma_wait3A_160 : memref<1x10240xf32, #tpu.memory_space<vmem_shared>> -> memref<10240xf32, #tpu.memory_space<vmem_shared>>
      %dma_wait3A_162 = tpu.memref_slice %dma_wait3A_161[%mul3A_27] : memref<10240xf32, #tpu.memory_space<vmem_shared>> -> memref<640xf32, #tpu.memory_space<vmem_shared>>
      tpu.wait_dma2 semaphore(%run_scoped3A_148 : memref<!tpu.dma_semaphore, #tpu.memory_space<semaphore_mem>>) src(%dma_wait3A_162 : memref<640xf32, #tpu.memory_space<vmem_shared>>) dst(%arg6 : memref<640xf32, #tpu.memory_space<vmem>>)
      tpu.yield
    }) : () -> ()
    %scan3A_29 = arith.constant 0 : i32
    %scan3A_30 = arith.constant 40 : i32
    %scan3A_31 = arith.addi %scan3A_29, %scan3A_30 : i32
    %scan3A_32 = arith.constant 1 : i32
    scf.for %scan3A_148 = %scan3A_29 to %scan3A_31 step %scan3A_32  : i32 {
      %mul3A_149 = arith.constant 16 : i32
      %mul3A_150 = arith.muli %scan3A_148, %mul3A_149 : i32
      %add3A_151 = arith.constant 0 : i32
      %add3A_152 = arith.addi %add3A_151, %mul3A_150 : i32
      %get3A = arith.index_cast %add3A_152 : i32 to index
      %get3A_153 = tpu.vector_load %arg7[%get3A] {strides = array<i32>} : memref<640xf32, #tpu.memory_space<vmem>>, vector<16xf32>,
      %get3A_154 = arith.index_cast %add3A_152 : i32 to index
      %get3A_155 = tpu.vector_load %arg6[%get3A_154] {strides = array<i32>} : memref<640xf32, #tpu.memory_space<vmem>>, vector<16xf32>,
      %add3A_156 = arith.addf %get3A_153, %get3A_155 : vector<16xf32>
      %swap3A = arith.index_cast %add3A_152 : i32 to index
      %swap3A_157 = tpu.vector_load %arg7[%swap3A] {strides = array<i32>} : memref<640xf32, #tpu.memory_space<vmem>>, vector<16xf32>,
      tpu.vector_store %arg7[%swap3A], %add3A_156 {strides = array<i32>} : memref<640xf32, #tpu.memory_space<vmem>>, vector<16xf32>,
    }
    %scan3A_33 = arith.constant 40 : i32
    %mul3A_34 = arith.constant 640 : i32
    %mul3A_35 = arith.muli %arg1, %mul3A_34 : i32
    %run_scoped3A_36 = arith.constant 2 : i32
    "tpu.region"() ({
      %run_scoped3A_148 = tpu.sem_alloc : memref<!tpu.dma_semaphore, #tpu.memory_space<semaphore_mem>>
      %dma_start3A = arith.constant 0 : i32
      %dma_start3A_149 = tpu.memref_slice %arg8[%run_scoped3A_36, %dma_start3A] : memref<16x10240xf32, #tpu.memory_space<vmem_shared>> -> memref<1x10240xf32, #tpu.memory_space<vmem_shared>>
      %dma_start3A_150 = tpu.memref_squeeze %dma_start3A_149 : memref<1x10240xf32, #tpu.memory_space<vmem_shared>> -> memref<10240xf32, #tpu.memory_space<vmem_shared>>
      %dma_start3A_151 = tpu.memref_slice %dma_start3A_150[%mul3A_35] : memref<10240xf32, #tpu.memory_space<vmem_shared>> -> memref<640xf32, #tpu.memory_space<vmem_shared>>
      %dma_start3A_152 = arith.constant 0 : i32
      %dma_start3A_153 = tpu.memref_slice %arg8[%run_scoped3A_36, %dma_start3A_152] : memref<16x10240xf32, #tpu.memory_space<vmem_shared>> -> memref<1x10240xf32, #tpu.memory_space<vmem_shared>>
      %dma_start3A_154 = tpu.memref_squeeze %dma_start3A_153 : memref<1x10240xf32, #tpu.memory_space<vmem_shared>> -> memref<10240xf32, #tpu.memory_space<vmem_shared>>
      %dma_start3A_155 = tpu.memref_slice %dma_start3A_154[%mul3A_35] : memref<10240xf32, #tpu.memory_space<vmem_shared>> -> memref<640xf32, #tpu.memory_space<vmem_shared>>
      tpu.enqueue_dma source(%dma_start3A_155 : memref<640xf32, #tpu.memory_space<vmem_shared>>) target(%arg6 : memref<640xf32, #tpu.memory_space<vmem>>) target_semaphore(%run_scoped3A_148 : memref<!tpu.dma_semaphore, #tpu.memory_space<semaphore_mem>>)
      %dma_wait3A = arith.constant 0 : i32
      %dma_wait3A_156 = tpu.memref_slice %arg8[%run_scoped3A_36, %dma_wait3A] : memref<16x10240xf32, #tpu.memory_space<vmem_shared>> -> memref<1x10240xf32, #tpu.memory_space<vmem_shared>>
      %dma_wait3A_157 = tpu.memref_squeeze %dma_wait3A_156 : memref<1x10240xf32, #tpu.memory_space<vmem_shared>> -> memref<10240xf32, #tpu.memory_space<vmem_shared>>
      %dma_wait3A_158 = tpu.memref_slice %dma_wait3A_157[%mul3A_35] : memref<10240xf32, #tpu.memory_space<vmem_shared>> -> memref<640xf32, #tpu.memory_space<vmem_shared>>
      %dma_wait3A_159 = arith.constant 0 : i32
      %dma_wait3A_160 = tpu.memref_slice %arg8[%run_scoped3A_36, %dma_wait3A_159] : memref<16x10240xf32, #tpu.memory_space<vmem_shared>> -> memref<1x10240xf32, #tpu.memory_space<vmem_shared>>
      %dma_wait3A_161 = tpu.memref_squeeze %dma_wait3A_160 : memref<1x10240xf32, #tpu.memory_space<vmem_shared>> -> memref<10240xf32, #tpu.memory_space<vmem_shared>>
      %dma_wait3A_162 = tpu.memref_slice %dma_wait3A_161[%mul3A_35] : memref<10240xf32, #tpu.memory_space<vmem_shared>> -> memref<640xf32, #tpu.memory_space<vmem_shared>>
      tpu.wait_dma2 semaphore(%run_scoped3A_148 : memref<!tpu.dma_semaphore, #tpu.memory_space<semaphore_mem>>) src(%dma_wait3A_162 : memref<640xf32, #tpu.memory_space<vmem_shared>>) dst(%arg6 : memref<640xf32, #tpu.memory_space<vmem>>)
      tpu.yield
    }) : () -> ()
    %scan3A_37 = arith.constant 0 : i32
    %scan3A_38 = arith.constant 40 : i32
    %scan3A_39 = arith.addi %scan3A_37, %scan3A_38 : i32
    %scan3A_40 = arith.constant 1 : i32
    scf.for %scan3A_148 = %scan3A_37 to %scan3A_39 step %scan3A_40  : i32 {
      %mul3A_149 = arith.constant 16 : i32
      %mul3A_150 = arith.muli %scan3A_148, %mul3A_149 : i32
      %add3A_151 = arith.constant 0 : i32
      %add3A_152 = arith.addi %add3A_151, %mul3A_150 : i32
      %get3A = arith.index_cast %add3A_152 : i32 to index
      %get3A_153 = tpu.vector_load %arg7[%get3A] {strides = array<i32>} : memref<640xf32, #tpu.memory_space<vmem>>, vector<16xf32>,
      %get3A_154 = arith.index_cast %add3A_152 : i32 to index
      %get3A_155 = tpu.vector_load %arg6[%get3A_154] {strides = array<i32>} : memref<640xf32, #tpu.memory_space<vmem>>, vector<16xf32>,
      %add3A_156 = arith.addf %get3A_153, %get3A_155 : vector<16xf32>
      %swap3A = arith.index_cast %add3A_152 : i32 to index
      %swap3A_157 = tpu.vector_load %arg7[%swap3A] {strides = array<i32>} : memref<640xf32, #tpu.memory_space<vmem>>, vector<16xf32>,
      tpu.vector_store %arg7[%swap3A], %add3A_156 {strides = array<i32>} : memref<640xf32, #tpu.memory_space<vmem>>, vector<16xf32>,
    }
    %scan3A_41 = arith.constant 40 : i32
    %mul3A_42 = arith.constant 640 : i32
    %mul3A_43 = arith.muli %arg1, %mul3A_42 : i32
    %run_scoped3A_44 = arith.constant 3 : i32
    "tpu.region"() ({
      %run_scoped3A_148 = tpu.sem_alloc : memref<!tpu.dma_semaphore, #tpu.memory_space<semaphore_mem>>
      %dma_start3A = arith.constant 0 : i32
      %dma_start3A_149 = tpu.memref_slice %arg8[%run_scoped3A_44, %dma_start3A] : memref<16x10240xf32, #tpu.memory_space<vmem_shared>> -> memref<1x10240xf32, #tpu.memory_space<vmem_shared>>
      %dma_start3A_150 = tpu.memref_squeeze %dma_start3A_149 : memref<1x10240xf32, #tpu.memory_space<vmem_shared>> -> memref<10240xf32, #tpu.memory_space<vmem_shared>>
      %dma_start3A_151 = tpu.memref_slice %dma_start3A_150[%mul3A_43] : memref<10240xf32, #tpu.memory_space<vmem_shared>> -> memref<640xf32, #tpu.memory_space<vmem_shared>>
      %dma_start3A_152 = arith.constant 0 : i32
      %dma_start3A_153 = tpu.memref_slice %arg8[%run_scoped3A_44, %dma_start3A_152] : memref<16x10240xf32, #tpu.memory_space<vmem_shared>> -> memref<1x10240xf32, #tpu.memory_space<vmem_shared>>
      %dma_start3A_154 = tpu.memref_squeeze %dma_start3A_153 : memref<1x10240xf32, #tpu.memory_space<vmem_shared>> -> memref<10240xf32, #tpu.memory_space<vmem_shared>>
      %dma_start3A_155 = tpu.memref_slice %dma_start3A_154[%mul3A_43] : memref<10240xf32, #tpu.memory_space<vmem_shared>> -> memref<640xf32, #tpu.memory_space<vmem_shared>>
      tpu.enqueue_dma source(%dma_start3A_155 : memref<640xf32, #tpu.memory_space<vmem_shared>>) target(%arg6 : memref<640xf32, #tpu.memory_space<vmem>>) target_semaphore(%run_scoped3A_148 : memref<!tpu.dma_semaphore, #tpu.memory_space<semaphore_mem>>)
      %dma_wait3A = arith.constant 0 : i32
      %dma_wait3A_156 = tpu.memref_slice %arg8[%run_scoped3A_44, %dma_wait3A] : memref<16x10240xf32, #tpu.memory_space<vmem_shared>> -> memref<1x10240xf32, #tpu.memory_space<vmem_shared>>
      %dma_wait3A_157 = tpu.memref_squeeze %dma_wait3A_156 : memref<1x10240xf32, #tpu.memory_space<vmem_shared>> -> memref<10240xf32, #tpu.memory_space<vmem_shared>>
      %dma_wait3A_158 = tpu.memref_slice %dma_wait3A_157[%mul3A_43] : memref<10240xf32, #tpu.memory_space<vmem_shared>> -> memref<640xf32, #tpu.memory_space<vmem_shared>>
      %dma_wait3A_159 = arith.constant 0 : i32
      %dma_wait3A_160 = tpu.memref_slice %arg8[%run_scoped3A_44, %dma_wait3A_159] : memref<16x10240xf32, #tpu.memory_space<vmem_shared>> -> memref<1x10240xf32, #tpu.memory_space<vmem_shared>>
      %dma_wait3A_161 = tpu.memref_squeeze %dma_wait3A_160 : memref<1x10240xf32, #tpu.memory_space<vmem_shared>> -> memref<10240xf32, #tpu.memory_space<vmem_shared>>
      %dma_wait3A_162 = tpu.memref_slice %dma_wait3A_161[%mul3A_43] : memref<10240xf32, #tpu.memory_space<vmem_shared>> -> memref<640xf32, #tpu.memory_space<vmem_shared>>
      tpu.wait_dma2 semaphore(%run_scoped3A_148 : memref<!tpu.dma_semaphore, #tpu.memory_space<semaphore_mem>>) src(%dma_wait3A_162 : memref<640xf32, #tpu.memory_space<vmem_shared>>) dst(%arg6 : memref<640xf32, #tpu.memory_space<vmem>>)
      tpu.yield
    }) : () -> ()
    %scan3A_45 = arith.constant 0 : i32
    %scan3A_46 = arith.constant 40 : i32
    %scan3A_47 = arith.addi %scan3A_45, %scan3A_46 : i32
    %scan3A_48 = arith.constant 1 : i32
    scf.for %scan3A_148 = %scan3A_45 to %scan3A_47 step %scan3A_48  : i32 {
      %mul3A_149 = arith.constant 16 : i32
      %mul3A_150 = arith.muli %scan3A_148, %mul3A_149 : i32
      %add3A_151 = arith.constant 0 : i32
      %add3A_152 = arith.addi %add3A_151, %mul3A_150 : i32
      %get3A = arith.index_cast %add3A_152 : i32 to index
      %get3A_153 = tpu.vector_load %arg7[%get3A] {strides = array<i32>} : memref<640xf32, #tpu.memory_space<vmem>>, vector<16xf32>,
      %get3A_154 = arith.index_cast %add3A_152 : i32 to index
      %get3A_155 = tpu.vector_load %arg6[%get3A_154] {strides = array<i32>} : memref<640xf32, #tpu.memory_space<vmem>>, vector<16xf32>,
      %add3A_156 = arith.addf %get3A_153, %get3A_155 : vector<16xf32>
      %swap3A = arith.index_cast %add3A_152 : i32 to index
      %swap3A_157 = tpu.vector_load %arg7[%swap3A] {strides = array<i32>} : memref<640xf32, #tpu.memory_space<vmem>>, vector<16xf32>,
      tpu.vector_store %arg7[%swap3A], %add3A_156 {strides = array<i32>} : memref<640xf32, #tpu.memory_space<vmem>>, vector<16xf32>,
    }
    %scan3A_49 = arith.constant 40 : i32
    %mul3A_50 = arith.constant 640 : i32
    %mul3A_51 = arith.muli %arg1, %mul3A_50 : i32
    %run_scoped3A_52 = arith.constant 4 : i32
    "tpu.region"() ({
      %run_scoped3A_148 = tpu.sem_alloc : memref<!tpu.dma_semaphore, #tpu.memory_space<semaphore_mem>>
      %dma_start3A = arith.constant 0 : i32
      %dma_start3A_149 = tpu.memref_slice %arg8[%run_scoped3A_52, %dma_start3A] : memref<16x10240xf32, #tpu.memory_space<vmem_shared>> -> memref<1x10240xf32, #tpu.memory_space<vmem_shared>>
      %dma_start3A_150 = tpu.memref_squeeze %dma_start3A_149 : memref<1x10240xf32, #tpu.memory_space<vmem_shared>> -> memref<10240xf32, #tpu.memory_space<vmem_shared>>
      %dma_start3A_151 = tpu.memref_slice %dma_start3A_150[%mul3A_51] : memref<10240xf32, #tpu.memory_space<vmem_shared>> -> memref<640xf32, #tpu.memory_space<vmem_shared>>
      %dma_start3A_152 = arith.constant 0 : i32
      %dma_start3A_153 = tpu.memref_slice %arg8[%run_scoped3A_52, %dma_start3A_152] : memref<16x10240xf32, #tpu.memory_space<vmem_shared>> -> memref<1x10240xf32, #tpu.memory_space<vmem_shared>>
      %dma_start3A_154 = tpu.memref_squeeze %dma_start3A_153 : memref<1x10240xf32, #tpu.memory_space<vmem_shared>> -> memref<10240xf32, #tpu.memory_space<vmem_shared>>
      %dma_start3A_155 = tpu.memref_slice %dma_start3A_154[%mul3A_51] : memref<10240xf32, #tpu.memory_space<vmem_shared>> -> memref<640xf32, #tpu.memory_space<vmem_shared>>
      tpu.enqueue_dma source(%dma_start3A_155 : memref<640xf32, #tpu.memory_space<vmem_shared>>) target(%arg6 : memref<640xf32, #tpu.memory_space<vmem>>) target_semaphore(%run_scoped3A_148 : memref<!tpu.dma_semaphore, #tpu.memory_space<semaphore_mem>>)
      %dma_wait3A = arith.constant 0 : i32
      %dma_wait3A_156 = tpu.memref_slice %arg8[%run_scoped3A_52, %dma_wait3A] : memref<16x10240xf32, #tpu.memory_space<vmem_shared>> -> memref<1x10240xf32, #tpu.memory_space<vmem_shared>>
      %dma_wait3A_157 = tpu.memref_squeeze %dma_wait3A_156 : memref<1x10240xf32, #tpu.memory_space<vmem_shared>> -> memref<10240xf32, #tpu.memory_space<vmem_shared>>
      %dma_wait3A_158 = tpu.memref_slice %dma_wait3A_157[%mul3A_51] : memref<10240xf32, #tpu.memory_space<vmem_shared>> -> memref<640xf32, #tpu.memory_space<vmem_shared>>
      %dma_wait3A_159 = arith.constant 0 : i32
      %dma_wait3A_160 = tpu.memref_slice %arg8[%run_scoped3A_52, %dma_wait3A_159] : memref<16x10240xf32, #tpu.memory_space<vmem_shared>> -> memref<1x10240xf32, #tpu.memory_space<vmem_shared>>
      %dma_wait3A_161 = tpu.memref_squeeze %dma_wait3A_160 : memref<1x10240xf32, #tpu.memory_space<vmem_shared>> -> memref<10240xf32, #tpu.memory_space<vmem_shared>>
      %dma_wait3A_162 = tpu.memref_slice %dma_wait3A_161[%mul3A_51] : memref<10240xf32, #tpu.memory_space<vmem_shared>> -> memref<640xf32, #tpu.memory_space<vmem_shared>>
      tpu.wait_dma2 semaphore(%run_scoped3A_148 : memref<!tpu.dma_semaphore, #tpu.memory_space<semaphore_mem>>) src(%dma_wait3A_162 : memref<640xf32, #tpu.memory_space<vmem_shared>>) dst(%arg6 : memref<640xf32, #tpu.memory_space<vmem>>)
      tpu.yield
    }) : () -> ()
    %scan3A_53 = arith.constant 0 : i32
    %scan3A_54 = arith.constant 40 : i32
    %scan3A_55 = arith.addi %scan3A_53, %scan3A_54 : i32
    %scan3A_56 = arith.constant 1 : i32
    scf.for %scan3A_148 = %scan3A_53 to %scan3A_55 step %scan3A_56  : i32 {
      %mul3A_149 = arith.constant 16 : i32
      %mul3A_150 = arith.muli %scan3A_148, %mul3A_149 : i32
      %add3A_151 = arith.constant 0 : i32
      %add3A_152 = arith.addi %add3A_151, %mul3A_150 : i32
      %get3A = arith.index_cast %add3A_152 : i32 to index
      %get3A_153 = tpu.vector_load %arg7[%get3A] {strides = array<i32>} : memref<640xf32, #tpu.memory_space<vmem>>, vector<16xf32>,
      %get3A_154 = arith.index_cast %add3A_152 : i32 to index
      %get3A_155 = tpu.vector_load %arg6[%get3A_154] {strides = array<i32>} : memref<640xf32, #tpu.memory_space<vmem>>, vector<16xf32>,
      %add3A_156 = arith.addf %get3A_153, %get3A_155 : vector<16xf32>
      %swap3A = arith.index_cast %add3A_152 : i32 to index
      %swap3A_157 = tpu.vector_load %arg7[%swap3A] {strides = array<i32>} : memref<640xf32, #tpu.memory_space<vmem>>, vector<16xf32>,
      tpu.vector_store %arg7[%swap3A], %add3A_156 {strides = array<i32>} : memref<640xf32, #tpu.memory_space<vmem>>, vector<16xf32>,
    }
    %scan3A_57 = arith.constant 40 : i32
    %mul3A_58 = arith.constant 640 : i32
    %mul3A_59 = arith.muli %arg1, %mul3A_58 : i32
    %run_scoped3A_60 = arith.constant 5 : i32
    "tpu.region"() ({
      %run_scoped3A_148 = tpu.sem_alloc : memref<!tpu.dma_semaphore, #tpu.memory_space<semaphore_mem>>
      %dma_start3A = arith.constant 0 : i32
      %dma_start3A_149 = tpu.memref_slice %arg8[%run_scoped3A_60, %dma_start3A] : memref<16x10240xf32, #tpu.memory_space<vmem_shared>> -> memref<1x10240xf32, #tpu.memory_space<vmem_shared>>
      %dma_start3A_150 = tpu.memref_squeeze %dma_start3A_149 : memref<1x10240xf32, #tpu.memory_space<vmem_shared>> -> memref<10240xf32, #tpu.memory_space<vmem_shared>>
      %dma_start3A_151 = tpu.memref_slice %dma_start3A_150[%mul3A_59] : memref<10240xf32, #tpu.memory_space<vmem_shared>> -> memref<640xf32, #tpu.memory_space<vmem_shared>>
      %dma_start3A_152 = arith.constant 0 : i32
      %dma_start3A_153 = tpu.memref_slice %arg8[%run_scoped3A_60, %dma_start3A_152] : memref<16x10240xf32, #tpu.memory_space<vmem_shared>> -> memref<1x10240xf32, #tpu.memory_space<vmem_shared>>
      %dma_start3A_154 = tpu.memref_squeeze %dma_start3A_153 : memref<1x10240xf32, #tpu.memory_space<vmem_shared>> -> memref<10240xf32, #tpu.memory_space<vmem_shared>>
      %dma_start3A_155 = tpu.memref_slice %dma_start3A_154[%mul3A_59] : memref<10240xf32, #tpu.memory_space<vmem_shared>> -> memref<640xf32, #tpu.memory_space<vmem_shared>>
      tpu.enqueue_dma source(%dma_start3A_155 : memref<640xf32, #tpu.memory_space<vmem_shared>>) target(%arg6 : memref<640xf32, #tpu.memory_space<vmem>>) target_semaphore(%run_scoped3A_148 : memref<!tpu.dma_semaphore, #tpu.memory_space<semaphore_mem>>)
      %dma_wait3A = arith.constant 0 : i32
      %dma_wait3A_156 = tpu.memref_slice %arg8[%run_scoped3A_60, %dma_wait3A] : memref<16x10240xf32, #tpu.memory_space<vmem_shared>> -> memref<1x10240xf32, #tpu.memory_space<vmem_shared>>
      %dma_wait3A_157 = tpu.memref_squeeze %dma_wait3A_156 : memref<1x10240xf32, #tpu.memory_space<vmem_shared>> -> memref<10240xf32, #tpu.memory_space<vmem_shared>>
      %dma_wait3A_158 = tpu.memref_slice %dma_wait3A_157[%mul3A_59] : memref<10240xf32, #tpu.memory_space<vmem_shared>> -> memref<640xf32, #tpu.memory_space<vmem_shared>>
      %dma_wait3A_159 = arith.constant 0 : i32
      %dma_wait3A_160 = tpu.memref_slice %arg8[%run_scoped3A_60, %dma_wait3A_159] : memref<16x10240xf32, #tpu.memory_space<vmem_shared>> -> memref<1x10240xf32, #tpu.memory_space<vmem_shared>>
      %dma_wait3A_161 = tpu.memref_squeeze %dma_wait3A_160 : memref<1x10240xf32, #tpu.memory_space<vmem_shared>> -> memref<10240xf32, #tpu.memory_space<vmem_shared>>
      %dma_wait3A_162 = tpu.memref_slice %dma_wait3A_161[%mul3A_59] : memref<10240xf32, #tpu.memory_space<vmem_shared>> -> memref<640xf32, #tpu.memory_space<vmem_shared>>
      tpu.wait_dma2 semaphore(%run_scoped3A_148 : memref<!tpu.dma_semaphore, #tpu.memory_space<semaphore_mem>>) src(%dma_wait3A_162 : memref<640xf32, #tpu.memory_space<vmem_shared>>) dst(%arg6 : memref<640xf32, #tpu.memory_space<vmem>>)
      tpu.yield
    }) : () -> ()
    %scan3A_61 = arith.constant 0 : i32
    %scan3A_62 = arith.constant 40 : i32
    %scan3A_63 = arith.addi %scan3A_61, %scan3A_62 : i32
    %scan3A_64 = arith.constant 1 : i32
    scf.for %scan3A_148 = %scan3A_61 to %scan3A_63 step %scan3A_64  : i32 {
      %mul3A_149 = arith.constant 16 : i32
      %mul3A_150 = arith.muli %scan3A_148, %mul3A_149 : i32
      %add3A_151 = arith.constant 0 : i32
      %add3A_152 = arith.addi %add3A_151, %mul3A_150 : i32
      %get3A = arith.index_cast %add3A_152 : i32 to index
      %get3A_153 = tpu.vector_load %arg7[%get3A] {strides = array<i32>} : memref<640xf32, #tpu.memory_space<vmem>>, vector<16xf32>,
      %get3A_154 = arith.index_cast %add3A_152 : i32 to index
      %get3A_155 = tpu.vector_load %arg6[%get3A_154] {strides = array<i32>} : memref<640xf32, #tpu.memory_space<vmem>>, vector<16xf32>,
      %add3A_156 = arith.addf %get3A_153, %get3A_155 : vector<16xf32>
      %swap3A = arith.index_cast %add3A_152 : i32 to index
      %swap3A_157 = tpu.vector_load %arg7[%swap3A] {strides = array<i32>} : memref<640xf32, #tpu.memory_space<vmem>>, vector<16xf32>,
      tpu.vector_store %arg7[%swap3A], %add3A_156 {strides = array<i32>} : memref<640xf32, #tpu.memory_space<vmem>>, vector<16xf32>,
    }
    %scan3A_65 = arith.constant 40 : i32
    %mul3A_66 = arith.constant 640 : i32
    %mul3A_67 = arith.muli %arg1, %mul3A_66 : i32
    %run_scoped3A_68 = arith.constant 6 : i32
    "tpu.region"() ({
      %run_scoped3A_148 = tpu.sem_alloc : memref<!tpu.dma_semaphore, #tpu.memory_space<semaphore_mem>>
      %dma_start3A = arith.constant 0 : i32
      %dma_start3A_149 = tpu.memref_slice %arg8[%run_scoped3A_68, %dma_start3A] : memref<16x10240xf32, #tpu.memory_space<vmem_shared>> -> memref<1x10240xf32, #tpu.memory_space<vmem_shared>>
      %dma_start3A_150 = tpu.memref_squeeze %dma_start3A_149 : memref<1x10240xf32, #tpu.memory_space<vmem_shared>> -> memref<10240xf32, #tpu.memory_space<vmem_shared>>
      %dma_start3A_151 = tpu.memref_slice %dma_start3A_150[%mul3A_67] : memref<10240xf32, #tpu.memory_space<vmem_shared>> -> memref<640xf32, #tpu.memory_space<vmem_shared>>
      %dma_start3A_152 = arith.constant 0 : i32
      %dma_start3A_153 = tpu.memref_slice %arg8[%run_scoped3A_68, %dma_start3A_152] : memref<16x10240xf32, #tpu.memory_space<vmem_shared>> -> memref<1x10240xf32, #tpu.memory_space<vmem_shared>>
      %dma_start3A_154 = tpu.memref_squeeze %dma_start3A_153 : memref<1x10240xf32, #tpu.memory_space<vmem_shared>> -> memref<10240xf32, #tpu.memory_space<vmem_shared>>
      %dma_start3A_155 = tpu.memref_slice %dma_start3A_154[%mul3A_67] : memref<10240xf32, #tpu.memory_space<vmem_shared>> -> memref<640xf32, #tpu.memory_space<vmem_shared>>
      tpu.enqueue_dma source(%dma_start3A_155 : memref<640xf32, #tpu.memory_space<vmem_shared>>) target(%arg6 : memref<640xf32, #tpu.memory_space<vmem>>) target_semaphore(%run_scoped3A_148 : memref<!tpu.dma_semaphore, #tpu.memory_space<semaphore_mem>>)
      %dma_wait3A = arith.constant 0 : i32
      %dma_wait3A_156 = tpu.memref_slice %arg8[%run_scoped3A_68, %dma_wait3A] : memref<16x10240xf32, #tpu.memory_space<vmem_shared>> -> memref<1x10240xf32, #tpu.memory_space<vmem_shared>>
      %dma_wait3A_157 = tpu.memref_squeeze %dma_wait3A_156 : memref<1x10240xf32, #tpu.memory_space<vmem_shared>> -> memref<10240xf32, #tpu.memory_space<vmem_shared>>
      %dma_wait3A_158 = tpu.memref_slice %dma_wait3A_157[%mul3A_67] : memref<10240xf32, #tpu.memory_space<vmem_shared>> -> memref<640xf32, #tpu.memory_space<vmem_shared>>
      %dma_wait3A_159 = arith.constant 0 : i32
      %dma_wait3A_160 = tpu.memref_slice %arg8[%run_scoped3A_68, %dma_wait3A_159] : memref<16x10240xf32, #tpu.memory_space<vmem_shared>> -> memref<1x10240xf32, #tpu.memory_space<vmem_shared>>
      %dma_wait3A_161 = tpu.memref_squeeze %dma_wait3A_160 : memref<1x10240xf32, #tpu.memory_space<vmem_shared>> -> memref<10240xf32, #tpu.memory_space<vmem_shared>>
      %dma_wait3A_162 = tpu.memref_slice %dma_wait3A_161[%mul3A_67] : memref<10240xf32, #tpu.memory_space<vmem_shared>> -> memref<640xf32, #tpu.memory_space<vmem_shared>>
      tpu.wait_dma2 semaphore(%run_scoped3A_148 : memref<!tpu.dma_semaphore, #tpu.memory_space<semaphore_mem>>) src(%dma_wait3A_162 : memref<640xf32, #tpu.memory_space<vmem_shared>>) dst(%arg6 : memref<640xf32, #tpu.memory_space<vmem>>)
      tpu.yield
    }) : () -> ()
    %scan3A_69 = arith.constant 0 : i32
    %scan3A_70 = arith.constant 40 : i32
    %scan3A_71 = arith.addi %scan3A_69, %scan3A_70 : i32
    %scan3A_72 = arith.constant 1 : i32
    scf.for %scan3A_148 = %scan3A_69 to %scan3A_71 step %scan3A_72  : i32 {
      %mul3A_149 = arith.constant 16 : i32
      %mul3A_150 = arith.muli %scan3A_148, %mul3A_149 : i32
      %add3A_151 = arith.constant 0 : i32
      %add3A_152 = arith.addi %add3A_151, %mul3A_150 : i32
      %get3A = arith.index_cast %add3A_152 : i32 to index
      %get3A_153 = tpu.vector_load %arg7[%get3A] {strides = array<i32>} : memref<640xf32, #tpu.memory_space<vmem>>, vector<16xf32>,
      %get3A_154 = arith.index_cast %add3A_152 : i32 to index
      %get3A_155 = tpu.vector_load %arg6[%get3A_154] {strides = array<i32>} : memref<640xf32, #tpu.memory_space<vmem>>, vector<16xf32>,
      %add3A_156 = arith.addf %get3A_153, %get3A_155 : vector<16xf32>
      %swap3A = arith.index_cast %add3A_152 : i32 to index
      %swap3A_157 = tpu.vector_load %arg7[%swap3A] {strides = array<i32>} : memref<640xf32, #tpu.memory_space<vmem>>, vector<16xf32>,
      tpu.vector_store %arg7[%swap3A], %add3A_156 {strides = array<i32>} : memref<640xf32, #tpu.memory_space<vmem>>, vector<16xf32>,
    }
    %scan3A_73 = arith.constant 40 : i32
    %mul3A_74 = arith.constant 640 : i32
    %mul3A_75 = arith.muli %arg1, %mul3A_74 : i32
    %run_scoped3A_76 = arith.constant 7 : i32
    "tpu.region"() ({
      %run_scoped3A_148 = tpu.sem_alloc : memref<!tpu.dma_semaphore, #tpu.memory_space<semaphore_mem>>
      %dma_start3A = arith.constant 0 : i32
      %dma_start3A_149 = tpu.memref_slice %arg8[%run_scoped3A_76, %dma_start3A] : memref<16x10240xf32, #tpu.memory_space<vmem_shared>> -> memref<1x10240xf32, #tpu.memory_space<vmem_shared>>
      %dma_start3A_150 = tpu.memref_squeeze %dma_start3A_149 : memref<1x10240xf32, #tpu.memory_space<vmem_shared>> -> memref<10240xf32, #tpu.memory_space<vmem_shared>>
      %dma_start3A_151 = tpu.memref_slice %dma_start3A_150[%mul3A_75] : memref<10240xf32, #tpu.memory_space<vmem_shared>> -> memref<640xf32, #tpu.memory_space<vmem_shared>>
      %dma_start3A_152 = arith.constant 0 : i32
      %dma_start3A_153 = tpu.memref_slice %arg8[%run_scoped3A_76, %dma_start3A_152] : memref<16x10240xf32, #tpu.memory_space<vmem_shared>> -> memref<1x10240xf32, #tpu.memory_space<vmem_shared>>
      %dma_start3A_154 = tpu.memref_squeeze %dma_start3A_153 : memref<1x10240xf32, #tpu.memory_space<vmem_shared>> -> memref<10240xf32, #tpu.memory_space<vmem_shared>>
      %dma_start3A_155 = tpu.memref_slice %dma_start3A_154[%mul3A_75] : memref<10240xf32, #tpu.memory_space<vmem_shared>> -> memref<640xf32, #tpu.memory_space<vmem_shared>>
      tpu.enqueue_dma source(%dma_start3A_155 : memref<640xf32, #tpu.memory_space<vmem_shared>>) target(%arg6 : memref<640xf32, #tpu.memory_space<vmem>>) target_semaphore(%run_scoped3A_148 : memref<!tpu.dma_semaphore, #tpu.memory_space<semaphore_mem>>)
      %dma_wait3A = arith.constant 0 : i32
      %dma_wait3A_156 = tpu.memref_slice %arg8[%run_scoped3A_76, %dma_wait3A] : memref<16x10240xf32, #tpu.memory_space<vmem_shared>> -> memref<1x10240xf32, #tpu.memory_space<vmem_shared>>
      %dma_wait3A_157 = tpu.memref_squeeze %dma_wait3A_156 : memref<1x10240xf32, #tpu.memory_space<vmem_shared>> -> memref<10240xf32, #tpu.memory_space<vmem_shared>>
      %dma_wait3A_158 = tpu.memref_slice %dma_wait3A_157[%mul3A_75] : memref<10240xf32, #tpu.memory_space<vmem_shared>> -> memref<640xf32, #tpu.memory_space<vmem_shared>>
      %dma_wait3A_159 = arith.constant 0 : i32
      %dma_wait3A_160 = tpu.memref_slice %arg8[%run_scoped3A_76, %dma_wait3A_159] : memref<16x10240xf32, #tpu.memory_space<vmem_shared>> -> memref<1x10240xf32, #tpu.memory_space<vmem_shared>>
      %dma_wait3A_161 = tpu.memref_squeeze %dma_wait3A_160 : memref<1x10240xf32, #tpu.memory_space<vmem_shared>> -> memref<10240xf32, #tpu.memory_space<vmem_shared>>
      %dma_wait3A_162 = tpu.memref_slice %dma_wait3A_161[%mul3A_75] : memref<10240xf32, #tpu.memory_space<vmem_shared>> -> memref<640xf32, #tpu.memory_space<vmem_shared>>
      tpu.wait_dma2 semaphore(%run_scoped3A_148 : memref<!tpu.dma_semaphore, #tpu.memory_space<semaphore_mem>>) src(%dma_wait3A_162 : memref<640xf32, #tpu.memory_space<vmem_shared>>) dst(%arg6 : memref<640xf32, #tpu.memory_space<vmem>>)
      tpu.yield
    }) : () -> ()
    %scan3A_77 = arith.constant 0 : i32
    %scan3A_78 = arith.constant 40 : i32
    %scan3A_79 = arith.addi %scan3A_77, %scan3A_78 : i32
    %scan3A_80 = arith.constant 1 : i32
    scf.for %scan3A_148 = %scan3A_77 to %scan3A_79 step %scan3A_80  : i32 {
      %mul3A_149 = arith.constant 16 : i32
      %mul3A_150 = arith.muli %scan3A_148, %mul3A_149 : i32
      %add3A_151 = arith.constant 0 : i32
      %add3A_152 = arith.addi %add3A_151, %mul3A_150 : i32
      %get3A = arith.index_cast %add3A_152 : i32 to index
      %get3A_153 = tpu.vector_load %arg7[%get3A] {strides = array<i32>} : memref<640xf32, #tpu.memory_space<vmem>>, vector<16xf32>,
      %get3A_154 = arith.index_cast %add3A_152 : i32 to index
      %get3A_155 = tpu.vector_load %arg6[%get3A_154] {strides = array<i32>} : memref<640xf32, #tpu.memory_space<vmem>>, vector<16xf32>,
      %add3A_156 = arith.addf %get3A_153, %get3A_155 : vector<16xf32>
      %swap3A = arith.index_cast %add3A_152 : i32 to index
      %swap3A_157 = tpu.vector_load %arg7[%swap3A] {strides = array<i32>} : memref<640xf32, #tpu.memory_space<vmem>>, vector<16xf32>,
      tpu.vector_store %arg7[%swap3A], %add3A_156 {strides = array<i32>} : memref<640xf32, #tpu.memory_space<vmem>>, vector<16xf32>,
    }
    %scan3A_81 = arith.constant 40 : i32
    %mul3A_82 = arith.constant 640 : i32
    %mul3A_83 = arith.muli %arg1, %mul3A_82 : i32
    %run_scoped3A_84 = arith.constant 8 : i32
    "tpu.region"() ({
      %run_scoped3A_148 = tpu.sem_alloc : memref<!tpu.dma_semaphore, #tpu.memory_space<semaphore_mem>>
      %dma_start3A = arith.constant 0 : i32
      %dma_start3A_149 = tpu.memref_slice %arg8[%run_scoped3A_84, %dma_start3A] : memref<16x10240xf32, #tpu.memory_space<vmem_shared>> -> memref<1x10240xf32, #tpu.memory_space<vmem_shared>>
      %dma_start3A_150 = tpu.memref_squeeze %dma_start3A_149 : memref<1x10240xf32, #tpu.memory_space<vmem_shared>> -> memref<10240xf32, #tpu.memory_space<vmem_shared>>
      %dma_start3A_151 = tpu.memref_slice %dma_start3A_150[%mul3A_83] : memref<10240xf32, #tpu.memory_space<vmem_shared>> -> memref<640xf32, #tpu.memory_space<vmem_shared>>
      %dma_start3A_152 = arith.constant 0 : i32
      %dma_start3A_153 = tpu.memref_slice %arg8[%run_scoped3A_84, %dma_start3A_152] : memref<16x10240xf32, #tpu.memory_space<vmem_shared>> -> memref<1x10240xf32, #tpu.memory_space<vmem_shared>>
      %dma_start3A_154 = tpu.memref_squeeze %dma_start3A_153 : memref<1x10240xf32, #tpu.memory_space<vmem_shared>> -> memref<10240xf32, #tpu.memory_space<vmem_shared>>
      %dma_start3A_155 = tpu.memref_slice %dma_start3A_154[%mul3A_83] : memref<10240xf32, #tpu.memory_space<vmem_shared>> -> memref<640xf32, #tpu.memory_space<vmem_shared>>
      tpu.enqueue_dma source(%dma_start3A_155 : memref<640xf32, #tpu.memory_space<vmem_shared>>) target(%arg6 : memref<640xf32, #tpu.memory_space<vmem>>) target_semaphore(%run_scoped3A_148 : memref<!tpu.dma_semaphore, #tpu.memory_space<semaphore_mem>>)
      %dma_wait3A = arith.constant 0 : i32
      %dma_wait3A_156 = tpu.memref_slice %arg8[%run_scoped3A_84, %dma_wait3A] : memref<16x10240xf32, #tpu.memory_space<vmem_shared>> -> memref<1x10240xf32, #tpu.memory_space<vmem_shared>>
      %dma_wait3A_157 = tpu.memref_squeeze %dma_wait3A_156 : memref<1x10240xf32, #tpu.memory_space<vmem_shared>> -> memref<10240xf32, #tpu.memory_space<vmem_shared>>
      %dma_wait3A_158 = tpu.memref_slice %dma_wait3A_157[%mul3A_83] : memref<10240xf32, #tpu.memory_space<vmem_shared>> -> memref<640xf32, #tpu.memory_space<vmem_shared>>
      %dma_wait3A_159 = arith.constant 0 : i32
      %dma_wait3A_160 = tpu.memref_slice %arg8[%run_scoped3A_84, %dma_wait3A_159] : memref<16x10240xf32, #tpu.memory_space<vmem_shared>> -> memref<1x10240xf32, #tpu.memory_space<vmem_shared>>
      %dma_wait3A_161 = tpu.memref_squeeze %dma_wait3A_160 : memref<1x10240xf32, #tpu.memory_space<vmem_shared>> -> memref<10240xf32, #tpu.memory_space<vmem_shared>>
      %dma_wait3A_162 = tpu.memref_slice %dma_wait3A_161[%mul3A_83] : memref<10240xf32, #tpu.memory_space<vmem_shared>> -> memref<640xf32, #tpu.memory_space<vmem_shared>>
      tpu.wait_dma2 semaphore(%run_scoped3A_148 : memref<!tpu.dma_semaphore, #tpu.memory_space<semaphore_mem>>) src(%dma_wait3A_162 : memref<640xf32, #tpu.memory_space<vmem_shared>>) dst(%arg6 : memref<640xf32, #tpu.memory_space<vmem>>)
      tpu.yield
    }) : () -> ()
    %scan3A_85 = arith.constant 0 : i32
    %scan3A_86 = arith.constant 40 : i32
    %scan3A_87 = arith.addi %scan3A_85, %scan3A_86 : i32
    %scan3A_88 = arith.constant 1 : i32
    scf.for %scan3A_148 = %scan3A_85 to %scan3A_87 step %scan3A_88  : i32 {
      %mul3A_149 = arith.constant 16 : i32
      %mul3A_150 = arith.muli %scan3A_148, %mul3A_149 : i32
      %add3A_151 = arith.constant 0 : i32
      %add3A_152 = arith.addi %add3A_151, %mul3A_150 : i32
      %get3A = arith.index_cast %add3A_152 : i32 to index
      %get3A_153 = tpu.vector_load %arg7[%get3A] {strides = array<i32>} : memref<640xf32, #tpu.memory_space<vmem>>, vector<16xf32>,
      %get3A_154 = arith.index_cast %add3A_152 : i32 to index
      %get3A_155 = tpu.vector_load %arg6[%get3A_154] {strides = array<i32>} : memref<640xf32, #tpu.memory_space<vmem>>, vector<16xf32>,
      %add3A_156 = arith.addf %get3A_153, %get3A_155 : vector<16xf32>
      %swap3A = arith.index_cast %add3A_152 : i32 to index
      %swap3A_157 = tpu.vector_load %arg7[%swap3A] {strides = array<i32>} : memref<640xf32, #tpu.memory_space<vmem>>, vector<16xf32>,
      tpu.vector_store %arg7[%swap3A], %add3A_156 {strides = array<i32>} : memref<640xf32, #tpu.memory_space<vmem>>, vector<16xf32>,
    }
    %scan3A_89 = arith.constant 40 : i32
    %mul3A_90 = arith.constant 640 : i32
    %mul3A_91 = arith.muli %arg1, %mul3A_90 : i32
    %run_scoped3A_92 = arith.constant 9 : i32
    "tpu.region"() ({
      %run_scoped3A_148 = tpu.sem_alloc : memref<!tpu.dma_semaphore, #tpu.memory_space<semaphore_mem>>
      %dma_start3A = arith.constant 0 : i32
      %dma_start3A_149 = tpu.memref_slice %arg8[%run_scoped3A_92, %dma_start3A] : memref<16x10240xf32, #tpu.memory_space<vmem_shared>> -> memref<1x10240xf32, #tpu.memory_space<vmem_shared>>
      %dma_start3A_150 = tpu.memref_squeeze %dma_start3A_149 : memref<1x10240xf32, #tpu.memory_space<vmem_shared>> -> memref<10240xf32, #tpu.memory_space<vmem_shared>>
      %dma_start3A_151 = tpu.memref_slice %dma_start3A_150[%mul3A_91] : memref<10240xf32, #tpu.memory_space<vmem_shared>> -> memref<640xf32, #tpu.memory_space<vmem_shared>>
      %dma_start3A_152 = arith.constant 0 : i32
      %dma_start3A_153 = tpu.memref_slice %arg8[%run_scoped3A_92, %dma_start3A_152] : memref<16x10240xf32, #tpu.memory_space<vmem_shared>> -> memref<1x10240xf32, #tpu.memory_space<vmem_shared>>
      %dma_start3A_154 = tpu.memref_squeeze %dma_start3A_153 : memref<1x10240xf32, #tpu.memory_space<vmem_shared>> -> memref<10240xf32, #tpu.memory_space<vmem_shared>>
      %dma_start3A_155 = tpu.memref_slice %dma_start3A_154[%mul3A_91] : memref<10240xf32, #tpu.memory_space<vmem_shared>> -> memref<640xf32, #tpu.memory_space<vmem_shared>>
      tpu.enqueue_dma source(%dma_start3A_155 : memref<640xf32, #tpu.memory_space<vmem_shared>>) target(%arg6 : memref<640xf32, #tpu.memory_space<vmem>>) target_semaphore(%run_scoped3A_148 : memref<!tpu.dma_semaphore, #tpu.memory_space<semaphore_mem>>)
      %dma_wait3A = arith.constant 0 : i32
      %dma_wait3A_156 = tpu.memref_slice %arg8[%run_scoped3A_92, %dma_wait3A] : memref<16x10240xf32, #tpu.memory_space<vmem_shared>> -> memref<1x10240xf32, #tpu.memory_space<vmem_shared>>
      %dma_wait3A_157 = tpu.memref_squeeze %dma_wait3A_156 : memref<1x10240xf32, #tpu.memory_space<vmem_shared>> -> memref<10240xf32, #tpu.memory_space<vmem_shared>>
      %dma_wait3A_158 = tpu.memref_slice %dma_wait3A_157[%mul3A_91] : memref<10240xf32, #tpu.memory_space<vmem_shared>> -> memref<640xf32, #tpu.memory_space<vmem_shared>>
      %dma_wait3A_159 = arith.constant 0 : i32
      %dma_wait3A_160 = tpu.memref_slice %arg8[%run_scoped3A_92, %dma_wait3A_159] : memref<16x10240xf32, #tpu.memory_space<vmem_shared>> -> memref<1x10240xf32, #tpu.memory_space<vmem_shared>>
      %dma_wait3A_161 = tpu.memref_squeeze %dma_wait3A_160 : memref<1x10240xf32, #tpu.memory_space<vmem_shared>> -> memref<10240xf32, #tpu.memory_space<vmem_shared>>
      %dma_wait3A_162 = tpu.memref_slice %dma_wait3A_161[%mul3A_91] : memref<10240xf32, #tpu.memory_space<vmem_shared>> -> memref<640xf32, #tpu.memory_space<vmem_shared>>
      tpu.wait_dma2 semaphore(%run_scoped3A_148 : memref<!tpu.dma_semaphore, #tpu.memory_space<semaphore_mem>>) src(%dma_wait3A_162 : memref<640xf32, #tpu.memory_space<vmem_shared>>) dst(%arg6 : memref<640xf32, #tpu.memory_space<vmem>>)
      tpu.yield
    }) : () -> ()
    %scan3A_93 = arith.constant 0 : i32
    %scan3A_94 = arith.constant 40 : i32
    %scan3A_95 = arith.addi %scan3A_93, %scan3A_94 : i32
    %scan3A_96 = arith.constant 1 : i32
    scf.for %scan3A_148 = %scan3A_93 to %scan3A_95 step %scan3A_96  : i32 {
      %mul3A_149 = arith.constant 16 : i32
      %mul3A_150 = arith.muli %scan3A_148, %mul3A_149 : i32
      %add3A_151 = arith.constant 0 : i32
      %add3A_152 = arith.addi %add3A_151, %mul3A_150 : i32
      %get3A = arith.index_cast %add3A_152 : i32 to index
      %get3A_153 = tpu.vector_load %arg7[%get3A] {strides = array<i32>} : memref<640xf32, #tpu.memory_space<vmem>>, vector<16xf32>,
      %get3A_154 = arith.index_cast %add3A_152 : i32 to index
      %get3A_155 = tpu.vector_load %arg6[%get3A_154] {strides = array<i32>} : memref<640xf32, #tpu.memory_space<vmem>>, vector<16xf32>,
      %add3A_156 = arith.addf %get3A_153, %get3A_155 : vector<16xf32>
      %swap3A = arith.index_cast %add3A_152 : i32 to index
      %swap3A_157 = tpu.vector_load %arg7[%swap3A] {strides = array<i32>} : memref<640xf32, #tpu.memory_space<vmem>>, vector<16xf32>,
      tpu.vector_store %arg7[%swap3A], %add3A_156 {strides = array<i32>} : memref<640xf32, #tpu.memory_space<vmem>>, vector<16xf32>,
    }
    %scan3A_97 = arith.constant 40 : i32
    %mul3A_98 = arith.constant 640 : i32
    %mul3A_99 = arith.muli %arg1, %mul3A_98 : i32
    %run_scoped3A_100 = arith.constant 10 : i32
    "tpu.region"() ({
      %run_scoped3A_148 = tpu.sem_alloc : memref<!tpu.dma_semaphore, #tpu.memory_space<semaphore_mem>>
      %dma_start3A = arith.constant 0 : i32
      %dma_start3A_149 = tpu.memref_slice %arg8[%run_scoped3A_100, %dma_start3A] : memref<16x10240xf32, #tpu.memory_space<vmem_shared>> -> memref<1x10240xf32, #tpu.memory_space<vmem_shared>>
      %dma_start3A_150 = tpu.memref_squeeze %dma_start3A_149 : memref<1x10240xf32, #tpu.memory_space<vmem_shared>> -> memref<10240xf32, #tpu.memory_space<vmem_shared>>
      %dma_start3A_151 = tpu.memref_slice %dma_start3A_150[%mul3A_99] : memref<10240xf32, #tpu.memory_space<vmem_shared>> -> memref<640xf32, #tpu.memory_space<vmem_shared>>
      %dma_start3A_152 = arith.constant 0 : i32
      %dma_start3A_153 = tpu.memref_slice %arg8[%run_scoped3A_100, %dma_start3A_152] : memref<16x10240xf32, #tpu.memory_space<vmem_shared>> -> memref<1x10240xf32, #tpu.memory_space<vmem_shared>>
      %dma_start3A_154 = tpu.memref_squeeze %dma_start3A_153 : memref<1x10240xf32, #tpu.memory_space<vmem_shared>> -> memref<10240xf32, #tpu.memory_space<vmem_shared>>
      %dma_start3A_155 = tpu.memref_slice %dma_start3A_154[%mul3A_99] : memref<10240xf32, #tpu.memory_space<vmem_shared>> -> memref<640xf32, #tpu.memory_space<vmem_shared>>
      tpu.enqueue_dma source(%dma_start3A_155 : memref<640xf32, #tpu.memory_space<vmem_shared>>) target(%arg6 : memref<640xf32, #tpu.memory_space<vmem>>) target_semaphore(%run_scoped3A_148 : memref<!tpu.dma_semaphore, #tpu.memory_space<semaphore_mem>>)
      %dma_wait3A = arith.constant 0 : i32
      %dma_wait3A_156 = tpu.memref_slice %arg8[%run_scoped3A_100, %dma_wait3A] : memref<16x10240xf32, #tpu.memory_space<vmem_shared>> -> memref<1x10240xf32, #tpu.memory_space<vmem_shared>>
      %dma_wait3A_157 = tpu.memref_squeeze %dma_wait3A_156 : memref<1x10240xf32, #tpu.memory_space<vmem_shared>> -> memref<10240xf32, #tpu.memory_space<vmem_shared>>
      %dma_wait3A_158 = tpu.memref_slice %dma_wait3A_157[%mul3A_99] : memref<10240xf32, #tpu.memory_space<vmem_shared>> -> memref<640xf32, #tpu.memory_space<vmem_shared>>
      %dma_wait3A_159 = arith.constant 0 : i32
      %dma_wait3A_160 = tpu.memref_slice %arg8[%run_scoped3A_100, %dma_wait3A_159] : memref<16x10240xf32, #tpu.memory_space<vmem_shared>> -> memref<1x10240xf32, #tpu.memory_space<vmem_shared>>
      %dma_wait3A_161 = tpu.memref_squeeze %dma_wait3A_160 : memref<1x10240xf32, #tpu.memory_space<vmem_shared>> -> memref<10240xf32, #tpu.memory_space<vmem_shared>>
      %dma_wait3A_162 = tpu.memref_slice %dma_wait3A_161[%mul3A_99] : memref<10240xf32, #tpu.memory_space<vmem_shared>> -> memref<640xf32, #tpu.memory_space<vmem_shared>>
      tpu.wait_dma2 semaphore(%run_scoped3A_148 : memref<!tpu.dma_semaphore, #tpu.memory_space<semaphore_mem>>) src(%dma_wait3A_162 : memref<640xf32, #tpu.memory_space<vmem_shared>>) dst(%arg6 : memref<640xf32, #tpu.memory_space<vmem>>)
      tpu.yield
    }) : () -> ()
    %scan3A_101 = arith.constant 0 : i32
    %scan3A_102 = arith.constant 40 : i32
    %scan3A_103 = arith.addi %scan3A_101, %scan3A_102 : i32
    %scan3A_104 = arith.constant 1 : i32
    scf.for %scan3A_148 = %scan3A_101 to %scan3A_103 step %scan3A_104  : i32 {
      %mul3A_149 = arith.constant 16 : i32
      %mul3A_150 = arith.muli %scan3A_148, %mul3A_149 : i32
      %add3A_151 = arith.constant 0 : i32
      %add3A_152 = arith.addi %add3A_151, %mul3A_150 : i32
      %get3A = arith.index_cast %add3A_152 : i32 to index
      %get3A_153 = tpu.vector_load %arg7[%get3A] {strides = array<i32>} : memref<640xf32, #tpu.memory_space<vmem>>, vector<16xf32>,
      %get3A_154 = arith.index_cast %add3A_152 : i32 to index
      %get3A_155 = tpu.vector_load %arg6[%get3A_154] {strides = array<i32>} : memref<640xf32, #tpu.memory_space<vmem>>, vector<16xf32>,
      %add3A_156 = arith.addf %get3A_153, %get3A_155 : vector<16xf32>
      %swap3A = arith.index_cast %add3A_152 : i32 to index
      %swap3A_157 = tpu.vector_load %arg7[%swap3A] {strides = array<i32>} : memref<640xf32, #tpu.memory_space<vmem>>, vector<16xf32>,
      tpu.vector_store %arg7[%swap3A], %add3A_156 {strides = array<i32>} : memref<640xf32, #tpu.memory_space<vmem>>, vector<16xf32>,
    }
    %scan3A_105 = arith.constant 40 : i32
    %mul3A_106 = arith.constant 640 : i32
    %mul3A_107 = arith.muli %arg1, %mul3A_106 : i32
    %run_scoped3A_108 = arith.constant 11 : i32
    "tpu.region"() ({
      %run_scoped3A_148 = tpu.sem_alloc : memref<!tpu.dma_semaphore, #tpu.memory_space<semaphore_mem>>
      %dma_start3A = arith.constant 0 : i32
      %dma_start3A_149 = tpu.memref_slice %arg8[%run_scoped3A_108, %dma_start3A] : memref<16x10240xf32, #tpu.memory_space<vmem_shared>> -> memref<1x10240xf32, #tpu.memory_space<vmem_shared>>
      %dma_start3A_150 = tpu.memref_squeeze %dma_start3A_149 : memref<1x10240xf32, #tpu.memory_space<vmem_shared>> -> memref<10240xf32, #tpu.memory_space<vmem_shared>>
      %dma_start3A_151 = tpu.memref_slice %dma_start3A_150[%mul3A_107] : memref<10240xf32, #tpu.memory_space<vmem_shared>> -> memref<640xf32, #tpu.memory_space<vmem_shared>>
      %dma_start3A_152 = arith.constant 0 : i32
      %dma_start3A_153 = tpu.memref_slice %arg8[%run_scoped3A_108, %dma_start3A_152] : memref<16x10240xf32, #tpu.memory_space<vmem_shared>> -> memref<1x10240xf32, #tpu.memory_space<vmem_shared>>
      %dma_start3A_154 = tpu.memref_squeeze %dma_start3A_153 : memref<1x10240xf32, #tpu.memory_space<vmem_shared>> -> memref<10240xf32, #tpu.memory_space<vmem_shared>>
      %dma_start3A_155 = tpu.memref_slice %dma_start3A_154[%mul3A_107] : memref<10240xf32, #tpu.memory_space<vmem_shared>> -> memref<640xf32, #tpu.memory_space<vmem_shared>>
      tpu.enqueue_dma source(%dma_start3A_155 : memref<640xf32, #tpu.memory_space<vmem_shared>>) target(%arg6 : memref<640xf32, #tpu.memory_space<vmem>>) target_semaphore(%run_scoped3A_148 : memref<!tpu.dma_semaphore, #tpu.memory_space<semaphore_mem>>)
      %dma_wait3A = arith.constant 0 : i32
      %dma_wait3A_156 = tpu.memref_slice %arg8[%run_scoped3A_108, %dma_wait3A] : memref<16x10240xf32, #tpu.memory_space<vmem_shared>> -> memref<1x10240xf32, #tpu.memory_space<vmem_shared>>
      %dma_wait3A_157 = tpu.memref_squeeze %dma_wait3A_156 : memref<1x10240xf32, #tpu.memory_space<vmem_shared>> -> memref<10240xf32, #tpu.memory_space<vmem_shared>>
      %dma_wait3A_158 = tpu.memref_slice %dma_wait3A_157[%mul3A_107] : memref<10240xf32, #tpu.memory_space<vmem_shared>> -> memref<640xf32, #tpu.memory_space<vmem_shared>>
      %dma_wait3A_159 = arith.constant 0 : i32
      %dma_wait3A_160 = tpu.memref_slice %arg8[%run_scoped3A_108, %dma_wait3A_159] : memref<16x10240xf32, #tpu.memory_space<vmem_shared>> -> memref<1x10240xf32, #tpu.memory_space<vmem_shared>>
      %dma_wait3A_161 = tpu.memref_squeeze %dma_wait3A_160 : memref<1x10240xf32, #tpu.memory_space<vmem_shared>> -> memref<10240xf32, #tpu.memory_space<vmem_shared>>
      %dma_wait3A_162 = tpu.memref_slice %dma_wait3A_161[%mul3A_107] : memref<10240xf32, #tpu.memory_space<vmem_shared>> -> memref<640xf32, #tpu.memory_space<vmem_shared>>
      tpu.wait_dma2 semaphore(%run_scoped3A_148 : memref<!tpu.dma_semaphore, #tpu.memory_space<semaphore_mem>>) src(%dma_wait3A_162 : memref<640xf32, #tpu.memory_space<vmem_shared>>) dst(%arg6 : memref<640xf32, #tpu.memory_space<vmem>>)
      tpu.yield
    }) : () -> ()
    %scan3A_109 = arith.constant 0 : i32
    %scan3A_110 = arith.constant 40 : i32
    %scan3A_111 = arith.addi %scan3A_109, %scan3A_110 : i32
    %scan3A_112 = arith.constant 1 : i32
    scf.for %scan3A_148 = %scan3A_109 to %scan3A_111 step %scan3A_112  : i32 {
      %mul3A_149 = arith.constant 16 : i32
      %mul3A_150 = arith.muli %scan3A_148, %mul3A_149 : i32
      %add3A_151 = arith.constant 0 : i32
      %add3A_152 = arith.addi %add3A_151, %mul3A_150 : i32
      %get3A = arith.index_cast %add3A_152 : i32 to index
      %get3A_153 = tpu.vector_load %arg7[%get3A] {strides = array<i32>} : memref<640xf32, #tpu.memory_space<vmem>>, vector<16xf32>,
      %get3A_154 = arith.index_cast %add3A_152 : i32 to index
      %get3A_155 = tpu.vector_load %arg6[%get3A_154] {strides = array<i32>} : memref<640xf32, #tpu.memory_space<vmem>>, vector<16xf32>,
      %add3A_156 = arith.addf %get3A_153, %get3A_155 : vector<16xf32>
      %swap3A = arith.index_cast %add3A_152 : i32 to index
      %swap3A_157 = tpu.vector_load %arg7[%swap3A] {strides = array<i32>} : memref<640xf32, #tpu.memory_space<vmem>>, vector<16xf32>,
      tpu.vector_store %arg7[%swap3A], %add3A_156 {strides = array<i32>} : memref<640xf32, #tpu.memory_space<vmem>>, vector<16xf32>,
    }
    %scan3A_113 = arith.constant 40 : i32
    %mul3A_114 = arith.constant 640 : i32
    %mul3A_115 = arith.muli %arg1, %mul3A_114 : i32
    %run_scoped3A_116 = arith.constant 12 : i32
    "tpu.region"() ({
      %run_scoped3A_148 = tpu.sem_alloc : memref<!tpu.dma_semaphore, #tpu.memory_space<semaphore_mem>>
      %dma_start3A = arith.constant 0 : i32
      %dma_start3A_149 = tpu.memref_slice %arg8[%run_scoped3A_116, %dma_start3A] : memref<16x10240xf32, #tpu.memory_space<vmem_shared>> -> memref<1x10240xf32, #tpu.memory_space<vmem_shared>>
      %dma_start3A_150 = tpu.memref_squeeze %dma_start3A_149 : memref<1x10240xf32, #tpu.memory_space<vmem_shared>> -> memref<10240xf32, #tpu.memory_space<vmem_shared>>
      %dma_start3A_151 = tpu.memref_slice %dma_start3A_150[%mul3A_115] : memref<10240xf32, #tpu.memory_space<vmem_shared>> -> memref<640xf32, #tpu.memory_space<vmem_shared>>
      %dma_start3A_152 = arith.constant 0 : i32
      %dma_start3A_153 = tpu.memref_slice %arg8[%run_scoped3A_116, %dma_start3A_152] : memref<16x10240xf32, #tpu.memory_space<vmem_shared>> -> memref<1x10240xf32, #tpu.memory_space<vmem_shared>>
      %dma_start3A_154 = tpu.memref_squeeze %dma_start3A_153 : memref<1x10240xf32, #tpu.memory_space<vmem_shared>> -> memref<10240xf32, #tpu.memory_space<vmem_shared>>
      %dma_start3A_155 = tpu.memref_slice %dma_start3A_154[%mul3A_115] : memref<10240xf32, #tpu.memory_space<vmem_shared>> -> memref<640xf32, #tpu.memory_space<vmem_shared>>
      tpu.enqueue_dma source(%dma_start3A_155 : memref<640xf32, #tpu.memory_space<vmem_shared>>) target(%arg6 : memref<640xf32, #tpu.memory_space<vmem>>) target_semaphore(%run_scoped3A_148 : memref<!tpu.dma_semaphore, #tpu.memory_space<semaphore_mem>>)
      %dma_wait3A = arith.constant 0 : i32
      %dma_wait3A_156 = tpu.memref_slice %arg8[%run_scoped3A_116, %dma_wait3A] : memref<16x10240xf32, #tpu.memory_space<vmem_shared>> -> memref<1x10240xf32, #tpu.memory_space<vmem_shared>>
      %dma_wait3A_157 = tpu.memref_squeeze %dma_wait3A_156 : memref<1x10240xf32, #tpu.memory_space<vmem_shared>> -> memref<10240xf32, #tpu.memory_space<vmem_shared>>
      %dma_wait3A_158 = tpu.memref_slice %dma_wait3A_157[%mul3A_115] : memref<10240xf32, #tpu.memory_space<vmem_shared>> -> memref<640xf32, #tpu.memory_space<vmem_shared>>
      %dma_wait3A_159 = arith.constant 0 : i32
      %dma_wait3A_160 = tpu.memref_slice %arg8[%run_scoped3A_116, %dma_wait3A_159] : memref<16x10240xf32, #tpu.memory_space<vmem_shared>> -> memref<1x10240xf32, #tpu.memory_space<vmem_shared>>
      %dma_wait3A_161 = tpu.memref_squeeze %dma_wait3A_160 : memref<1x10240xf32, #tpu.memory_space<vmem_shared>> -> memref<10240xf32, #tpu.memory_space<vmem_shared>>
      %dma_wait3A_162 = tpu.memref_slice %dma_wait3A_161[%mul3A_115] : memref<10240xf32, #tpu.memory_space<vmem_shared>> -> memref<640xf32, #tpu.memory_space<vmem_shared>>
      tpu.wait_dma2 semaphore(%run_scoped3A_148 : memref<!tpu.dma_semaphore, #tpu.memory_space<semaphore_mem>>) src(%dma_wait3A_162 : memref<640xf32, #tpu.memory_space<vmem_shared>>) dst(%arg6 : memref<640xf32, #tpu.memory_space<vmem>>)
      tpu.yield
    }) : () -> ()
    %scan3A_117 = arith.constant 0 : i32
    %scan3A_118 = arith.constant 40 : i32
    %scan3A_119 = arith.addi %scan3A_117, %scan3A_118 : i32
    %scan3A_120 = arith.constant 1 : i32
    scf.for %scan3A_148 = %scan3A_117 to %scan3A_119 step %scan3A_120  : i32 {
      %mul3A_149 = arith.constant 16 : i32
      %mul3A_150 = arith.muli %scan3A_148, %mul3A_149 : i32
      %add3A_151 = arith.constant 0 : i32
      %add3A_152 = arith.addi %add3A_151, %mul3A_150 : i32
      %get3A = arith.index_cast %add3A_152 : i32 to index
      %get3A_153 = tpu.vector_load %arg7[%get3A] {strides = array<i32>} : memref<640xf32, #tpu.memory_space<vmem>>, vector<16xf32>,
      %get3A_154 = arith.index_cast %add3A_152 : i32 to index
      %get3A_155 = tpu.vector_load %arg6[%get3A_154] {strides = array<i32>} : memref<640xf32, #tpu.memory_space<vmem>>, vector<16xf32>,
      %add3A_156 = arith.addf %get3A_153, %get3A_155 : vector<16xf32>
      %swap3A = arith.index_cast %add3A_152 : i32 to index
      %swap3A_157 = tpu.vector_load %arg7[%swap3A] {strides = array<i32>} : memref<640xf32, #tpu.memory_space<vmem>>, vector<16xf32>,
      tpu.vector_store %arg7[%swap3A], %add3A_156 {strides = array<i32>} : memref<640xf32, #tpu.memory_space<vmem>>, vector<16xf32>,
    }
    %scan3A_121 = arith.constant 40 : i32
    %mul3A_122 = arith.constant 640 : i32
    %mul3A_123 = arith.muli %arg1, %mul3A_122 : i32
    %run_scoped3A_124 = arith.constant 13 : i32
    "tpu.region"() ({
      %run_scoped3A_148 = tpu.sem_alloc : memref<!tpu.dma_semaphore, #tpu.memory_space<semaphore_mem>>
      %dma_start3A = arith.constant 0 : i32
      %dma_start3A_149 = tpu.memref_slice %arg8[%run_scoped3A_124, %dma_start3A] : memref<16x10240xf32, #tpu.memory_space<vmem_shared>> -> memref<1x10240xf32, #tpu.memory_space<vmem_shared>>
      %dma_start3A_150 = tpu.memref_squeeze %dma_start3A_149 : memref<1x10240xf32, #tpu.memory_space<vmem_shared>> -> memref<10240xf32, #tpu.memory_space<vmem_shared>>
      %dma_start3A_151 = tpu.memref_slice %dma_start3A_150[%mul3A_123] : memref<10240xf32, #tpu.memory_space<vmem_shared>> -> memref<640xf32, #tpu.memory_space<vmem_shared>>
      %dma_start3A_152 = arith.constant 0 : i32
      %dma_start3A_153 = tpu.memref_slice %arg8[%run_scoped3A_124, %dma_start3A_152] : memref<16x10240xf32, #tpu.memory_space<vmem_shared>> -> memref<1x10240xf32, #tpu.memory_space<vmem_shared>>
      %dma_start3A_154 = tpu.memref_squeeze %dma_start3A_153 : memref<1x10240xf32, #tpu.memory_space<vmem_shared>> -> memref<10240xf32, #tpu.memory_space<vmem_shared>>
      %dma_start3A_155 = tpu.memref_slice %dma_start3A_154[%mul3A_123] : memref<10240xf32, #tpu.memory_space<vmem_shared>> -> memref<640xf32, #tpu.memory_space<vmem_shared>>
      tpu.enqueue_dma source(%dma_start3A_155 : memref<640xf32, #tpu.memory_space<vmem_shared>>) target(%arg6 : memref<640xf32, #tpu.memory_space<vmem>>) target_semaphore(%run_scoped3A_148 : memref<!tpu.dma_semaphore, #tpu.memory_space<semaphore_mem>>)
      %dma_wait3A = arith.constant 0 : i32
      %dma_wait3A_156 = tpu.memref_slice %arg8[%run_scoped3A_124, %dma_wait3A] : memref<16x10240xf32, #tpu.memory_space<vmem_shared>> -> memref<1x10240xf32, #tpu.memory_space<vmem_shared>>
      %dma_wait3A_157 = tpu.memref_squeeze %dma_wait3A_156 : memref<1x10240xf32, #tpu.memory_space<vmem_shared>> -> memref<10240xf32, #tpu.memory_space<vmem_shared>>
      %dma_wait3A_158 = tpu.memref_slice %dma_wait3A_157[%mul3A_123] : memref<10240xf32, #tpu.memory_space<vmem_shared>> -> memref<640xf32, #tpu.memory_space<vmem_shared>>
      %dma_wait3A_159 = arith.constant 0 : i32
      %dma_wait3A_160 = tpu.memref_slice %arg8[%run_scoped3A_124, %dma_wait3A_159] : memref<16x10240xf32, #tpu.memory_space<vmem_shared>> -> memref<1x10240xf32, #tpu.memory_space<vmem_shared>>
      %dma_wait3A_161 = tpu.memref_squeeze %dma_wait3A_160 : memref<1x10240xf32, #tpu.memory_space<vmem_shared>> -> memref<10240xf32, #tpu.memory_space<vmem_shared>>
      %dma_wait3A_162 = tpu.memref_slice %dma_wait3A_161[%mul3A_123] : memref<10240xf32, #tpu.memory_space<vmem_shared>> -> memref<640xf32, #tpu.memory_space<vmem_shared>>
      tpu.wait_dma2 semaphore(%run_scoped3A_148 : memref<!tpu.dma_semaphore, #tpu.memory_space<semaphore_mem>>) src(%dma_wait3A_162 : memref<640xf32, #tpu.memory_space<vmem_shared>>) dst(%arg6 : memref<640xf32, #tpu.memory_space<vmem>>)
      tpu.yield
    }) : () -> ()
    %scan3A_125 = arith.constant 0 : i32
    %scan3A_126 = arith.constant 40 : i32
    %scan3A_127 = arith.addi %scan3A_125, %scan3A_126 : i32
    %scan3A_128 = arith.constant 1 : i32
    scf.for %scan3A_148 = %scan3A_125 to %scan3A_127 step %scan3A_128  : i32 {
      %mul3A_149 = arith.constant 16 : i32
      %mul3A_150 = arith.muli %scan3A_148, %mul3A_149 : i32
      %add3A_151 = arith.constant 0 : i32
      %add3A_152 = arith.addi %add3A_151, %mul3A_150 : i32
      %get3A = arith.index_cast %add3A_152 : i32 to index
      %get3A_153 = tpu.vector_load %arg7[%get3A] {strides = array<i32>} : memref<640xf32, #tpu.memory_space<vmem>>, vector<16xf32>,
      %get3A_154 = arith.index_cast %add3A_152 : i32 to index
      %get3A_155 = tpu.vector_load %arg6[%get3A_154] {strides = array<i32>} : memref<640xf32, #tpu.memory_space<vmem>>, vector<16xf32>,
      %add3A_156 = arith.addf %get3A_153, %get3A_155 : vector<16xf32>
      %swap3A = arith.index_cast %add3A_152 : i32 to index
      %swap3A_157 = tpu.vector_load %arg7[%swap3A] {strides = array<i32>} : memref<640xf32, #tpu.memory_space<vmem>>, vector<16xf32>,
      tpu.vector_store %arg7[%swap3A], %add3A_156 {strides = array<i32>} : memref<640xf32, #tpu.memory_space<vmem>>, vector<16xf32>,
    }
    %scan3A_129 = arith.constant 40 : i32
    %mul3A_130 = arith.constant 640 : i32
    %mul3A_131 = arith.muli %arg1, %mul3A_130 : i32
    %run_scoped3A_132 = arith.constant 14 : i32
    "tpu.region"() ({
      %run_scoped3A_148 = tpu.sem_alloc : memref<!tpu.dma_semaphore, #tpu.memory_space<semaphore_mem>>
      %dma_start3A = arith.constant 0 : i32
      %dma_start3A_149 = tpu.memref_slice %arg8[%run_scoped3A_132, %dma_start3A] : memref<16x10240xf32, #tpu.memory_space<vmem_shared>> -> memref<1x10240xf32, #tpu.memory_space<vmem_shared>>
      %dma_start3A_150 = tpu.memref_squeeze %dma_start3A_149 : memref<1x10240xf32, #tpu.memory_space<vmem_shared>> -> memref<10240xf32, #tpu.memory_space<vmem_shared>>
      %dma_start3A_151 = tpu.memref_slice %dma_start3A_150[%mul3A_131] : memref<10240xf32, #tpu.memory_space<vmem_shared>> -> memref<640xf32, #tpu.memory_space<vmem_shared>>
      %dma_start3A_152 = arith.constant 0 : i32
      %dma_start3A_153 = tpu.memref_slice %arg8[%run_scoped3A_132, %dma_start3A_152] : memref<16x10240xf32, #tpu.memory_space<vmem_shared>> -> memref<1x10240xf32, #tpu.memory_space<vmem_shared>>
      %dma_start3A_154 = tpu.memref_squeeze %dma_start3A_153 : memref<1x10240xf32, #tpu.memory_space<vmem_shared>> -> memref<10240xf32, #tpu.memory_space<vmem_shared>>
      %dma_start3A_155 = tpu.memref_slice %dma_start3A_154[%mul3A_131] : memref<10240xf32, #tpu.memory_space<vmem_shared>> -> memref<640xf32, #tpu.memory_space<vmem_shared>>
      tpu.enqueue_dma source(%dma_start3A_155 : memref<640xf32, #tpu.memory_space<vmem_shared>>) target(%arg6 : memref<640xf32, #tpu.memory_space<vmem>>) target_semaphore(%run_scoped3A_148 : memref<!tpu.dma_semaphore, #tpu.memory_space<semaphore_mem>>)
      %dma_wait3A = arith.constant 0 : i32
      %dma_wait3A_156 = tpu.memref_slice %arg8[%run_scoped3A_132, %dma_wait3A] : memref<16x10240xf32, #tpu.memory_space<vmem_shared>> -> memref<1x10240xf32, #tpu.memory_space<vmem_shared>>
      %dma_wait3A_157 = tpu.memref_squeeze %dma_wait3A_156 : memref<1x10240xf32, #tpu.memory_space<vmem_shared>> -> memref<10240xf32, #tpu.memory_space<vmem_shared>>
      %dma_wait3A_158 = tpu.memref_slice %dma_wait3A_157[%mul3A_131] : memref<10240xf32, #tpu.memory_space<vmem_shared>> -> memref<640xf32, #tpu.memory_space<vmem_shared>>
      %dma_wait3A_159 = arith.constant 0 : i32
      %dma_wait3A_160 = tpu.memref_slice %arg8[%run_scoped3A_132, %dma_wait3A_159] : memref<16x10240xf32, #tpu.memory_space<vmem_shared>> -> memref<1x10240xf32, #tpu.memory_space<vmem_shared>>
      %dma_wait3A_161 = tpu.memref_squeeze %dma_wait3A_160 : memref<1x10240xf32, #tpu.memory_space<vmem_shared>> -> memref<10240xf32, #tpu.memory_space<vmem_shared>>
      %dma_wait3A_162 = tpu.memref_slice %dma_wait3A_161[%mul3A_131] : memref<10240xf32, #tpu.memory_space<vmem_shared>> -> memref<640xf32, #tpu.memory_space<vmem_shared>>
      tpu.wait_dma2 semaphore(%run_scoped3A_148 : memref<!tpu.dma_semaphore, #tpu.memory_space<semaphore_mem>>) src(%dma_wait3A_162 : memref<640xf32, #tpu.memory_space<vmem_shared>>) dst(%arg6 : memref<640xf32, #tpu.memory_space<vmem>>)
      tpu.yield
    }) : () -> ()
    %scan3A_133 = arith.constant 0 : i32
    %scan3A_134 = arith.constant 40 : i32
    %scan3A_135 = arith.addi %scan3A_133, %scan3A_134 : i32
    %scan3A_136 = arith.constant 1 : i32
    scf.for %scan3A_148 = %scan3A_133 to %scan3A_135 step %scan3A_136  : i32 {
      %mul3A_149 = arith.constant 16 : i32
      %mul3A_150 = arith.muli %scan3A_148, %mul3A_149 : i32
      %add3A_151 = arith.constant 0 : i32
      %add3A_152 = arith.addi %add3A_151, %mul3A_150 : i32
      %get3A = arith.index_cast %add3A_152 : i32 to index
      %get3A_153 = tpu.vector_load %arg7[%get3A] {strides = array<i32>} : memref<640xf32, #tpu.memory_space<vmem>>, vector<16xf32>,
      %get3A_154 = arith.index_cast %add3A_152 : i32 to index
      %get3A_155 = tpu.vector_load %arg6[%get3A_154] {strides = array<i32>} : memref<640xf32, #tpu.memory_space<vmem>>, vector<16xf32>,
      %add3A_156 = arith.addf %get3A_153, %get3A_155 : vector<16xf32>
      %swap3A = arith.index_cast %add3A_152 : i32 to index
      %swap3A_157 = tpu.vector_load %arg7[%swap3A] {strides = array<i32>} : memref<640xf32, #tpu.memory_space<vmem>>, vector<16xf32>,
      tpu.vector_store %arg7[%swap3A], %add3A_156 {strides = array<i32>} : memref<640xf32, #tpu.memory_space<vmem>>, vector<16xf32>,
    }
    %scan3A_137 = arith.constant 40 : i32
    %mul3A_138 = arith.constant 640 : i32
    %mul3A_139 = arith.muli %arg1, %mul3A_138 : i32
    %run_scoped3A_140 = arith.constant 15 : i32
    "tpu.region"() ({
      %run_scoped3A_148 = tpu.sem_alloc : memref<!tpu.dma_semaphore, #tpu.memory_space<semaphore_mem>>
      %dma_start3A = arith.constant 0 : i32
      %dma_start3A_149 = tpu.memref_slice %arg8[%run_scoped3A_140, %dma_start3A] : memref<16x10240xf32, #tpu.memory_space<vmem_shared>> -> memref<1x10240xf32, #tpu.memory_space<vmem_shared>>
      %dma_start3A_150 = tpu.memref_squeeze %dma_start3A_149 : memref<1x10240xf32, #tpu.memory_space<vmem_shared>> -> memref<10240xf32, #tpu.memory_space<vmem_shared>>
      %dma_start3A_151 = tpu.memref_slice %dma_start3A_150[%mul3A_139] : memref<10240xf32, #tpu.memory_space<vmem_shared>> -> memref<640xf32, #tpu.memory_space<vmem_shared>>
      %dma_start3A_152 = arith.constant 0 : i32
      %dma_start3A_153 = tpu.memref_slice %arg8[%run_scoped3A_140, %dma_start3A_152] : memref<16x10240xf32, #tpu.memory_space<vmem_shared>> -> memref<1x10240xf32, #tpu.memory_space<vmem_shared>>
      %dma_start3A_154 = tpu.memref_squeeze %dma_start3A_153 : memref<1x10240xf32, #tpu.memory_space<vmem_shared>> -> memref<10240xf32, #tpu.memory_space<vmem_shared>>
      %dma_start3A_155 = tpu.memref_slice %dma_start3A_154[%mul3A_139] : memref<10240xf32, #tpu.memory_space<vmem_shared>> -> memref<640xf32, #tpu.memory_space<vmem_shared>>
      tpu.enqueue_dma source(%dma_start3A_155 : memref<640xf32, #tpu.memory_space<vmem_shared>>) target(%arg6 : memref<640xf32, #tpu.memory_space<vmem>>) target_semaphore(%run_scoped3A_148 : memref<!tpu.dma_semaphore, #tpu.memory_space<semaphore_mem>>)
      %dma_wait3A = arith.constant 0 : i32
      %dma_wait3A_156 = tpu.memref_slice %arg8[%run_scoped3A_140, %dma_wait3A] : memref<16x10240xf32, #tpu.memory_space<vmem_shared>> -> memref<1x10240xf32, #tpu.memory_space<vmem_shared>>
      %dma_wait3A_157 = tpu.memref_squeeze %dma_wait3A_156 : memref<1x10240xf32, #tpu.memory_space<vmem_shared>> -> memref<10240xf32, #tpu.memory_space<vmem_shared>>
      %dma_wait3A_158 = tpu.memref_slice %dma_wait3A_157[%mul3A_139] : memref<10240xf32, #tpu.memory_space<vmem_shared>> -> memref<640xf32, #tpu.memory_space<vmem_shared>>
      %dma_wait3A_159 = arith.constant 0 : i32
      %dma_wait3A_160 = tpu.memref_slice %arg8[%run_scoped3A_140, %dma_wait3A_159] : memref<16x10240xf32, #tpu.memory_space<vmem_shared>> -> memref<1x10240xf32, #tpu.memory_space<vmem_shared>>
      %dma_wait3A_161 = tpu.memref_squeeze %dma_wait3A_160 : memref<1x10240xf32, #tpu.memory_space<vmem_shared>> -> memref<10240xf32, #tpu.memory_space<vmem_shared>>
      %dma_wait3A_162 = tpu.memref_slice %dma_wait3A_161[%mul3A_139] : memref<10240xf32, #tpu.memory_space<vmem_shared>> -> memref<640xf32, #tpu.memory_space<vmem_shared>>
      tpu.wait_dma2 semaphore(%run_scoped3A_148 : memref<!tpu.dma_semaphore, #tpu.memory_space<semaphore_mem>>) src(%dma_wait3A_162 : memref<640xf32, #tpu.memory_space<vmem_shared>>) dst(%arg6 : memref<640xf32, #tpu.memory_space<vmem>>)
      tpu.yield
    }) : () -> ()
    %scan3A_141 = arith.constant 0 : i32
    %scan3A_142 = arith.constant 40 : i32
    %scan3A_143 = arith.addi %scan3A_141, %scan3A_142 : i32
    %scan3A_144 = arith.constant 1 : i32
    scf.for %scan3A_148 = %scan3A_141 to %scan3A_143 step %scan3A_144  : i32 {
      %mul3A_149 = arith.constant 16 : i32
      %mul3A_150 = arith.muli %scan3A_148, %mul3A_149 : i32
      %add3A_151 = arith.constant 0 : i32
      %add3A_152 = arith.addi %add3A_151, %mul3A_150 : i32
      %get3A = arith.index_cast %add3A_152 : i32 to index
      %get3A_153 = tpu.vector_load %arg7[%get3A] {strides = array<i32>} : memref<640xf32, #tpu.memory_space<vmem>>, vector<16xf32>,
      %get3A_154 = arith.index_cast %add3A_152 : i32 to index
      %get3A_155 = tpu.vector_load %arg6[%get3A_154] {strides = array<i32>} : memref<640xf32, #tpu.memory_space<vmem>>, vector<16xf32>,
      %add3A_156 = arith.addf %get3A_153, %get3A_155 : vector<16xf32>
      %swap3A = arith.index_cast %add3A_152 : i32 to index
      %swap3A_157 = tpu.vector_load %arg7[%swap3A] {strides = array<i32>} : memref<640xf32, #tpu.memory_space<vmem>>, vector<16xf32>,
      tpu.vector_store %arg7[%swap3A], %add3A_156 {strides = array<i32>} : memref<640xf32, #tpu.memory_space<vmem>>, vector<16xf32>,
    }
    %scan3A_145 = arith.constant 40 : i32
    %mul3A_146 = arith.constant 640 : i32
    %mul3A_147 = arith.muli %arg1, %mul3A_146 : i32
    "tpu.region"() ({
      %run_scoped3A_148 = tpu.sem_alloc : memref<!tpu.dma_semaphore, #tpu.memory_space<semaphore_mem>>
      %dma_start3A = arith.constant 0 : i32
      %dma_start3A_149 = tpu.memref_slice %arg3[%arg0, %dma_start3A] : memref<2x10240xf32, #tpu.memory_space<hbm>> -> memref<1x10240xf32, #tpu.memory_space<hbm>>
      %dma_start3A_150 = tpu.memref_squeeze %dma_start3A_149 : memref<1x10240xf32, #tpu.memory_space<hbm>> -> memref<10240xf32, #tpu.memory_space<hbm>>
      %dma_start3A_151 = tpu.memref_slice %dma_start3A_150[%mul3A_147] : memref<10240xf32, #tpu.memory_space<hbm>> -> memref<640xf32, #tpu.memory_space<hbm>>
      %dma_start3A_152 = arith.constant 0 : i32
      %dma_start3A_153 = tpu.memref_slice %arg3[%arg0, %dma_start3A_152] : memref<2x10240xf32, #tpu.memory_space<hbm>> -> memref<1x10240xf32, #tpu.memory_space<hbm>>
      %dma_start3A_154 = tpu.memref_squeeze %dma_start3A_153 : memref<1x10240xf32, #tpu.memory_space<hbm>> -> memref<10240xf32, #tpu.memory_space<hbm>>
      %dma_start3A_155 = tpu.memref_slice %dma_start3A_154[%mul3A_147] : memref<10240xf32, #tpu.memory_space<hbm>> -> memref<640xf32, #tpu.memory_space<hbm>>
      tpu.enqueue_dma source(%arg7 : memref<640xf32, #tpu.memory_space<vmem>>) target(%dma_start3A_155 : memref<640xf32, #tpu.memory_space<hbm>>) target_semaphore(%run_scoped3A_148 : memref<!tpu.dma_semaphore, #tpu.memory_space<semaphore_mem>>)
      %dma_wait3A = arith.constant 0 : i32
      %dma_wait3A_156 = tpu.memref_slice %arg3[%arg0, %dma_wait3A] : memref<2x10240xf32, #tpu.memory_space<hbm>> -> memref<1x10240xf32, #tpu.memory_space<hbm>>
      %dma_wait3A_157 = tpu.memref_squeeze %dma_wait3A_156 : memref<1x10240xf32, #tpu.memory_space<hbm>> -> memref<10240xf32, #tpu.memory_space<hbm>>
      %dma_wait3A_158 = tpu.memref_slice %dma_wait3A_157[%mul3A_147] : memref<10240xf32, #tpu.memory_space<hbm>> -> memref<640xf32, #tpu.memory_space<hbm>>
      %dma_wait3A_159 = arith.constant 0 : i32
      %dma_wait3A_160 = tpu.memref_slice %arg3[%arg0, %dma_wait3A_159] : memref<2x10240xf32, #tpu.memory_space<hbm>> -> memref<1x10240xf32, #tpu.memory_space<hbm>>
      %dma_wait3A_161 = tpu.memref_squeeze %dma_wait3A_160 : memref<1x10240xf32, #tpu.memory_space<hbm>> -> memref<10240xf32, #tpu.memory_space<hbm>>
      %dma_wait3A_162 = tpu.memref_slice %dma_wait3A_161[%mul3A_147] : memref<10240xf32, #tpu.memory_space<hbm>> -> memref<640xf32, #tpu.memory_space<hbm>>
      tpu.wait_dma2 semaphore(%run_scoped3A_148 : memref<!tpu.dma_semaphore, #tpu.memory_space<semaphore_mem>>) src(%arg7 : memref<640xf32, #tpu.memory_space<vmem>>) dst(%dma_wait3A_162 : memref<640xf32, #tpu.memory_space<hbm>>)
      tpu.yield
    }) : () -> ()
    return
  }
}

#map = affine_map<(d0, d1) -> (0, 0)>
#map1 = affine_map<(d0, d1) -> (0, 0, 0)>
module attributes {stable_mosaic.version = 14 : i64} {
  func.func @k(%arg0: i32, %arg1: i32, %arg2: memref<10240x16xf32, #tpu.memory_space<hbm>>, %arg3: memref<2560x128xi32, #tpu.memory_space<hbm>>, %arg4: memref<2560x128xi32, #tpu.memory_space<hbm>>, %arg5: memref<2x10240xf32, #tpu.memory_space<hbm>>, %arg6: memref<10240x16xf32, #tpu.memory_space<hbm>>, %arg7: memref<2x10240x16xf32, #tpu.memory_space<hbm>>, %arg8: memref<80x128xi32, #tpu.memory_space<vmem>>, %arg9: memref<80x128xi32, #tpu.memory_space<vmem>>, %arg10: memref<4x128x16xf32, #tpu.memory_space<vmem>>, %arg11: memref<4x128x16xf32, #tpu.memory_space<vmem>>, %arg12: memref<640x16xf32, #tpu.memory_space<vmem>>, %arg13: memref<640x16xf32, #tpu.memory_space<vmem>>, %arg14: memref<640xf32, #tpu.memory_space<vmem>>, %arg15: memref<640xf32, #tpu.memory_space<vmem>>, %arg16: memref<10240x16xf32, #tpu.memory_space<vmem_shared>>, %arg17: memref<10240x16xf32, #tpu.memory_space<vmem_shared>>, %arg18: memref<!tpu.dma_semaphore, #tpu.memory_space<semaphore_mem>>, %arg19: memref<!tpu.dma_semaphore, #tpu.memory_space<semaphore_mem>>) attributes {dimension_semantics = [#tpu.dimension_semantics<core_parallel>, #tpu.dimension_semantics<subcore_parallel>], iteration_bounds = array<i64: 2, 16>, scalar_prefetch = 0 : i64, scratch_operands = 12 : i64, tpu.core_type = #tpu.core_type<sc_vector_subcore>, window_params = [{transform_indices = #map}, {transform_indices = #map}, {transform_indices = #map}, {transform_indices = #map}, {transform_indices = #map}, {transform_indices = #map1}]} {
    %mul3A = arith.constant 16 : i32
    %mul3A_0 = arith.muli %arg0, %mul3A : i32
    %add3A = arith.addi %mul3A_0, %arg1 : i32
    %mul3A_1 = arith.constant 640 : i32
    %mul3A_2 = arith.muli %arg1, %mul3A_1 : i32
    "tpu.region"() ({
      %run_scoped3A_239 = tpu.sem_alloc : memref<!tpu.dma_semaphore, #tpu.memory_space<semaphore_mem>>
      %dma_start3A_240 = arith.constant 0 : i32
      %dma_start3A_241 = tpu.memref_slice %arg16[%mul3A_2, %dma_start3A_240] : memref<10240x16xf32, #tpu.memory_space<vmem_shared>> -> memref<640x16xf32, #tpu.memory_space<vmem_shared>>
      %dma_start3A_242 = arith.constant 0 : i32
      %dma_start3A_243 = tpu.memref_slice %arg6[%mul3A_2, %dma_start3A_242] : memref<10240x16xf32, #tpu.memory_space<hbm>> -> memref<640x16xf32, #tpu.memory_space<hbm>>
      tpu.enqueue_dma source(%dma_start3A_243 : memref<640x16xf32, #tpu.memory_space<hbm>>) target(%dma_start3A_241 : memref<640x16xf32, #tpu.memory_space<vmem_shared>>) target_semaphore(%run_scoped3A_239 : memref<!tpu.dma_semaphore, #tpu.memory_space<semaphore_mem>>)
      %dma_wait3A_244 = arith.constant 0 : i32
      %dma_wait3A_245 = tpu.memref_slice %arg16[%mul3A_2, %dma_wait3A_244] : memref<10240x16xf32, #tpu.memory_space<vmem_shared>> -> memref<640x16xf32, #tpu.memory_space<vmem_shared>>
      %dma_wait3A_246 = arith.constant 0 : i32
      %dma_wait3A_247 = tpu.memref_slice %arg6[%mul3A_2, %dma_wait3A_246] : memref<10240x16xf32, #tpu.memory_space<hbm>> -> memref<640x16xf32, #tpu.memory_space<hbm>>
      tpu.wait_dma2 semaphore(%run_scoped3A_239 : memref<!tpu.dma_semaphore, #tpu.memory_space<semaphore_mem>>) src(%dma_wait3A_247 : memref<640x16xf32, #tpu.memory_space<hbm>>) dst(%dma_wait3A_245 : memref<640x16xf32, #tpu.memory_space<vmem_shared>>)
      tpu.yield
    }) : () -> ()
    "tpu.region"() ({
      %run_scoped3A_239 = tpu.sem_alloc : memref<!tpu.dma_semaphore, #tpu.memory_space<semaphore_mem>>
      %dma_start3A_240 = arith.constant 0 : i32
      %dma_start3A_241 = tpu.memref_slice %arg2[%mul3A_2, %dma_start3A_240] : memref<10240x16xf32, #tpu.memory_space<hbm>> -> memref<640x16xf32, #tpu.memory_space<hbm>>
      %dma_start3A_242 = arith.constant 0 : i32
      %dma_start3A_243 = tpu.memref_slice %arg2[%mul3A_2, %dma_start3A_242] : memref<10240x16xf32, #tpu.memory_space<hbm>> -> memref<640x16xf32, #tpu.memory_space<hbm>>
      tpu.enqueue_dma source(%dma_start3A_243 : memref<640x16xf32, #tpu.memory_space<hbm>>) target(%arg12 : memref<640x16xf32, #tpu.memory_space<vmem>>) target_semaphore(%run_scoped3A_239 : memref<!tpu.dma_semaphore, #tpu.memory_space<semaphore_mem>>)
      %dma_wait3A_244 = arith.constant 0 : i32
      %dma_wait3A_245 = tpu.memref_slice %arg2[%mul3A_2, %dma_wait3A_244] : memref<10240x16xf32, #tpu.memory_space<hbm>> -> memref<640x16xf32, #tpu.memory_space<hbm>>
      %dma_wait3A_246 = arith.constant 0 : i32
      %dma_wait3A_247 = tpu.memref_slice %arg2[%mul3A_2, %dma_wait3A_246] : memref<10240x16xf32, #tpu.memory_space<hbm>> -> memref<640x16xf32, #tpu.memory_space<hbm>>
      tpu.wait_dma2 semaphore(%run_scoped3A_239 : memref<!tpu.dma_semaphore, #tpu.memory_space<semaphore_mem>>) src(%dma_wait3A_247 : memref<640x16xf32, #tpu.memory_space<hbm>>) dst(%arg12 : memref<640x16xf32, #tpu.memory_space<vmem>>)
      tpu.yield
    }) : () -> ()
    %run_scoped3A = arith.constant 0 : i32
    "tpu.region"() ({
      %run_scoped3A_239 = tpu.sem_alloc : memref<!tpu.dma_semaphore, #tpu.memory_space<semaphore_mem>>
      %dma_start3A_240 = arith.constant 0 : i32
      %dma_start3A_241 = tpu.memref_slice %arg5[%run_scoped3A, %dma_start3A_240] : memref<2x10240xf32, #tpu.memory_space<hbm>> -> memref<1x10240xf32, #tpu.memory_space<hbm>>
      %dma_start3A_242 = tpu.memref_squeeze %dma_start3A_241 : memref<1x10240xf32, #tpu.memory_space<hbm>> -> memref<10240xf32, #tpu.memory_space<hbm>>
      %dma_start3A_243 = tpu.memref_slice %dma_start3A_242[%mul3A_2] : memref<10240xf32, #tpu.memory_space<hbm>> -> memref<640xf32, #tpu.memory_space<hbm>>
      %dma_start3A_244 = arith.constant 0 : i32
      %dma_start3A_245 = tpu.memref_slice %arg5[%run_scoped3A, %dma_start3A_244] : memref<2x10240xf32, #tpu.memory_space<hbm>> -> memref<1x10240xf32, #tpu.memory_space<hbm>>
      %dma_start3A_246 = tpu.memref_squeeze %dma_start3A_245 : memref<1x10240xf32, #tpu.memory_space<hbm>> -> memref<10240xf32, #tpu.memory_space<hbm>>
      %dma_start3A_247 = tpu.memref_slice %dma_start3A_246[%mul3A_2] : memref<10240xf32, #tpu.memory_space<hbm>> -> memref<640xf32, #tpu.memory_space<hbm>>
      tpu.enqueue_dma source(%dma_start3A_247 : memref<640xf32, #tpu.memory_space<hbm>>) target(%arg14 : memref<640xf32, #tpu.memory_space<vmem>>) target_semaphore(%run_scoped3A_239 : memref<!tpu.dma_semaphore, #tpu.memory_space<semaphore_mem>>)
      %dma_wait3A_248 = arith.constant 0 : i32
      %dma_wait3A_249 = tpu.memref_slice %arg5[%run_scoped3A, %dma_wait3A_248] : memref<2x10240xf32, #tpu.memory_space<hbm>> -> memref<1x10240xf32, #tpu.memory_space<hbm>>
      %dma_wait3A_250 = tpu.memref_squeeze %dma_wait3A_249 : memref<1x10240xf32, #tpu.memory_space<hbm>> -> memref<10240xf32, #tpu.memory_space<hbm>>
      %dma_wait3A_251 = tpu.memref_slice %dma_wait3A_250[%mul3A_2] : memref<10240xf32, #tpu.memory_space<hbm>> -> memref<640xf32, #tpu.memory_space<hbm>>
      %dma_wait3A_252 = arith.constant 0 : i32
      %dma_wait3A_253 = tpu.memref_slice %arg5[%run_scoped3A, %dma_wait3A_252] : memref<2x10240xf32, #tpu.memory_space<hbm>> -> memref<1x10240xf32, #tpu.memory_space<hbm>>
      %dma_wait3A_254 = tpu.memref_squeeze %dma_wait3A_253 : memref<1x10240xf32, #tpu.memory_space<hbm>> -> memref<10240xf32, #tpu.memory_space<hbm>>
      %dma_wait3A_255 = tpu.memref_slice %dma_wait3A_254[%mul3A_2] : memref<10240xf32, #tpu.memory_space<hbm>> -> memref<640xf32, #tpu.memory_space<hbm>>
      tpu.wait_dma2 semaphore(%run_scoped3A_239 : memref<!tpu.dma_semaphore, #tpu.memory_space<semaphore_mem>>) src(%dma_wait3A_255 : memref<640xf32, #tpu.memory_space<hbm>>) dst(%arg14 : memref<640xf32, #tpu.memory_space<vmem>>)
      tpu.yield
    }) : () -> ()
    %run_scoped3A_3 = arith.constant 1 : i32
    "tpu.region"() ({
      %run_scoped3A_239 = tpu.sem_alloc : memref<!tpu.dma_semaphore, #tpu.memory_space<semaphore_mem>>
      %dma_start3A_240 = arith.constant 0 : i32
      %dma_start3A_241 = tpu.memref_slice %arg5[%run_scoped3A_3, %dma_start3A_240] : memref<2x10240xf32, #tpu.memory_space<hbm>> -> memref<1x10240xf32, #tpu.memory_space<hbm>>
      %dma_start3A_242 = tpu.memref_squeeze %dma_start3A_241 : memref<1x10240xf32, #tpu.memory_space<hbm>> -> memref<10240xf32, #tpu.memory_space<hbm>>
      %dma_start3A_243 = tpu.memref_slice %dma_start3A_242[%mul3A_2] : memref<10240xf32, #tpu.memory_space<hbm>> -> memref<640xf32, #tpu.memory_space<hbm>>
      %dma_start3A_244 = arith.constant 0 : i32
      %dma_start3A_245 = tpu.memref_slice %arg5[%run_scoped3A_3, %dma_start3A_244] : memref<2x10240xf32, #tpu.memory_space<hbm>> -> memref<1x10240xf32, #tpu.memory_space<hbm>>
      %dma_start3A_246 = tpu.memref_squeeze %dma_start3A_245 : memref<1x10240xf32, #tpu.memory_space<hbm>> -> memref<10240xf32, #tpu.memory_space<hbm>>
      %dma_start3A_247 = tpu.memref_slice %dma_start3A_246[%mul3A_2] : memref<10240xf32, #tpu.memory_space<hbm>> -> memref<640xf32, #tpu.memory_space<hbm>>
      tpu.enqueue_dma source(%dma_start3A_247 : memref<640xf32, #tpu.memory_space<hbm>>) target(%arg15 : memref<640xf32, #tpu.memory_space<vmem>>) target_semaphore(%run_scoped3A_239 : memref<!tpu.dma_semaphore, #tpu.memory_space<semaphore_mem>>)
      %dma_wait3A_248 = arith.constant 0 : i32
      %dma_wait3A_249 = tpu.memref_slice %arg5[%run_scoped3A_3, %dma_wait3A_248] : memref<2x10240xf32, #tpu.memory_space<hbm>> -> memref<1x10240xf32, #tpu.memory_space<hbm>>
      %dma_wait3A_250 = tpu.memref_squeeze %dma_wait3A_249 : memref<1x10240xf32, #tpu.memory_space<hbm>> -> memref<10240xf32, #tpu.memory_space<hbm>>
      %dma_wait3A_251 = tpu.memref_slice %dma_wait3A_250[%mul3A_2] : memref<10240xf32, #tpu.memory_space<hbm>> -> memref<640xf32, #tpu.memory_space<hbm>>
      %dma_wait3A_252 = arith.constant 0 : i32
      %dma_wait3A_253 = tpu.memref_slice %arg5[%run_scoped3A_3, %dma_wait3A_252] : memref<2x10240xf32, #tpu.memory_space<hbm>> -> memref<1x10240xf32, #tpu.memory_space<hbm>>
      %dma_wait3A_254 = tpu.memref_squeeze %dma_wait3A_253 : memref<1x10240xf32, #tpu.memory_space<hbm>> -> memref<10240xf32, #tpu.memory_space<hbm>>
      %dma_wait3A_255 = tpu.memref_slice %dma_wait3A_254[%mul3A_2] : memref<10240xf32, #tpu.memory_space<hbm>> -> memref<640xf32, #tpu.memory_space<hbm>>
      tpu.wait_dma2 semaphore(%run_scoped3A_239 : memref<!tpu.dma_semaphore, #tpu.memory_space<semaphore_mem>>) src(%dma_wait3A_255 : memref<640xf32, #tpu.memory_space<hbm>>) dst(%arg15 : memref<640xf32, #tpu.memory_space<vmem>>)
      tpu.yield
    }) : () -> ()
    %mul3A_4 = arith.constant 80 : i32
    %mul3A_5 = arith.muli %add3A, %mul3A_4 : i32
    "tpu.region"() ({
      %run_scoped3A_239 = tpu.sem_alloc : memref<!tpu.dma_semaphore, #tpu.memory_space<semaphore_mem>>
      %dma_start3A_240 = arith.constant 0 : i32
      %dma_start3A_241 = tpu.memref_slice %arg3[%mul3A_5, %dma_start3A_240] : memref<2560x128xi32, #tpu.memory_space<hbm>> -> memref<80x128xi32, #tpu.memory_space<hbm>>
      %dma_start3A_242 = arith.constant 0 : i32
      %dma_start3A_243 = tpu.memref_slice %arg3[%mul3A_5, %dma_start3A_242] : memref<2560x128xi32, #tpu.memory_space<hbm>> -> memref<80x128xi32, #tpu.memory_space<hbm>>
      tpu.enqueue_dma source(%dma_start3A_243 : memref<80x128xi32, #tpu.memory_space<hbm>>) target(%arg8 : memref<80x128xi32, #tpu.memory_space<vmem>>) target_semaphore(%run_scoped3A_239 : memref<!tpu.dma_semaphore, #tpu.memory_space<semaphore_mem>>)
      %dma_wait3A_244 = arith.constant 0 : i32
      %dma_wait3A_245 = tpu.memref_slice %arg3[%mul3A_5, %dma_wait3A_244] : memref<2560x128xi32, #tpu.memory_space<hbm>> -> memref<80x128xi32, #tpu.memory_space<hbm>>
      %dma_wait3A_246 = arith.constant 0 : i32
      %dma_wait3A_247 = tpu.memref_slice %arg3[%mul3A_5, %dma_wait3A_246] : memref<2560x128xi32, #tpu.memory_space<hbm>> -> memref<80x128xi32, #tpu.memory_space<hbm>>
      tpu.wait_dma2 semaphore(%run_scoped3A_239 : memref<!tpu.dma_semaphore, #tpu.memory_space<semaphore_mem>>) src(%dma_wait3A_247 : memref<80x128xi32, #tpu.memory_space<hbm>>) dst(%arg8 : memref<80x128xi32, #tpu.memory_space<vmem>>)
      tpu.yield
    }) : () -> ()
    %mul3A_6 = arith.constant 80 : i32
    %mul3A_7 = arith.muli %add3A, %mul3A_6 : i32
    "tpu.region"() ({
      %run_scoped3A_239 = tpu.sem_alloc : memref<!tpu.dma_semaphore, #tpu.memory_space<semaphore_mem>>
      %dma_start3A_240 = arith.constant 0 : i32
      %dma_start3A_241 = tpu.memref_slice %arg4[%mul3A_7, %dma_start3A_240] : memref<2560x128xi32, #tpu.memory_space<hbm>> -> memref<80x128xi32, #tpu.memory_space<hbm>>
      %dma_start3A_242 = arith.constant 0 : i32
      %dma_start3A_243 = tpu.memref_slice %arg4[%mul3A_7, %dma_start3A_242] : memref<2560x128xi32, #tpu.memory_space<hbm>> -> memref<80x128xi32, #tpu.memory_space<hbm>>
      tpu.enqueue_dma source(%dma_start3A_243 : memref<80x128xi32, #tpu.memory_space<hbm>>) target(%arg9 : memref<80x128xi32, #tpu.memory_space<vmem>>) target_semaphore(%run_scoped3A_239 : memref<!tpu.dma_semaphore, #tpu.memory_space<semaphore_mem>>)
      %dma_wait3A_244 = arith.constant 0 : i32
      %dma_wait3A_245 = tpu.memref_slice %arg4[%mul3A_7, %dma_wait3A_244] : memref<2560x128xi32, #tpu.memory_space<hbm>> -> memref<80x128xi32, #tpu.memory_space<hbm>>
      %dma_wait3A_246 = arith.constant 0 : i32
      %dma_wait3A_247 = tpu.memref_slice %arg4[%mul3A_7, %dma_wait3A_246] : memref<2560x128xi32, #tpu.memory_space<hbm>> -> memref<80x128xi32, #tpu.memory_space<hbm>>
      tpu.wait_dma2 semaphore(%run_scoped3A_239 : memref<!tpu.dma_semaphore, #tpu.memory_space<semaphore_mem>>) src(%dma_wait3A_247 : memref<80x128xi32, #tpu.memory_space<hbm>>) dst(%arg9 : memref<80x128xi32, #tpu.memory_space<vmem>>)
      tpu.yield
    }) : () -> ()
    %scan3A = arith.constant 0 : i32
    %scan3A_8 = arith.constant 40 : i32
    %scan3A_9 = arith.addi %scan3A, %scan3A_8 : i32
    %scan3A_10 = arith.constant 1 : i32
    scf.for %scan3A_239 = %scan3A to %scan3A_9 step %scan3A_10  : i32 {
      %mul3A_240 = arith.constant 16 : i32
      %mul3A_241 = arith.muli %scan3A_239, %mul3A_240 : i32
      %add3A_242 = arith.constant 0 : i32
      %add3A_243 = arith.addi %add3A_242, %mul3A_241 : i32
      %get3A = arith.index_cast %add3A_243 : i32 to index
      %get3A_244 = tpu.vector_load %arg14[%get3A] {strides = array<i32>} : memref<640xf32, #tpu.memory_space<vmem>>, vector<16xf32>,
      %get3A_245 = arith.index_cast %add3A_243 : i32 to index
      %get3A_246 = tpu.vector_load %arg15[%get3A_245] {strides = array<i32>} : memref<640xf32, #tpu.memory_space<vmem>>, vector<16xf32>,
      %add3A_247 = arith.addf %get3A_244, %get3A_246 : vector<16xf32>
      %add3A_248 = arith.constant 1.000000e+00 : f32
      %add3A_249 = vector.broadcast %add3A_248 : f32 to vector<16xf32>
      %add3A_250 = arith.addf %add3A_247, %add3A_249 : vector<16xf32>
      %bitcast3A = vector.bitcast %add3A_250 : vector<16xf32> to vector<16xi32>
      %shift_right_arithmetic3A = arith.constant 1 : i32
      %shift_right_arithmetic3A_251 = vector.broadcast %shift_right_arithmetic3A : i32 to vector<16xi32>
      %shift_right_arithmetic3A_252 = arith.shrsi %bitcast3A, %shift_right_arithmetic3A_251 : vector<16xi32>
      %sub3A = arith.constant 1597463007 : i32
      %sub3A_253 = vector.broadcast %sub3A : i32 to vector<16xi32>
      %sub3A_254 = arith.subi %sub3A_253, %shift_right_arithmetic3A_252 : vector<16xi32>
      %bitcast3A_255 = vector.bitcast %sub3A_254 : vector<16xi32> to vector<16xf32>
      %mul3A_256 = arith.constant 5.000000e-01 : f32
      %mul3A_257 = vector.broadcast %mul3A_256 : f32 to vector<16xf32>
      %mul3A_258 = arith.mulf %mul3A_257, %add3A_250 : vector<16xf32>
      %mul3A_259 = arith.mulf %mul3A_258, %bitcast3A_255 : vector<16xf32>
      %mul3A_260 = arith.mulf %mul3A_259, %bitcast3A_255 : vector<16xf32>
      %sub3A_261 = arith.constant 1.500000e+00 : f32
      %sub3A_262 = vector.broadcast %sub3A_261 : f32 to vector<16xf32>
      %sub3A_263 = arith.subf %sub3A_262, %mul3A_260 : vector<16xf32>
      %mul3A_264 = arith.mulf %bitcast3A_255, %sub3A_263 : vector<16xf32>
      %mul3A_265 = arith.constant 5.000000e-01 : f32
      %mul3A_266 = vector.broadcast %mul3A_265 : f32 to vector<16xf32>
      %mul3A_267 = arith.mulf %mul3A_266, %add3A_250 : vector<16xf32>
      %mul3A_268 = arith.mulf %mul3A_267, %mul3A_264 : vector<16xf32>
      %mul3A_269 = arith.mulf %mul3A_268, %mul3A_264 : vector<16xf32>
      %sub3A_270 = arith.constant 1.500000e+00 : f32
      %sub3A_271 = vector.broadcast %sub3A_270 : f32 to vector<16xf32>
      %sub3A_272 = arith.subf %sub3A_271, %mul3A_269 : vector<16xf32>
      %mul3A_273 = arith.mulf %mul3A_264, %sub3A_272 : vector<16xf32>
      %mul3A_274 = arith.constant 5.000000e-01 : f32
      %mul3A_275 = vector.broadcast %mul3A_274 : f32 to vector<16xf32>
      %mul3A_276 = arith.mulf %mul3A_275, %add3A_250 : vector<16xf32>
      %mul3A_277 = arith.mulf %mul3A_276, %mul3A_273 : vector<16xf32>
      %mul3A_278 = arith.mulf %mul3A_277, %mul3A_273 : vector<16xf32>
      %sub3A_279 = arith.constant 1.500000e+00 : f32
      %sub3A_280 = vector.broadcast %sub3A_279 : f32 to vector<16xf32>
      %sub3A_281 = arith.subf %sub3A_280, %mul3A_278 : vector<16xf32>
      %mul3A_282 = arith.mulf %mul3A_273, %sub3A_281 : vector<16xf32>
      %swap3A = arith.index_cast %add3A_243 : i32 to index
      %swap3A_283 = tpu.vector_load %arg14[%swap3A] {strides = array<i32>} : memref<640xf32, #tpu.memory_space<vmem>>, vector<16xf32>,
      tpu.vector_store %arg14[%swap3A], %mul3A_282 {strides = array<i32>} : memref<640xf32, #tpu.memory_space<vmem>>, vector<16xf32>,
    }
    %scan3A_11 = arith.constant 40 : i32
    %scan3A_12 = arith.constant 0 : i32
    %scan3A_13 = arith.constant 320 : i32
    %scan3A_14 = arith.addi %scan3A_12, %scan3A_13 : i32
    %scan3A_15 = arith.constant 1 : i32
    scf.for %scan3A_239 = %scan3A_12 to %scan3A_14 step %scan3A_15  : i32 {
      %mul3A_240 = arith.constant 2 : i32
      %mul3A_241 = arith.muli %scan3A_239, %mul3A_240 : i32
      %add3A_242 = arith.constant 0 : i32
      %add3A_243 = arith.addi %add3A_242, %mul3A_241 : i32
      %add3A_244 = arith.constant 0 : i32
      %add3A_245 = arith.addi %add3A_243, %add3A_244 : i32
      %broadcast_in_dim3A_246 = vector.broadcast %add3A_245 : i32 to vector<16xi32>
      %gather3A = tpu.vector_load_idx %arg14[%broadcast_in_dim3A_246] : memref<640xf32, #tpu.memory_space<vmem>>[vector<16xi32>], vector<16xf32>,
      %add3A_247 = arith.constant 0 : i32
      %add3A_248 = arith.addi %add3A_243, %add3A_247 : i32
      %get3A = arith.index_cast %add3A_248 : i32 to index
      %get3A_249 = arith.constant 0 : index
      %get3A_250 = tpu.vector_load %arg12[%get3A, %get3A_249] {strides = array<i32>} : memref<640x16xf32, #tpu.memory_space<vmem>>, vector<16xf32>,
      %mul3A_251 = arith.mulf %get3A_250, %gather3A : vector<16xf32>
      %add3A_252 = arith.constant 0 : i32
      %add3A_253 = arith.addi %add3A_243, %add3A_252 : i32
      %swap3A = arith.index_cast %add3A_253 : i32 to index
      %swap3A_254 = arith.constant 0 : index
      %swap3A_255 = tpu.vector_load %arg12[%swap3A, %swap3A_254] {strides = array<i32>} : memref<640x16xf32, #tpu.memory_space<vmem>>, vector<16xf32>,
      tpu.vector_store %arg12[%swap3A, %swap3A_254], %mul3A_251 {strides = array<i32>} : memref<640x16xf32, #tpu.memory_space<vmem>>, vector<16xf32>,
      %add3A_256 = arith.constant 1 : i32
      %add3A_257 = arith.addi %add3A_243, %add3A_256 : i32
      %broadcast_in_dim3A_258 = vector.broadcast %add3A_257 : i32 to vector<16xi32>
      %gather3A_259 = tpu.vector_load_idx %arg14[%broadcast_in_dim3A_258] : memref<640xf32, #tpu.memory_space<vmem>>[vector<16xi32>], vector<16xf32>,
      %add3A_260 = arith.constant 1 : i32
      %add3A_261 = arith.addi %add3A_243, %add3A_260 : i32
      %get3A_262 = arith.index_cast %add3A_261 : i32 to index
      %get3A_263 = arith.constant 0 : index
      %get3A_264 = tpu.vector_load %arg12[%get3A_262, %get3A_263] {strides = array<i32>} : memref<640x16xf32, #tpu.memory_space<vmem>>, vector<16xf32>,
      %mul3A_265 = arith.mulf %get3A_264, %gather3A_259 : vector<16xf32>
      %add3A_266 = arith.constant 1 : i32
      %add3A_267 = arith.addi %add3A_243, %add3A_266 : i32
      %swap3A_268 = arith.index_cast %add3A_267 : i32 to index
      %swap3A_269 = arith.constant 0 : index
      %swap3A_270 = tpu.vector_load %arg12[%swap3A_268, %swap3A_269] {strides = array<i32>} : memref<640x16xf32, #tpu.memory_space<vmem>>, vector<16xf32>,
      tpu.vector_store %arg12[%swap3A_268, %swap3A_269], %mul3A_265 {strides = array<i32>} : memref<640x16xf32, #tpu.memory_space<vmem>>, vector<16xf32>,
    }
    %scan3A_16 = arith.constant 320 : i32
    "tpu.region"() ({
      %run_scoped3A_239 = tpu.sem_alloc : memref<!tpu.dma_semaphore, #tpu.memory_space<semaphore_mem>>
      %dma_start3A_240 = arith.constant 0 : i32
      %dma_start3A_241 = tpu.memref_slice %arg17[%mul3A_2, %dma_start3A_240] : memref<10240x16xf32, #tpu.memory_space<vmem_shared>> -> memref<640x16xf32, #tpu.memory_space<vmem_shared>>
      %dma_start3A_242 = arith.constant 0 : i32
      %dma_start3A_243 = tpu.memref_slice %arg17[%mul3A_2, %dma_start3A_242] : memref<10240x16xf32, #tpu.memory_space<vmem_shared>> -> memref<640x16xf32, #tpu.memory_space<vmem_shared>>
      tpu.enqueue_dma source(%arg12 : memref<640x16xf32, #tpu.memory_space<vmem>>) target(%dma_start3A_243 : memref<640x16xf32, #tpu.memory_space<vmem_shared>>) target_semaphore(%run_scoped3A_239 : memref<!tpu.dma_semaphore, #tpu.memory_space<semaphore_mem>>)
      %dma_wait3A_244 = arith.constant 0 : i32
      %dma_wait3A_245 = tpu.memref_slice %arg17[%mul3A_2, %dma_wait3A_244] : memref<10240x16xf32, #tpu.memory_space<vmem_shared>> -> memref<640x16xf32, #tpu.memory_space<vmem_shared>>
      %dma_wait3A_246 = arith.constant 0 : i32
      %dma_wait3A_247 = tpu.memref_slice %arg17[%mul3A_2, %dma_wait3A_246] : memref<10240x16xf32, #tpu.memory_space<vmem_shared>> -> memref<640x16xf32, #tpu.memory_space<vmem_shared>>
      tpu.wait_dma2 semaphore(%run_scoped3A_239 : memref<!tpu.dma_semaphore, #tpu.memory_space<semaphore_mem>>) src(%arg12 : memref<640x16xf32, #tpu.memory_space<vmem>>) dst(%dma_wait3A_247 : memref<640x16xf32, #tpu.memory_space<vmem_shared>>)
      tpu.yield
    }) : () -> ()
    %barrier3A = arith.constant 0 : index
    tpu.barrier barrier_id(%barrier3A)
    %dma_start3A = arith.constant 0 : i32
    %dma_start3A_17 = arith.constant 0 : i32
    %dma_start3A_18 = arith.constant 0 : i32
    %dma_start3A_19 = arith.constant 0 : i32
    %dma_start3A_20 = tpu.memref_slice %arg10[%dma_start3A_17, %dma_start3A_18, %dma_start3A_19] : memref<4x128x16xf32, #tpu.memory_space<vmem>> -> memref<1x128x16xf32, #tpu.memory_space<vmem>>
    %dma_start3A_21 = tpu.memref_squeeze %dma_start3A_20 : memref<1x128x16xf32, #tpu.memory_space<vmem>> -> memref<128x16xf32, #tpu.memory_space<vmem>>
    %dma_start3A_22 = arith.constant 0 : i32
    %dma_start3A_23 = tpu.memref_slice %arg8[%dma_start3A, %dma_start3A_22] : memref<80x128xi32, #tpu.memory_space<vmem>> -> memref<1x128xi32, #tpu.memory_space<vmem>>
    %dma_start3A_24 = tpu.memref_squeeze %dma_start3A_23 : memref<1x128xi32, #tpu.memory_space<vmem>> -> memref<128xi32, #tpu.memory_space<vmem>>
    %dma_start3A_25 = arith.constant 0 : i32
    %dma_start3A_26 = arith.constant 0 : i32
    %dma_start3A_27 = tpu.memref_slice %arg17[%dma_start3A_25, %dma_start3A_26] : memref<10240x16xf32, #tpu.memory_space<vmem_shared>> -> memref<10240x16xf32, #tpu.memory_space<vmem_shared>>
    tpu.enqueue_indirect_dma source(%dma_start3A_27 : memref<10240x16xf32, #tpu.memory_space<vmem_shared>>) target(%dma_start3A_21 : memref<128x16xf32, #tpu.memory_space<vmem>>) offsets(%dma_start3A_24 : memref<128xi32, #tpu.memory_space<vmem>>) semaphore(%arg18 : memref<!tpu.dma_semaphore, #tpu.memory_space<semaphore_mem>>)
    %dma_start3A_28 = arith.constant 1 : i32
    %dma_start3A_29 = arith.constant 1 : i32
    %dma_start3A_30 = arith.constant 0 : i32
    %dma_start3A_31 = arith.constant 0 : i32
    %dma_start3A_32 = tpu.memref_slice %arg10[%dma_start3A_29, %dma_start3A_30, %dma_start3A_31] : memref<4x128x16xf32, #tpu.memory_space<vmem>> -> memref<1x128x16xf32, #tpu.memory_space<vmem>>
    %dma_start3A_33 = tpu.memref_squeeze %dma_start3A_32 : memref<1x128x16xf32, #tpu.memory_space<vmem>> -> memref<128x16xf32, #tpu.memory_space<vmem>>
    %dma_start3A_34 = arith.constant 0 : i32
    %dma_start3A_35 = tpu.memref_slice %arg8[%dma_start3A_28, %dma_start3A_34] : memref<80x128xi32, #tpu.memory_space<vmem>> -> memref<1x128xi32, #tpu.memory_space<vmem>>
    %dma_start3A_36 = tpu.memref_squeeze %dma_start3A_35 : memref<1x128xi32, #tpu.memory_space<vmem>> -> memref<128xi32, #tpu.memory_space<vmem>>
    %dma_start3A_37 = arith.constant 0 : i32
    %dma_start3A_38 = arith.constant 0 : i32
    %dma_start3A_39 = tpu.memref_slice %arg17[%dma_start3A_37, %dma_start3A_38] : memref<10240x16xf32, #tpu.memory_space<vmem_shared>> -> memref<10240x16xf32, #tpu.memory_space<vmem_shared>>
    tpu.enqueue_indirect_dma source(%dma_start3A_39 : memref<10240x16xf32, #tpu.memory_space<vmem_shared>>) target(%dma_start3A_33 : memref<128x16xf32, #tpu.memory_space<vmem>>) offsets(%dma_start3A_36 : memref<128xi32, #tpu.memory_space<vmem>>) semaphore(%arg18 : memref<!tpu.dma_semaphore, #tpu.memory_space<semaphore_mem>>)
    %dma_start3A_40 = arith.constant 2 : i32
    %dma_start3A_41 = arith.constant 2 : i32
    %dma_start3A_42 = arith.constant 0 : i32
    %dma_start3A_43 = arith.constant 0 : i32
    %dma_start3A_44 = tpu.memref_slice %arg10[%dma_start3A_41, %dma_start3A_42, %dma_start3A_43] : memref<4x128x16xf32, #tpu.memory_space<vmem>> -> memref<1x128x16xf32, #tpu.memory_space<vmem>>
    %dma_start3A_45 = tpu.memref_squeeze %dma_start3A_44 : memref<1x128x16xf32, #tpu.memory_space<vmem>> -> memref<128x16xf32, #tpu.memory_space<vmem>>
    %dma_start3A_46 = arith.constant 0 : i32
    %dma_start3A_47 = tpu.memref_slice %arg8[%dma_start3A_40, %dma_start3A_46] : memref<80x128xi32, #tpu.memory_space<vmem>> -> memref<1x128xi32, #tpu.memory_space<vmem>>
    %dma_start3A_48 = tpu.memref_squeeze %dma_start3A_47 : memref<1x128xi32, #tpu.memory_space<vmem>> -> memref<128xi32, #tpu.memory_space<vmem>>
    %dma_start3A_49 = arith.constant 0 : i32
    %dma_start3A_50 = arith.constant 0 : i32
    %dma_start3A_51 = tpu.memref_slice %arg17[%dma_start3A_49, %dma_start3A_50] : memref<10240x16xf32, #tpu.memory_space<vmem_shared>> -> memref<10240x16xf32, #tpu.memory_space<vmem_shared>>
    tpu.enqueue_indirect_dma source(%dma_start3A_51 : memref<10240x16xf32, #tpu.memory_space<vmem_shared>>) target(%dma_start3A_45 : memref<128x16xf32, #tpu.memory_space<vmem>>) offsets(%dma_start3A_48 : memref<128xi32, #tpu.memory_space<vmem>>) semaphore(%arg18 : memref<!tpu.dma_semaphore, #tpu.memory_space<semaphore_mem>>)
    %dma_start3A_52 = arith.constant 3 : i32
    %dma_start3A_53 = arith.constant 3 : i32
    %dma_start3A_54 = arith.constant 0 : i32
    %dma_start3A_55 = arith.constant 0 : i32
    %dma_start3A_56 = tpu.memref_slice %arg10[%dma_start3A_53, %dma_start3A_54, %dma_start3A_55] : memref<4x128x16xf32, #tpu.memory_space<vmem>> -> memref<1x128x16xf32, #tpu.memory_space<vmem>>
    %dma_start3A_57 = tpu.memref_squeeze %dma_start3A_56 : memref<1x128x16xf32, #tpu.memory_space<vmem>> -> memref<128x16xf32, #tpu.memory_space<vmem>>
    %dma_start3A_58 = arith.constant 0 : i32
    %dma_start3A_59 = tpu.memref_slice %arg8[%dma_start3A_52, %dma_start3A_58] : memref<80x128xi32, #tpu.memory_space<vmem>> -> memref<1x128xi32, #tpu.memory_space<vmem>>
    %dma_start3A_60 = tpu.memref_squeeze %dma_start3A_59 : memref<1x128xi32, #tpu.memory_space<vmem>> -> memref<128xi32, #tpu.memory_space<vmem>>
    %dma_start3A_61 = arith.constant 0 : i32
    %dma_start3A_62 = arith.constant 0 : i32
    %dma_start3A_63 = tpu.memref_slice %arg17[%dma_start3A_61, %dma_start3A_62] : memref<10240x16xf32, #tpu.memory_space<vmem_shared>> -> memref<10240x16xf32, #tpu.memory_space<vmem_shared>>
    tpu.enqueue_indirect_dma source(%dma_start3A_63 : memref<10240x16xf32, #tpu.memory_space<vmem_shared>>) target(%dma_start3A_57 : memref<128x16xf32, #tpu.memory_space<vmem>>) offsets(%dma_start3A_60 : memref<128xi32, #tpu.memory_space<vmem>>) semaphore(%arg18 : memref<!tpu.dma_semaphore, #tpu.memory_space<semaphore_mem>>)
    %scan3A_64 = arith.constant 0 : i32
    %scan3A_65 = arith.constant 9 : i32
    %scan3A_66 = arith.addi %scan3A_64, %scan3A_65 : i32
    %scan3A_67 = arith.constant 1 : i32
    scf.for %scan3A_239 = %scan3A_64 to %scan3A_66 step %scan3A_67  : i32 {
      %mul3A_240 = arith.constant 2 : i32
      %mul3A_241 = arith.muli %scan3A_239, %mul3A_240 : i32
      %add3A_242 = arith.constant 0 : i32
      %add3A_243 = arith.addi %add3A_242, %mul3A_241 : i32
      %add3A_244 = arith.constant 1 : i32
      %add3A_245 = arith.addi %add3A_243, %add3A_244 : i32
      %mul3A_246 = arith.constant 4 : i32
      %mul3A_247 = arith.muli %add3A_245, %mul3A_246 : i32
      %add3A_248 = arith.constant 0 : i32
      %add3A_249 = arith.addi %mul3A_247, %add3A_248 : i32
      %dma_start3A_250 = arith.constant 0 : i32
      %dma_start3A_251 = arith.constant 0 : i32
      %dma_start3A_252 = arith.constant 0 : i32
      %dma_start3A_253 = tpu.memref_slice %arg11[%dma_start3A_250, %dma_start3A_251, %dma_start3A_252] : memref<4x128x16xf32, #tpu.memory_space<vmem>> -> memref<1x128x16xf32, #tpu.memory_space<vmem>>
      %dma_start3A_254 = tpu.memref_squeeze %dma_start3A_253 : memref<1x128x16xf32, #tpu.memory_space<vmem>> -> memref<128x16xf32, #tpu.memory_space<vmem>>
      %dma_start3A_255 = arith.constant 0 : i32
      %dma_start3A_256 = tpu.memref_slice %arg8[%add3A_249, %dma_start3A_255] : memref<80x128xi32, #tpu.memory_space<vmem>> -> memref<1x128xi32, #tpu.memory_space<vmem>>
      %dma_start3A_257 = tpu.memref_squeeze %dma_start3A_256 : memref<1x128xi32, #tpu.memory_space<vmem>> -> memref<128xi32, #tpu.memory_space<vmem>>
      %dma_start3A_258 = arith.constant 0 : i32
      %dma_start3A_259 = arith.constant 0 : i32
      %dma_start3A_260 = tpu.memref_slice %arg17[%dma_start3A_258, %dma_start3A_259] : memref<10240x16xf32, #tpu.memory_space<vmem_shared>> -> memref<10240x16xf32, #tpu.memory_space<vmem_shared>>
      tpu.enqueue_indirect_dma source(%dma_start3A_260 : memref<10240x16xf32, #tpu.memory_space<vmem_shared>>) target(%dma_start3A_254 : memref<128x16xf32, #tpu.memory_space<vmem>>) offsets(%dma_start3A_257 : memref<128xi32, #tpu.memory_space<vmem>>) semaphore(%arg19 : memref<!tpu.dma_semaphore, #tpu.memory_space<semaphore_mem>>)
      %mul3A_261 = arith.constant 4 : i32
      %mul3A_262 = arith.muli %add3A_245, %mul3A_261 : i32
      %add3A_263 = arith.constant 1 : i32
      %add3A_264 = arith.addi %mul3A_262, %add3A_263 : i32
      %dma_start3A_265 = arith.constant 1 : i32
      %dma_start3A_266 = arith.constant 0 : i32
      %dma_start3A_267 = arith.constant 0 : i32
      %dma_start3A_268 = tpu.memref_slice %arg11[%dma_start3A_265, %dma_start3A_266, %dma_start3A_267] : memref<4x128x16xf32, #tpu.memory_space<vmem>> -> memref<1x128x16xf32, #tpu.memory_space<vmem>>
      %dma_start3A_269 = tpu.memref_squeeze %dma_start3A_268 : memref<1x128x16xf32, #tpu.memory_space<vmem>> -> memref<128x16xf32, #tpu.memory_space<vmem>>
      %dma_start3A_270 = arith.constant 0 : i32
      %dma_start3A_271 = tpu.memref_slice %arg8[%add3A_264, %dma_start3A_270] : memref<80x128xi32, #tpu.memory_space<vmem>> -> memref<1x128xi32, #tpu.memory_space<vmem>>
      %dma_start3A_272 = tpu.memref_squeeze %dma_start3A_271 : memref<1x128xi32, #tpu.memory_space<vmem>> -> memref<128xi32, #tpu.memory_space<vmem>>
      %dma_start3A_273 = arith.constant 0 : i32
      %dma_start3A_274 = arith.constant 0 : i32
      %dma_start3A_275 = tpu.memref_slice %arg17[%dma_start3A_273, %dma_start3A_274] : memref<10240x16xf32, #tpu.memory_space<vmem_shared>> -> memref<10240x16xf32, #tpu.memory_space<vmem_shared>>
      tpu.enqueue_indirect_dma source(%dma_start3A_275 : memref<10240x16xf32, #tpu.memory_space<vmem_shared>>) target(%dma_start3A_269 : memref<128x16xf32, #tpu.memory_space<vmem>>) offsets(%dma_start3A_272 : memref<128xi32, #tpu.memory_space<vmem>>) semaphore(%arg19 : memref<!tpu.dma_semaphore, #tpu.memory_space<semaphore_mem>>)
      %mul3A_276 = arith.constant 4 : i32
      %mul3A_277 = arith.muli %add3A_245, %mul3A_276 : i32
      %add3A_278 = arith.constant 2 : i32
      %add3A_279 = arith.addi %mul3A_277, %add3A_278 : i32
      %dma_start3A_280 = arith.constant 2 : i32
      %dma_start3A_281 = arith.constant 0 : i32
      %dma_start3A_282 = arith.constant 0 : i32
      %dma_start3A_283 = tpu.memref_slice %arg11[%dma_start3A_280, %dma_start3A_281, %dma_start3A_282] : memref<4x128x16xf32, #tpu.memory_space<vmem>> -> memref<1x128x16xf32, #tpu.memory_space<vmem>>
      %dma_start3A_284 = tpu.memref_squeeze %dma_start3A_283 : memref<1x128x16xf32, #tpu.memory_space<vmem>> -> memref<128x16xf32, #tpu.memory_space<vmem>>
      %dma_start3A_285 = arith.constant 0 : i32
      %dma_start3A_286 = tpu.memref_slice %arg8[%add3A_279, %dma_start3A_285] : memref<80x128xi32, #tpu.memory_space<vmem>> -> memref<1x128xi32, #tpu.memory_space<vmem>>
      %dma_start3A_287 = tpu.memref_squeeze %dma_start3A_286 : memref<1x128xi32, #tpu.memory_space<vmem>> -> memref<128xi32, #tpu.memory_space<vmem>>
      %dma_start3A_288 = arith.constant 0 : i32
      %dma_start3A_289 = arith.constant 0 : i32
      %dma_start3A_290 = tpu.memref_slice %arg17[%dma_start3A_288, %dma_start3A_289] : memref<10240x16xf32, #tpu.memory_space<vmem_shared>> -> memref<10240x16xf32, #tpu.memory_space<vmem_shared>>
      tpu.enqueue_indirect_dma source(%dma_start3A_290 : memref<10240x16xf32, #tpu.memory_space<vmem_shared>>) target(%dma_start3A_284 : memref<128x16xf32, #tpu.memory_space<vmem>>) offsets(%dma_start3A_287 : memref<128xi32, #tpu.memory_space<vmem>>) semaphore(%arg19 : memref<!tpu.dma_semaphore, #tpu.memory_space<semaphore_mem>>)
      %mul3A_291 = arith.constant 4 : i32
      %mul3A_292 = arith.muli %add3A_245, %mul3A_291 : i32
      %add3A_293 = arith.constant 3 : i32
      %add3A_294 = arith.addi %mul3A_292, %add3A_293 : i32
      %dma_start3A_295 = arith.constant 3 : i32
      %dma_start3A_296 = arith.constant 0 : i32
      %dma_start3A_297 = arith.constant 0 : i32
      %dma_start3A_298 = tpu.memref_slice %arg11[%dma_start3A_295, %dma_start3A_296, %dma_start3A_297] : memref<4x128x16xf32, #tpu.memory_space<vmem>> -> memref<1x128x16xf32, #tpu.memory_space<vmem>>
      %dma_start3A_299 = tpu.memref_squeeze %dma_start3A_298 : memref<1x128x16xf32, #tpu.memory_space<vmem>> -> memref<128x16xf32, #tpu.memory_space<vmem>>
      %dma_start3A_300 = arith.constant 0 : i32
      %dma_start3A_301 = tpu.memref_slice %arg8[%add3A_294, %dma_start3A_300] : memref<80x128xi32, #tpu.memory_space<vmem>> -> memref<1x128xi32, #tpu.memory_space<vmem>>
      %dma_start3A_302 = tpu.memref_squeeze %dma_start3A_301 : memref<1x128xi32, #tpu.memory_space<vmem>> -> memref<128xi32, #tpu.memory_space<vmem>>
      %dma_start3A_303 = arith.constant 0 : i32
      %dma_start3A_304 = arith.constant 0 : i32
      %dma_start3A_305 = tpu.memref_slice %arg17[%dma_start3A_303, %dma_start3A_304] : memref<10240x16xf32, #tpu.memory_space<vmem_shared>> -> memref<10240x16xf32, #tpu.memory_space<vmem_shared>>
      tpu.enqueue_indirect_dma source(%dma_start3A_305 : memref<10240x16xf32, #tpu.memory_space<vmem_shared>>) target(%dma_start3A_299 : memref<128x16xf32, #tpu.memory_space<vmem>>) offsets(%dma_start3A_302 : memref<128xi32, #tpu.memory_space<vmem>>) semaphore(%arg19 : memref<!tpu.dma_semaphore, #tpu.memory_space<semaphore_mem>>)
      %dma_wait3A_306 = arith.constant 0 : i32
      %dma_wait3A_307 = arith.constant 0 : i32
      %dma_wait3A_308 = arith.constant 0 : i32
      %dma_wait3A_309 = arith.constant 0 : i32
      %dma_wait3A_310 = tpu.memref_slice %arg10[%dma_wait3A_307, %dma_wait3A_308, %dma_wait3A_309] : memref<4x128x16xf32, #tpu.memory_space<vmem>> -> memref<1x128x16xf32, #tpu.memory_space<vmem>>
      %dma_wait3A_311 = tpu.memref_squeeze %dma_wait3A_310 : memref<1x128x16xf32, #tpu.memory_space<vmem>> -> memref<128x16xf32, #tpu.memory_space<vmem>>
      %dma_wait3A_312 = arith.constant 0 : i32
      %dma_wait3A_313 = tpu.memref_slice %arg8[%dma_wait3A_306, %dma_wait3A_312] : memref<80x128xi32, #tpu.memory_space<vmem>> -> memref<1x128xi32, #tpu.memory_space<vmem>>
      %dma_wait3A_314 = tpu.memref_squeeze %dma_wait3A_313 : memref<1x128xi32, #tpu.memory_space<vmem>> -> memref<128xi32, #tpu.memory_space<vmem>>
      %dma_wait3A_315 = arith.constant 0 : i32
      %dma_wait3A_316 = arith.constant 0 : i32
      %dma_wait3A_317 = tpu.memref_slice %arg2[%dma_wait3A_315, %dma_wait3A_316] : memref<10240x16xf32, #tpu.memory_space<hbm>> -> memref<10240x16xf32, #tpu.memory_space<hbm>>
      tpu.wait_indirect_dma semaphore(%arg18 : memref<!tpu.dma_semaphore, #tpu.memory_space<semaphore_mem>>) src(%dma_wait3A_317 : memref<10240x16xf32, #tpu.memory_space<hbm>>) dst(%dma_wait3A_311 : memref<128x16xf32, #tpu.memory_space<vmem>>)
      %dma_wait3A_318 = arith.constant 0 : i32
      %dma_wait3A_319 = arith.constant 1 : i32
      %dma_wait3A_320 = arith.constant 0 : i32
      %dma_wait3A_321 = arith.constant 0 : i32
      %dma_wait3A_322 = tpu.memref_slice %arg10[%dma_wait3A_319, %dma_wait3A_320, %dma_wait3A_321] : memref<4x128x16xf32, #tpu.memory_space<vmem>> -> memref<1x128x16xf32, #tpu.memory_space<vmem>>
      %dma_wait3A_323 = tpu.memref_squeeze %dma_wait3A_322 : memref<1x128x16xf32, #tpu.memory_space<vmem>> -> memref<128x16xf32, #tpu.memory_space<vmem>>
      %dma_wait3A_324 = arith.constant 0 : i32
      %dma_wait3A_325 = tpu.memref_slice %arg8[%dma_wait3A_318, %dma_wait3A_324] : memref<80x128xi32, #tpu.memory_space<vmem>> -> memref<1x128xi32, #tpu.memory_space<vmem>>
      %dma_wait3A_326 = tpu.memref_squeeze %dma_wait3A_325 : memref<1x128xi32, #tpu.memory_space<vmem>> -> memref<128xi32, #tpu.memory_space<vmem>>
      %dma_wait3A_327 = arith.constant 0 : i32
      %dma_wait3A_328 = arith.constant 0 : i32
      %dma_wait3A_329 = tpu.memref_slice %arg2[%dma_wait3A_327, %dma_wait3A_328] : memref<10240x16xf32, #tpu.memory_space<hbm>> -> memref<10240x16xf32, #tpu.memory_space<hbm>>
      tpu.wait_indirect_dma semaphore(%arg18 : memref<!tpu.dma_semaphore, #tpu.memory_space<semaphore_mem>>) src(%dma_wait3A_329 : memref<10240x16xf32, #tpu.memory_space<hbm>>) dst(%dma_wait3A_323 : memref<128x16xf32, #tpu.memory_space<vmem>>)
      %dma_wait3A_330 = arith.constant 0 : i32
      %dma_wait3A_331 = arith.constant 2 : i32
      %dma_wait3A_332 = arith.constant 0 : i32
      %dma_wait3A_333 = arith.constant 0 : i32
      %dma_wait3A_334 = tpu.memref_slice %arg10[%dma_wait3A_331, %dma_wait3A_332, %dma_wait3A_333] : memref<4x128x16xf32, #tpu.memory_space<vmem>> -> memref<1x128x16xf32, #tpu.memory_space<vmem>>
      %dma_wait3A_335 = tpu.memref_squeeze %dma_wait3A_334 : memref<1x128x16xf32, #tpu.memory_space<vmem>> -> memref<128x16xf32, #tpu.memory_space<vmem>>
      %dma_wait3A_336 = arith.constant 0 : i32
      %dma_wait3A_337 = tpu.memref_slice %arg8[%dma_wait3A_330, %dma_wait3A_336] : memref<80x128xi32, #tpu.memory_space<vmem>> -> memref<1x128xi32, #tpu.memory_space<vmem>>
      %dma_wait3A_338 = tpu.memref_squeeze %dma_wait3A_337 : memref<1x128xi32, #tpu.memory_space<vmem>> -> memref<128xi32, #tpu.memory_space<vmem>>
      %dma_wait3A_339 = arith.constant 0 : i32
      %dma_wait3A_340 = arith.constant 0 : i32
      %dma_wait3A_341 = tpu.memref_slice %arg2[%dma_wait3A_339, %dma_wait3A_340] : memref<10240x16xf32, #tpu.memory_space<hbm>> -> memref<10240x16xf32, #tpu.memory_space<hbm>>
      tpu.wait_indirect_dma semaphore(%arg18 : memref<!tpu.dma_semaphore, #tpu.memory_space<semaphore_mem>>) src(%dma_wait3A_341 : memref<10240x16xf32, #tpu.memory_space<hbm>>) dst(%dma_wait3A_335 : memref<128x16xf32, #tpu.memory_space<vmem>>)
      %dma_wait3A_342 = arith.constant 0 : i32
      %dma_wait3A_343 = arith.constant 3 : i32
      %dma_wait3A_344 = arith.constant 0 : i32
      %dma_wait3A_345 = arith.constant 0 : i32
      %dma_wait3A_346 = tpu.memref_slice %arg10[%dma_wait3A_343, %dma_wait3A_344, %dma_wait3A_345] : memref<4x128x16xf32, #tpu.memory_space<vmem>> -> memref<1x128x16xf32, #tpu.memory_space<vmem>>
      %dma_wait3A_347 = tpu.memref_squeeze %dma_wait3A_346 : memref<1x128x16xf32, #tpu.memory_space<vmem>> -> memref<128x16xf32, #tpu.memory_space<vmem>>
      %dma_wait3A_348 = arith.constant 0 : i32
      %dma_wait3A_349 = tpu.memref_slice %arg8[%dma_wait3A_342, %dma_wait3A_348] : memref<80x128xi32, #tpu.memory_space<vmem>> -> memref<1x128xi32, #tpu.memory_space<vmem>>
      %dma_wait3A_350 = tpu.memref_squeeze %dma_wait3A_349 : memref<1x128xi32, #tpu.memory_space<vmem>> -> memref<128xi32, #tpu.memory_space<vmem>>
      %dma_wait3A_351 = arith.constant 0 : i32
      %dma_wait3A_352 = arith.constant 0 : i32
      %dma_wait3A_353 = tpu.memref_slice %arg2[%dma_wait3A_351, %dma_wait3A_352] : memref<10240x16xf32, #tpu.memory_space<hbm>> -> memref<10240x16xf32, #tpu.memory_space<hbm>>
      tpu.wait_indirect_dma semaphore(%arg18 : memref<!tpu.dma_semaphore, #tpu.memory_space<semaphore_mem>>) src(%dma_wait3A_353 : memref<10240x16xf32, #tpu.memory_space<hbm>>) dst(%dma_wait3A_347 : memref<128x16xf32, #tpu.memory_space<vmem>>)
      %mul3A_354 = arith.constant 4 : i32
      %mul3A_355 = arith.muli %add3A_243, %mul3A_354 : i32
      %add3A_356 = arith.constant 0 : i32
      %add3A_357 = arith.addi %mul3A_355, %add3A_356 : i32
      %run_scoped3A_358 = arith.constant 0 : i32
      "tpu.region"() ({
        %run_scoped3A_506 = tpu.sem_alloc : memref<!tpu.dma_semaphore, #tpu.memory_space<semaphore_mem>>
        %dma_start3A_507 = arith.constant 0 : i32
        %dma_start3A_508 = arith.constant 0 : i32
        %dma_start3A_509 = tpu.memref_slice %arg10[%run_scoped3A_358, %dma_start3A_507, %dma_start3A_508] : memref<4x128x16xf32, #tpu.memory_space<vmem>> -> memref<1x128x16xf32, #tpu.memory_space<vmem>>
        %dma_start3A_510 = tpu.memref_squeeze %dma_start3A_509 : memref<1x128x16xf32, #tpu.memory_space<vmem>> -> memref<128x16xf32, #tpu.memory_space<vmem>>
        %dma_start3A_511 = arith.constant 0 : i32
        %dma_start3A_512 = tpu.memref_slice %arg9[%add3A_357, %dma_start3A_511] : memref<80x128xi32, #tpu.memory_space<vmem>> -> memref<1x128xi32, #tpu.memory_space<vmem>>
        %dma_start3A_513 = tpu.memref_squeeze %dma_start3A_512 : memref<1x128xi32, #tpu.memory_space<vmem>> -> memref<128xi32, #tpu.memory_space<vmem>>
        %dma_start3A_514 = arith.constant 0 : i32
        %dma_start3A_515 = arith.constant 0 : i32
        %dma_start3A_516 = tpu.memref_slice %arg16[%dma_start3A_514, %dma_start3A_515] : memref<10240x16xf32, #tpu.memory_space<vmem_shared>> -> memref<10240x16xf32, #tpu.memory_space<vmem_shared>>
        tpu.enqueue_indirect_dma source(%dma_start3A_510 : memref<128x16xf32, #tpu.memory_space<vmem>>) target(%dma_start3A_516 : memref<10240x16xf32, #tpu.memory_space<vmem_shared>>) offsets(%dma_start3A_513 : memref<128xi32, #tpu.memory_space<vmem>>) semaphore(%run_scoped3A_506 : memref<!tpu.dma_semaphore, #tpu.memory_space<semaphore_mem>>) {add = true}
        %dma_wait3A_517 = arith.constant 0 : i32
        %dma_wait3A_518 = arith.constant 0 : i32
        %dma_wait3A_519 = tpu.memref_slice %arg10[%run_scoped3A_358, %dma_wait3A_517, %dma_wait3A_518] : memref<4x128x16xf32, #tpu.memory_space<vmem>> -> memref<1x128x16xf32, #tpu.memory_space<vmem>>
        %dma_wait3A_520 = tpu.memref_squeeze %dma_wait3A_519 : memref<1x128x16xf32, #tpu.memory_space<vmem>> -> memref<128x16xf32, #tpu.memory_space<vmem>>
        %dma_wait3A_521 = arith.constant 0 : i32
        %dma_wait3A_522 = tpu.memref_slice %arg9[%add3A_357, %dma_wait3A_521] : memref<80x128xi32, #tpu.memory_space<vmem>> -> memref<1x128xi32, #tpu.memory_space<vmem>>
        %dma_wait3A_523 = tpu.memref_squeeze %dma_wait3A_522 : memref<1x128xi32, #tpu.memory_space<vmem>> -> memref<128xi32, #tpu.memory_space<vmem>>
        %dma_wait3A_524 = arith.constant 0 : i32
        %dma_wait3A_525 = arith.constant 0 : i32
        %dma_wait3A_526 = tpu.memref_slice %arg16[%dma_wait3A_524, %dma_wait3A_525] : memref<10240x16xf32, #tpu.memory_space<vmem_shared>> -> memref<10240x16xf32, #tpu.memory_space<vmem_shared>>
        tpu.wait_indirect_dma semaphore(%run_scoped3A_506 : memref<!tpu.dma_semaphore, #tpu.memory_space<semaphore_mem>>) src(%dma_wait3A_520 : memref<128x16xf32, #tpu.memory_space<vmem>>) dst(%dma_wait3A_526 : memref<10240x16xf32, #tpu.memory_space<vmem_shared>>)
        tpu.yield
      }) : () -> ()
      %mul3A_359 = arith.constant 4 : i32
      %mul3A_360 = arith.muli %add3A_243, %mul3A_359 : i32
      %add3A_361 = arith.constant 1 : i32
      %add3A_362 = arith.addi %mul3A_360, %add3A_361 : i32
      %run_scoped3A_363 = arith.constant 1 : i32
      "tpu.region"() ({
        %run_scoped3A_506 = tpu.sem_alloc : memref<!tpu.dma_semaphore, #tpu.memory_space<semaphore_mem>>
        %dma_start3A_507 = arith.constant 0 : i32
        %dma_start3A_508 = arith.constant 0 : i32
        %dma_start3A_509 = tpu.memref_slice %arg10[%run_scoped3A_363, %dma_start3A_507, %dma_start3A_508] : memref<4x128x16xf32, #tpu.memory_space<vmem>> -> memref<1x128x16xf32, #tpu.memory_space<vmem>>
        %dma_start3A_510 = tpu.memref_squeeze %dma_start3A_509 : memref<1x128x16xf32, #tpu.memory_space<vmem>> -> memref<128x16xf32, #tpu.memory_space<vmem>>
        %dma_start3A_511 = arith.constant 0 : i32
        %dma_start3A_512 = tpu.memref_slice %arg9[%add3A_362, %dma_start3A_511] : memref<80x128xi32, #tpu.memory_space<vmem>> -> memref<1x128xi32, #tpu.memory_space<vmem>>
        %dma_start3A_513 = tpu.memref_squeeze %dma_start3A_512 : memref<1x128xi32, #tpu.memory_space<vmem>> -> memref<128xi32, #tpu.memory_space<vmem>>
        %dma_start3A_514 = arith.constant 0 : i32
        %dma_start3A_515 = arith.constant 0 : i32
        %dma_start3A_516 = tpu.memref_slice %arg16[%dma_start3A_514, %dma_start3A_515] : memref<10240x16xf32, #tpu.memory_space<vmem_shared>> -> memref<10240x16xf32, #tpu.memory_space<vmem_shared>>
        tpu.enqueue_indirect_dma source(%dma_start3A_510 : memref<128x16xf32, #tpu.memory_space<vmem>>) target(%dma_start3A_516 : memref<10240x16xf32, #tpu.memory_space<vmem_shared>>) offsets(%dma_start3A_513 : memref<128xi32, #tpu.memory_space<vmem>>) semaphore(%run_scoped3A_506 : memref<!tpu.dma_semaphore, #tpu.memory_space<semaphore_mem>>) {add = true}
        %dma_wait3A_517 = arith.constant 0 : i32
        %dma_wait3A_518 = arith.constant 0 : i32
        %dma_wait3A_519 = tpu.memref_slice %arg10[%run_scoped3A_363, %dma_wait3A_517, %dma_wait3A_518] : memref<4x128x16xf32, #tpu.memory_space<vmem>> -> memref<1x128x16xf32, #tpu.memory_space<vmem>>
        %dma_wait3A_520 = tpu.memref_squeeze %dma_wait3A_519 : memref<1x128x16xf32, #tpu.memory_space<vmem>> -> memref<128x16xf32, #tpu.memory_space<vmem>>
        %dma_wait3A_521 = arith.constant 0 : i32
        %dma_wait3A_522 = tpu.memref_slice %arg9[%add3A_362, %dma_wait3A_521] : memref<80x128xi32, #tpu.memory_space<vmem>> -> memref<1x128xi32, #tpu.memory_space<vmem>>
        %dma_wait3A_523 = tpu.memref_squeeze %dma_wait3A_522 : memref<1x128xi32, #tpu.memory_space<vmem>> -> memref<128xi32, #tpu.memory_space<vmem>>
        %dma_wait3A_524 = arith.constant 0 : i32
        %dma_wait3A_525 = arith.constant 0 : i32
        %dma_wait3A_526 = tpu.memref_slice %arg16[%dma_wait3A_524, %dma_wait3A_525] : memref<10240x16xf32, #tpu.memory_space<vmem_shared>> -> memref<10240x16xf32, #tpu.memory_space<vmem_shared>>
        tpu.wait_indirect_dma semaphore(%run_scoped3A_506 : memref<!tpu.dma_semaphore, #tpu.memory_space<semaphore_mem>>) src(%dma_wait3A_520 : memref<128x16xf32, #tpu.memory_space<vmem>>) dst(%dma_wait3A_526 : memref<10240x16xf32, #tpu.memory_space<vmem_shared>>)
        tpu.yield
      }) : () -> ()
      %mul3A_364 = arith.constant 4 : i32
      %mul3A_365 = arith.muli %add3A_243, %mul3A_364 : i32
      %add3A_366 = arith.constant 2 : i32
      %add3A_367 = arith.addi %mul3A_365, %add3A_366 : i32
      %run_scoped3A_368 = arith.constant 2 : i32
      "tpu.region"() ({
        %run_scoped3A_506 = tpu.sem_alloc : memref<!tpu.dma_semaphore, #tpu.memory_space<semaphore_mem>>
        %dma_start3A_507 = arith.constant 0 : i32
        %dma_start3A_508 = arith.constant 0 : i32
        %dma_start3A_509 = tpu.memref_slice %arg10[%run_scoped3A_368, %dma_start3A_507, %dma_start3A_508] : memref<4x128x16xf32, #tpu.memory_space<vmem>> -> memref<1x128x16xf32, #tpu.memory_space<vmem>>
        %dma_start3A_510 = tpu.memref_squeeze %dma_start3A_509 : memref<1x128x16xf32, #tpu.memory_space<vmem>> -> memref<128x16xf32, #tpu.memory_space<vmem>>
        %dma_start3A_511 = arith.constant 0 : i32
        %dma_start3A_512 = tpu.memref_slice %arg9[%add3A_367, %dma_start3A_511] : memref<80x128xi32, #tpu.memory_space<vmem>> -> memref<1x128xi32, #tpu.memory_space<vmem>>
        %dma_start3A_513 = tpu.memref_squeeze %dma_start3A_512 : memref<1x128xi32, #tpu.memory_space<vmem>> -> memref<128xi32, #tpu.memory_space<vmem>>
        %dma_start3A_514 = arith.constant 0 : i32
        %dma_start3A_515 = arith.constant 0 : i32
        %dma_start3A_516 = tpu.memref_slice %arg16[%dma_start3A_514, %dma_start3A_515] : memref<10240x16xf32, #tpu.memory_space<vmem_shared>> -> memref<10240x16xf32, #tpu.memory_space<vmem_shared>>
        tpu.enqueue_indirect_dma source(%dma_start3A_510 : memref<128x16xf32, #tpu.memory_space<vmem>>) target(%dma_start3A_516 : memref<10240x16xf32, #tpu.memory_space<vmem_shared>>) offsets(%dma_start3A_513 : memref<128xi32, #tpu.memory_space<vmem>>) semaphore(%run_scoped3A_506 : memref<!tpu.dma_semaphore, #tpu.memory_space<semaphore_mem>>) {add = true}
        %dma_wait3A_517 = arith.constant 0 : i32
        %dma_wait3A_518 = arith.constant 0 : i32
        %dma_wait3A_519 = tpu.memref_slice %arg10[%run_scoped3A_368, %dma_wait3A_517, %dma_wait3A_518] : memref<4x128x16xf32, #tpu.memory_space<vmem>> -> memref<1x128x16xf32, #tpu.memory_space<vmem>>
        %dma_wait3A_520 = tpu.memref_squeeze %dma_wait3A_519 : memref<1x128x16xf32, #tpu.memory_space<vmem>> -> memref<128x16xf32, #tpu.memory_space<vmem>>
        %dma_wait3A_521 = arith.constant 0 : i32
        %dma_wait3A_522 = tpu.memref_slice %arg9[%add3A_367, %dma_wait3A_521] : memref<80x128xi32, #tpu.memory_space<vmem>> -> memref<1x128xi32, #tpu.memory_space<vmem>>
        %dma_wait3A_523 = tpu.memref_squeeze %dma_wait3A_522 : memref<1x128xi32, #tpu.memory_space<vmem>> -> memref<128xi32, #tpu.memory_space<vmem>>
        %dma_wait3A_524 = arith.constant 0 : i32
        %dma_wait3A_525 = arith.constant 0 : i32
        %dma_wait3A_526 = tpu.memref_slice %arg16[%dma_wait3A_524, %dma_wait3A_525] : memref<10240x16xf32, #tpu.memory_space<vmem_shared>> -> memref<10240x16xf32, #tpu.memory_space<vmem_shared>>
        tpu.wait_indirect_dma semaphore(%run_scoped3A_506 : memref<!tpu.dma_semaphore, #tpu.memory_space<semaphore_mem>>) src(%dma_wait3A_520 : memref<128x16xf32, #tpu.memory_space<vmem>>) dst(%dma_wait3A_526 : memref<10240x16xf32, #tpu.memory_space<vmem_shared>>)
        tpu.yield
      }) : () -> ()
      %mul3A_369 = arith.constant 4 : i32
      %mul3A_370 = arith.muli %add3A_243, %mul3A_369 : i32
      %add3A_371 = arith.constant 3 : i32
      %add3A_372 = arith.addi %mul3A_370, %add3A_371 : i32
      %run_scoped3A_373 = arith.constant 3 : i32
      "tpu.region"() ({
        %run_scoped3A_506 = tpu.sem_alloc : memref<!tpu.dma_semaphore, #tpu.memory_space<semaphore_mem>>
        %dma_start3A_507 = arith.constant 0 : i32
        %dma_start3A_508 = arith.constant 0 : i32
        %dma_start3A_509 = tpu.memref_slice %arg10[%run_scoped3A_373, %dma_start3A_507, %dma_start3A_508] : memref<4x128x16xf32, #tpu.memory_space<vmem>> -> memref<1x128x16xf32, #tpu.memory_space<vmem>>
        %dma_start3A_510 = tpu.memref_squeeze %dma_start3A_509 : memref<1x128x16xf32, #tpu.memory_space<vmem>> -> memref<128x16xf32, #tpu.memory_space<vmem>>
        %dma_start3A_511 = arith.constant 0 : i32
        %dma_start3A_512 = tpu.memref_slice %arg9[%add3A_372, %dma_start3A_511] : memref<80x128xi32, #tpu.memory_space<vmem>> -> memref<1x128xi32, #tpu.memory_space<vmem>>
        %dma_start3A_513 = tpu.memref_squeeze %dma_start3A_512 : memref<1x128xi32, #tpu.memory_space<vmem>> -> memref<128xi32, #tpu.memory_space<vmem>>
        %dma_start3A_514 = arith.constant 0 : i32
        %dma_start3A_515 = arith.constant 0 : i32
        %dma_start3A_516 = tpu.memref_slice %arg16[%dma_start3A_514, %dma_start3A_515] : memref<10240x16xf32, #tpu.memory_space<vmem_shared>> -> memref<10240x16xf32, #tpu.memory_space<vmem_shared>>
        tpu.enqueue_indirect_dma source(%dma_start3A_510 : memref<128x16xf32, #tpu.memory_space<vmem>>) target(%dma_start3A_516 : memref<10240x16xf32, #tpu.memory_space<vmem_shared>>) offsets(%dma_start3A_513 : memref<128xi32, #tpu.memory_space<vmem>>) semaphore(%run_scoped3A_506 : memref<!tpu.dma_semaphore, #tpu.memory_space<semaphore_mem>>) {add = true}
        %dma_wait3A_517 = arith.constant 0 : i32
        %dma_wait3A_518 = arith.constant 0 : i32
        %dma_wait3A_519 = tpu.memref_slice %arg10[%run_scoped3A_373, %dma_wait3A_517, %dma_wait3A_518] : memref<4x128x16xf32, #tpu.memory_space<vmem>> -> memref<1x128x16xf32, #tpu.memory_space<vmem>>
        %dma_wait3A_520 = tpu.memref_squeeze %dma_wait3A_519 : memref<1x128x16xf32, #tpu.memory_space<vmem>> -> memref<128x16xf32, #tpu.memory_space<vmem>>
        %dma_wait3A_521 = arith.constant 0 : i32
        %dma_wait3A_522 = tpu.memref_slice %arg9[%add3A_372, %dma_wait3A_521] : memref<80x128xi32, #tpu.memory_space<vmem>> -> memref<1x128xi32, #tpu.memory_space<vmem>>
        %dma_wait3A_523 = tpu.memref_squeeze %dma_wait3A_522 : memref<1x128xi32, #tpu.memory_space<vmem>> -> memref<128xi32, #tpu.memory_space<vmem>>
        %dma_wait3A_524 = arith.constant 0 : i32
        %dma_wait3A_525 = arith.constant 0 : i32
        %dma_wait3A_526 = tpu.memref_slice %arg16[%dma_wait3A_524, %dma_wait3A_525] : memref<10240x16xf32, #tpu.memory_space<vmem_shared>> -> memref<10240x16xf32, #tpu.memory_space<vmem_shared>>
        tpu.wait_indirect_dma semaphore(%run_scoped3A_506 : memref<!tpu.dma_semaphore, #tpu.memory_space<semaphore_mem>>) src(%dma_wait3A_520 : memref<128x16xf32, #tpu.memory_space<vmem>>) dst(%dma_wait3A_526 : memref<10240x16xf32, #tpu.memory_space<vmem_shared>>)
        tpu.yield
      }) : () -> ()
      %add3A_374 = arith.constant 2 : i32
      %add3A_375 = arith.addi %add3A_243, %add3A_374 : i32
      %mul3A_376 = arith.constant 4 : i32
      %mul3A_377 = arith.muli %add3A_375, %mul3A_376 : i32
      %add3A_378 = arith.constant 0 : i32
      %add3A_379 = arith.addi %mul3A_377, %add3A_378 : i32
      %dma_start3A_380 = arith.constant 0 : i32
      %dma_start3A_381 = arith.constant 0 : i32
      %dma_start3A_382 = arith.constant 0 : i32
      %dma_start3A_383 = tpu.memref_slice %arg10[%dma_start3A_380, %dma_start3A_381, %dma_start3A_382] : memref<4x128x16xf32, #tpu.memory_space<vmem>> -> memref<1x128x16xf32, #tpu.memory_space<vmem>>
      %dma_start3A_384 = tpu.memref_squeeze %dma_start3A_383 : memref<1x128x16xf32, #tpu.memory_space<vmem>> -> memref<128x16xf32, #tpu.memory_space<vmem>>
      %dma_start3A_385 = arith.constant 0 : i32
      %dma_start3A_386 = tpu.memref_slice %arg8[%add3A_379, %dma_start3A_385] : memref<80x128xi32, #tpu.memory_space<vmem>> -> memref<1x128xi32, #tpu.memory_space<vmem>>
      %dma_start3A_387 = tpu.memref_squeeze %dma_start3A_386 : memref<1x128xi32, #tpu.memory_space<vmem>> -> memref<128xi32, #tpu.memory_space<vmem>>
      %dma_start3A_388 = arith.constant 0 : i32
      %dma_start3A_389 = arith.constant 0 : i32
      %dma_start3A_390 = tpu.memref_slice %arg17[%dma_start3A_388, %dma_start3A_389] : memref<10240x16xf32, #tpu.memory_space<vmem_shared>> -> memref<10240x16xf32, #tpu.memory_space<vmem_shared>>
      tpu.enqueue_indirect_dma source(%dma_start3A_390 : memref<10240x16xf32, #tpu.memory_space<vmem_shared>>) target(%dma_start3A_384 : memref<128x16xf32, #tpu.memory_space<vmem>>) offsets(%dma_start3A_387 : memref<128xi32, #tpu.memory_space<vmem>>) semaphore(%arg18 : memref<!tpu.dma_semaphore, #tpu.memory_space<semaphore_mem>>)
      %mul3A_391 = arith.constant 4 : i32
      %mul3A_392 = arith.muli %add3A_375, %mul3A_391 : i32
      %add3A_393 = arith.constant 1 : i32
      %add3A_394 = arith.addi %mul3A_392, %add3A_393 : i32
      %dma_start3A_395 = arith.constant 1 : i32
      %dma_start3A_396 = arith.constant 0 : i32
      %dma_start3A_397 = arith.constant 0 : i32
      %dma_start3A_398 = tpu.memref_slice %arg10[%dma_start3A_395, %dma_start3A_396, %dma_start3A_397] : memref<4x128x16xf32, #tpu.memory_space<vmem>> -> memref<1x128x16xf32, #tpu.memory_space<vmem>>
      %dma_start3A_399 = tpu.memref_squeeze %dma_start3A_398 : memref<1x128x16xf32, #tpu.memory_space<vmem>> -> memref<128x16xf32, #tpu.memory_space<vmem>>
      %dma_start3A_400 = arith.constant 0 : i32
      %dma_start3A_401 = tpu.memref_slice %arg8[%add3A_394, %dma_start3A_400] : memref<80x128xi32, #tpu.memory_space<vmem>> -> memref<1x128xi32, #tpu.memory_space<vmem>>
      %dma_start3A_402 = tpu.memref_squeeze %dma_start3A_401 : memref<1x128xi32, #tpu.memory_space<vmem>> -> memref<128xi32, #tpu.memory_space<vmem>>
      %dma_start3A_403 = arith.constant 0 : i32
      %dma_start3A_404 = arith.constant 0 : i32
      %dma_start3A_405 = tpu.memref_slice %arg17[%dma_start3A_403, %dma_start3A_404] : memref<10240x16xf32, #tpu.memory_space<vmem_shared>> -> memref<10240x16xf32, #tpu.memory_space<vmem_shared>>
      tpu.enqueue_indirect_dma source(%dma_start3A_405 : memref<10240x16xf32, #tpu.memory_space<vmem_shared>>) target(%dma_start3A_399 : memref<128x16xf32, #tpu.memory_space<vmem>>) offsets(%dma_start3A_402 : memref<128xi32, #tpu.memory_space<vmem>>) semaphore(%arg18 : memref<!tpu.dma_semaphore, #tpu.memory_space<semaphore_mem>>)
      %mul3A_406 = arith.constant 4 : i32
      %mul3A_407 = arith.muli %add3A_375, %mul3A_406 : i32
      %add3A_408 = arith.constant 2 : i32
      %add3A_409 = arith.addi %mul3A_407, %add3A_408 : i32
      %dma_start3A_410 = arith.constant 2 : i32
      %dma_start3A_411 = arith.constant 0 : i32
      %dma_start3A_412 = arith.constant 0 : i32
      %dma_start3A_413 = tpu.memref_slice %arg10[%dma_start3A_410, %dma_start3A_411, %dma_start3A_412] : memref<4x128x16xf32, #tpu.memory_space<vmem>> -> memref<1x128x16xf32, #tpu.memory_space<vmem>>
      %dma_start3A_414 = tpu.memref_squeeze %dma_start3A_413 : memref<1x128x16xf32, #tpu.memory_space<vmem>> -> memref<128x16xf32, #tpu.memory_space<vmem>>
      %dma_start3A_415 = arith.constant 0 : i32
      %dma_start3A_416 = tpu.memref_slice %arg8[%add3A_409, %dma_start3A_415] : memref<80x128xi32, #tpu.memory_space<vmem>> -> memref<1x128xi32, #tpu.memory_space<vmem>>
      %dma_start3A_417 = tpu.memref_squeeze %dma_start3A_416 : memref<1x128xi32, #tpu.memory_space<vmem>> -> memref<128xi32, #tpu.memory_space<vmem>>
      %dma_start3A_418 = arith.constant 0 : i32
      %dma_start3A_419 = arith.constant 0 : i32
      %dma_start3A_420 = tpu.memref_slice %arg17[%dma_start3A_418, %dma_start3A_419] : memref<10240x16xf32, #tpu.memory_space<vmem_shared>> -> memref<10240x16xf32, #tpu.memory_space<vmem_shared>>
      tpu.enqueue_indirect_dma source(%dma_start3A_420 : memref<10240x16xf32, #tpu.memory_space<vmem_shared>>) target(%dma_start3A_414 : memref<128x16xf32, #tpu.memory_space<vmem>>) offsets(%dma_start3A_417 : memref<128xi32, #tpu.memory_space<vmem>>) semaphore(%arg18 : memref<!tpu.dma_semaphore, #tpu.memory_space<semaphore_mem>>)
      %mul3A_421 = arith.constant 4 : i32
      %mul3A_422 = arith.muli %add3A_375, %mul3A_421 : i32
      %add3A_423 = arith.constant 3 : i32
      %add3A_424 = arith.addi %mul3A_422, %add3A_423 : i32
      %dma_start3A_425 = arith.constant 3 : i32
      %dma_start3A_426 = arith.constant 0 : i32
      %dma_start3A_427 = arith.constant 0 : i32
      %dma_start3A_428 = tpu.memref_slice %arg10[%dma_start3A_425, %dma_start3A_426, %dma_start3A_427] : memref<4x128x16xf32, #tpu.memory_space<vmem>> -> memref<1x128x16xf32, #tpu.memory_space<vmem>>
      %dma_start3A_429 = tpu.memref_squeeze %dma_start3A_428 : memref<1x128x16xf32, #tpu.memory_space<vmem>> -> memref<128x16xf32, #tpu.memory_space<vmem>>
      %dma_start3A_430 = arith.constant 0 : i32
      %dma_start3A_431 = tpu.memref_slice %arg8[%add3A_424, %dma_start3A_430] : memref<80x128xi32, #tpu.memory_space<vmem>> -> memref<1x128xi32, #tpu.memory_space<vmem>>
      %dma_start3A_432 = tpu.memref_squeeze %dma_start3A_431 : memref<1x128xi32, #tpu.memory_space<vmem>> -> memref<128xi32, #tpu.memory_space<vmem>>
      %dma_start3A_433 = arith.constant 0 : i32
      %dma_start3A_434 = arith.constant 0 : i32
      %dma_start3A_435 = tpu.memref_slice %arg17[%dma_start3A_433, %dma_start3A_434] : memref<10240x16xf32, #tpu.memory_space<vmem_shared>> -> memref<10240x16xf32, #tpu.memory_space<vmem_shared>>
      tpu.enqueue_indirect_dma source(%dma_start3A_435 : memref<10240x16xf32, #tpu.memory_space<vmem_shared>>) target(%dma_start3A_429 : memref<128x16xf32, #tpu.memory_space<vmem>>) offsets(%dma_start3A_432 : memref<128xi32, #tpu.memory_space<vmem>>) semaphore(%arg18 : memref<!tpu.dma_semaphore, #tpu.memory_space<semaphore_mem>>)
      %dma_wait3A_436 = arith.constant 0 : i32
      %dma_wait3A_437 = arith.constant 0 : i32
      %dma_wait3A_438 = arith.constant 0 : i32
      %dma_wait3A_439 = arith.constant 0 : i32
      %dma_wait3A_440 = tpu.memref_slice %arg11[%dma_wait3A_437, %dma_wait3A_438, %dma_wait3A_439] : memref<4x128x16xf32, #tpu.memory_space<vmem>> -> memref<1x128x16xf32, #tpu.memory_space<vmem>>
      %dma_wait3A_441 = tpu.memref_squeeze %dma_wait3A_440 : memref<1x128x16xf32, #tpu.memory_space<vmem>> -> memref<128x16xf32, #tpu.memory_space<vmem>>
      %dma_wait3A_442 = arith.constant 0 : i32
      %dma_wait3A_443 = tpu.memref_slice %arg8[%dma_wait3A_436, %dma_wait3A_442] : memref<80x128xi32, #tpu.memory_space<vmem>> -> memref<1x128xi32, #tpu.memory_space<vmem>>
      %dma_wait3A_444 = tpu.memref_squeeze %dma_wait3A_443 : memref<1x128xi32, #tpu.memory_space<vmem>> -> memref<128xi32, #tpu.memory_space<vmem>>
      %dma_wait3A_445 = arith.constant 0 : i32
      %dma_wait3A_446 = arith.constant 0 : i32
      %dma_wait3A_447 = tpu.memref_slice %arg2[%dma_wait3A_445, %dma_wait3A_446] : memref<10240x16xf32, #tpu.memory_space<hbm>> -> memref<10240x16xf32, #tpu.memory_space<hbm>>
      tpu.wait_indirect_dma semaphore(%arg19 : memref<!tpu.dma_semaphore, #tpu.memory_space<semaphore_mem>>) src(%dma_wait3A_447 : memref<10240x16xf32, #tpu.memory_space<hbm>>) dst(%dma_wait3A_441 : memref<128x16xf32, #tpu.memory_space<vmem>>)
      %dma_wait3A_448 = arith.constant 0 : i32
      %dma_wait3A_449 = arith.constant 1 : i32
      %dma_wait3A_450 = arith.constant 0 : i32
      %dma_wait3A_451 = arith.constant 0 : i32
      %dma_wait3A_452 = tpu.memref_slice %arg11[%dma_wait3A_449, %dma_wait3A_450, %dma_wait3A_451] : memref<4x128x16xf32, #tpu.memory_space<vmem>> -> memref<1x128x16xf32, #tpu.memory_space<vmem>>
      %dma_wait3A_453 = tpu.memref_squeeze %dma_wait3A_452 : memref<1x128x16xf32, #tpu.memory_space<vmem>> -> memref<128x16xf32, #tpu.memory_space<vmem>>
      %dma_wait3A_454 = arith.constant 0 : i32
      %dma_wait3A_455 = tpu.memref_slice %arg8[%dma_wait3A_448, %dma_wait3A_454] : memref<80x128xi32, #tpu.memory_space<vmem>> -> memref<1x128xi32, #tpu.memory_space<vmem>>
      %dma_wait3A_456 = tpu.memref_squeeze %dma_wait3A_455 : memref<1x128xi32, #tpu.memory_space<vmem>> -> memref<128xi32, #tpu.memory_space<vmem>>
      %dma_wait3A_457 = arith.constant 0 : i32
      %dma_wait3A_458 = arith.constant 0 : i32
      %dma_wait3A_459 = tpu.memref_slice %arg2[%dma_wait3A_457, %dma_wait3A_458] : memref<10240x16xf32, #tpu.memory_space<hbm>> -> memref<10240x16xf32, #tpu.memory_space<hbm>>
      tpu.wait_indirect_dma semaphore(%arg19 : memref<!tpu.dma_semaphore, #tpu.memory_space<semaphore_mem>>) src(%dma_wait3A_459 : memref<10240x16xf32, #tpu.memory_space<hbm>>) dst(%dma_wait3A_453 : memref<128x16xf32, #tpu.memory_space<vmem>>)
      %dma_wait3A_460 = arith.constant 0 : i32
      %dma_wait3A_461 = arith.constant 2 : i32
      %dma_wait3A_462 = arith.constant 0 : i32
      %dma_wait3A_463 = arith.constant 0 : i32
      %dma_wait3A_464 = tpu.memref_slice %arg11[%dma_wait3A_461, %dma_wait3A_462, %dma_wait3A_463] : memref<4x128x16xf32, #tpu.memory_space<vmem>> -> memref<1x128x16xf32, #tpu.memory_space<vmem>>
      %dma_wait3A_465 = tpu.memref_squeeze %dma_wait3A_464 : memref<1x128x16xf32, #tpu.memory_space<vmem>> -> memref<128x16xf32, #tpu.memory_space<vmem>>
      %dma_wait3A_466 = arith.constant 0 : i32
      %dma_wait3A_467 = tpu.memref_slice %arg8[%dma_wait3A_460, %dma_wait3A_466] : memref<80x128xi32, #tpu.memory_space<vmem>> -> memref<1x128xi32, #tpu.memory_space<vmem>>
      %dma_wait3A_468 = tpu.memref_squeeze %dma_wait3A_467 : memref<1x128xi32, #tpu.memory_space<vmem>> -> memref<128xi32, #tpu.memory_space<vmem>>
      %dma_wait3A_469 = arith.constant 0 : i32
      %dma_wait3A_470 = arith.constant 0 : i32
      %dma_wait3A_471 = tpu.memref_slice %arg2[%dma_wait3A_469, %dma_wait3A_470] : memref<10240x16xf32, #tpu.memory_space<hbm>> -> memref<10240x16xf32, #tpu.memory_space<hbm>>
      tpu.wait_indirect_dma semaphore(%arg19 : memref<!tpu.dma_semaphore, #tpu.memory_space<semaphore_mem>>) src(%dma_wait3A_471 : memref<10240x16xf32, #tpu.memory_space<hbm>>) dst(%dma_wait3A_465 : memref<128x16xf32, #tpu.memory_space<vmem>>)
      %dma_wait3A_472 = arith.constant 0 : i32
      %dma_wait3A_473 = arith.constant 3 : i32
      %dma_wait3A_474 = arith.constant 0 : i32
      %dma_wait3A_475 = arith.constant 0 : i32
      %dma_wait3A_476 = tpu.memref_slice %arg11[%dma_wait3A_473, %dma_wait3A_474, %dma_wait3A_475] : memref<4x128x16xf32, #tpu.memory_space<vmem>> -> memref<1x128x16xf32, #tpu.memory_space<vmem>>
      %dma_wait3A_477 = tpu.memref_squeeze %dma_wait3A_476 : memref<1x128x16xf32, #tpu.memory_space<vmem>> -> memref<128x16xf32, #tpu.memory_space<vmem>>
      %dma_wait3A_478 = arith.constant 0 : i32
      %dma_wait3A_479 = tpu.memref_slice %arg8[%dma_wait3A_472, %dma_wait3A_478] : memref<80x128xi32, #tpu.memory_space<vmem>> -> memref<1x128xi32, #tpu.memory_space<vmem>>
      %dma_wait3A_480 = tpu.memref_squeeze %dma_wait3A_479 : memref<1x128xi32, #tpu.memory_space<vmem>> -> memref<128xi32, #tpu.memory_space<vmem>>
      %dma_wait3A_481 = arith.constant 0 : i32
      %dma_wait3A_482 = arith.constant 0 : i32
      %dma_wait3A_483 = tpu.memref_slice %arg2[%dma_wait3A_481, %dma_wait3A_482] : memref<10240x16xf32, #tpu.memory_space<hbm>> -> memref<10240x16xf32, #tpu.memory_space<hbm>>
      tpu.wait_indirect_dma semaphore(%arg19 : memref<!tpu.dma_semaphore, #tpu.memory_space<semaphore_mem>>) src(%dma_wait3A_483 : memref<10240x16xf32, #tpu.memory_space<hbm>>) dst(%dma_wait3A_477 : memref<128x16xf32, #tpu.memory_space<vmem>>)
      %add3A_484 = arith.constant 1 : i32
      %add3A_485 = arith.addi %add3A_243, %add3A_484 : i32
      %mul3A_486 = arith.constant 4 : i32
      %mul3A_487 = arith.muli %add3A_485, %mul3A_486 : i32
      %add3A_488 = arith.constant 0 : i32
      %add3A_489 = arith.addi %mul3A_487, %add3A_488 : i32
      %run_scoped3A_490 = arith.constant 0 : i32
      "tpu.region"() ({
        %run_scoped3A_506 = tpu.sem_alloc : memref<!tpu.dma_semaphore, #tpu.memory_space<semaphore_mem>>
        %dma_start3A_507 = arith.constant 0 : i32
        %dma_start3A_508 = arith.constant 0 : i32
        %dma_start3A_509 = tpu.memref_slice %arg11[%run_scoped3A_490, %dma_start3A_507, %dma_start3A_508] : memref<4x128x16xf32, #tpu.memory_space<vmem>> -> memref<1x128x16xf32, #tpu.memory_space<vmem>>
        %dma_start3A_510 = tpu.memref_squeeze %dma_start3A_509 : memref<1x128x16xf32, #tpu.memory_space<vmem>> -> memref<128x16xf32, #tpu.memory_space<vmem>>
        %dma_start3A_511 = arith.constant 0 : i32
        %dma_start3A_512 = tpu.memref_slice %arg9[%add3A_489, %dma_start3A_511] : memref<80x128xi32, #tpu.memory_space<vmem>> -> memref<1x128xi32, #tpu.memory_space<vmem>>
        %dma_start3A_513 = tpu.memref_squeeze %dma_start3A_512 : memref<1x128xi32, #tpu.memory_space<vmem>> -> memref<128xi32, #tpu.memory_space<vmem>>
        %dma_start3A_514 = arith.constant 0 : i32
        %dma_start3A_515 = arith.constant 0 : i32
        %dma_start3A_516 = tpu.memref_slice %arg16[%dma_start3A_514, %dma_start3A_515] : memref<10240x16xf32, #tpu.memory_space<vmem_shared>> -> memref<10240x16xf32, #tpu.memory_space<vmem_shared>>
        tpu.enqueue_indirect_dma source(%dma_start3A_510 : memref<128x16xf32, #tpu.memory_space<vmem>>) target(%dma_start3A_516 : memref<10240x16xf32, #tpu.memory_space<vmem_shared>>) offsets(%dma_start3A_513 : memref<128xi32, #tpu.memory_space<vmem>>) semaphore(%run_scoped3A_506 : memref<!tpu.dma_semaphore, #tpu.memory_space<semaphore_mem>>) {add = true}
        %dma_wait3A_517 = arith.constant 0 : i32
        %dma_wait3A_518 = arith.constant 0 : i32
        %dma_wait3A_519 = tpu.memref_slice %arg11[%run_scoped3A_490, %dma_wait3A_517, %dma_wait3A_518] : memref<4x128x16xf32, #tpu.memory_space<vmem>> -> memref<1x128x16xf32, #tpu.memory_space<vmem>>
        %dma_wait3A_520 = tpu.memref_squeeze %dma_wait3A_519 : memref<1x128x16xf32, #tpu.memory_space<vmem>> -> memref<128x16xf32, #tpu.memory_space<vmem>>
        %dma_wait3A_521 = arith.constant 0 : i32
        %dma_wait3A_522 = tpu.memref_slice %arg9[%add3A_489, %dma_wait3A_521] : memref<80x128xi32, #tpu.memory_space<vmem>> -> memref<1x128xi32, #tpu.memory_space<vmem>>
        %dma_wait3A_523 = tpu.memref_squeeze %dma_wait3A_522 : memref<1x128xi32, #tpu.memory_space<vmem>> -> memref<128xi32, #tpu.memory_space<vmem>>
        %dma_wait3A_524 = arith.constant 0 : i32
        %dma_wait3A_525 = arith.constant 0 : i32
        %dma_wait3A_526 = tpu.memref_slice %arg16[%dma_wait3A_524, %dma_wait3A_525] : memref<10240x16xf32, #tpu.memory_space<vmem_shared>> -> memref<10240x16xf32, #tpu.memory_space<vmem_shared>>
        tpu.wait_indirect_dma semaphore(%run_scoped3A_506 : memref<!tpu.dma_semaphore, #tpu.memory_space<semaphore_mem>>) src(%dma_wait3A_520 : memref<128x16xf32, #tpu.memory_space<vmem>>) dst(%dma_wait3A_526 : memref<10240x16xf32, #tpu.memory_space<vmem_shared>>)
        tpu.yield
      }) : () -> ()
      %mul3A_491 = arith.constant 4 : i32
      %mul3A_492 = arith.muli %add3A_485, %mul3A_491 : i32
      %add3A_493 = arith.constant 1 : i32
      %add3A_494 = arith.addi %mul3A_492, %add3A_493 : i32
      %run_scoped3A_495 = arith.constant 1 : i32
      "tpu.region"() ({
        %run_scoped3A_506 = tpu.sem_alloc : memref<!tpu.dma_semaphore, #tpu.memory_space<semaphore_mem>>
        %dma_start3A_507 = arith.constant 0 : i32
        %dma_start3A_508 = arith.constant 0 : i32
        %dma_start3A_509 = tpu.memref_slice %arg11[%run_scoped3A_495, %dma_start3A_507, %dma_start3A_508] : memref<4x128x16xf32, #tpu.memory_space<vmem>> -> memref<1x128x16xf32, #tpu.memory_space<vmem>>
        %dma_start3A_510 = tpu.memref_squeeze %dma_start3A_509 : memref<1x128x16xf32, #tpu.memory_space<vmem>> -> memref<128x16xf32, #tpu.memory_space<vmem>>
        %dma_start3A_511 = arith.constant 0 : i32
        %dma_start3A_512 = tpu.memref_slice %arg9[%add3A_494, %dma_start3A_511] : memref<80x128xi32, #tpu.memory_space<vmem>> -> memref<1x128xi32, #tpu.memory_space<vmem>>
        %dma_start3A_513 = tpu.memref_squeeze %dma_start3A_512 : memref<1x128xi32, #tpu.memory_space<vmem>> -> memref<128xi32, #tpu.memory_space<vmem>>
        %dma_start3A_514 = arith.constant 0 : i32
        %dma_start3A_515 = arith.constant 0 : i32
        %dma_start3A_516 = tpu.memref_slice %arg16[%dma_start3A_514, %dma_start3A_515] : memref<10240x16xf32, #tpu.memory_space<vmem_shared>> -> memref<10240x16xf32, #tpu.memory_space<vmem_shared>>
        tpu.enqueue_indirect_dma source(%dma_start3A_510 : memref<128x16xf32, #tpu.memory_space<vmem>>) target(%dma_start3A_516 : memref<10240x16xf32, #tpu.memory_space<vmem_shared>>) offsets(%dma_start3A_513 : memref<128xi32, #tpu.memory_space<vmem>>) semaphore(%run_scoped3A_506 : memref<!tpu.dma_semaphore, #tpu.memory_space<semaphore_mem>>) {add = true}
        %dma_wait3A_517 = arith.constant 0 : i32
        %dma_wait3A_518 = arith.constant 0 : i32
        %dma_wait3A_519 = tpu.memref_slice %arg11[%run_scoped3A_495, %dma_wait3A_517, %dma_wait3A_518] : memref<4x128x16xf32, #tpu.memory_space<vmem>> -> memref<1x128x16xf32, #tpu.memory_space<vmem>>
        %dma_wait3A_520 = tpu.memref_squeeze %dma_wait3A_519 : memref<1x128x16xf32, #tpu.memory_space<vmem>> -> memref<128x16xf32, #tpu.memory_space<vmem>>
        %dma_wait3A_521 = arith.constant 0 : i32
        %dma_wait3A_522 = tpu.memref_slice %arg9[%add3A_494, %dma_wait3A_521] : memref<80x128xi32, #tpu.memory_space<vmem>> -> memref<1x128xi32, #tpu.memory_space<vmem>>
        %dma_wait3A_523 = tpu.memref_squeeze %dma_wait3A_522 : memref<1x128xi32, #tpu.memory_space<vmem>> -> memref<128xi32, #tpu.memory_space<vmem>>
        %dma_wait3A_524 = arith.constant 0 : i32
        %dma_wait3A_525 = arith.constant 0 : i32
        %dma_wait3A_526 = tpu.memref_slice %arg16[%dma_wait3A_524, %dma_wait3A_525] : memref<10240x16xf32, #tpu.memory_space<vmem_shared>> -> memref<10240x16xf32, #tpu.memory_space<vmem_shared>>
        tpu.wait_indirect_dma semaphore(%run_scoped3A_506 : memref<!tpu.dma_semaphore, #tpu.memory_space<semaphore_mem>>) src(%dma_wait3A_520 : memref<128x16xf32, #tpu.memory_space<vmem>>) dst(%dma_wait3A_526 : memref<10240x16xf32, #tpu.memory_space<vmem_shared>>)
        tpu.yield
      }) : () -> ()
      %mul3A_496 = arith.constant 4 : i32
      %mul3A_497 = arith.muli %add3A_485, %mul3A_496 : i32
      %add3A_498 = arith.constant 2 : i32
      %add3A_499 = arith.addi %mul3A_497, %add3A_498 : i32
      %run_scoped3A_500 = arith.constant 2 : i32
      "tpu.region"() ({
        %run_scoped3A_506 = tpu.sem_alloc : memref<!tpu.dma_semaphore, #tpu.memory_space<semaphore_mem>>
        %dma_start3A_507 = arith.constant 0 : i32
        %dma_start3A_508 = arith.constant 0 : i32
        %dma_start3A_509 = tpu.memref_slice %arg11[%run_scoped3A_500, %dma_start3A_507, %dma_start3A_508] : memref<4x128x16xf32, #tpu.memory_space<vmem>> -> memref<1x128x16xf32, #tpu.memory_space<vmem>>
        %dma_start3A_510 = tpu.memref_squeeze %dma_start3A_509 : memref<1x128x16xf32, #tpu.memory_space<vmem>> -> memref<128x16xf32, #tpu.memory_space<vmem>>
        %dma_start3A_511 = arith.constant 0 : i32
        %dma_start3A_512 = tpu.memref_slice %arg9[%add3A_499, %dma_start3A_511] : memref<80x128xi32, #tpu.memory_space<vmem>> -> memref<1x128xi32, #tpu.memory_space<vmem>>
        %dma_start3A_513 = tpu.memref_squeeze %dma_start3A_512 : memref<1x128xi32, #tpu.memory_space<vmem>> -> memref<128xi32, #tpu.memory_space<vmem>>
        %dma_start3A_514 = arith.constant 0 : i32
        %dma_start3A_515 = arith.constant 0 : i32
        %dma_start3A_516 = tpu.memref_slice %arg16[%dma_start3A_514, %dma_start3A_515] : memref<10240x16xf32, #tpu.memory_space<vmem_shared>> -> memref<10240x16xf32, #tpu.memory_space<vmem_shared>>
        tpu.enqueue_indirect_dma source(%dma_start3A_510 : memref<128x16xf32, #tpu.memory_space<vmem>>) target(%dma_start3A_516 : memref<10240x16xf32, #tpu.memory_space<vmem_shared>>) offsets(%dma_start3A_513 : memref<128xi32, #tpu.memory_space<vmem>>) semaphore(%run_scoped3A_506 : memref<!tpu.dma_semaphore, #tpu.memory_space<semaphore_mem>>) {add = true}
        %dma_wait3A_517 = arith.constant 0 : i32
        %dma_wait3A_518 = arith.constant 0 : i32
        %dma_wait3A_519 = tpu.memref_slice %arg11[%run_scoped3A_500, %dma_wait3A_517, %dma_wait3A_518] : memref<4x128x16xf32, #tpu.memory_space<vmem>> -> memref<1x128x16xf32, #tpu.memory_space<vmem>>
        %dma_wait3A_520 = tpu.memref_squeeze %dma_wait3A_519 : memref<1x128x16xf32, #tpu.memory_space<vmem>> -> memref<128x16xf32, #tpu.memory_space<vmem>>
        %dma_wait3A_521 = arith.constant 0 : i32
        %dma_wait3A_522 = tpu.memref_slice %arg9[%add3A_499, %dma_wait3A_521] : memref<80x128xi32, #tpu.memory_space<vmem>> -> memref<1x128xi32, #tpu.memory_space<vmem>>
        %dma_wait3A_523 = tpu.memref_squeeze %dma_wait3A_522 : memref<1x128xi32, #tpu.memory_space<vmem>> -> memref<128xi32, #tpu.memory_space<vmem>>
        %dma_wait3A_524 = arith.constant 0 : i32
        %dma_wait3A_525 = arith.constant 0 : i32
        %dma_wait3A_526 = tpu.memref_slice %arg16[%dma_wait3A_524, %dma_wait3A_525] : memref<10240x16xf32, #tpu.memory_space<vmem_shared>> -> memref<10240x16xf32, #tpu.memory_space<vmem_shared>>
        tpu.wait_indirect_dma semaphore(%run_scoped3A_506 : memref<!tpu.dma_semaphore, #tpu.memory_space<semaphore_mem>>) src(%dma_wait3A_520 : memref<128x16xf32, #tpu.memory_space<vmem>>) dst(%dma_wait3A_526 : memref<10240x16xf32, #tpu.memory_space<vmem_shared>>)
        tpu.yield
      }) : () -> ()
      %mul3A_501 = arith.constant 4 : i32
      %mul3A_502 = arith.muli %add3A_485, %mul3A_501 : i32
      %add3A_503 = arith.constant 3 : i32
      %add3A_504 = arith.addi %mul3A_502, %add3A_503 : i32
      %run_scoped3A_505 = arith.constant 3 : i32
      "tpu.region"() ({
        %run_scoped3A_506 = tpu.sem_alloc : memref<!tpu.dma_semaphore, #tpu.memory_space<semaphore_mem>>
        %dma_start3A_507 = arith.constant 0 : i32
        %dma_start3A_508 = arith.constant 0 : i32
        %dma_start3A_509 = tpu.memref_slice %arg11[%run_scoped3A_505, %dma_start3A_507, %dma_start3A_508] : memref<4x128x16xf32, #tpu.memory_space<vmem>> -> memref<1x128x16xf32, #tpu.memory_space<vmem>>
        %dma_start3A_510 = tpu.memref_squeeze %dma_start3A_509 : memref<1x128x16xf32, #tpu.memory_space<vmem>> -> memref<128x16xf32, #tpu.memory_space<vmem>>
        %dma_start3A_511 = arith.constant 0 : i32
        %dma_start3A_512 = tpu.memref_slice %arg9[%add3A_504, %dma_start3A_511] : memref<80x128xi32, #tpu.memory_space<vmem>> -> memref<1x128xi32, #tpu.memory_space<vmem>>
        %dma_start3A_513 = tpu.memref_squeeze %dma_start3A_512 : memref<1x128xi32, #tpu.memory_space<vmem>> -> memref<128xi32, #tpu.memory_space<vmem>>
        %dma_start3A_514 = arith.constant 0 : i32
        %dma_start3A_515 = arith.constant 0 : i32
        %dma_start3A_516 = tpu.memref_slice %arg16[%dma_start3A_514, %dma_start3A_515] : memref<10240x16xf32, #tpu.memory_space<vmem_shared>> -> memref<10240x16xf32, #tpu.memory_space<vmem_shared>>
        tpu.enqueue_indirect_dma source(%dma_start3A_510 : memref<128x16xf32, #tpu.memory_space<vmem>>) target(%dma_start3A_516 : memref<10240x16xf32, #tpu.memory_space<vmem_shared>>) offsets(%dma_start3A_513 : memref<128xi32, #tpu.memory_space<vmem>>) semaphore(%run_scoped3A_506 : memref<!tpu.dma_semaphore, #tpu.memory_space<semaphore_mem>>) {add = true}
        %dma_wait3A_517 = arith.constant 0 : i32
        %dma_wait3A_518 = arith.constant 0 : i32
        %dma_wait3A_519 = tpu.memref_slice %arg11[%run_scoped3A_505, %dma_wait3A_517, %dma_wait3A_518] : memref<4x128x16xf32, #tpu.memory_space<vmem>> -> memref<1x128x16xf32, #tpu.memory_space<vmem>>
        %dma_wait3A_520 = tpu.memref_squeeze %dma_wait3A_519 : memref<1x128x16xf32, #tpu.memory_space<vmem>> -> memref<128x16xf32, #tpu.memory_space<vmem>>
        %dma_wait3A_521 = arith.constant 0 : i32
        %dma_wait3A_522 = tpu.memref_slice %arg9[%add3A_504, %dma_wait3A_521] : memref<80x128xi32, #tpu.memory_space<vmem>> -> memref<1x128xi32, #tpu.memory_space<vmem>>
        %dma_wait3A_523 = tpu.memref_squeeze %dma_wait3A_522 : memref<1x128xi32, #tpu.memory_space<vmem>> -> memref<128xi32, #tpu.memory_space<vmem>>
        %dma_wait3A_524 = arith.constant 0 : i32
        %dma_wait3A_525 = arith.constant 0 : i32
        %dma_wait3A_526 = tpu.memref_slice %arg16[%dma_wait3A_524, %dma_wait3A_525] : memref<10240x16xf32, #tpu.memory_space<vmem_shared>> -> memref<10240x16xf32, #tpu.memory_space<vmem_shared>>
        tpu.wait_indirect_dma semaphore(%run_scoped3A_506 : memref<!tpu.dma_semaphore, #tpu.memory_space<semaphore_mem>>) src(%dma_wait3A_520 : memref<128x16xf32, #tpu.memory_space<vmem>>) dst(%dma_wait3A_526 : memref<10240x16xf32, #tpu.memory_space<vmem_shared>>)
        tpu.yield
      }) : () -> ()
    }
    %scan3A_68 = arith.constant 9 : i32
    %dma_start3A_69 = arith.constant 76 : i32
    %dma_start3A_70 = arith.constant 0 : i32
    %dma_start3A_71 = arith.constant 0 : i32
    %dma_start3A_72 = arith.constant 0 : i32
    %dma_start3A_73 = tpu.memref_slice %arg11[%dma_start3A_70, %dma_start3A_71, %dma_start3A_72] : memref<4x128x16xf32, #tpu.memory_space<vmem>> -> memref<1x128x16xf32, #tpu.memory_space<vmem>>
    %dma_start3A_74 = tpu.memref_squeeze %dma_start3A_73 : memref<1x128x16xf32, #tpu.memory_space<vmem>> -> memref<128x16xf32, #tpu.memory_space<vmem>>
    %dma_start3A_75 = arith.constant 0 : i32
    %dma_start3A_76 = tpu.memref_slice %arg8[%dma_start3A_69, %dma_start3A_75] : memref<80x128xi32, #tpu.memory_space<vmem>> -> memref<1x128xi32, #tpu.memory_space<vmem>>
    %dma_start3A_77 = tpu.memref_squeeze %dma_start3A_76 : memref<1x128xi32, #tpu.memory_space<vmem>> -> memref<128xi32, #tpu.memory_space<vmem>>
    %dma_start3A_78 = arith.constant 0 : i32
    %dma_start3A_79 = arith.constant 0 : i32
    %dma_start3A_80 = tpu.memref_slice %arg17[%dma_start3A_78, %dma_start3A_79] : memref<10240x16xf32, #tpu.memory_space<vmem_shared>> -> memref<10240x16xf32, #tpu.memory_space<vmem_shared>>
    tpu.enqueue_indirect_dma source(%dma_start3A_80 : memref<10240x16xf32, #tpu.memory_space<vmem_shared>>) target(%dma_start3A_74 : memref<128x16xf32, #tpu.memory_space<vmem>>) offsets(%dma_start3A_77 : memref<128xi32, #tpu.memory_space<vmem>>) semaphore(%arg19 : memref<!tpu.dma_semaphore, #tpu.memory_space<semaphore_mem>>)
    %dma_start3A_81 = arith.constant 77 : i32
    %dma_start3A_82 = arith.constant 1 : i32
    %dma_start3A_83 = arith.constant 0 : i32
    %dma_start3A_84 = arith.constant 0 : i32
    %dma_start3A_85 = tpu.memref_slice %arg11[%dma_start3A_82, %dma_start3A_83, %dma_start3A_84] : memref<4x128x16xf32, #tpu.memory_space<vmem>> -> memref<1x128x16xf32, #tpu.memory_space<vmem>>
    %dma_start3A_86 = tpu.memref_squeeze %dma_start3A_85 : memref<1x128x16xf32, #tpu.memory_space<vmem>> -> memref<128x16xf32, #tpu.memory_space<vmem>>
    %dma_start3A_87 = arith.constant 0 : i32
    %dma_start3A_88 = tpu.memref_slice %arg8[%dma_start3A_81, %dma_start3A_87] : memref<80x128xi32, #tpu.memory_space<vmem>> -> memref<1x128xi32, #tpu.memory_space<vmem>>
    %dma_start3A_89 = tpu.memref_squeeze %dma_start3A_88 : memref<1x128xi32, #tpu.memory_space<vmem>> -> memref<128xi32, #tpu.memory_space<vmem>>
    %dma_start3A_90 = arith.constant 0 : i32
    %dma_start3A_91 = arith.constant 0 : i32
    %dma_start3A_92 = tpu.memref_slice %arg17[%dma_start3A_90, %dma_start3A_91] : memref<10240x16xf32, #tpu.memory_space<vmem_shared>> -> memref<10240x16xf32, #tpu.memory_space<vmem_shared>>
    tpu.enqueue_indirect_dma source(%dma_start3A_92 : memref<10240x16xf32, #tpu.memory_space<vmem_shared>>) target(%dma_start3A_86 : memref<128x16xf32, #tpu.memory_space<vmem>>) offsets(%dma_start3A_89 : memref<128xi32, #tpu.memory_space<vmem>>) semaphore(%arg19 : memref<!tpu.dma_semaphore, #tpu.memory_space<semaphore_mem>>)
    %dma_start3A_93 = arith.constant 78 : i32
    %dma_start3A_94 = arith.constant 2 : i32
    %dma_start3A_95 = arith.constant 0 : i32
    %dma_start3A_96 = arith.constant 0 : i32
    %dma_start3A_97 = tpu.memref_slice %arg11[%dma_start3A_94, %dma_start3A_95, %dma_start3A_96] : memref<4x128x16xf32, #tpu.memory_space<vmem>> -> memref<1x128x16xf32, #tpu.memory_space<vmem>>
    %dma_start3A_98 = tpu.memref_squeeze %dma_start3A_97 : memref<1x128x16xf32, #tpu.memory_space<vmem>> -> memref<128x16xf32, #tpu.memory_space<vmem>>
    %dma_start3A_99 = arith.constant 0 : i32
    %dma_start3A_100 = tpu.memref_slice %arg8[%dma_start3A_93, %dma_start3A_99] : memref<80x128xi32, #tpu.memory_space<vmem>> -> memref<1x128xi32, #tpu.memory_space<vmem>>
    %dma_start3A_101 = tpu.memref_squeeze %dma_start3A_100 : memref<1x128xi32, #tpu.memory_space<vmem>> -> memref<128xi32, #tpu.memory_space<vmem>>
    %dma_start3A_102 = arith.constant 0 : i32
    %dma_start3A_103 = arith.constant 0 : i32
    %dma_start3A_104 = tpu.memref_slice %arg17[%dma_start3A_102, %dma_start3A_103] : memref<10240x16xf32, #tpu.memory_space<vmem_shared>> -> memref<10240x16xf32, #tpu.memory_space<vmem_shared>>
    tpu.enqueue_indirect_dma source(%dma_start3A_104 : memref<10240x16xf32, #tpu.memory_space<vmem_shared>>) target(%dma_start3A_98 : memref<128x16xf32, #tpu.memory_space<vmem>>) offsets(%dma_start3A_101 : memref<128xi32, #tpu.memory_space<vmem>>) semaphore(%arg19 : memref<!tpu.dma_semaphore, #tpu.memory_space<semaphore_mem>>)
    %dma_start3A_105 = arith.constant 79 : i32
    %dma_start3A_106 = arith.constant 3 : i32
    %dma_start3A_107 = arith.constant 0 : i32
    %dma_start3A_108 = arith.constant 0 : i32
    %dma_start3A_109 = tpu.memref_slice %arg11[%dma_start3A_106, %dma_start3A_107, %dma_start3A_108] : memref<4x128x16xf32, #tpu.memory_space<vmem>> -> memref<1x128x16xf32, #tpu.memory_space<vmem>>
    %dma_start3A_110 = tpu.memref_squeeze %dma_start3A_109 : memref<1x128x16xf32, #tpu.memory_space<vmem>> -> memref<128x16xf32, #tpu.memory_space<vmem>>
    %dma_start3A_111 = arith.constant 0 : i32
    %dma_start3A_112 = tpu.memref_slice %arg8[%dma_start3A_105, %dma_start3A_111] : memref<80x128xi32, #tpu.memory_space<vmem>> -> memref<1x128xi32, #tpu.memory_space<vmem>>
    %dma_start3A_113 = tpu.memref_squeeze %dma_start3A_112 : memref<1x128xi32, #tpu.memory_space<vmem>> -> memref<128xi32, #tpu.memory_space<vmem>>
    %dma_start3A_114 = arith.constant 0 : i32
    %dma_start3A_115 = arith.constant 0 : i32
    %dma_start3A_116 = tpu.memref_slice %arg17[%dma_start3A_114, %dma_start3A_115] : memref<10240x16xf32, #tpu.memory_space<vmem_shared>> -> memref<10240x16xf32, #tpu.memory_space<vmem_shared>>
    tpu.enqueue_indirect_dma source(%dma_start3A_116 : memref<10240x16xf32, #tpu.memory_space<vmem_shared>>) target(%dma_start3A_110 : memref<128x16xf32, #tpu.memory_space<vmem>>) offsets(%dma_start3A_113 : memref<128xi32, #tpu.memory_space<vmem>>) semaphore(%arg19 : memref<!tpu.dma_semaphore, #tpu.memory_space<semaphore_mem>>)
    %dma_wait3A = arith.constant 0 : i32
    %dma_wait3A_117 = arith.constant 0 : i32
    %dma_wait3A_118 = arith.constant 0 : i32
    %dma_wait3A_119 = arith.constant 0 : i32
    %dma_wait3A_120 = tpu.memref_slice %arg10[%dma_wait3A_117, %dma_wait3A_118, %dma_wait3A_119] : memref<4x128x16xf32, #tpu.memory_space<vmem>> -> memref<1x128x16xf32, #tpu.memory_space<vmem>>
    %dma_wait3A_121 = tpu.memref_squeeze %dma_wait3A_120 : memref<1x128x16xf32, #tpu.memory_space<vmem>> -> memref<128x16xf32, #tpu.memory_space<vmem>>
    %dma_wait3A_122 = arith.constant 0 : i32
    %dma_wait3A_123 = tpu.memref_slice %arg8[%dma_wait3A, %dma_wait3A_122] : memref<80x128xi32, #tpu.memory_space<vmem>> -> memref<1x128xi32, #tpu.memory_space<vmem>>
    %dma_wait3A_124 = tpu.memref_squeeze %dma_wait3A_123 : memref<1x128xi32, #tpu.memory_space<vmem>> -> memref<128xi32, #tpu.memory_space<vmem>>
    %dma_wait3A_125 = arith.constant 0 : i32
    %dma_wait3A_126 = arith.constant 0 : i32
    %dma_wait3A_127 = tpu.memref_slice %arg2[%dma_wait3A_125, %dma_wait3A_126] : memref<10240x16xf32, #tpu.memory_space<hbm>> -> memref<10240x16xf32, #tpu.memory_space<hbm>>
    tpu.wait_indirect_dma semaphore(%arg18 : memref<!tpu.dma_semaphore, #tpu.memory_space<semaphore_mem>>) src(%dma_wait3A_127 : memref<10240x16xf32, #tpu.memory_space<hbm>>) dst(%dma_wait3A_121 : memref<128x16xf32, #tpu.memory_space<vmem>>)
    %dma_wait3A_128 = arith.constant 0 : i32
    %dma_wait3A_129 = arith.constant 1 : i32
    %dma_wait3A_130 = arith.constant 0 : i32
    %dma_wait3A_131 = arith.constant 0 : i32
    %dma_wait3A_132 = tpu.memref_slice %arg10[%dma_wait3A_129, %dma_wait3A_130, %dma_wait3A_131] : memref<4x128x16xf32, #tpu.memory_space<vmem>> -> memref<1x128x16xf32, #tpu.memory_space<vmem>>
    %dma_wait3A_133 = tpu.memref_squeeze %dma_wait3A_132 : memref<1x128x16xf32, #tpu.memory_space<vmem>> -> memref<128x16xf32, #tpu.memory_space<vmem>>
    %dma_wait3A_134 = arith.constant 0 : i32
    %dma_wait3A_135 = tpu.memref_slice %arg8[%dma_wait3A_128, %dma_wait3A_134] : memref<80x128xi32, #tpu.memory_space<vmem>> -> memref<1x128xi32, #tpu.memory_space<vmem>>
    %dma_wait3A_136 = tpu.memref_squeeze %dma_wait3A_135 : memref<1x128xi32, #tpu.memory_space<vmem>> -> memref<128xi32, #tpu.memory_space<vmem>>
    %dma_wait3A_137 = arith.constant 0 : i32
    %dma_wait3A_138 = arith.constant 0 : i32
    %dma_wait3A_139 = tpu.memref_slice %arg2[%dma_wait3A_137, %dma_wait3A_138] : memref<10240x16xf32, #tpu.memory_space<hbm>> -> memref<10240x16xf32, #tpu.memory_space<hbm>>
    tpu.wait_indirect_dma semaphore(%arg18 : memref<!tpu.dma_semaphore, #tpu.memory_space<semaphore_mem>>) src(%dma_wait3A_139 : memref<10240x16xf32, #tpu.memory_space<hbm>>) dst(%dma_wait3A_133 : memref<128x16xf32, #tpu.memory_space<vmem>>)
    %dma_wait3A_140 = arith.constant 0 : i32
    %dma_wait3A_141 = arith.constant 2 : i32
    %dma_wait3A_142 = arith.constant 0 : i32
    %dma_wait3A_143 = arith.constant 0 : i32
    %dma_wait3A_144 = tpu.memref_slice %arg10[%dma_wait3A_141, %dma_wait3A_142, %dma_wait3A_143] : memref<4x128x16xf32, #tpu.memory_space<vmem>> -> memref<1x128x16xf32, #tpu.memory_space<vmem>>
    %dma_wait3A_145 = tpu.memref_squeeze %dma_wait3A_144 : memref<1x128x16xf32, #tpu.memory_space<vmem>> -> memref<128x16xf32, #tpu.memory_space<vmem>>
    %dma_wait3A_146 = arith.constant 0 : i32
    %dma_wait3A_147 = tpu.memref_slice %arg8[%dma_wait3A_140, %dma_wait3A_146] : memref<80x128xi32, #tpu.memory_space<vmem>> -> memref<1x128xi32, #tpu.memory_space<vmem>>
    %dma_wait3A_148 = tpu.memref_squeeze %dma_wait3A_147 : memref<1x128xi32, #tpu.memory_space<vmem>> -> memref<128xi32, #tpu.memory_space<vmem>>
    %dma_wait3A_149 = arith.constant 0 : i32
    %dma_wait3A_150 = arith.constant 0 : i32
    %dma_wait3A_151 = tpu.memref_slice %arg2[%dma_wait3A_149, %dma_wait3A_150] : memref<10240x16xf32, #tpu.memory_space<hbm>> -> memref<10240x16xf32, #tpu.memory_space<hbm>>
    tpu.wait_indirect_dma semaphore(%arg18 : memref<!tpu.dma_semaphore, #tpu.memory_space<semaphore_mem>>) src(%dma_wait3A_151 : memref<10240x16xf32, #tpu.memory_space<hbm>>) dst(%dma_wait3A_145 : memref<128x16xf32, #tpu.memory_space<vmem>>)
    %dma_wait3A_152 = arith.constant 0 : i32
    %dma_wait3A_153 = arith.constant 3 : i32
    %dma_wait3A_154 = arith.constant 0 : i32
    %dma_wait3A_155 = arith.constant 0 : i32
    %dma_wait3A_156 = tpu.memref_slice %arg10[%dma_wait3A_153, %dma_wait3A_154, %dma_wait3A_155] : memref<4x128x16xf32, #tpu.memory_space<vmem>> -> memref<1x128x16xf32, #tpu.memory_space<vmem>>
    %dma_wait3A_157 = tpu.memref_squeeze %dma_wait3A_156 : memref<1x128x16xf32, #tpu.memory_space<vmem>> -> memref<128x16xf32, #tpu.memory_space<vmem>>
    %dma_wait3A_158 = arith.constant 0 : i32
    %dma_wait3A_159 = tpu.memref_slice %arg8[%dma_wait3A_152, %dma_wait3A_158] : memref<80x128xi32, #tpu.memory_space<vmem>> -> memref<1x128xi32, #tpu.memory_space<vmem>>
    %dma_wait3A_160 = tpu.memref_squeeze %dma_wait3A_159 : memref<1x128xi32, #tpu.memory_space<vmem>> -> memref<128xi32, #tpu.memory_space<vmem>>
    %dma_wait3A_161 = arith.constant 0 : i32
    %dma_wait3A_162 = arith.constant 0 : i32
    %dma_wait3A_163 = tpu.memref_slice %arg2[%dma_wait3A_161, %dma_wait3A_162] : memref<10240x16xf32, #tpu.memory_space<hbm>> -> memref<10240x16xf32, #tpu.memory_space<hbm>>
    tpu.wait_indirect_dma semaphore(%arg18 : memref<!tpu.dma_semaphore, #tpu.memory_space<semaphore_mem>>) src(%dma_wait3A_163 : memref<10240x16xf32, #tpu.memory_space<hbm>>) dst(%dma_wait3A_157 : memref<128x16xf32, #tpu.memory_space<vmem>>)
    %run_scoped3A_164 = arith.constant 0 : i32
    %run_scoped3A_165 = arith.constant 72 : i32
    "tpu.region"() ({
      %run_scoped3A_239 = tpu.sem_alloc : memref<!tpu.dma_semaphore, #tpu.memory_space<semaphore_mem>>
      %dma_start3A_240 = arith.constant 0 : i32
      %dma_start3A_241 = arith.constant 0 : i32
      %dma_start3A_242 = tpu.memref_slice %arg10[%run_scoped3A_164, %dma_start3A_240, %dma_start3A_241] : memref<4x128x16xf32, #tpu.memory_space<vmem>> -> memref<1x128x16xf32, #tpu.memory_space<vmem>>
      %dma_start3A_243 = tpu.memref_squeeze %dma_start3A_242 : memref<1x128x16xf32, #tpu.memory_space<vmem>> -> memref<128x16xf32, #tpu.memory_space<vmem>>
      %dma_start3A_244 = arith.constant 0 : i32
      %dma_start3A_245 = tpu.memref_slice %arg9[%run_scoped3A_165, %dma_start3A_244] : memref<80x128xi32, #tpu.memory_space<vmem>> -> memref<1x128xi32, #tpu.memory_space<vmem>>
      %dma_start3A_246 = tpu.memref_squeeze %dma_start3A_245 : memref<1x128xi32, #tpu.memory_space<vmem>> -> memref<128xi32, #tpu.memory_space<vmem>>
      %dma_start3A_247 = arith.constant 0 : i32
      %dma_start3A_248 = arith.constant 0 : i32
      %dma_start3A_249 = tpu.memref_slice %arg16[%dma_start3A_247, %dma_start3A_248] : memref<10240x16xf32, #tpu.memory_space<vmem_shared>> -> memref<10240x16xf32, #tpu.memory_space<vmem_shared>>
      tpu.enqueue_indirect_dma source(%dma_start3A_243 : memref<128x16xf32, #tpu.memory_space<vmem>>) target(%dma_start3A_249 : memref<10240x16xf32, #tpu.memory_space<vmem_shared>>) offsets(%dma_start3A_246 : memref<128xi32, #tpu.memory_space<vmem>>) semaphore(%run_scoped3A_239 : memref<!tpu.dma_semaphore, #tpu.memory_space<semaphore_mem>>) {add = true}
      %dma_wait3A_250 = arith.constant 0 : i32
      %dma_wait3A_251 = arith.constant 0 : i32
      %dma_wait3A_252 = tpu.memref_slice %arg10[%run_scoped3A_164, %dma_wait3A_250, %dma_wait3A_251] : memref<4x128x16xf32, #tpu.memory_space<vmem>> -> memref<1x128x16xf32, #tpu.memory_space<vmem>>
      %dma_wait3A_253 = tpu.memref_squeeze %dma_wait3A_252 : memref<1x128x16xf32, #tpu.memory_space<vmem>> -> memref<128x16xf32, #tpu.memory_space<vmem>>
      %dma_wait3A_254 = arith.constant 0 : i32
      %dma_wait3A_255 = tpu.memref_slice %arg9[%run_scoped3A_165, %dma_wait3A_254] : memref<80x128xi32, #tpu.memory_space<vmem>> -> memref<1x128xi32, #tpu.memory_space<vmem>>
      %dma_wait3A_256 = tpu.memref_squeeze %dma_wait3A_255 : memref<1x128xi32, #tpu.memory_space<vmem>> -> memref<128xi32, #tpu.memory_space<vmem>>
      %dma_wait3A_257 = arith.constant 0 : i32
      %dma_wait3A_258 = arith.constant 0 : i32
      %dma_wait3A_259 = tpu.memref_slice %arg16[%dma_wait3A_257, %dma_wait3A_258] : memref<10240x16xf32, #tpu.memory_space<vmem_shared>> -> memref<10240x16xf32, #tpu.memory_space<vmem_shared>>
      tpu.wait_indirect_dma semaphore(%run_scoped3A_239 : memref<!tpu.dma_semaphore, #tpu.memory_space<semaphore_mem>>) src(%dma_wait3A_253 : memref<128x16xf32, #tpu.memory_space<vmem>>) dst(%dma_wait3A_259 : memref<10240x16xf32, #tpu.memory_space<vmem_shared>>)
      tpu.yield
    }) : () -> ()
    %run_scoped3A_166 = arith.constant 1 : i32
    %run_scoped3A_167 = arith.constant 73 : i32
    "tpu.region"() ({
      %run_scoped3A_239 = tpu.sem_alloc : memref<!tpu.dma_semaphore, #tpu.memory_space<semaphore_mem>>
      %dma_start3A_240 = arith.constant 0 : i32
      %dma_start3A_241 = arith.constant 0 : i32
      %dma_start3A_242 = tpu.memref_slice %arg10[%run_scoped3A_166, %dma_start3A_240, %dma_start3A_241] : memref<4x128x16xf32, #tpu.memory_space<vmem>> -> memref<1x128x16xf32, #tpu.memory_space<vmem>>
      %dma_start3A_243 = tpu.memref_squeeze %dma_start3A_242 : memref<1x128x16xf32, #tpu.memory_space<vmem>> -> memref<128x16xf32, #tpu.memory_space<vmem>>
      %dma_start3A_244 = arith.constant 0 : i32
      %dma_start3A_245 = tpu.memref_slice %arg9[%run_scoped3A_167, %dma_start3A_244] : memref<80x128xi32, #tpu.memory_space<vmem>> -> memref<1x128xi32, #tpu.memory_space<vmem>>
      %dma_start3A_246 = tpu.memref_squeeze %dma_start3A_245 : memref<1x128xi32, #tpu.memory_space<vmem>> -> memref<128xi32, #tpu.memory_space<vmem>>
      %dma_start3A_247 = arith.constant 0 : i32
      %dma_start3A_248 = arith.constant 0 : i32
      %dma_start3A_249 = tpu.memref_slice %arg16[%dma_start3A_247, %dma_start3A_248] : memref<10240x16xf32, #tpu.memory_space<vmem_shared>> -> memref<10240x16xf32, #tpu.memory_space<vmem_shared>>
      tpu.enqueue_indirect_dma source(%dma_start3A_243 : memref<128x16xf32, #tpu.memory_space<vmem>>) target(%dma_start3A_249 : memref<10240x16xf32, #tpu.memory_space<vmem_shared>>) offsets(%dma_start3A_246 : memref<128xi32, #tpu.memory_space<vmem>>) semaphore(%run_scoped3A_239 : memref<!tpu.dma_semaphore, #tpu.memory_space<semaphore_mem>>) {add = true}
      %dma_wait3A_250 = arith.constant 0 : i32
      %dma_wait3A_251 = arith.constant 0 : i32
      %dma_wait3A_252 = tpu.memref_slice %arg10[%run_scoped3A_166, %dma_wait3A_250, %dma_wait3A_251] : memref<4x128x16xf32, #tpu.memory_space<vmem>> -> memref<1x128x16xf32, #tpu.memory_space<vmem>>
      %dma_wait3A_253 = tpu.memref_squeeze %dma_wait3A_252 : memref<1x128x16xf32, #tpu.memory_space<vmem>> -> memref<128x16xf32, #tpu.memory_space<vmem>>
      %dma_wait3A_254 = arith.constant 0 : i32
      %dma_wait3A_255 = tpu.memref_slice %arg9[%run_scoped3A_167, %dma_wait3A_254] : memref<80x128xi32, #tpu.memory_space<vmem>> -> memref<1x128xi32, #tpu.memory_space<vmem>>
      %dma_wait3A_256 = tpu.memref_squeeze %dma_wait3A_255 : memref<1x128xi32, #tpu.memory_space<vmem>> -> memref<128xi32, #tpu.memory_space<vmem>>
      %dma_wait3A_257 = arith.constant 0 : i32
      %dma_wait3A_258 = arith.constant 0 : i32
      %dma_wait3A_259 = tpu.memref_slice %arg16[%dma_wait3A_257, %dma_wait3A_258] : memref<10240x16xf32, #tpu.memory_space<vmem_shared>> -> memref<10240x16xf32, #tpu.memory_space<vmem_shared>>
      tpu.wait_indirect_dma semaphore(%run_scoped3A_239 : memref<!tpu.dma_semaphore, #tpu.memory_space<semaphore_mem>>) src(%dma_wait3A_253 : memref<128x16xf32, #tpu.memory_space<vmem>>) dst(%dma_wait3A_259 : memref<10240x16xf32, #tpu.memory_space<vmem_shared>>)
      tpu.yield
    }) : () -> ()
    %run_scoped3A_168 = arith.constant 2 : i32
    %run_scoped3A_169 = arith.constant 74 : i32
    "tpu.region"() ({
      %run_scoped3A_239 = tpu.sem_alloc : memref<!tpu.dma_semaphore, #tpu.memory_space<semaphore_mem>>
      %dma_start3A_240 = arith.constant 0 : i32
      %dma_start3A_241 = arith.constant 0 : i32
      %dma_start3A_242 = tpu.memref_slice %arg10[%run_scoped3A_168, %dma_start3A_240, %dma_start3A_241] : memref<4x128x16xf32, #tpu.memory_space<vmem>> -> memref<1x128x16xf32, #tpu.memory_space<vmem>>
      %dma_start3A_243 = tpu.memref_squeeze %dma_start3A_242 : memref<1x128x16xf32, #tpu.memory_space<vmem>> -> memref<128x16xf32, #tpu.memory_space<vmem>>
      %dma_start3A_244 = arith.constant 0 : i32
      %dma_start3A_245 = tpu.memref_slice %arg9[%run_scoped3A_169, %dma_start3A_244] : memref<80x128xi32, #tpu.memory_space<vmem>> -> memref<1x128xi32, #tpu.memory_space<vmem>>
      %dma_start3A_246 = tpu.memref_squeeze %dma_start3A_245 : memref<1x128xi32, #tpu.memory_space<vmem>> -> memref<128xi32, #tpu.memory_space<vmem>>
      %dma_start3A_247 = arith.constant 0 : i32
      %dma_start3A_248 = arith.constant 0 : i32
      %dma_start3A_249 = tpu.memref_slice %arg16[%dma_start3A_247, %dma_start3A_248] : memref<10240x16xf32, #tpu.memory_space<vmem_shared>> -> memref<10240x16xf32, #tpu.memory_space<vmem_shared>>
      tpu.enqueue_indirect_dma source(%dma_start3A_243 : memref<128x16xf32, #tpu.memory_space<vmem>>) target(%dma_start3A_249 : memref<10240x16xf32, #tpu.memory_space<vmem_shared>>) offsets(%dma_start3A_246 : memref<128xi32, #tpu.memory_space<vmem>>) semaphore(%run_scoped3A_239 : memref<!tpu.dma_semaphore, #tpu.memory_space<semaphore_mem>>) {add = true}
      %dma_wait3A_250 = arith.constant 0 : i32
      %dma_wait3A_251 = arith.constant 0 : i32
      %dma_wait3A_252 = tpu.memref_slice %arg10[%run_scoped3A_168, %dma_wait3A_250, %dma_wait3A_251] : memref<4x128x16xf32, #tpu.memory_space<vmem>> -> memref<1x128x16xf32, #tpu.memory_space<vmem>>
      %dma_wait3A_253 = tpu.memref_squeeze %dma_wait3A_252 : memref<1x128x16xf32, #tpu.memory_space<vmem>> -> memref<128x16xf32, #tpu.memory_space<vmem>>
      %dma_wait3A_254 = arith.constant 0 : i32
      %dma_wait3A_255 = tpu.memref_slice %arg9[%run_scoped3A_169, %dma_wait3A_254] : memref<80x128xi32, #tpu.memory_space<vmem>> -> memref<1x128xi32, #tpu.memory_space<vmem>>
      %dma_wait3A_256 = tpu.memref_squeeze %dma_wait3A_255 : memref<1x128xi32, #tpu.memory_space<vmem>> -> memref<128xi32, #tpu.memory_space<vmem>>
      %dma_wait3A_257 = arith.constant 0 : i32
      %dma_wait3A_258 = arith.constant 0 : i32
      %dma_wait3A_259 = tpu.memref_slice %arg16[%dma_wait3A_257, %dma_wait3A_258] : memref<10240x16xf32, #tpu.memory_space<vmem_shared>> -> memref<10240x16xf32, #tpu.memory_space<vmem_shared>>
      tpu.wait_indirect_dma semaphore(%run_scoped3A_239 : memref<!tpu.dma_semaphore, #tpu.memory_space<semaphore_mem>>) src(%dma_wait3A_253 : memref<128x16xf32, #tpu.memory_space<vmem>>) dst(%dma_wait3A_259 : memref<10240x16xf32, #tpu.memory_space<vmem_shared>>)
      tpu.yield
    }) : () -> ()
    %run_scoped3A_170 = arith.constant 3 : i32
    %run_scoped3A_171 = arith.constant 75 : i32
    "tpu.region"() ({
      %run_scoped3A_239 = tpu.sem_alloc : memref<!tpu.dma_semaphore, #tpu.memory_space<semaphore_mem>>
      %dma_start3A_240 = arith.constant 0 : i32
      %dma_start3A_241 = arith.constant 0 : i32
      %dma_start3A_242 = tpu.memref_slice %arg10[%run_scoped3A_170, %dma_start3A_240, %dma_start3A_241] : memref<4x128x16xf32, #tpu.memory_space<vmem>> -> memref<1x128x16xf32, #tpu.memory_space<vmem>>
      %dma_start3A_243 = tpu.memref_squeeze %dma_start3A_242 : memref<1x128x16xf32, #tpu.memory_space<vmem>> -> memref<128x16xf32, #tpu.memory_space<vmem>>
      %dma_start3A_244 = arith.constant 0 : i32
      %dma_start3A_245 = tpu.memref_slice %arg9[%run_scoped3A_171, %dma_start3A_244] : memref<80x128xi32, #tpu.memory_space<vmem>> -> memref<1x128xi32, #tpu.memory_space<vmem>>
      %dma_start3A_246 = tpu.memref_squeeze %dma_start3A_245 : memref<1x128xi32, #tpu.memory_space<vmem>> -> memref<128xi32, #tpu.memory_space<vmem>>
      %dma_start3A_247 = arith.constant 0 : i32
      %dma_start3A_248 = arith.constant 0 : i32
      %dma_start3A_249 = tpu.memref_slice %arg16[%dma_start3A_247, %dma_start3A_248] : memref<10240x16xf32, #tpu.memory_space<vmem_shared>> -> memref<10240x16xf32, #tpu.memory_space<vmem_shared>>
      tpu.enqueue_indirect_dma source(%dma_start3A_243 : memref<128x16xf32, #tpu.memory_space<vmem>>) target(%dma_start3A_249 : memref<10240x16xf32, #tpu.memory_space<vmem_shared>>) offsets(%dma_start3A_246 : memref<128xi32, #tpu.memory_space<vmem>>) semaphore(%run_scoped3A_239 : memref<!tpu.dma_semaphore, #tpu.memory_space<semaphore_mem>>) {add = true}
      %dma_wait3A_250 = arith.constant 0 : i32
      %dma_wait3A_251 = arith.constant 0 : i32
      %dma_wait3A_252 = tpu.memref_slice %arg10[%run_scoped3A_170, %dma_wait3A_250, %dma_wait3A_251] : memref<4x128x16xf32, #tpu.memory_space<vmem>> -> memref<1x128x16xf32, #tpu.memory_space<vmem>>
      %dma_wait3A_253 = tpu.memref_squeeze %dma_wait3A_252 : memref<1x128x16xf32, #tpu.memory_space<vmem>> -> memref<128x16xf32, #tpu.memory_space<vmem>>
      %dma_wait3A_254 = arith.constant 0 : i32
      %dma_wait3A_255 = tpu.memref_slice %arg9[%run_scoped3A_171, %dma_wait3A_254] : memref<80x128xi32, #tpu.memory_space<vmem>> -> memref<1x128xi32, #tpu.memory_space<vmem>>
      %dma_wait3A_256 = tpu.memref_squeeze %dma_wait3A_255 : memref<1x128xi32, #tpu.memory_space<vmem>> -> memref<128xi32, #tpu.memory_space<vmem>>
      %dma_wait3A_257 = arith.constant 0 : i32
      %dma_wait3A_258 = arith.constant 0 : i32
      %dma_wait3A_259 = tpu.memref_slice %arg16[%dma_wait3A_257, %dma_wait3A_258] : memref<10240x16xf32, #tpu.memory_space<vmem_shared>> -> memref<10240x16xf32, #tpu.memory_space<vmem_shared>>
      tpu.wait_indirect_dma semaphore(%run_scoped3A_239 : memref<!tpu.dma_semaphore, #tpu.memory_space<semaphore_mem>>) src(%dma_wait3A_253 : memref<128x16xf32, #tpu.memory_space<vmem>>) dst(%dma_wait3A_259 : memref<10240x16xf32, #tpu.memory_space<vmem_shared>>)
      tpu.yield
    }) : () -> ()
    %dma_wait3A_172 = arith.constant 0 : i32
    %dma_wait3A_173 = arith.constant 0 : i32
    %dma_wait3A_174 = arith.constant 0 : i32
    %dma_wait3A_175 = arith.constant 0 : i32
    %dma_wait3A_176 = tpu.memref_slice %arg11[%dma_wait3A_173, %dma_wait3A_174, %dma_wait3A_175] : memref<4x128x16xf32, #tpu.memory_space<vmem>> -> memref<1x128x16xf32, #tpu.memory_space<vmem>>
    %dma_wait3A_177 = tpu.memref_squeeze %dma_wait3A_176 : memref<1x128x16xf32, #tpu.memory_space<vmem>> -> memref<128x16xf32, #tpu.memory_space<vmem>>
    %dma_wait3A_178 = arith.constant 0 : i32
    %dma_wait3A_179 = tpu.memref_slice %arg8[%dma_wait3A_172, %dma_wait3A_178] : memref<80x128xi32, #tpu.memory_space<vmem>> -> memref<1x128xi32, #tpu.memory_space<vmem>>
    %dma_wait3A_180 = tpu.memref_squeeze %dma_wait3A_179 : memref<1x128xi32, #tpu.memory_space<vmem>> -> memref<128xi32, #tpu.memory_space<vmem>>
    %dma_wait3A_181 = arith.constant 0 : i32
    %dma_wait3A_182 = arith.constant 0 : i32
    %dma_wait3A_183 = tpu.memref_slice %arg2[%dma_wait3A_181, %dma_wait3A_182] : memref<10240x16xf32, #tpu.memory_space<hbm>> -> memref<10240x16xf32, #tpu.memory_space<hbm>>
    tpu.wait_indirect_dma semaphore(%arg19 : memref<!tpu.dma_semaphore, #tpu.memory_space<semaphore_mem>>) src(%dma_wait3A_183 : memref<10240x16xf32, #tpu.memory_space<hbm>>) dst(%dma_wait3A_177 : memref<128x16xf32, #tpu.memory_space<vmem>>)
    %dma_wait3A_184 = arith.constant 0 : i32
    %dma_wait3A_185 = arith.constant 1 : i32
    %dma_wait3A_186 = arith.constant 0 : i32
    %dma_wait3A_187 = arith.constant 0 : i32
    %dma_wait3A_188 = tpu.memref_slice %arg11[%dma_wait3A_185, %dma_wait3A_186, %dma_wait3A_187] : memref<4x128x16xf32, #tpu.memory_space<vmem>> -> memref<1x128x16xf32, #tpu.memory_space<vmem>>
    %dma_wait3A_189 = tpu.memref_squeeze %dma_wait3A_188 : memref<1x128x16xf32, #tpu.memory_space<vmem>> -> memref<128x16xf32, #tpu.memory_space<vmem>>
    %dma_wait3A_190 = arith.constant 0 : i32
    %dma_wait3A_191 = tpu.memref_slice %arg8[%dma_wait3A_184, %dma_wait3A_190] : memref<80x128xi32, #tpu.memory_space<vmem>> -> memref<1x128xi32, #tpu.memory_space<vmem>>
    %dma_wait3A_192 = tpu.memref_squeeze %dma_wait3A_191 : memref<1x128xi32, #tpu.memory_space<vmem>> -> memref<128xi32, #tpu.memory_space<vmem>>
    %dma_wait3A_193 = arith.constant 0 : i32
    %dma_wait3A_194 = arith.constant 0 : i32
    %dma_wait3A_195 = tpu.memref_slice %arg2[%dma_wait3A_193, %dma_wait3A_194] : memref<10240x16xf32, #tpu.memory_space<hbm>> -> memref<10240x16xf32, #tpu.memory_space<hbm>>
    tpu.wait_indirect_dma semaphore(%arg19 : memref<!tpu.dma_semaphore, #tpu.memory_space<semaphore_mem>>) src(%dma_wait3A_195 : memref<10240x16xf32, #tpu.memory_space<hbm>>) dst(%dma_wait3A_189 : memref<128x16xf32, #tpu.memory_space<vmem>>)
    %dma_wait3A_196 = arith.constant 0 : i32
    %dma_wait3A_197 = arith.constant 2 : i32
    %dma_wait3A_198 = arith.constant 0 : i32
    %dma_wait3A_199 = arith.constant 0 : i32
    %dma_wait3A_200 = tpu.memref_slice %arg11[%dma_wait3A_197, %dma_wait3A_198, %dma_wait3A_199] : memref<4x128x16xf32, #tpu.memory_space<vmem>> -> memref<1x128x16xf32, #tpu.memory_space<vmem>>
    %dma_wait3A_201 = tpu.memref_squeeze %dma_wait3A_200 : memref<1x128x16xf32, #tpu.memory_space<vmem>> -> memref<128x16xf32, #tpu.memory_space<vmem>>
    %dma_wait3A_202 = arith.constant 0 : i32
    %dma_wait3A_203 = tpu.memref_slice %arg8[%dma_wait3A_196, %dma_wait3A_202] : memref<80x128xi32, #tpu.memory_space<vmem>> -> memref<1x128xi32, #tpu.memory_space<vmem>>
    %dma_wait3A_204 = tpu.memref_squeeze %dma_wait3A_203 : memref<1x128xi32, #tpu.memory_space<vmem>> -> memref<128xi32, #tpu.memory_space<vmem>>
    %dma_wait3A_205 = arith.constant 0 : i32
    %dma_wait3A_206 = arith.constant 0 : i32
    %dma_wait3A_207 = tpu.memref_slice %arg2[%dma_wait3A_205, %dma_wait3A_206] : memref<10240x16xf32, #tpu.memory_space<hbm>> -> memref<10240x16xf32, #tpu.memory_space<hbm>>
    tpu.wait_indirect_dma semaphore(%arg19 : memref<!tpu.dma_semaphore, #tpu.memory_space<semaphore_mem>>) src(%dma_wait3A_207 : memref<10240x16xf32, #tpu.memory_space<hbm>>) dst(%dma_wait3A_201 : memref<128x16xf32, #tpu.memory_space<vmem>>)
    %dma_wait3A_208 = arith.constant 0 : i32
    %dma_wait3A_209 = arith.constant 3 : i32
    %dma_wait3A_210 = arith.constant 0 : i32
    %dma_wait3A_211 = arith.constant 0 : i32
    %dma_wait3A_212 = tpu.memref_slice %arg11[%dma_wait3A_209, %dma_wait3A_210, %dma_wait3A_211] : memref<4x128x16xf32, #tpu.memory_space<vmem>> -> memref<1x128x16xf32, #tpu.memory_space<vmem>>
    %dma_wait3A_213 = tpu.memref_squeeze %dma_wait3A_212 : memref<1x128x16xf32, #tpu.memory_space<vmem>> -> memref<128x16xf32, #tpu.memory_space<vmem>>
    %dma_wait3A_214 = arith.constant 0 : i32
    %dma_wait3A_215 = tpu.memref_slice %arg8[%dma_wait3A_208, %dma_wait3A_214] : memref<80x128xi32, #tpu.memory_space<vmem>> -> memref<1x128xi32, #tpu.memory_space<vmem>>
    %dma_wait3A_216 = tpu.memref_squeeze %dma_wait3A_215 : memref<1x128xi32, #tpu.memory_space<vmem>> -> memref<128xi32, #tpu.memory_space<vmem>>
    %dma_wait3A_217 = arith.constant 0 : i32
    %dma_wait3A_218 = arith.constant 0 : i32
    %dma_wait3A_219 = tpu.memref_slice %arg2[%dma_wait3A_217, %dma_wait3A_218] : memref<10240x16xf32, #tpu.memory_space<hbm>> -> memref<10240x16xf32, #tpu.memory_space<hbm>>
    tpu.wait_indirect_dma semaphore(%arg19 : memref<!tpu.dma_semaphore, #tpu.memory_space<semaphore_mem>>) src(%dma_wait3A_219 : memref<10240x16xf32, #tpu.memory_space<hbm>>) dst(%dma_wait3A_213 : memref<128x16xf32, #tpu.memory_space<vmem>>)
    %run_scoped3A_220 = arith.constant 0 : i32
    %run_scoped3A_221 = arith.constant 76 : i32
    "tpu.region"() ({
      %run_scoped3A_239 = tpu.sem_alloc : memref<!tpu.dma_semaphore, #tpu.memory_space<semaphore_mem>>
      %dma_start3A_240 = arith.constant 0 : i32
      %dma_start3A_241 = arith.constant 0 : i32
      %dma_start3A_242 = tpu.memref_slice %arg11[%run_scoped3A_220, %dma_start3A_240, %dma_start3A_241] : memref<4x128x16xf32, #tpu.memory_space<vmem>> -> memref<1x128x16xf32, #tpu.memory_space<vmem>>
      %dma_start3A_243 = tpu.memref_squeeze %dma_start3A_242 : memref<1x128x16xf32, #tpu.memory_space<vmem>> -> memref<128x16xf32, #tpu.memory_space<vmem>>
      %dma_start3A_244 = arith.constant 0 : i32
      %dma_start3A_245 = tpu.memref_slice %arg9[%run_scoped3A_221, %dma_start3A_244] : memref<80x128xi32, #tpu.memory_space<vmem>> -> memref<1x128xi32, #tpu.memory_space<vmem>>
      %dma_start3A_246 = tpu.memref_squeeze %dma_start3A_245 : memref<1x128xi32, #tpu.memory_space<vmem>> -> memref<128xi32, #tpu.memory_space<vmem>>
      %dma_start3A_247 = arith.constant 0 : i32
      %dma_start3A_248 = arith.constant 0 : i32
      %dma_start3A_249 = tpu.memref_slice %arg16[%dma_start3A_247, %dma_start3A_248] : memref<10240x16xf32, #tpu.memory_space<vmem_shared>> -> memref<10240x16xf32, #tpu.memory_space<vmem_shared>>
      tpu.enqueue_indirect_dma source(%dma_start3A_243 : memref<128x16xf32, #tpu.memory_space<vmem>>) target(%dma_start3A_249 : memref<10240x16xf32, #tpu.memory_space<vmem_shared>>) offsets(%dma_start3A_246 : memref<128xi32, #tpu.memory_space<vmem>>) semaphore(%run_scoped3A_239 : memref<!tpu.dma_semaphore, #tpu.memory_space<semaphore_mem>>) {add = true}
      %dma_wait3A_250 = arith.constant 0 : i32
      %dma_wait3A_251 = arith.constant 0 : i32
      %dma_wait3A_252 = tpu.memref_slice %arg11[%run_scoped3A_220, %dma_wait3A_250, %dma_wait3A_251] : memref<4x128x16xf32, #tpu.memory_space<vmem>> -> memref<1x128x16xf32, #tpu.memory_space<vmem>>
      %dma_wait3A_253 = tpu.memref_squeeze %dma_wait3A_252 : memref<1x128x16xf32, #tpu.memory_space<vmem>> -> memref<128x16xf32, #tpu.memory_space<vmem>>
      %dma_wait3A_254 = arith.constant 0 : i32
      %dma_wait3A_255 = tpu.memref_slice %arg9[%run_scoped3A_221, %dma_wait3A_254] : memref<80x128xi32, #tpu.memory_space<vmem>> -> memref<1x128xi32, #tpu.memory_space<vmem>>
      %dma_wait3A_256 = tpu.memref_squeeze %dma_wait3A_255 : memref<1x128xi32, #tpu.memory_space<vmem>> -> memref<128xi32, #tpu.memory_space<vmem>>
      %dma_wait3A_257 = arith.constant 0 : i32
      %dma_wait3A_258 = arith.constant 0 : i32
      %dma_wait3A_259 = tpu.memref_slice %arg16[%dma_wait3A_257, %dma_wait3A_258] : memref<10240x16xf32, #tpu.memory_space<vmem_shared>> -> memref<10240x16xf32, #tpu.memory_space<vmem_shared>>
      tpu.wait_indirect_dma semaphore(%run_scoped3A_239 : memref<!tpu.dma_semaphore, #tpu.memory_space<semaphore_mem>>) src(%dma_wait3A_253 : memref<128x16xf32, #tpu.memory_space<vmem>>) dst(%dma_wait3A_259 : memref<10240x16xf32, #tpu.memory_space<vmem_shared>>)
      tpu.yield
    }) : () -> ()
    %run_scoped3A_222 = arith.constant 1 : i32
    %run_scoped3A_223 = arith.constant 77 : i32
    "tpu.region"() ({
      %run_scoped3A_239 = tpu.sem_alloc : memref<!tpu.dma_semaphore, #tpu.memory_space<semaphore_mem>>
      %dma_start3A_240 = arith.constant 0 : i32
      %dma_start3A_241 = arith.constant 0 : i32
      %dma_start3A_242 = tpu.memref_slice %arg11[%run_scoped3A_222, %dma_start3A_240, %dma_start3A_241] : memref<4x128x16xf32, #tpu.memory_space<vmem>> -> memref<1x128x16xf32, #tpu.memory_space<vmem>>
      %dma_start3A_243 = tpu.memref_squeeze %dma_start3A_242 : memref<1x128x16xf32, #tpu.memory_space<vmem>> -> memref<128x16xf32, #tpu.memory_space<vmem>>
      %dma_start3A_244 = arith.constant 0 : i32
      %dma_start3A_245 = tpu.memref_slice %arg9[%run_scoped3A_223, %dma_start3A_244] : memref<80x128xi32, #tpu.memory_space<vmem>> -> memref<1x128xi32, #tpu.memory_space<vmem>>
      %dma_start3A_246 = tpu.memref_squeeze %dma_start3A_245 : memref<1x128xi32, #tpu.memory_space<vmem>> -> memref<128xi32, #tpu.memory_space<vmem>>
      %dma_start3A_247 = arith.constant 0 : i32
      %dma_start3A_248 = arith.constant 0 : i32
      %dma_start3A_249 = tpu.memref_slice %arg16[%dma_start3A_247, %dma_start3A_248] : memref<10240x16xf32, #tpu.memory_space<vmem_shared>> -> memref<10240x16xf32, #tpu.memory_space<vmem_shared>>
      tpu.enqueue_indirect_dma source(%dma_start3A_243 : memref<128x16xf32, #tpu.memory_space<vmem>>) target(%dma_start3A_249 : memref<10240x16xf32, #tpu.memory_space<vmem_shared>>) offsets(%dma_start3A_246 : memref<128xi32, #tpu.memory_space<vmem>>) semaphore(%run_scoped3A_239 : memref<!tpu.dma_semaphore, #tpu.memory_space<semaphore_mem>>) {add = true}
      %dma_wait3A_250 = arith.constant 0 : i32
      %dma_wait3A_251 = arith.constant 0 : i32
      %dma_wait3A_252 = tpu.memref_slice %arg11[%run_scoped3A_222, %dma_wait3A_250, %dma_wait3A_251] : memref<4x128x16xf32, #tpu.memory_space<vmem>> -> memref<1x128x16xf32, #tpu.memory_space<vmem>>
      %dma_wait3A_253 = tpu.memref_squeeze %dma_wait3A_252 : memref<1x128x16xf32, #tpu.memory_space<vmem>> -> memref<128x16xf32, #tpu.memory_space<vmem>>
      %dma_wait3A_254 = arith.constant 0 : i32
      %dma_wait3A_255 = tpu.memref_slice %arg9[%run_scoped3A_223, %dma_wait3A_254] : memref<80x128xi32, #tpu.memory_space<vmem>> -> memref<1x128xi32, #tpu.memory_space<vmem>>
      %dma_wait3A_256 = tpu.memref_squeeze %dma_wait3A_255 : memref<1x128xi32, #tpu.memory_space<vmem>> -> memref<128xi32, #tpu.memory_space<vmem>>
      %dma_wait3A_257 = arith.constant 0 : i32
      %dma_wait3A_258 = arith.constant 0 : i32
      %dma_wait3A_259 = tpu.memref_slice %arg16[%dma_wait3A_257, %dma_wait3A_258] : memref<10240x16xf32, #tpu.memory_space<vmem_shared>> -> memref<10240x16xf32, #tpu.memory_space<vmem_shared>>
      tpu.wait_indirect_dma semaphore(%run_scoped3A_239 : memref<!tpu.dma_semaphore, #tpu.memory_space<semaphore_mem>>) src(%dma_wait3A_253 : memref<128x16xf32, #tpu.memory_space<vmem>>) dst(%dma_wait3A_259 : memref<10240x16xf32, #tpu.memory_space<vmem_shared>>)
      tpu.yield
    }) : () -> ()
    %run_scoped3A_224 = arith.constant 2 : i32
    %run_scoped3A_225 = arith.constant 78 : i32
    "tpu.region"() ({
      %run_scoped3A_239 = tpu.sem_alloc : memref<!tpu.dma_semaphore, #tpu.memory_space<semaphore_mem>>
      %dma_start3A_240 = arith.constant 0 : i32
      %dma_start3A_241 = arith.constant 0 : i32
      %dma_start3A_242 = tpu.memref_slice %arg11[%run_scoped3A_224, %dma_start3A_240, %dma_start3A_241] : memref<4x128x16xf32, #tpu.memory_space<vmem>> -> memref<1x128x16xf32, #tpu.memory_space<vmem>>
      %dma_start3A_243 = tpu.memref_squeeze %dma_start3A_242 : memref<1x128x16xf32, #tpu.memory_space<vmem>> -> memref<128x16xf32, #tpu.memory_space<vmem>>
      %dma_start3A_244 = arith.constant 0 : i32
      %dma_start3A_245 = tpu.memref_slice %arg9[%run_scoped3A_225, %dma_start3A_244] : memref<80x128xi32, #tpu.memory_space<vmem>> -> memref<1x128xi32, #tpu.memory_space<vmem>>
      %dma_start3A_246 = tpu.memref_squeeze %dma_start3A_245 : memref<1x128xi32, #tpu.memory_space<vmem>> -> memref<128xi32, #tpu.memory_space<vmem>>
      %dma_start3A_247 = arith.constant 0 : i32
      %dma_start3A_248 = arith.constant 0 : i32
      %dma_start3A_249 = tpu.memref_slice %arg16[%dma_start3A_247, %dma_start3A_248] : memref<10240x16xf32, #tpu.memory_space<vmem_shared>> -> memref<10240x16xf32, #tpu.memory_space<vmem_shared>>
      tpu.enqueue_indirect_dma source(%dma_start3A_243 : memref<128x16xf32, #tpu.memory_space<vmem>>) target(%dma_start3A_249 : memref<10240x16xf32, #tpu.memory_space<vmem_shared>>) offsets(%dma_start3A_246 : memref<128xi32, #tpu.memory_space<vmem>>) semaphore(%run_scoped3A_239 : memref<!tpu.dma_semaphore, #tpu.memory_space<semaphore_mem>>) {add = true}
      %dma_wait3A_250 = arith.constant 0 : i32
      %dma_wait3A_251 = arith.constant 0 : i32
      %dma_wait3A_252 = tpu.memref_slice %arg11[%run_scoped3A_224, %dma_wait3A_250, %dma_wait3A_251] : memref<4x128x16xf32, #tpu.memory_space<vmem>> -> memref<1x128x16xf32, #tpu.memory_space<vmem>>
      %dma_wait3A_253 = tpu.memref_squeeze %dma_wait3A_252 : memref<1x128x16xf32, #tpu.memory_space<vmem>> -> memref<128x16xf32, #tpu.memory_space<vmem>>
      %dma_wait3A_254 = arith.constant 0 : i32
      %dma_wait3A_255 = tpu.memref_slice %arg9[%run_scoped3A_225, %dma_wait3A_254] : memref<80x128xi32, #tpu.memory_space<vmem>> -> memref<1x128xi32, #tpu.memory_space<vmem>>
      %dma_wait3A_256 = tpu.memref_squeeze %dma_wait3A_255 : memref<1x128xi32, #tpu.memory_space<vmem>> -> memref<128xi32, #tpu.memory_space<vmem>>
      %dma_wait3A_257 = arith.constant 0 : i32
      %dma_wait3A_258 = arith.constant 0 : i32
      %dma_wait3A_259 = tpu.memref_slice %arg16[%dma_wait3A_257, %dma_wait3A_258] : memref<10240x16xf32, #tpu.memory_space<vmem_shared>> -> memref<10240x16xf32, #tpu.memory_space<vmem_shared>>
      tpu.wait_indirect_dma semaphore(%run_scoped3A_239 : memref<!tpu.dma_semaphore, #tpu.memory_space<semaphore_mem>>) src(%dma_wait3A_253 : memref<128x16xf32, #tpu.memory_space<vmem>>) dst(%dma_wait3A_259 : memref<10240x16xf32, #tpu.memory_space<vmem_shared>>)
      tpu.yield
    }) : () -> ()
    %run_scoped3A_226 = arith.constant 3 : i32
    %run_scoped3A_227 = arith.constant 79 : i32
    "tpu.region"() ({
      %run_scoped3A_239 = tpu.sem_alloc : memref<!tpu.dma_semaphore, #tpu.memory_space<semaphore_mem>>
      %dma_start3A_240 = arith.constant 0 : i32
      %dma_start3A_241 = arith.constant 0 : i32
      %dma_start3A_242 = tpu.memref_slice %arg11[%run_scoped3A_226, %dma_start3A_240, %dma_start3A_241] : memref<4x128x16xf32, #tpu.memory_space<vmem>> -> memref<1x128x16xf32, #tpu.memory_space<vmem>>
      %dma_start3A_243 = tpu.memref_squeeze %dma_start3A_242 : memref<1x128x16xf32, #tpu.memory_space<vmem>> -> memref<128x16xf32, #tpu.memory_space<vmem>>
      %dma_start3A_244 = arith.constant 0 : i32
      %dma_start3A_245 = tpu.memref_slice %arg9[%run_scoped3A_227, %dma_start3A_244] : memref<80x128xi32, #tpu.memory_space<vmem>> -> memref<1x128xi32, #tpu.memory_space<vmem>>
      %dma_start3A_246 = tpu.memref_squeeze %dma_start3A_245 : memref<1x128xi32, #tpu.memory_space<vmem>> -> memref<128xi32, #tpu.memory_space<vmem>>
      %dma_start3A_247 = arith.constant 0 : i32
      %dma_start3A_248 = arith.constant 0 : i32
      %dma_start3A_249 = tpu.memref_slice %arg16[%dma_start3A_247, %dma_start3A_248] : memref<10240x16xf32, #tpu.memory_space<vmem_shared>> -> memref<10240x16xf32, #tpu.memory_space<vmem_shared>>
      tpu.enqueue_indirect_dma source(%dma_start3A_243 : memref<128x16xf32, #tpu.memory_space<vmem>>) target(%dma_start3A_249 : memref<10240x16xf32, #tpu.memory_space<vmem_shared>>) offsets(%dma_start3A_246 : memref<128xi32, #tpu.memory_space<vmem>>) semaphore(%run_scoped3A_239 : memref<!tpu.dma_semaphore, #tpu.memory_space<semaphore_mem>>) {add = true}
      %dma_wait3A_250 = arith.constant 0 : i32
      %dma_wait3A_251 = arith.constant 0 : i32
      %dma_wait3A_252 = tpu.memref_slice %arg11[%run_scoped3A_226, %dma_wait3A_250, %dma_wait3A_251] : memref<4x128x16xf32, #tpu.memory_space<vmem>> -> memref<1x128x16xf32, #tpu.memory_space<vmem>>
      %dma_wait3A_253 = tpu.memref_squeeze %dma_wait3A_252 : memref<1x128x16xf32, #tpu.memory_space<vmem>> -> memref<128x16xf32, #tpu.memory_space<vmem>>
      %dma_wait3A_254 = arith.constant 0 : i32
      %dma_wait3A_255 = tpu.memref_slice %arg9[%run_scoped3A_227, %dma_wait3A_254] : memref<80x128xi32, #tpu.memory_space<vmem>> -> memref<1x128xi32, #tpu.memory_space<vmem>>
      %dma_wait3A_256 = tpu.memref_squeeze %dma_wait3A_255 : memref<1x128xi32, #tpu.memory_space<vmem>> -> memref<128xi32, #tpu.memory_space<vmem>>
      %dma_wait3A_257 = arith.constant 0 : i32
      %dma_wait3A_258 = arith.constant 0 : i32
      %dma_wait3A_259 = tpu.memref_slice %arg16[%dma_wait3A_257, %dma_wait3A_258] : memref<10240x16xf32, #tpu.memory_space<vmem_shared>> -> memref<10240x16xf32, #tpu.memory_space<vmem_shared>>
      tpu.wait_indirect_dma semaphore(%run_scoped3A_239 : memref<!tpu.dma_semaphore, #tpu.memory_space<semaphore_mem>>) src(%dma_wait3A_253 : memref<128x16xf32, #tpu.memory_space<vmem>>) dst(%dma_wait3A_259 : memref<10240x16xf32, #tpu.memory_space<vmem_shared>>)
      tpu.yield
    }) : () -> ()
    %barrier3A_228 = arith.constant 0 : index
    tpu.barrier barrier_id(%barrier3A_228)
    "tpu.region"() ({
      %run_scoped3A_239 = tpu.sem_alloc : memref<!tpu.dma_semaphore, #tpu.memory_space<semaphore_mem>>
      %dma_start3A_240 = arith.constant 0 : i32
      %dma_start3A_241 = tpu.memref_slice %arg16[%mul3A_2, %dma_start3A_240] : memref<10240x16xf32, #tpu.memory_space<vmem_shared>> -> memref<640x16xf32, #tpu.memory_space<vmem_shared>>
      %dma_start3A_242 = arith.constant 0 : i32
      %dma_start3A_243 = tpu.memref_slice %arg16[%mul3A_2, %dma_start3A_242] : memref<10240x16xf32, #tpu.memory_space<vmem_shared>> -> memref<640x16xf32, #tpu.memory_space<vmem_shared>>
      tpu.enqueue_dma source(%dma_start3A_243 : memref<640x16xf32, #tpu.memory_space<vmem_shared>>) target(%arg13 : memref<640x16xf32, #tpu.memory_space<vmem>>) target_semaphore(%run_scoped3A_239 : memref<!tpu.dma_semaphore, #tpu.memory_space<semaphore_mem>>)
      %dma_wait3A_244 = arith.constant 0 : i32
      %dma_wait3A_245 = tpu.memref_slice %arg16[%mul3A_2, %dma_wait3A_244] : memref<10240x16xf32, #tpu.memory_space<vmem_shared>> -> memref<640x16xf32, #tpu.memory_space<vmem_shared>>
      %dma_wait3A_246 = arith.constant 0 : i32
      %dma_wait3A_247 = tpu.memref_slice %arg16[%mul3A_2, %dma_wait3A_246] : memref<10240x16xf32, #tpu.memory_space<vmem_shared>> -> memref<640x16xf32, #tpu.memory_space<vmem_shared>>
      tpu.wait_dma2 semaphore(%run_scoped3A_239 : memref<!tpu.dma_semaphore, #tpu.memory_space<semaphore_mem>>) src(%dma_wait3A_247 : memref<640x16xf32, #tpu.memory_space<vmem_shared>>) dst(%arg13 : memref<640x16xf32, #tpu.memory_space<vmem>>)
      tpu.yield
    }) : () -> ()
    %broadcast_in_dim3A = vector.broadcast %arg0 : i32 to vector<16xi32>
    %eq3A = arith.constant 0 : i32
    %eq3A_229 = vector.broadcast %eq3A : i32 to vector<16xi32>
    %eq3A_230 = arith.cmpi eq, %broadcast_in_dim3A, %eq3A_229 : vector<16xi32>
    %jit3A = arith.constant 1.000000e+00 : f32
    %jit3A_231 = arith.constant 0.000000e+00 : f32
    %broadcast_in_dim3A_232 = vector.broadcast %jit3A : f32 to vector<16xf32>
    %broadcast_in_dim3A_233 = vector.broadcast %jit3A_231 : f32 to vector<16xf32>
    %select_n3A = arith.select %eq3A_230, %broadcast_in_dim3A_232, %broadcast_in_dim3A_233 : vector<16xi1>, vector<16xf32>
    %scan3A_234 = arith.constant 0 : i32
    %scan3A_235 = arith.constant 320 : i32
    %scan3A_236 = arith.addi %scan3A_234, %scan3A_235 : i32
    %scan3A_237 = arith.constant 1 : i32
    scf.for %scan3A_239 = %scan3A_234 to %scan3A_236 step %scan3A_237  : i32 {
      %mul3A_240 = arith.constant 2 : i32
      %mul3A_241 = arith.muli %scan3A_239, %mul3A_240 : i32
      %add3A_242 = arith.constant 0 : i32
      %add3A_243 = arith.addi %add3A_242, %mul3A_241 : i32
      %add3A_244 = arith.constant 0 : i32
      %add3A_245 = arith.addi %add3A_243, %add3A_244 : i32
      %broadcast_in_dim3A_246 = vector.broadcast %add3A_245 : i32 to vector<16xi32>
      %gather3A = tpu.vector_load_idx %arg14[%broadcast_in_dim3A_246] : memref<640xf32, #tpu.memory_space<vmem>>[vector<16xi32>], vector<16xf32>,
      %add3A_247 = arith.constant 0 : i32
      %add3A_248 = arith.addi %add3A_243, %add3A_247 : i32
      %get3A = arith.index_cast %add3A_248 : i32 to index
      %get3A_249 = arith.constant 0 : index
      %get3A_250 = tpu.vector_load %arg13[%get3A, %get3A_249] {strides = array<i32>} : memref<640x16xf32, #tpu.memory_space<vmem>>, vector<16xf32>,
      %add3A_251 = arith.constant 0 : i32
      %add3A_252 = arith.addi %add3A_243, %add3A_251 : i32
      %get3A_253 = arith.index_cast %add3A_252 : i32 to index
      %get3A_254 = arith.constant 0 : index
      %get3A_255 = tpu.vector_load %arg12[%get3A_253, %get3A_254] {strides = array<i32>} : memref<640x16xf32, #tpu.memory_space<vmem>>, vector<16xf32>,
      %mul3A_256 = arith.mulf %select_n3A, %get3A_255 : vector<16xf32>
      %add3A_257 = arith.addf %get3A_250, %mul3A_256 : vector<16xf32>
      %mul3A_258 = arith.mulf %add3A_257, %gather3A : vector<16xf32>
      %add3A_259 = arith.constant 0 : i32
      %add3A_260 = arith.addi %add3A_243, %add3A_259 : i32
      %swap3A = arith.index_cast %add3A_260 : i32 to index
      %swap3A_261 = arith.constant 0 : index
      %swap3A_262 = tpu.vector_load %arg13[%swap3A, %swap3A_261] {strides = array<i32>} : memref<640x16xf32, #tpu.memory_space<vmem>>, vector<16xf32>,
      tpu.vector_store %arg13[%swap3A, %swap3A_261], %mul3A_258 {strides = array<i32>} : memref<640x16xf32, #tpu.memory_space<vmem>>, vector<16xf32>,
      %add3A_263 = arith.constant 1 : i32
      %add3A_264 = arith.addi %add3A_243, %add3A_263 : i32
      %broadcast_in_dim3A_265 = vector.broadcast %add3A_264 : i32 to vector<16xi32>
      %gather3A_266 = tpu.vector_load_idx %arg14[%broadcast_in_dim3A_265] : memref<640xf32, #tpu.memory_space<vmem>>[vector<16xi32>], vector<16xf32>,
      %add3A_267 = arith.constant 1 : i32
      %add3A_268 = arith.addi %add3A_243, %add3A_267 : i32
      %get3A_269 = arith.index_cast %add3A_268 : i32 to index
      %get3A_270 = arith.constant 0 : index
      %get3A_271 = tpu.vector_load %arg13[%get3A_269, %get3A_270] {strides = array<i32>} : memref<640x16xf32, #tpu.memory_space<vmem>>, vector<16xf32>,
      %add3A_272 = arith.constant 1 : i32
      %add3A_273 = arith.addi %add3A_243, %add3A_272 : i32
      %get3A_274 = arith.index_cast %add3A_273 : i32 to index
      %get3A_275 = arith.constant 0 : index
      %get3A_276 = tpu.vector_load %arg12[%get3A_274, %get3A_275] {strides = array<i32>} : memref<640x16xf32, #tpu.memory_space<vmem>>, vector<16xf32>,
      %mul3A_277 = arith.mulf %select_n3A, %get3A_276 : vector<16xf32>
      %add3A_278 = arith.addf %get3A_271, %mul3A_277 : vector<16xf32>
      %mul3A_279 = arith.mulf %add3A_278, %gather3A_266 : vector<16xf32>
      %add3A_280 = arith.constant 1 : i32
      %add3A_281 = arith.addi %add3A_243, %add3A_280 : i32
      %swap3A_282 = arith.index_cast %add3A_281 : i32 to index
      %swap3A_283 = arith.constant 0 : index
      %swap3A_284 = tpu.vector_load %arg13[%swap3A_282, %swap3A_283] {strides = array<i32>} : memref<640x16xf32, #tpu.memory_space<vmem>>, vector<16xf32>,
      tpu.vector_store %arg13[%swap3A_282, %swap3A_283], %mul3A_279 {strides = array<i32>} : memref<640x16xf32, #tpu.memory_space<vmem>>, vector<16xf32>,
    }
    %scan3A_238 = arith.constant 320 : i32
    "tpu.region"() ({
      %run_scoped3A_239 = tpu.sem_alloc : memref<!tpu.dma_semaphore, #tpu.memory_space<semaphore_mem>>
      %dma_start3A_240 = arith.constant 0 : i32
      %dma_start3A_241 = arith.constant 0 : i32
      %dma_start3A_242 = tpu.memref_slice %arg7[%arg0, %dma_start3A_240, %dma_start3A_241] : memref<2x10240x16xf32, #tpu.memory_space<hbm>> -> memref<1x10240x16xf32, #tpu.memory_space<hbm>>
      %dma_start3A_243 = tpu.memref_squeeze %dma_start3A_242 : memref<1x10240x16xf32, #tpu.memory_space<hbm>> -> memref<10240x16xf32, #tpu.memory_space<hbm>>
      %dma_start3A_244 = arith.constant 0 : i32
      %dma_start3A_245 = tpu.memref_slice %dma_start3A_243[%mul3A_2, %dma_start3A_244] : memref<10240x16xf32, #tpu.memory_space<hbm>> -> memref<640x16xf32, #tpu.memory_space<hbm>>
      %dma_start3A_246 = arith.constant 0 : i32
      %dma_start3A_247 = arith.constant 0 : i32
      %dma_start3A_248 = tpu.memref_slice %arg7[%arg0, %dma_start3A_246, %dma_start3A_247] : memref<2x10240x16xf32, #tpu.memory_space<hbm>> -> memref<1x10240x16xf32, #tpu.memory_space<hbm>>
      %dma_start3A_249 = tpu.memref_squeeze %dma_start3A_248 : memref<1x10240x16xf32, #tpu.memory_space<hbm>> -> memref<10240x16xf32, #tpu.memory_space<hbm>>
      %dma_start3A_250 = arith.constant 0 : i32
      %dma_start3A_251 = tpu.memref_slice %dma_start3A_249[%mul3A_2, %dma_start3A_250] : memref<10240x16xf32, #tpu.memory_space<hbm>> -> memref<640x16xf32, #tpu.memory_space<hbm>>
      tpu.enqueue_dma source(%arg13 : memref<640x16xf32, #tpu.memory_space<vmem>>) target(%dma_start3A_251 : memref<640x16xf32, #tpu.memory_space<hbm>>) target_semaphore(%run_scoped3A_239 : memref<!tpu.dma_semaphore, #tpu.memory_space<semaphore_mem>>)
      %dma_wait3A_252 = arith.constant 0 : i32
      %dma_wait3A_253 = arith.constant 0 : i32
      %dma_wait3A_254 = tpu.memref_slice %arg7[%arg0, %dma_wait3A_252, %dma_wait3A_253] : memref<2x10240x16xf32, #tpu.memory_space<hbm>> -> memref<1x10240x16xf32, #tpu.memory_space<hbm>>
      %dma_wait3A_255 = tpu.memref_squeeze %dma_wait3A_254 : memref<1x10240x16xf32, #tpu.memory_space<hbm>> -> memref<10240x16xf32, #tpu.memory_space<hbm>>
      %dma_wait3A_256 = arith.constant 0 : i32
      %dma_wait3A_257 = tpu.memref_slice %dma_wait3A_255[%mul3A_2, %dma_wait3A_256] : memref<10240x16xf32, #tpu.memory_space<hbm>> -> memref<640x16xf32, #tpu.memory_space<hbm>>
      %dma_wait3A_258 = arith.constant 0 : i32
      %dma_wait3A_259 = arith.constant 0 : i32
      %dma_wait3A_260 = tpu.memref_slice %arg7[%arg0, %dma_wait3A_258, %dma_wait3A_259] : memref<2x10240x16xf32, #tpu.memory_space<hbm>> -> memref<1x10240x16xf32, #tpu.memory_space<hbm>>
      %dma_wait3A_261 = tpu.memref_squeeze %dma_wait3A_260 : memref<1x10240x16xf32, #tpu.memory_space<hbm>> -> memref<10240x16xf32, #tpu.memory_space<hbm>>
      %dma_wait3A_262 = arith.constant 0 : i32
      %dma_wait3A_263 = tpu.memref_slice %dma_wait3A_261[%mul3A_2, %dma_wait3A_262] : memref<10240x16xf32, #tpu.memory_space<hbm>> -> memref<640x16xf32, #tpu.memory_space<hbm>>
      tpu.wait_dma2 semaphore(%run_scoped3A_239 : memref<!tpu.dma_semaphore, #tpu.memory_space<semaphore_mem>>) src(%arg13 : memref<640x16xf32, #tpu.memory_space<vmem>>) dst(%dma_wait3A_263 : memref<640x16xf32, #tpu.memory_space<hbm>>)
      tpu.yield
    }) : () -> ()
    return
  }
}

#map = affine_map<(d0, d1) -> (0, 0)>
#map1 = affine_map<(d0, d1) -> (0, 0, 0)>
module attributes {stable_mosaic.version = 14 : i64} {
  func.func @k(%arg0: i32, %arg1: i32, %arg2: memref<10240x16xf32, #tpu.memory_space<hbm>>, %arg3: memref<2560x128xi32, #tpu.memory_space<hbm>>, %arg4: memref<2560x128xi32, #tpu.memory_space<hbm>>, %arg5: memref<2x10240xf32, #tpu.memory_space<hbm>>, %arg6: memref<10240x16xf32, #tpu.memory_space<hbm>>, %arg7: memref<2x10240x16xf32, #tpu.memory_space<hbm>>, %arg8: memref<80x128xi32, #tpu.memory_space<vmem>>, %arg9: memref<80x128xi32, #tpu.memory_space<vmem>>, %arg10: memref<4x128x16xf32, #tpu.memory_space<vmem>>, %arg11: memref<4x128x16xf32, #tpu.memory_space<vmem>>, %arg12: memref<640x16xf32, #tpu.memory_space<vmem>>, %arg13: memref<640x16xf32, #tpu.memory_space<vmem>>, %arg14: memref<640xf32, #tpu.memory_space<vmem>>, %arg15: memref<640xf32, #tpu.memory_space<vmem>>, %arg16: memref<10240x16xf32, #tpu.memory_space<vmem_shared>>, %arg17: memref<10240x16xf32, #tpu.memory_space<vmem_shared>>, %arg18: memref<!tpu.dma_semaphore, #tpu.memory_space<semaphore_mem>>, %arg19: memref<!tpu.dma_semaphore, #tpu.memory_space<semaphore_mem>>) attributes {dimension_semantics = [#tpu.dimension_semantics<core_parallel>, #tpu.dimension_semantics<subcore_parallel>], iteration_bounds = array<i64: 2, 16>, scalar_prefetch = 0 : i64, scratch_operands = 12 : i64, tpu.core_type = #tpu.core_type<sc_vector_subcore>, window_params = [{transform_indices = #map}, {transform_indices = #map}, {transform_indices = #map}, {transform_indices = #map}, {transform_indices = #map}, {transform_indices = #map1}]} {
    %mul3A = arith.constant 16 : i32
    %mul3A_0 = arith.muli %arg0, %mul3A : i32
    %add3A = arith.addi %mul3A_0, %arg1 : i32
    %mul3A_1 = arith.constant 640 : i32
    %mul3A_2 = arith.muli %arg1, %mul3A_1 : i32
    "tpu.region"() ({
      %run_scoped3A_239 = tpu.sem_alloc : memref<!tpu.dma_semaphore, #tpu.memory_space<semaphore_mem>>
      %dma_start3A_240 = arith.constant 0 : i32
      %dma_start3A_241 = tpu.memref_slice %arg16[%mul3A_2, %dma_start3A_240] : memref<10240x16xf32, #tpu.memory_space<vmem_shared>> -> memref<640x16xf32, #tpu.memory_space<vmem_shared>>
      %dma_start3A_242 = arith.constant 0 : i32
      %dma_start3A_243 = tpu.memref_slice %arg6[%mul3A_2, %dma_start3A_242] : memref<10240x16xf32, #tpu.memory_space<hbm>> -> memref<640x16xf32, #tpu.memory_space<hbm>>
      tpu.enqueue_dma source(%dma_start3A_243 : memref<640x16xf32, #tpu.memory_space<hbm>>) target(%dma_start3A_241 : memref<640x16xf32, #tpu.memory_space<vmem_shared>>) target_semaphore(%run_scoped3A_239 : memref<!tpu.dma_semaphore, #tpu.memory_space<semaphore_mem>>)
      %dma_wait3A_244 = arith.constant 0 : i32
      %dma_wait3A_245 = tpu.memref_slice %arg16[%mul3A_2, %dma_wait3A_244] : memref<10240x16xf32, #tpu.memory_space<vmem_shared>> -> memref<640x16xf32, #tpu.memory_space<vmem_shared>>
      %dma_wait3A_246 = arith.constant 0 : i32
      %dma_wait3A_247 = tpu.memref_slice %arg6[%mul3A_2, %dma_wait3A_246] : memref<10240x16xf32, #tpu.memory_space<hbm>> -> memref<640x16xf32, #tpu.memory_space<hbm>>
      tpu.wait_dma2 semaphore(%run_scoped3A_239 : memref<!tpu.dma_semaphore, #tpu.memory_space<semaphore_mem>>) src(%dma_wait3A_247 : memref<640x16xf32, #tpu.memory_space<hbm>>) dst(%dma_wait3A_245 : memref<640x16xf32, #tpu.memory_space<vmem_shared>>)
      tpu.yield
    }) : () -> ()
    "tpu.region"() ({
      %run_scoped3A_239 = tpu.sem_alloc : memref<!tpu.dma_semaphore, #tpu.memory_space<semaphore_mem>>
      %dma_start3A_240 = arith.constant 0 : i32
      %dma_start3A_241 = tpu.memref_slice %arg2[%mul3A_2, %dma_start3A_240] : memref<10240x16xf32, #tpu.memory_space<hbm>> -> memref<640x16xf32, #tpu.memory_space<hbm>>
      %dma_start3A_242 = arith.constant 0 : i32
      %dma_start3A_243 = tpu.memref_slice %arg2[%mul3A_2, %dma_start3A_242] : memref<10240x16xf32, #tpu.memory_space<hbm>> -> memref<640x16xf32, #tpu.memory_space<hbm>>
      tpu.enqueue_dma source(%dma_start3A_243 : memref<640x16xf32, #tpu.memory_space<hbm>>) target(%arg12 : memref<640x16xf32, #tpu.memory_space<vmem>>) target_semaphore(%run_scoped3A_239 : memref<!tpu.dma_semaphore, #tpu.memory_space<semaphore_mem>>)
      %dma_wait3A_244 = arith.constant 0 : i32
      %dma_wait3A_245 = tpu.memref_slice %arg2[%mul3A_2, %dma_wait3A_244] : memref<10240x16xf32, #tpu.memory_space<hbm>> -> memref<640x16xf32, #tpu.memory_space<hbm>>
      %dma_wait3A_246 = arith.constant 0 : i32
      %dma_wait3A_247 = tpu.memref_slice %arg2[%mul3A_2, %dma_wait3A_246] : memref<10240x16xf32, #tpu.memory_space<hbm>> -> memref<640x16xf32, #tpu.memory_space<hbm>>
      tpu.wait_dma2 semaphore(%run_scoped3A_239 : memref<!tpu.dma_semaphore, #tpu.memory_space<semaphore_mem>>) src(%dma_wait3A_247 : memref<640x16xf32, #tpu.memory_space<hbm>>) dst(%arg12 : memref<640x16xf32, #tpu.memory_space<vmem>>)
      tpu.yield
    }) : () -> ()
    %run_scoped3A = arith.constant 0 : i32
    "tpu.region"() ({
      %run_scoped3A_239 = tpu.sem_alloc : memref<!tpu.dma_semaphore, #tpu.memory_space<semaphore_mem>>
      %dma_start3A_240 = arith.constant 0 : i32
      %dma_start3A_241 = tpu.memref_slice %arg5[%run_scoped3A, %dma_start3A_240] : memref<2x10240xf32, #tpu.memory_space<hbm>> -> memref<1x10240xf32, #tpu.memory_space<hbm>>
      %dma_start3A_242 = tpu.memref_squeeze %dma_start3A_241 : memref<1x10240xf32, #tpu.memory_space<hbm>> -> memref<10240xf32, #tpu.memory_space<hbm>>
      %dma_start3A_243 = tpu.memref_slice %dma_start3A_242[%mul3A_2] : memref<10240xf32, #tpu.memory_space<hbm>> -> memref<640xf32, #tpu.memory_space<hbm>>
      %dma_start3A_244 = arith.constant 0 : i32
      %dma_start3A_245 = tpu.memref_slice %arg5[%run_scoped3A, %dma_start3A_244] : memref<2x10240xf32, #tpu.memory_space<hbm>> -> memref<1x10240xf32, #tpu.memory_space<hbm>>
      %dma_start3A_246 = tpu.memref_squeeze %dma_start3A_245 : memref<1x10240xf32, #tpu.memory_space<hbm>> -> memref<10240xf32, #tpu.memory_space<hbm>>
      %dma_start3A_247 = tpu.memref_slice %dma_start3A_246[%mul3A_2] : memref<10240xf32, #tpu.memory_space<hbm>> -> memref<640xf32, #tpu.memory_space<hbm>>
      tpu.enqueue_dma source(%dma_start3A_247 : memref<640xf32, #tpu.memory_space<hbm>>) target(%arg14 : memref<640xf32, #tpu.memory_space<vmem>>) target_semaphore(%run_scoped3A_239 : memref<!tpu.dma_semaphore, #tpu.memory_space<semaphore_mem>>)
      %dma_wait3A_248 = arith.constant 0 : i32
      %dma_wait3A_249 = tpu.memref_slice %arg5[%run_scoped3A, %dma_wait3A_248] : memref<2x10240xf32, #tpu.memory_space<hbm>> -> memref<1x10240xf32, #tpu.memory_space<hbm>>
      %dma_wait3A_250 = tpu.memref_squeeze %dma_wait3A_249 : memref<1x10240xf32, #tpu.memory_space<hbm>> -> memref<10240xf32, #tpu.memory_space<hbm>>
      %dma_wait3A_251 = tpu.memref_slice %dma_wait3A_250[%mul3A_2] : memref<10240xf32, #tpu.memory_space<hbm>> -> memref<640xf32, #tpu.memory_space<hbm>>
      %dma_wait3A_252 = arith.constant 0 : i32
      %dma_wait3A_253 = tpu.memref_slice %arg5[%run_scoped3A, %dma_wait3A_252] : memref<2x10240xf32, #tpu.memory_space<hbm>> -> memref<1x10240xf32, #tpu.memory_space<hbm>>
      %dma_wait3A_254 = tpu.memref_squeeze %dma_wait3A_253 : memref<1x10240xf32, #tpu.memory_space<hbm>> -> memref<10240xf32, #tpu.memory_space<hbm>>
      %dma_wait3A_255 = tpu.memref_slice %dma_wait3A_254[%mul3A_2] : memref<10240xf32, #tpu.memory_space<hbm>> -> memref<640xf32, #tpu.memory_space<hbm>>
      tpu.wait_dma2 semaphore(%run_scoped3A_239 : memref<!tpu.dma_semaphore, #tpu.memory_space<semaphore_mem>>) src(%dma_wait3A_255 : memref<640xf32, #tpu.memory_space<hbm>>) dst(%arg14 : memref<640xf32, #tpu.memory_space<vmem>>)
      tpu.yield
    }) : () -> ()
    %run_scoped3A_3 = arith.constant 1 : i32
    "tpu.region"() ({
      %run_scoped3A_239 = tpu.sem_alloc : memref<!tpu.dma_semaphore, #tpu.memory_space<semaphore_mem>>
      %dma_start3A_240 = arith.constant 0 : i32
      %dma_start3A_241 = tpu.memref_slice %arg5[%run_scoped3A_3, %dma_start3A_240] : memref<2x10240xf32, #tpu.memory_space<hbm>> -> memref<1x10240xf32, #tpu.memory_space<hbm>>
      %dma_start3A_242 = tpu.memref_squeeze %dma_start3A_241 : memref<1x10240xf32, #tpu.memory_space<hbm>> -> memref<10240xf32, #tpu.memory_space<hbm>>
      %dma_start3A_243 = tpu.memref_slice %dma_start3A_242[%mul3A_2] : memref<10240xf32, #tpu.memory_space<hbm>> -> memref<640xf32, #tpu.memory_space<hbm>>
      %dma_start3A_244 = arith.constant 0 : i32
      %dma_start3A_245 = tpu.memref_slice %arg5[%run_scoped3A_3, %dma_start3A_244] : memref<2x10240xf32, #tpu.memory_space<hbm>> -> memref<1x10240xf32, #tpu.memory_space<hbm>>
      %dma_start3A_246 = tpu.memref_squeeze %dma_start3A_245 : memref<1x10240xf32, #tpu.memory_space<hbm>> -> memref<10240xf32, #tpu.memory_space<hbm>>
      %dma_start3A_247 = tpu.memref_slice %dma_start3A_246[%mul3A_2] : memref<10240xf32, #tpu.memory_space<hbm>> -> memref<640xf32, #tpu.memory_space<hbm>>
      tpu.enqueue_dma source(%dma_start3A_247 : memref<640xf32, #tpu.memory_space<hbm>>) target(%arg15 : memref<640xf32, #tpu.memory_space<vmem>>) target_semaphore(%run_scoped3A_239 : memref<!tpu.dma_semaphore, #tpu.memory_space<semaphore_mem>>)
      %dma_wait3A_248 = arith.constant 0 : i32
      %dma_wait3A_249 = tpu.memref_slice %arg5[%run_scoped3A_3, %dma_wait3A_248] : memref<2x10240xf32, #tpu.memory_space<hbm>> -> memref<1x10240xf32, #tpu.memory_space<hbm>>
      %dma_wait3A_250 = tpu.memref_squeeze %dma_wait3A_249 : memref<1x10240xf32, #tpu.memory_space<hbm>> -> memref<10240xf32, #tpu.memory_space<hbm>>
      %dma_wait3A_251 = tpu.memref_slice %dma_wait3A_250[%mul3A_2] : memref<10240xf32, #tpu.memory_space<hbm>> -> memref<640xf32, #tpu.memory_space<hbm>>
      %dma_wait3A_252 = arith.constant 0 : i32
      %dma_wait3A_253 = tpu.memref_slice %arg5[%run_scoped3A_3, %dma_wait3A_252] : memref<2x10240xf32, #tpu.memory_space<hbm>> -> memref<1x10240xf32, #tpu.memory_space<hbm>>
      %dma_wait3A_254 = tpu.memref_squeeze %dma_wait3A_253 : memref<1x10240xf32, #tpu.memory_space<hbm>> -> memref<10240xf32, #tpu.memory_space<hbm>>
      %dma_wait3A_255 = tpu.memref_slice %dma_wait3A_254[%mul3A_2] : memref<10240xf32, #tpu.memory_space<hbm>> -> memref<640xf32, #tpu.memory_space<hbm>>
      tpu.wait_dma2 semaphore(%run_scoped3A_239 : memref<!tpu.dma_semaphore, #tpu.memory_space<semaphore_mem>>) src(%dma_wait3A_255 : memref<640xf32, #tpu.memory_space<hbm>>) dst(%arg15 : memref<640xf32, #tpu.memory_space<vmem>>)
      tpu.yield
    }) : () -> ()
    %mul3A_4 = arith.constant 80 : i32
    %mul3A_5 = arith.muli %add3A, %mul3A_4 : i32
    "tpu.region"() ({
      %run_scoped3A_239 = tpu.sem_alloc : memref<!tpu.dma_semaphore, #tpu.memory_space<semaphore_mem>>
      %dma_start3A_240 = arith.constant 0 : i32
      %dma_start3A_241 = tpu.memref_slice %arg3[%mul3A_5, %dma_start3A_240] : memref<2560x128xi32, #tpu.memory_space<hbm>> -> memref<80x128xi32, #tpu.memory_space<hbm>>
      %dma_start3A_242 = arith.constant 0 : i32
      %dma_start3A_243 = tpu.memref_slice %arg3[%mul3A_5, %dma_start3A_242] : memref<2560x128xi32, #tpu.memory_space<hbm>> -> memref<80x128xi32, #tpu.memory_space<hbm>>
      tpu.enqueue_dma source(%dma_start3A_243 : memref<80x128xi32, #tpu.memory_space<hbm>>) target(%arg8 : memref<80x128xi32, #tpu.memory_space<vmem>>) target_semaphore(%run_scoped3A_239 : memref<!tpu.dma_semaphore, #tpu.memory_space<semaphore_mem>>)
      %dma_wait3A_244 = arith.constant 0 : i32
      %dma_wait3A_245 = tpu.memref_slice %arg3[%mul3A_5, %dma_wait3A_244] : memref<2560x128xi32, #tpu.memory_space<hbm>> -> memref<80x128xi32, #tpu.memory_space<hbm>>
      %dma_wait3A_246 = arith.constant 0 : i32
      %dma_wait3A_247 = tpu.memref_slice %arg3[%mul3A_5, %dma_wait3A_246] : memref<2560x128xi32, #tpu.memory_space<hbm>> -> memref<80x128xi32, #tpu.memory_space<hbm>>
      tpu.wait_dma2 semaphore(%run_scoped3A_239 : memref<!tpu.dma_semaphore, #tpu.memory_space<semaphore_mem>>) src(%dma_wait3A_247 : memref<80x128xi32, #tpu.memory_space<hbm>>) dst(%arg8 : memref<80x128xi32, #tpu.memory_space<vmem>>)
      tpu.yield
    }) : () -> ()
    %mul3A_6 = arith.constant 80 : i32
    %mul3A_7 = arith.muli %add3A, %mul3A_6 : i32
    "tpu.region"() ({
      %run_scoped3A_239 = tpu.sem_alloc : memref<!tpu.dma_semaphore, #tpu.memory_space<semaphore_mem>>
      %dma_start3A_240 = arith.constant 0 : i32
      %dma_start3A_241 = tpu.memref_slice %arg4[%mul3A_7, %dma_start3A_240] : memref<2560x128xi32, #tpu.memory_space<hbm>> -> memref<80x128xi32, #tpu.memory_space<hbm>>
      %dma_start3A_242 = arith.constant 0 : i32
      %dma_start3A_243 = tpu.memref_slice %arg4[%mul3A_7, %dma_start3A_242] : memref<2560x128xi32, #tpu.memory_space<hbm>> -> memref<80x128xi32, #tpu.memory_space<hbm>>
      tpu.enqueue_dma source(%dma_start3A_243 : memref<80x128xi32, #tpu.memory_space<hbm>>) target(%arg9 : memref<80x128xi32, #tpu.memory_space<vmem>>) target_semaphore(%run_scoped3A_239 : memref<!tpu.dma_semaphore, #tpu.memory_space<semaphore_mem>>)
      %dma_wait3A_244 = arith.constant 0 : i32
      %dma_wait3A_245 = tpu.memref_slice %arg4[%mul3A_7, %dma_wait3A_244] : memref<2560x128xi32, #tpu.memory_space<hbm>> -> memref<80x128xi32, #tpu.memory_space<hbm>>
      %dma_wait3A_246 = arith.constant 0 : i32
      %dma_wait3A_247 = tpu.memref_slice %arg4[%mul3A_7, %dma_wait3A_246] : memref<2560x128xi32, #tpu.memory_space<hbm>> -> memref<80x128xi32, #tpu.memory_space<hbm>>
      tpu.wait_dma2 semaphore(%run_scoped3A_239 : memref<!tpu.dma_semaphore, #tpu.memory_space<semaphore_mem>>) src(%dma_wait3A_247 : memref<80x128xi32, #tpu.memory_space<hbm>>) dst(%arg9 : memref<80x128xi32, #tpu.memory_space<vmem>>)
      tpu.yield
    }) : () -> ()
    %scan3A = arith.constant 0 : i32
    %scan3A_8 = arith.constant 40 : i32
    %scan3A_9 = arith.addi %scan3A, %scan3A_8 : i32
    %scan3A_10 = arith.constant 1 : i32
    scf.for %scan3A_239 = %scan3A to %scan3A_9 step %scan3A_10  : i32 {
      %mul3A_240 = arith.constant 16 : i32
      %mul3A_241 = arith.muli %scan3A_239, %mul3A_240 : i32
      %add3A_242 = arith.constant 0 : i32
      %add3A_243 = arith.addi %add3A_242, %mul3A_241 : i32
      %get3A = arith.index_cast %add3A_243 : i32 to index
      %get3A_244 = tpu.vector_load %arg14[%get3A] {strides = array<i32>} : memref<640xf32, #tpu.memory_space<vmem>>, vector<16xf32>,
      %get3A_245 = arith.index_cast %add3A_243 : i32 to index
      %get3A_246 = tpu.vector_load %arg15[%get3A_245] {strides = array<i32>} : memref<640xf32, #tpu.memory_space<vmem>>, vector<16xf32>,
      %add3A_247 = arith.addf %get3A_244, %get3A_246 : vector<16xf32>
      %add3A_248 = arith.constant 1.000000e+00 : f32
      %add3A_249 = vector.broadcast %add3A_248 : f32 to vector<16xf32>
      %add3A_250 = arith.addf %add3A_247, %add3A_249 : vector<16xf32>
      %bitcast3A = vector.bitcast %add3A_250 : vector<16xf32> to vector<16xi32>
      %shift_right_arithmetic3A = arith.constant 1 : i32
      %shift_right_arithmetic3A_251 = vector.broadcast %shift_right_arithmetic3A : i32 to vector<16xi32>
      %shift_right_arithmetic3A_252 = arith.shrsi %bitcast3A, %shift_right_arithmetic3A_251 : vector<16xi32>
      %sub3A = arith.constant 1597463007 : i32
      %sub3A_253 = vector.broadcast %sub3A : i32 to vector<16xi32>
      %sub3A_254 = arith.subi %sub3A_253, %shift_right_arithmetic3A_252 : vector<16xi32>
      %bitcast3A_255 = vector.bitcast %sub3A_254 : vector<16xi32> to vector<16xf32>
      %mul3A_256 = arith.constant 5.000000e-01 : f32
      %mul3A_257 = vector.broadcast %mul3A_256 : f32 to vector<16xf32>
      %mul3A_258 = arith.mulf %mul3A_257, %add3A_250 : vector<16xf32>
      %mul3A_259 = arith.mulf %mul3A_258, %bitcast3A_255 : vector<16xf32>
      %mul3A_260 = arith.mulf %mul3A_259, %bitcast3A_255 : vector<16xf32>
      %sub3A_261 = arith.constant 1.500000e+00 : f32
      %sub3A_262 = vector.broadcast %sub3A_261 : f32 to vector<16xf32>
      %sub3A_263 = arith.subf %sub3A_262, %mul3A_260 : vector<16xf32>
      %mul3A_264 = arith.mulf %bitcast3A_255, %sub3A_263 : vector<16xf32>
      %mul3A_265 = arith.constant 5.000000e-01 : f32
      %mul3A_266 = vector.broadcast %mul3A_265 : f32 to vector<16xf32>
      %mul3A_267 = arith.mulf %mul3A_266, %add3A_250 : vector<16xf32>
      %mul3A_268 = arith.mulf %mul3A_267, %mul3A_264 : vector<16xf32>
      %mul3A_269 = arith.mulf %mul3A_268, %mul3A_264 : vector<16xf32>
      %sub3A_270 = arith.constant 1.500000e+00 : f32
      %sub3A_271 = vector.broadcast %sub3A_270 : f32 to vector<16xf32>
      %sub3A_272 = arith.subf %sub3A_271, %mul3A_269 : vector<16xf32>
      %mul3A_273 = arith.mulf %mul3A_264, %sub3A_272 : vector<16xf32>
      %mul3A_274 = arith.constant 5.000000e-01 : f32
      %mul3A_275 = vector.broadcast %mul3A_274 : f32 to vector<16xf32>
      %mul3A_276 = arith.mulf %mul3A_275, %add3A_250 : vector<16xf32>
      %mul3A_277 = arith.mulf %mul3A_276, %mul3A_273 : vector<16xf32>
      %mul3A_278 = arith.mulf %mul3A_277, %mul3A_273 : vector<16xf32>
      %sub3A_279 = arith.constant 1.500000e+00 : f32
      %sub3A_280 = vector.broadcast %sub3A_279 : f32 to vector<16xf32>
      %sub3A_281 = arith.subf %sub3A_280, %mul3A_278 : vector<16xf32>
      %mul3A_282 = arith.mulf %mul3A_273, %sub3A_281 : vector<16xf32>
      %swap3A = arith.index_cast %add3A_243 : i32 to index
      %swap3A_283 = tpu.vector_load %arg14[%swap3A] {strides = array<i32>} : memref<640xf32, #tpu.memory_space<vmem>>, vector<16xf32>,
      tpu.vector_store %arg14[%swap3A], %mul3A_282 {strides = array<i32>} : memref<640xf32, #tpu.memory_space<vmem>>, vector<16xf32>,
    }
    %scan3A_11 = arith.constant 40 : i32
    %scan3A_12 = arith.constant 0 : i32
    %scan3A_13 = arith.constant 320 : i32
    %scan3A_14 = arith.addi %scan3A_12, %scan3A_13 : i32
    %scan3A_15 = arith.constant 1 : i32
    scf.for %scan3A_239 = %scan3A_12 to %scan3A_14 step %scan3A_15  : i32 {
      %mul3A_240 = arith.constant 2 : i32
      %mul3A_241 = arith.muli %scan3A_239, %mul3A_240 : i32
      %add3A_242 = arith.constant 0 : i32
      %add3A_243 = arith.addi %add3A_242, %mul3A_241 : i32
      %add3A_244 = arith.constant 0 : i32
      %add3A_245 = arith.addi %add3A_243, %add3A_244 : i32
      %broadcast_in_dim3A_246 = vector.broadcast %add3A_245 : i32 to vector<16xi32>
      %gather3A = tpu.vector_load_idx %arg14[%broadcast_in_dim3A_246] : memref<640xf32, #tpu.memory_space<vmem>>[vector<16xi32>], vector<16xf32>,
      %add3A_247 = arith.constant 0 : i32
      %add3A_248 = arith.addi %add3A_243, %add3A_247 : i32
      %get3A = arith.index_cast %add3A_248 : i32 to index
      %get3A_249 = arith.constant 0 : index
      %get3A_250 = tpu.vector_load %arg12[%get3A, %get3A_249] {strides = array<i32>} : memref<640x16xf32, #tpu.memory_space<vmem>>, vector<16xf32>,
      %mul3A_251 = arith.mulf %get3A_250, %gather3A : vector<16xf32>
      %add3A_252 = arith.constant 0 : i32
      %add3A_253 = arith.addi %add3A_243, %add3A_252 : i32
      %swap3A = arith.index_cast %add3A_253 : i32 to index
      %swap3A_254 = arith.constant 0 : index
      %swap3A_255 = tpu.vector_load %arg12[%swap3A, %swap3A_254] {strides = array<i32>} : memref<640x16xf32, #tpu.memory_space<vmem>>, vector<16xf32>,
      tpu.vector_store %arg12[%swap3A, %swap3A_254], %mul3A_251 {strides = array<i32>} : memref<640x16xf32, #tpu.memory_space<vmem>>, vector<16xf32>,
      %add3A_256 = arith.constant 1 : i32
      %add3A_257 = arith.addi %add3A_243, %add3A_256 : i32
      %broadcast_in_dim3A_258 = vector.broadcast %add3A_257 : i32 to vector<16xi32>
      %gather3A_259 = tpu.vector_load_idx %arg14[%broadcast_in_dim3A_258] : memref<640xf32, #tpu.memory_space<vmem>>[vector<16xi32>], vector<16xf32>,
      %add3A_260 = arith.constant 1 : i32
      %add3A_261 = arith.addi %add3A_243, %add3A_260 : i32
      %get3A_262 = arith.index_cast %add3A_261 : i32 to index
      %get3A_263 = arith.constant 0 : index
      %get3A_264 = tpu.vector_load %arg12[%get3A_262, %get3A_263] {strides = array<i32>} : memref<640x16xf32, #tpu.memory_space<vmem>>, vector<16xf32>,
      %mul3A_265 = arith.mulf %get3A_264, %gather3A_259 : vector<16xf32>
      %add3A_266 = arith.constant 1 : i32
      %add3A_267 = arith.addi %add3A_243, %add3A_266 : i32
      %swap3A_268 = arith.index_cast %add3A_267 : i32 to index
      %swap3A_269 = arith.constant 0 : index
      %swap3A_270 = tpu.vector_load %arg12[%swap3A_268, %swap3A_269] {strides = array<i32>} : memref<640x16xf32, #tpu.memory_space<vmem>>, vector<16xf32>,
      tpu.vector_store %arg12[%swap3A_268, %swap3A_269], %mul3A_265 {strides = array<i32>} : memref<640x16xf32, #tpu.memory_space<vmem>>, vector<16xf32>,
    }
    %scan3A_16 = arith.constant 320 : i32
    "tpu.region"() ({
      %run_scoped3A_239 = tpu.sem_alloc : memref<!tpu.dma_semaphore, #tpu.memory_space<semaphore_mem>>
      %dma_start3A_240 = arith.constant 0 : i32
      %dma_start3A_241 = tpu.memref_slice %arg17[%mul3A_2, %dma_start3A_240] : memref<10240x16xf32, #tpu.memory_space<vmem_shared>> -> memref<640x16xf32, #tpu.memory_space<vmem_shared>>
      %dma_start3A_242 = arith.constant 0 : i32
      %dma_start3A_243 = tpu.memref_slice %arg17[%mul3A_2, %dma_start3A_242] : memref<10240x16xf32, #tpu.memory_space<vmem_shared>> -> memref<640x16xf32, #tpu.memory_space<vmem_shared>>
      tpu.enqueue_dma source(%arg12 : memref<640x16xf32, #tpu.memory_space<vmem>>) target(%dma_start3A_243 : memref<640x16xf32, #tpu.memory_space<vmem_shared>>) target_semaphore(%run_scoped3A_239 : memref<!tpu.dma_semaphore, #tpu.memory_space<semaphore_mem>>)
      %dma_wait3A_244 = arith.constant 0 : i32
      %dma_wait3A_245 = tpu.memref_slice %arg17[%mul3A_2, %dma_wait3A_244] : memref<10240x16xf32, #tpu.memory_space<vmem_shared>> -> memref<640x16xf32, #tpu.memory_space<vmem_shared>>
      %dma_wait3A_246 = arith.constant 0 : i32
      %dma_wait3A_247 = tpu.memref_slice %arg17[%mul3A_2, %dma_wait3A_246] : memref<10240x16xf32, #tpu.memory_space<vmem_shared>> -> memref<640x16xf32, #tpu.memory_space<vmem_shared>>
      tpu.wait_dma2 semaphore(%run_scoped3A_239 : memref<!tpu.dma_semaphore, #tpu.memory_space<semaphore_mem>>) src(%arg12 : memref<640x16xf32, #tpu.memory_space<vmem>>) dst(%dma_wait3A_247 : memref<640x16xf32, #tpu.memory_space<vmem_shared>>)
      tpu.yield
    }) : () -> ()
    %barrier3A = arith.constant 0 : index
    tpu.barrier barrier_id(%barrier3A)
    %dma_start3A = arith.constant 0 : i32
    %dma_start3A_17 = arith.constant 0 : i32
    %dma_start3A_18 = arith.constant 0 : i32
    %dma_start3A_19 = arith.constant 0 : i32
    %dma_start3A_20 = tpu.memref_slice %arg10[%dma_start3A_17, %dma_start3A_18, %dma_start3A_19] : memref<4x128x16xf32, #tpu.memory_space<vmem>> -> memref<1x128x16xf32, #tpu.memory_space<vmem>>
    %dma_start3A_21 = tpu.memref_squeeze %dma_start3A_20 : memref<1x128x16xf32, #tpu.memory_space<vmem>> -> memref<128x16xf32, #tpu.memory_space<vmem>>
    %dma_start3A_22 = arith.constant 0 : i32
    %dma_start3A_23 = tpu.memref_slice %arg8[%dma_start3A, %dma_start3A_22] : memref<80x128xi32, #tpu.memory_space<vmem>> -> memref<1x128xi32, #tpu.memory_space<vmem>>
    %dma_start3A_24 = tpu.memref_squeeze %dma_start3A_23 : memref<1x128xi32, #tpu.memory_space<vmem>> -> memref<128xi32, #tpu.memory_space<vmem>>
    %dma_start3A_25 = arith.constant 0 : i32
    %dma_start3A_26 = arith.constant 0 : i32
    %dma_start3A_27 = tpu.memref_slice %arg17[%dma_start3A_25, %dma_start3A_26] : memref<10240x16xf32, #tpu.memory_space<vmem_shared>> -> memref<10240x16xf32, #tpu.memory_space<vmem_shared>>
    tpu.enqueue_indirect_dma source(%dma_start3A_27 : memref<10240x16xf32, #tpu.memory_space<vmem_shared>>) target(%dma_start3A_21 : memref<128x16xf32, #tpu.memory_space<vmem>>) offsets(%dma_start3A_24 : memref<128xi32, #tpu.memory_space<vmem>>) semaphore(%arg18 : memref<!tpu.dma_semaphore, #tpu.memory_space<semaphore_mem>>)
    %dma_start3A_28 = arith.constant 1 : i32
    %dma_start3A_29 = arith.constant 1 : i32
    %dma_start3A_30 = arith.constant 0 : i32
    %dma_start3A_31 = arith.constant 0 : i32
    %dma_start3A_32 = tpu.memref_slice %arg10[%dma_start3A_29, %dma_start3A_30, %dma_start3A_31] : memref<4x128x16xf32, #tpu.memory_space<vmem>> -> memref<1x128x16xf32, #tpu.memory_space<vmem>>
    %dma_start3A_33 = tpu.memref_squeeze %dma_start3A_32 : memref<1x128x16xf32, #tpu.memory_space<vmem>> -> memref<128x16xf32, #tpu.memory_space<vmem>>
    %dma_start3A_34 = arith.constant 0 : i32
    %dma_start3A_35 = tpu.memref_slice %arg8[%dma_start3A_28, %dma_start3A_34] : memref<80x128xi32, #tpu.memory_space<vmem>> -> memref<1x128xi32, #tpu.memory_space<vmem>>
    %dma_start3A_36 = tpu.memref_squeeze %dma_start3A_35 : memref<1x128xi32, #tpu.memory_space<vmem>> -> memref<128xi32, #tpu.memory_space<vmem>>
    %dma_start3A_37 = arith.constant 0 : i32
    %dma_start3A_38 = arith.constant 0 : i32
    %dma_start3A_39 = tpu.memref_slice %arg17[%dma_start3A_37, %dma_start3A_38] : memref<10240x16xf32, #tpu.memory_space<vmem_shared>> -> memref<10240x16xf32, #tpu.memory_space<vmem_shared>>
    tpu.enqueue_indirect_dma source(%dma_start3A_39 : memref<10240x16xf32, #tpu.memory_space<vmem_shared>>) target(%dma_start3A_33 : memref<128x16xf32, #tpu.memory_space<vmem>>) offsets(%dma_start3A_36 : memref<128xi32, #tpu.memory_space<vmem>>) semaphore(%arg18 : memref<!tpu.dma_semaphore, #tpu.memory_space<semaphore_mem>>)
    %dma_start3A_40 = arith.constant 2 : i32
    %dma_start3A_41 = arith.constant 2 : i32
    %dma_start3A_42 = arith.constant 0 : i32
    %dma_start3A_43 = arith.constant 0 : i32
    %dma_start3A_44 = tpu.memref_slice %arg10[%dma_start3A_41, %dma_start3A_42, %dma_start3A_43] : memref<4x128x16xf32, #tpu.memory_space<vmem>> -> memref<1x128x16xf32, #tpu.memory_space<vmem>>
    %dma_start3A_45 = tpu.memref_squeeze %dma_start3A_44 : memref<1x128x16xf32, #tpu.memory_space<vmem>> -> memref<128x16xf32, #tpu.memory_space<vmem>>
    %dma_start3A_46 = arith.constant 0 : i32
    %dma_start3A_47 = tpu.memref_slice %arg8[%dma_start3A_40, %dma_start3A_46] : memref<80x128xi32, #tpu.memory_space<vmem>> -> memref<1x128xi32, #tpu.memory_space<vmem>>
    %dma_start3A_48 = tpu.memref_squeeze %dma_start3A_47 : memref<1x128xi32, #tpu.memory_space<vmem>> -> memref<128xi32, #tpu.memory_space<vmem>>
    %dma_start3A_49 = arith.constant 0 : i32
    %dma_start3A_50 = arith.constant 0 : i32
    %dma_start3A_51 = tpu.memref_slice %arg17[%dma_start3A_49, %dma_start3A_50] : memref<10240x16xf32, #tpu.memory_space<vmem_shared>> -> memref<10240x16xf32, #tpu.memory_space<vmem_shared>>
    tpu.enqueue_indirect_dma source(%dma_start3A_51 : memref<10240x16xf32, #tpu.memory_space<vmem_shared>>) target(%dma_start3A_45 : memref<128x16xf32, #tpu.memory_space<vmem>>) offsets(%dma_start3A_48 : memref<128xi32, #tpu.memory_space<vmem>>) semaphore(%arg18 : memref<!tpu.dma_semaphore, #tpu.memory_space<semaphore_mem>>)
    %dma_start3A_52 = arith.constant 3 : i32
    %dma_start3A_53 = arith.constant 3 : i32
    %dma_start3A_54 = arith.constant 0 : i32
    %dma_start3A_55 = arith.constant 0 : i32
    %dma_start3A_56 = tpu.memref_slice %arg10[%dma_start3A_53, %dma_start3A_54, %dma_start3A_55] : memref<4x128x16xf32, #tpu.memory_space<vmem>> -> memref<1x128x16xf32, #tpu.memory_space<vmem>>
    %dma_start3A_57 = tpu.memref_squeeze %dma_start3A_56 : memref<1x128x16xf32, #tpu.memory_space<vmem>> -> memref<128x16xf32, #tpu.memory_space<vmem>>
    %dma_start3A_58 = arith.constant 0 : i32
    %dma_start3A_59 = tpu.memref_slice %arg8[%dma_start3A_52, %dma_start3A_58] : memref<80x128xi32, #tpu.memory_space<vmem>> -> memref<1x128xi32, #tpu.memory_space<vmem>>
    %dma_start3A_60 = tpu.memref_squeeze %dma_start3A_59 : memref<1x128xi32, #tpu.memory_space<vmem>> -> memref<128xi32, #tpu.memory_space<vmem>>
    %dma_start3A_61 = arith.constant 0 : i32
    %dma_start3A_62 = arith.constant 0 : i32
    %dma_start3A_63 = tpu.memref_slice %arg17[%dma_start3A_61, %dma_start3A_62] : memref<10240x16xf32, #tpu.memory_space<vmem_shared>> -> memref<10240x16xf32, #tpu.memory_space<vmem_shared>>
    tpu.enqueue_indirect_dma source(%dma_start3A_63 : memref<10240x16xf32, #tpu.memory_space<vmem_shared>>) target(%dma_start3A_57 : memref<128x16xf32, #tpu.memory_space<vmem>>) offsets(%dma_start3A_60 : memref<128xi32, #tpu.memory_space<vmem>>) semaphore(%arg18 : memref<!tpu.dma_semaphore, #tpu.memory_space<semaphore_mem>>)
    %scan3A_64 = arith.constant 0 : i32
    %scan3A_65 = arith.constant 9 : i32
    %scan3A_66 = arith.addi %scan3A_64, %scan3A_65 : i32
    %scan3A_67 = arith.constant 1 : i32
    scf.for %scan3A_239 = %scan3A_64 to %scan3A_66 step %scan3A_67  : i32 {
      %mul3A_240 = arith.constant 2 : i32
      %mul3A_241 = arith.muli %scan3A_239, %mul3A_240 : i32
      %add3A_242 = arith.constant 0 : i32
      %add3A_243 = arith.addi %add3A_242, %mul3A_241 : i32
      %add3A_244 = arith.constant 1 : i32
      %add3A_245 = arith.addi %add3A_243, %add3A_244 : i32
      %mul3A_246 = arith.constant 4 : i32
      %mul3A_247 = arith.muli %add3A_245, %mul3A_246 : i32
      %add3A_248 = arith.constant 0 : i32
      %add3A_249 = arith.addi %mul3A_247, %add3A_248 : i32
      %dma_start3A_250 = arith.constant 0 : i32
      %dma_start3A_251 = arith.constant 0 : i32
      %dma_start3A_252 = arith.constant 0 : i32
      %dma_start3A_253 = tpu.memref_slice %arg11[%dma_start3A_250, %dma_start3A_251, %dma_start3A_252] : memref<4x128x16xf32, #tpu.memory_space<vmem>> -> memref<1x128x16xf32, #tpu.memory_space<vmem>>
      %dma_start3A_254 = tpu.memref_squeeze %dma_start3A_253 : memref<1x128x16xf32, #tpu.memory_space<vmem>> -> memref<128x16xf32, #tpu.memory_space<vmem>>
      %dma_start3A_255 = arith.constant 0 : i32
      %dma_start3A_256 = tpu.memref_slice %arg8[%add3A_249, %dma_start3A_255] : memref<80x128xi32, #tpu.memory_space<vmem>> -> memref<1x128xi32, #tpu.memory_space<vmem>>
      %dma_start3A_257 = tpu.memref_squeeze %dma_start3A_256 : memref<1x128xi32, #tpu.memory_space<vmem>> -> memref<128xi32, #tpu.memory_space<vmem>>
      %dma_start3A_258 = arith.constant 0 : i32
      %dma_start3A_259 = arith.constant 0 : i32
      %dma_start3A_260 = tpu.memref_slice %arg17[%dma_start3A_258, %dma_start3A_259] : memref<10240x16xf32, #tpu.memory_space<vmem_shared>> -> memref<10240x16xf32, #tpu.memory_space<vmem_shared>>
      tpu.enqueue_indirect_dma source(%dma_start3A_260 : memref<10240x16xf32, #tpu.memory_space<vmem_shared>>) target(%dma_start3A_254 : memref<128x16xf32, #tpu.memory_space<vmem>>) offsets(%dma_start3A_257 : memref<128xi32, #tpu.memory_space<vmem>>) semaphore(%arg19 : memref<!tpu.dma_semaphore, #tpu.memory_space<semaphore_mem>>)
      %mul3A_261 = arith.constant 4 : i32
      %mul3A_262 = arith.muli %add3A_245, %mul3A_261 : i32
      %add3A_263 = arith.constant 1 : i32
      %add3A_264 = arith.addi %mul3A_262, %add3A_263 : i32
      %dma_start3A_265 = arith.constant 1 : i32
      %dma_start3A_266 = arith.constant 0 : i32
      %dma_start3A_267 = arith.constant 0 : i32
      %dma_start3A_268 = tpu.memref_slice %arg11[%dma_start3A_265, %dma_start3A_266, %dma_start3A_267] : memref<4x128x16xf32, #tpu.memory_space<vmem>> -> memref<1x128x16xf32, #tpu.memory_space<vmem>>
      %dma_start3A_269 = tpu.memref_squeeze %dma_start3A_268 : memref<1x128x16xf32, #tpu.memory_space<vmem>> -> memref<128x16xf32, #tpu.memory_space<vmem>>
      %dma_start3A_270 = arith.constant 0 : i32
      %dma_start3A_271 = tpu.memref_slice %arg8[%add3A_264, %dma_start3A_270] : memref<80x128xi32, #tpu.memory_space<vmem>> -> memref<1x128xi32, #tpu.memory_space<vmem>>
      %dma_start3A_272 = tpu.memref_squeeze %dma_start3A_271 : memref<1x128xi32, #tpu.memory_space<vmem>> -> memref<128xi32, #tpu.memory_space<vmem>>
      %dma_start3A_273 = arith.constant 0 : i32
      %dma_start3A_274 = arith.constant 0 : i32
      %dma_start3A_275 = tpu.memref_slice %arg17[%dma_start3A_273, %dma_start3A_274] : memref<10240x16xf32, #tpu.memory_space<vmem_shared>> -> memref<10240x16xf32, #tpu.memory_space<vmem_shared>>
      tpu.enqueue_indirect_dma source(%dma_start3A_275 : memref<10240x16xf32, #tpu.memory_space<vmem_shared>>) target(%dma_start3A_269 : memref<128x16xf32, #tpu.memory_space<vmem>>) offsets(%dma_start3A_272 : memref<128xi32, #tpu.memory_space<vmem>>) semaphore(%arg19 : memref<!tpu.dma_semaphore, #tpu.memory_space<semaphore_mem>>)
      %mul3A_276 = arith.constant 4 : i32
      %mul3A_277 = arith.muli %add3A_245, %mul3A_276 : i32
      %add3A_278 = arith.constant 2 : i32
      %add3A_279 = arith.addi %mul3A_277, %add3A_278 : i32
      %dma_start3A_280 = arith.constant 2 : i32
      %dma_start3A_281 = arith.constant 0 : i32
      %dma_start3A_282 = arith.constant 0 : i32
      %dma_start3A_283 = tpu.memref_slice %arg11[%dma_start3A_280, %dma_start3A_281, %dma_start3A_282] : memref<4x128x16xf32, #tpu.memory_space<vmem>> -> memref<1x128x16xf32, #tpu.memory_space<vmem>>
      %dma_start3A_284 = tpu.memref_squeeze %dma_start3A_283 : memref<1x128x16xf32, #tpu.memory_space<vmem>> -> memref<128x16xf32, #tpu.memory_space<vmem>>
      %dma_start3A_285 = arith.constant 0 : i32
      %dma_start3A_286 = tpu.memref_slice %arg8[%add3A_279, %dma_start3A_285] : memref<80x128xi32, #tpu.memory_space<vmem>> -> memref<1x128xi32, #tpu.memory_space<vmem>>
      %dma_start3A_287 = tpu.memref_squeeze %dma_start3A_286 : memref<1x128xi32, #tpu.memory_space<vmem>> -> memref<128xi32, #tpu.memory_space<vmem>>
      %dma_start3A_288 = arith.constant 0 : i32
      %dma_start3A_289 = arith.constant 0 : i32
      %dma_start3A_290 = tpu.memref_slice %arg17[%dma_start3A_288, %dma_start3A_289] : memref<10240x16xf32, #tpu.memory_space<vmem_shared>> -> memref<10240x16xf32, #tpu.memory_space<vmem_shared>>
      tpu.enqueue_indirect_dma source(%dma_start3A_290 : memref<10240x16xf32, #tpu.memory_space<vmem_shared>>) target(%dma_start3A_284 : memref<128x16xf32, #tpu.memory_space<vmem>>) offsets(%dma_start3A_287 : memref<128xi32, #tpu.memory_space<vmem>>) semaphore(%arg19 : memref<!tpu.dma_semaphore, #tpu.memory_space<semaphore_mem>>)
      %mul3A_291 = arith.constant 4 : i32
      %mul3A_292 = arith.muli %add3A_245, %mul3A_291 : i32
      %add3A_293 = arith.constant 3 : i32
      %add3A_294 = arith.addi %mul3A_292, %add3A_293 : i32
      %dma_start3A_295 = arith.constant 3 : i32
      %dma_start3A_296 = arith.constant 0 : i32
      %dma_start3A_297 = arith.constant 0 : i32
      %dma_start3A_298 = tpu.memref_slice %arg11[%dma_start3A_295, %dma_start3A_296, %dma_start3A_297] : memref<4x128x16xf32, #tpu.memory_space<vmem>> -> memref<1x128x16xf32, #tpu.memory_space<vmem>>
      %dma_start3A_299 = tpu.memref_squeeze %dma_start3A_298 : memref<1x128x16xf32, #tpu.memory_space<vmem>> -> memref<128x16xf32, #tpu.memory_space<vmem>>
      %dma_start3A_300 = arith.constant 0 : i32
      %dma_start3A_301 = tpu.memref_slice %arg8[%add3A_294, %dma_start3A_300] : memref<80x128xi32, #tpu.memory_space<vmem>> -> memref<1x128xi32, #tpu.memory_space<vmem>>
      %dma_start3A_302 = tpu.memref_squeeze %dma_start3A_301 : memref<1x128xi32, #tpu.memory_space<vmem>> -> memref<128xi32, #tpu.memory_space<vmem>>
      %dma_start3A_303 = arith.constant 0 : i32
      %dma_start3A_304 = arith.constant 0 : i32
      %dma_start3A_305 = tpu.memref_slice %arg17[%dma_start3A_303, %dma_start3A_304] : memref<10240x16xf32, #tpu.memory_space<vmem_shared>> -> memref<10240x16xf32, #tpu.memory_space<vmem_shared>>
      tpu.enqueue_indirect_dma source(%dma_start3A_305 : memref<10240x16xf32, #tpu.memory_space<vmem_shared>>) target(%dma_start3A_299 : memref<128x16xf32, #tpu.memory_space<vmem>>) offsets(%dma_start3A_302 : memref<128xi32, #tpu.memory_space<vmem>>) semaphore(%arg19 : memref<!tpu.dma_semaphore, #tpu.memory_space<semaphore_mem>>)
      %dma_wait3A_306 = arith.constant 0 : i32
      %dma_wait3A_307 = arith.constant 0 : i32
      %dma_wait3A_308 = arith.constant 0 : i32
      %dma_wait3A_309 = arith.constant 0 : i32
      %dma_wait3A_310 = tpu.memref_slice %arg10[%dma_wait3A_307, %dma_wait3A_308, %dma_wait3A_309] : memref<4x128x16xf32, #tpu.memory_space<vmem>> -> memref<1x128x16xf32, #tpu.memory_space<vmem>>
      %dma_wait3A_311 = tpu.memref_squeeze %dma_wait3A_310 : memref<1x128x16xf32, #tpu.memory_space<vmem>> -> memref<128x16xf32, #tpu.memory_space<vmem>>
      %dma_wait3A_312 = arith.constant 0 : i32
      %dma_wait3A_313 = tpu.memref_slice %arg8[%dma_wait3A_306, %dma_wait3A_312] : memref<80x128xi32, #tpu.memory_space<vmem>> -> memref<1x128xi32, #tpu.memory_space<vmem>>
      %dma_wait3A_314 = tpu.memref_squeeze %dma_wait3A_313 : memref<1x128xi32, #tpu.memory_space<vmem>> -> memref<128xi32, #tpu.memory_space<vmem>>
      %dma_wait3A_315 = arith.constant 0 : i32
      %dma_wait3A_316 = arith.constant 0 : i32
      %dma_wait3A_317 = tpu.memref_slice %arg2[%dma_wait3A_315, %dma_wait3A_316] : memref<10240x16xf32, #tpu.memory_space<hbm>> -> memref<10240x16xf32, #tpu.memory_space<hbm>>
      tpu.wait_indirect_dma semaphore(%arg18 : memref<!tpu.dma_semaphore, #tpu.memory_space<semaphore_mem>>) src(%dma_wait3A_317 : memref<10240x16xf32, #tpu.memory_space<hbm>>) dst(%dma_wait3A_311 : memref<128x16xf32, #tpu.memory_space<vmem>>)
      %dma_wait3A_318 = arith.constant 0 : i32
      %dma_wait3A_319 = arith.constant 1 : i32
      %dma_wait3A_320 = arith.constant 0 : i32
      %dma_wait3A_321 = arith.constant 0 : i32
      %dma_wait3A_322 = tpu.memref_slice %arg10[%dma_wait3A_319, %dma_wait3A_320, %dma_wait3A_321] : memref<4x128x16xf32, #tpu.memory_space<vmem>> -> memref<1x128x16xf32, #tpu.memory_space<vmem>>
      %dma_wait3A_323 = tpu.memref_squeeze %dma_wait3A_322 : memref<1x128x16xf32, #tpu.memory_space<vmem>> -> memref<128x16xf32, #tpu.memory_space<vmem>>
      %dma_wait3A_324 = arith.constant 0 : i32
      %dma_wait3A_325 = tpu.memref_slice %arg8[%dma_wait3A_318, %dma_wait3A_324] : memref<80x128xi32, #tpu.memory_space<vmem>> -> memref<1x128xi32, #tpu.memory_space<vmem>>
      %dma_wait3A_326 = tpu.memref_squeeze %dma_wait3A_325 : memref<1x128xi32, #tpu.memory_space<vmem>> -> memref<128xi32, #tpu.memory_space<vmem>>
      %dma_wait3A_327 = arith.constant 0 : i32
      %dma_wait3A_328 = arith.constant 0 : i32
      %dma_wait3A_329 = tpu.memref_slice %arg2[%dma_wait3A_327, %dma_wait3A_328] : memref<10240x16xf32, #tpu.memory_space<hbm>> -> memref<10240x16xf32, #tpu.memory_space<hbm>>
      tpu.wait_indirect_dma semaphore(%arg18 : memref<!tpu.dma_semaphore, #tpu.memory_space<semaphore_mem>>) src(%dma_wait3A_329 : memref<10240x16xf32, #tpu.memory_space<hbm>>) dst(%dma_wait3A_323 : memref<128x16xf32, #tpu.memory_space<vmem>>)
      %dma_wait3A_330 = arith.constant 0 : i32
      %dma_wait3A_331 = arith.constant 2 : i32
      %dma_wait3A_332 = arith.constant 0 : i32
      %dma_wait3A_333 = arith.constant 0 : i32
      %dma_wait3A_334 = tpu.memref_slice %arg10[%dma_wait3A_331, %dma_wait3A_332, %dma_wait3A_333] : memref<4x128x16xf32, #tpu.memory_space<vmem>> -> memref<1x128x16xf32, #tpu.memory_space<vmem>>
      %dma_wait3A_335 = tpu.memref_squeeze %dma_wait3A_334 : memref<1x128x16xf32, #tpu.memory_space<vmem>> -> memref<128x16xf32, #tpu.memory_space<vmem>>
      %dma_wait3A_336 = arith.constant 0 : i32
      %dma_wait3A_337 = tpu.memref_slice %arg8[%dma_wait3A_330, %dma_wait3A_336] : memref<80x128xi32, #tpu.memory_space<vmem>> -> memref<1x128xi32, #tpu.memory_space<vmem>>
      %dma_wait3A_338 = tpu.memref_squeeze %dma_wait3A_337 : memref<1x128xi32, #tpu.memory_space<vmem>> -> memref<128xi32, #tpu.memory_space<vmem>>
      %dma_wait3A_339 = arith.constant 0 : i32
      %dma_wait3A_340 = arith.constant 0 : i32
      %dma_wait3A_341 = tpu.memref_slice %arg2[%dma_wait3A_339, %dma_wait3A_340] : memref<10240x16xf32, #tpu.memory_space<hbm>> -> memref<10240x16xf32, #tpu.memory_space<hbm>>
      tpu.wait_indirect_dma semaphore(%arg18 : memref<!tpu.dma_semaphore, #tpu.memory_space<semaphore_mem>>) src(%dma_wait3A_341 : memref<10240x16xf32, #tpu.memory_space<hbm>>) dst(%dma_wait3A_335 : memref<128x16xf32, #tpu.memory_space<vmem>>)
      %dma_wait3A_342 = arith.constant 0 : i32
      %dma_wait3A_343 = arith.constant 3 : i32
      %dma_wait3A_344 = arith.constant 0 : i32
      %dma_wait3A_345 = arith.constant 0 : i32
      %dma_wait3A_346 = tpu.memref_slice %arg10[%dma_wait3A_343, %dma_wait3A_344, %dma_wait3A_345] : memref<4x128x16xf32, #tpu.memory_space<vmem>> -> memref<1x128x16xf32, #tpu.memory_space<vmem>>
      %dma_wait3A_347 = tpu.memref_squeeze %dma_wait3A_346 : memref<1x128x16xf32, #tpu.memory_space<vmem>> -> memref<128x16xf32, #tpu.memory_space<vmem>>
      %dma_wait3A_348 = arith.constant 0 : i32
      %dma_wait3A_349 = tpu.memref_slice %arg8[%dma_wait3A_342, %dma_wait3A_348] : memref<80x128xi32, #tpu.memory_space<vmem>> -> memref<1x128xi32, #tpu.memory_space<vmem>>
      %dma_wait3A_350 = tpu.memref_squeeze %dma_wait3A_349 : memref<1x128xi32, #tpu.memory_space<vmem>> -> memref<128xi32, #tpu.memory_space<vmem>>
      %dma_wait3A_351 = arith.constant 0 : i32
      %dma_wait3A_352 = arith.constant 0 : i32
      %dma_wait3A_353 = tpu.memref_slice %arg2[%dma_wait3A_351, %dma_wait3A_352] : memref<10240x16xf32, #tpu.memory_space<hbm>> -> memref<10240x16xf32, #tpu.memory_space<hbm>>
      tpu.wait_indirect_dma semaphore(%arg18 : memref<!tpu.dma_semaphore, #tpu.memory_space<semaphore_mem>>) src(%dma_wait3A_353 : memref<10240x16xf32, #tpu.memory_space<hbm>>) dst(%dma_wait3A_347 : memref<128x16xf32, #tpu.memory_space<vmem>>)
      %mul3A_354 = arith.constant 4 : i32
      %mul3A_355 = arith.muli %add3A_243, %mul3A_354 : i32
      %add3A_356 = arith.constant 0 : i32
      %add3A_357 = arith.addi %mul3A_355, %add3A_356 : i32
      %run_scoped3A_358 = arith.constant 0 : i32
      "tpu.region"() ({
        %run_scoped3A_506 = tpu.sem_alloc : memref<!tpu.dma_semaphore, #tpu.memory_space<semaphore_mem>>
        %dma_start3A_507 = arith.constant 0 : i32
        %dma_start3A_508 = arith.constant 0 : i32
        %dma_start3A_509 = tpu.memref_slice %arg10[%run_scoped3A_358, %dma_start3A_507, %dma_start3A_508] : memref<4x128x16xf32, #tpu.memory_space<vmem>> -> memref<1x128x16xf32, #tpu.memory_space<vmem>>
        %dma_start3A_510 = tpu.memref_squeeze %dma_start3A_509 : memref<1x128x16xf32, #tpu.memory_space<vmem>> -> memref<128x16xf32, #tpu.memory_space<vmem>>
        %dma_start3A_511 = arith.constant 0 : i32
        %dma_start3A_512 = tpu.memref_slice %arg9[%add3A_357, %dma_start3A_511] : memref<80x128xi32, #tpu.memory_space<vmem>> -> memref<1x128xi32, #tpu.memory_space<vmem>>
        %dma_start3A_513 = tpu.memref_squeeze %dma_start3A_512 : memref<1x128xi32, #tpu.memory_space<vmem>> -> memref<128xi32, #tpu.memory_space<vmem>>
        %dma_start3A_514 = arith.constant 0 : i32
        %dma_start3A_515 = arith.constant 0 : i32
        %dma_start3A_516 = tpu.memref_slice %arg16[%dma_start3A_514, %dma_start3A_515] : memref<10240x16xf32, #tpu.memory_space<vmem_shared>> -> memref<10240x16xf32, #tpu.memory_space<vmem_shared>>
        tpu.enqueue_indirect_dma source(%dma_start3A_510 : memref<128x16xf32, #tpu.memory_space<vmem>>) target(%dma_start3A_516 : memref<10240x16xf32, #tpu.memory_space<vmem_shared>>) offsets(%dma_start3A_513 : memref<128xi32, #tpu.memory_space<vmem>>) semaphore(%run_scoped3A_506 : memref<!tpu.dma_semaphore, #tpu.memory_space<semaphore_mem>>) {add = true}
        %dma_wait3A_517 = arith.constant 0 : i32
        %dma_wait3A_518 = arith.constant 0 : i32
        %dma_wait3A_519 = tpu.memref_slice %arg10[%run_scoped3A_358, %dma_wait3A_517, %dma_wait3A_518] : memref<4x128x16xf32, #tpu.memory_space<vmem>> -> memref<1x128x16xf32, #tpu.memory_space<vmem>>
        %dma_wait3A_520 = tpu.memref_squeeze %dma_wait3A_519 : memref<1x128x16xf32, #tpu.memory_space<vmem>> -> memref<128x16xf32, #tpu.memory_space<vmem>>
        %dma_wait3A_521 = arith.constant 0 : i32
        %dma_wait3A_522 = tpu.memref_slice %arg9[%add3A_357, %dma_wait3A_521] : memref<80x128xi32, #tpu.memory_space<vmem>> -> memref<1x128xi32, #tpu.memory_space<vmem>>
        %dma_wait3A_523 = tpu.memref_squeeze %dma_wait3A_522 : memref<1x128xi32, #tpu.memory_space<vmem>> -> memref<128xi32, #tpu.memory_space<vmem>>
        %dma_wait3A_524 = arith.constant 0 : i32
        %dma_wait3A_525 = arith.constant 0 : i32
        %dma_wait3A_526 = tpu.memref_slice %arg16[%dma_wait3A_524, %dma_wait3A_525] : memref<10240x16xf32, #tpu.memory_space<vmem_shared>> -> memref<10240x16xf32, #tpu.memory_space<vmem_shared>>
        tpu.wait_indirect_dma semaphore(%run_scoped3A_506 : memref<!tpu.dma_semaphore, #tpu.memory_space<semaphore_mem>>) src(%dma_wait3A_520 : memref<128x16xf32, #tpu.memory_space<vmem>>) dst(%dma_wait3A_526 : memref<10240x16xf32, #tpu.memory_space<vmem_shared>>)
        tpu.yield
      }) : () -> ()
      %mul3A_359 = arith.constant 4 : i32
      %mul3A_360 = arith.muli %add3A_243, %mul3A_359 : i32
      %add3A_361 = arith.constant 1 : i32
      %add3A_362 = arith.addi %mul3A_360, %add3A_361 : i32
      %run_scoped3A_363 = arith.constant 1 : i32
      "tpu.region"() ({
        %run_scoped3A_506 = tpu.sem_alloc : memref<!tpu.dma_semaphore, #tpu.memory_space<semaphore_mem>>
        %dma_start3A_507 = arith.constant 0 : i32
        %dma_start3A_508 = arith.constant 0 : i32
        %dma_start3A_509 = tpu.memref_slice %arg10[%run_scoped3A_363, %dma_start3A_507, %dma_start3A_508] : memref<4x128x16xf32, #tpu.memory_space<vmem>> -> memref<1x128x16xf32, #tpu.memory_space<vmem>>
        %dma_start3A_510 = tpu.memref_squeeze %dma_start3A_509 : memref<1x128x16xf32, #tpu.memory_space<vmem>> -> memref<128x16xf32, #tpu.memory_space<vmem>>
        %dma_start3A_511 = arith.constant 0 : i32
        %dma_start3A_512 = tpu.memref_slice %arg9[%add3A_362, %dma_start3A_511] : memref<80x128xi32, #tpu.memory_space<vmem>> -> memref<1x128xi32, #tpu.memory_space<vmem>>
        %dma_start3A_513 = tpu.memref_squeeze %dma_start3A_512 : memref<1x128xi32, #tpu.memory_space<vmem>> -> memref<128xi32, #tpu.memory_space<vmem>>
        %dma_start3A_514 = arith.constant 0 : i32
        %dma_start3A_515 = arith.constant 0 : i32
        %dma_start3A_516 = tpu.memref_slice %arg16[%dma_start3A_514, %dma_start3A_515] : memref<10240x16xf32, #tpu.memory_space<vmem_shared>> -> memref<10240x16xf32, #tpu.memory_space<vmem_shared>>
        tpu.enqueue_indirect_dma source(%dma_start3A_510 : memref<128x16xf32, #tpu.memory_space<vmem>>) target(%dma_start3A_516 : memref<10240x16xf32, #tpu.memory_space<vmem_shared>>) offsets(%dma_start3A_513 : memref<128xi32, #tpu.memory_space<vmem>>) semaphore(%run_scoped3A_506 : memref<!tpu.dma_semaphore, #tpu.memory_space<semaphore_mem>>) {add = true}
        %dma_wait3A_517 = arith.constant 0 : i32
        %dma_wait3A_518 = arith.constant 0 : i32
        %dma_wait3A_519 = tpu.memref_slice %arg10[%run_scoped3A_363, %dma_wait3A_517, %dma_wait3A_518] : memref<4x128x16xf32, #tpu.memory_space<vmem>> -> memref<1x128x16xf32, #tpu.memory_space<vmem>>
        %dma_wait3A_520 = tpu.memref_squeeze %dma_wait3A_519 : memref<1x128x16xf32, #tpu.memory_space<vmem>> -> memref<128x16xf32, #tpu.memory_space<vmem>>
        %dma_wait3A_521 = arith.constant 0 : i32
        %dma_wait3A_522 = tpu.memref_slice %arg9[%add3A_362, %dma_wait3A_521] : memref<80x128xi32, #tpu.memory_space<vmem>> -> memref<1x128xi32, #tpu.memory_space<vmem>>
        %dma_wait3A_523 = tpu.memref_squeeze %dma_wait3A_522 : memref<1x128xi32, #tpu.memory_space<vmem>> -> memref<128xi32, #tpu.memory_space<vmem>>
        %dma_wait3A_524 = arith.constant 0 : i32
        %dma_wait3A_525 = arith.constant 0 : i32
        %dma_wait3A_526 = tpu.memref_slice %arg16[%dma_wait3A_524, %dma_wait3A_525] : memref<10240x16xf32, #tpu.memory_space<vmem_shared>> -> memref<10240x16xf32, #tpu.memory_space<vmem_shared>>
        tpu.wait_indirect_dma semaphore(%run_scoped3A_506 : memref<!tpu.dma_semaphore, #tpu.memory_space<semaphore_mem>>) src(%dma_wait3A_520 : memref<128x16xf32, #tpu.memory_space<vmem>>) dst(%dma_wait3A_526 : memref<10240x16xf32, #tpu.memory_space<vmem_shared>>)
        tpu.yield
      }) : () -> ()
      %mul3A_364 = arith.constant 4 : i32
      %mul3A_365 = arith.muli %add3A_243, %mul3A_364 : i32
      %add3A_366 = arith.constant 2 : i32
      %add3A_367 = arith.addi %mul3A_365, %add3A_366 : i32
      %run_scoped3A_368 = arith.constant 2 : i32
      "tpu.region"() ({
        %run_scoped3A_506 = tpu.sem_alloc : memref<!tpu.dma_semaphore, #tpu.memory_space<semaphore_mem>>
        %dma_start3A_507 = arith.constant 0 : i32
        %dma_start3A_508 = arith.constant 0 : i32
        %dma_start3A_509 = tpu.memref_slice %arg10[%run_scoped3A_368, %dma_start3A_507, %dma_start3A_508] : memref<4x128x16xf32, #tpu.memory_space<vmem>> -> memref<1x128x16xf32, #tpu.memory_space<vmem>>
        %dma_start3A_510 = tpu.memref_squeeze %dma_start3A_509 : memref<1x128x16xf32, #tpu.memory_space<vmem>> -> memref<128x16xf32, #tpu.memory_space<vmem>>
        %dma_start3A_511 = arith.constant 0 : i32
        %dma_start3A_512 = tpu.memref_slice %arg9[%add3A_367, %dma_start3A_511] : memref<80x128xi32, #tpu.memory_space<vmem>> -> memref<1x128xi32, #tpu.memory_space<vmem>>
        %dma_start3A_513 = tpu.memref_squeeze %dma_start3A_512 : memref<1x128xi32, #tpu.memory_space<vmem>> -> memref<128xi32, #tpu.memory_space<vmem>>
        %dma_start3A_514 = arith.constant 0 : i32
        %dma_start3A_515 = arith.constant 0 : i32
        %dma_start3A_516 = tpu.memref_slice %arg16[%dma_start3A_514, %dma_start3A_515] : memref<10240x16xf32, #tpu.memory_space<vmem_shared>> -> memref<10240x16xf32, #tpu.memory_space<vmem_shared>>
        tpu.enqueue_indirect_dma source(%dma_start3A_510 : memref<128x16xf32, #tpu.memory_space<vmem>>) target(%dma_start3A_516 : memref<10240x16xf32, #tpu.memory_space<vmem_shared>>) offsets(%dma_start3A_513 : memref<128xi32, #tpu.memory_space<vmem>>) semaphore(%run_scoped3A_506 : memref<!tpu.dma_semaphore, #tpu.memory_space<semaphore_mem>>) {add = true}
        %dma_wait3A_517 = arith.constant 0 : i32
        %dma_wait3A_518 = arith.constant 0 : i32
        %dma_wait3A_519 = tpu.memref_slice %arg10[%run_scoped3A_368, %dma_wait3A_517, %dma_wait3A_518] : memref<4x128x16xf32, #tpu.memory_space<vmem>> -> memref<1x128x16xf32, #tpu.memory_space<vmem>>
        %dma_wait3A_520 = tpu.memref_squeeze %dma_wait3A_519 : memref<1x128x16xf32, #tpu.memory_space<vmem>> -> memref<128x16xf32, #tpu.memory_space<vmem>>
        %dma_wait3A_521 = arith.constant 0 : i32
        %dma_wait3A_522 = tpu.memref_slice %arg9[%add3A_367, %dma_wait3A_521] : memref<80x128xi32, #tpu.memory_space<vmem>> -> memref<1x128xi32, #tpu.memory_space<vmem>>
        %dma_wait3A_523 = tpu.memref_squeeze %dma_wait3A_522 : memref<1x128xi32, #tpu.memory_space<vmem>> -> memref<128xi32, #tpu.memory_space<vmem>>
        %dma_wait3A_524 = arith.constant 0 : i32
        %dma_wait3A_525 = arith.constant 0 : i32
        %dma_wait3A_526 = tpu.memref_slice %arg16[%dma_wait3A_524, %dma_wait3A_525] : memref<10240x16xf32, #tpu.memory_space<vmem_shared>> -> memref<10240x16xf32, #tpu.memory_space<vmem_shared>>
        tpu.wait_indirect_dma semaphore(%run_scoped3A_506 : memref<!tpu.dma_semaphore, #tpu.memory_space<semaphore_mem>>) src(%dma_wait3A_520 : memref<128x16xf32, #tpu.memory_space<vmem>>) dst(%dma_wait3A_526 : memref<10240x16xf32, #tpu.memory_space<vmem_shared>>)
        tpu.yield
      }) : () -> ()
      %mul3A_369 = arith.constant 4 : i32
      %mul3A_370 = arith.muli %add3A_243, %mul3A_369 : i32
      %add3A_371 = arith.constant 3 : i32
      %add3A_372 = arith.addi %mul3A_370, %add3A_371 : i32
      %run_scoped3A_373 = arith.constant 3 : i32
      "tpu.region"() ({
        %run_scoped3A_506 = tpu.sem_alloc : memref<!tpu.dma_semaphore, #tpu.memory_space<semaphore_mem>>
        %dma_start3A_507 = arith.constant 0 : i32
        %dma_start3A_508 = arith.constant 0 : i32
        %dma_start3A_509 = tpu.memref_slice %arg10[%run_scoped3A_373, %dma_start3A_507, %dma_start3A_508] : memref<4x128x16xf32, #tpu.memory_space<vmem>> -> memref<1x128x16xf32, #tpu.memory_space<vmem>>
        %dma_start3A_510 = tpu.memref_squeeze %dma_start3A_509 : memref<1x128x16xf32, #tpu.memory_space<vmem>> -> memref<128x16xf32, #tpu.memory_space<vmem>>
        %dma_start3A_511 = arith.constant 0 : i32
        %dma_start3A_512 = tpu.memref_slice %arg9[%add3A_372, %dma_start3A_511] : memref<80x128xi32, #tpu.memory_space<vmem>> -> memref<1x128xi32, #tpu.memory_space<vmem>>
        %dma_start3A_513 = tpu.memref_squeeze %dma_start3A_512 : memref<1x128xi32, #tpu.memory_space<vmem>> -> memref<128xi32, #tpu.memory_space<vmem>>
        %dma_start3A_514 = arith.constant 0 : i32
        %dma_start3A_515 = arith.constant 0 : i32
        %dma_start3A_516 = tpu.memref_slice %arg16[%dma_start3A_514, %dma_start3A_515] : memref<10240x16xf32, #tpu.memory_space<vmem_shared>> -> memref<10240x16xf32, #tpu.memory_space<vmem_shared>>
        tpu.enqueue_indirect_dma source(%dma_start3A_510 : memref<128x16xf32, #tpu.memory_space<vmem>>) target(%dma_start3A_516 : memref<10240x16xf32, #tpu.memory_space<vmem_shared>>) offsets(%dma_start3A_513 : memref<128xi32, #tpu.memory_space<vmem>>) semaphore(%run_scoped3A_506 : memref<!tpu.dma_semaphore, #tpu.memory_space<semaphore_mem>>) {add = true}
        %dma_wait3A_517 = arith.constant 0 : i32
        %dma_wait3A_518 = arith.constant 0 : i32
        %dma_wait3A_519 = tpu.memref_slice %arg10[%run_scoped3A_373, %dma_wait3A_517, %dma_wait3A_518] : memref<4x128x16xf32, #tpu.memory_space<vmem>> -> memref<1x128x16xf32, #tpu.memory_space<vmem>>
        %dma_wait3A_520 = tpu.memref_squeeze %dma_wait3A_519 : memref<1x128x16xf32, #tpu.memory_space<vmem>> -> memref<128x16xf32, #tpu.memory_space<vmem>>
        %dma_wait3A_521 = arith.constant 0 : i32
        %dma_wait3A_522 = tpu.memref_slice %arg9[%add3A_372, %dma_wait3A_521] : memref<80x128xi32, #tpu.memory_space<vmem>> -> memref<1x128xi32, #tpu.memory_space<vmem>>
        %dma_wait3A_523 = tpu.memref_squeeze %dma_wait3A_522 : memref<1x128xi32, #tpu.memory_space<vmem>> -> memref<128xi32, #tpu.memory_space<vmem>>
        %dma_wait3A_524 = arith.constant 0 : i32
        %dma_wait3A_525 = arith.constant 0 : i32
        %dma_wait3A_526 = tpu.memref_slice %arg16[%dma_wait3A_524, %dma_wait3A_525] : memref<10240x16xf32, #tpu.memory_space<vmem_shared>> -> memref<10240x16xf32, #tpu.memory_space<vmem_shared>>
        tpu.wait_indirect_dma semaphore(%run_scoped3A_506 : memref<!tpu.dma_semaphore, #tpu.memory_space<semaphore_mem>>) src(%dma_wait3A_520 : memref<128x16xf32, #tpu.memory_space<vmem>>) dst(%dma_wait3A_526 : memref<10240x16xf32, #tpu.memory_space<vmem_shared>>)
        tpu.yield
      }) : () -> ()
      %add3A_374 = arith.constant 2 : i32
      %add3A_375 = arith.addi %add3A_243, %add3A_374 : i32
      %mul3A_376 = arith.constant 4 : i32
      %mul3A_377 = arith.muli %add3A_375, %mul3A_376 : i32
      %add3A_378 = arith.constant 0 : i32
      %add3A_379 = arith.addi %mul3A_377, %add3A_378 : i32
      %dma_start3A_380 = arith.constant 0 : i32
      %dma_start3A_381 = arith.constant 0 : i32
      %dma_start3A_382 = arith.constant 0 : i32
      %dma_start3A_383 = tpu.memref_slice %arg10[%dma_start3A_380, %dma_start3A_381, %dma_start3A_382] : memref<4x128x16xf32, #tpu.memory_space<vmem>> -> memref<1x128x16xf32, #tpu.memory_space<vmem>>
      %dma_start3A_384 = tpu.memref_squeeze %dma_start3A_383 : memref<1x128x16xf32, #tpu.memory_space<vmem>> -> memref<128x16xf32, #tpu.memory_space<vmem>>
      %dma_start3A_385 = arith.constant 0 : i32
      %dma_start3A_386 = tpu.memref_slice %arg8[%add3A_379, %dma_start3A_385] : memref<80x128xi32, #tpu.memory_space<vmem>> -> memref<1x128xi32, #tpu.memory_space<vmem>>
      %dma_start3A_387 = tpu.memref_squeeze %dma_start3A_386 : memref<1x128xi32, #tpu.memory_space<vmem>> -> memref<128xi32, #tpu.memory_space<vmem>>
      %dma_start3A_388 = arith.constant 0 : i32
      %dma_start3A_389 = arith.constant 0 : i32
      %dma_start3A_390 = tpu.memref_slice %arg17[%dma_start3A_388, %dma_start3A_389] : memref<10240x16xf32, #tpu.memory_space<vmem_shared>> -> memref<10240x16xf32, #tpu.memory_space<vmem_shared>>
      tpu.enqueue_indirect_dma source(%dma_start3A_390 : memref<10240x16xf32, #tpu.memory_space<vmem_shared>>) target(%dma_start3A_384 : memref<128x16xf32, #tpu.memory_space<vmem>>) offsets(%dma_start3A_387 : memref<128xi32, #tpu.memory_space<vmem>>) semaphore(%arg18 : memref<!tpu.dma_semaphore, #tpu.memory_space<semaphore_mem>>)
      %mul3A_391 = arith.constant 4 : i32
      %mul3A_392 = arith.muli %add3A_375, %mul3A_391 : i32
      %add3A_393 = arith.constant 1 : i32
      %add3A_394 = arith.addi %mul3A_392, %add3A_393 : i32
      %dma_start3A_395 = arith.constant 1 : i32
      %dma_start3A_396 = arith.constant 0 : i32
      %dma_start3A_397 = arith.constant 0 : i32
      %dma_start3A_398 = tpu.memref_slice %arg10[%dma_start3A_395, %dma_start3A_396, %dma_start3A_397] : memref<4x128x16xf32, #tpu.memory_space<vmem>> -> memref<1x128x16xf32, #tpu.memory_space<vmem>>
      %dma_start3A_399 = tpu.memref_squeeze %dma_start3A_398 : memref<1x128x16xf32, #tpu.memory_space<vmem>> -> memref<128x16xf32, #tpu.memory_space<vmem>>
      %dma_start3A_400 = arith.constant 0 : i32
      %dma_start3A_401 = tpu.memref_slice %arg8[%add3A_394, %dma_start3A_400] : memref<80x128xi32, #tpu.memory_space<vmem>> -> memref<1x128xi32, #tpu.memory_space<vmem>>
      %dma_start3A_402 = tpu.memref_squeeze %dma_start3A_401 : memref<1x128xi32, #tpu.memory_space<vmem>> -> memref<128xi32, #tpu.memory_space<vmem>>
      %dma_start3A_403 = arith.constant 0 : i32
      %dma_start3A_404 = arith.constant 0 : i32
      %dma_start3A_405 = tpu.memref_slice %arg17[%dma_start3A_403, %dma_start3A_404] : memref<10240x16xf32, #tpu.memory_space<vmem_shared>> -> memref<10240x16xf32, #tpu.memory_space<vmem_shared>>
      tpu.enqueue_indirect_dma source(%dma_start3A_405 : memref<10240x16xf32, #tpu.memory_space<vmem_shared>>) target(%dma_start3A_399 : memref<128x16xf32, #tpu.memory_space<vmem>>) offsets(%dma_start3A_402 : memref<128xi32, #tpu.memory_space<vmem>>) semaphore(%arg18 : memref<!tpu.dma_semaphore, #tpu.memory_space<semaphore_mem>>)
      %mul3A_406 = arith.constant 4 : i32
      %mul3A_407 = arith.muli %add3A_375, %mul3A_406 : i32
      %add3A_408 = arith.constant 2 : i32
      %add3A_409 = arith.addi %mul3A_407, %add3A_408 : i32
      %dma_start3A_410 = arith.constant 2 : i32
      %dma_start3A_411 = arith.constant 0 : i32
      %dma_start3A_412 = arith.constant 0 : i32
      %dma_start3A_413 = tpu.memref_slice %arg10[%dma_start3A_410, %dma_start3A_411, %dma_start3A_412] : memref<4x128x16xf32, #tpu.memory_space<vmem>> -> memref<1x128x16xf32, #tpu.memory_space<vmem>>
      %dma_start3A_414 = tpu.memref_squeeze %dma_start3A_413 : memref<1x128x16xf32, #tpu.memory_space<vmem>> -> memref<128x16xf32, #tpu.memory_space<vmem>>
      %dma_start3A_415 = arith.constant 0 : i32
      %dma_start3A_416 = tpu.memref_slice %arg8[%add3A_409, %dma_start3A_415] : memref<80x128xi32, #tpu.memory_space<vmem>> -> memref<1x128xi32, #tpu.memory_space<vmem>>
      %dma_start3A_417 = tpu.memref_squeeze %dma_start3A_416 : memref<1x128xi32, #tpu.memory_space<vmem>> -> memref<128xi32, #tpu.memory_space<vmem>>
      %dma_start3A_418 = arith.constant 0 : i32
      %dma_start3A_419 = arith.constant 0 : i32
      %dma_start3A_420 = tpu.memref_slice %arg17[%dma_start3A_418, %dma_start3A_419] : memref<10240x16xf32, #tpu.memory_space<vmem_shared>> -> memref<10240x16xf32, #tpu.memory_space<vmem_shared>>
      tpu.enqueue_indirect_dma source(%dma_start3A_420 : memref<10240x16xf32, #tpu.memory_space<vmem_shared>>) target(%dma_start3A_414 : memref<128x16xf32, #tpu.memory_space<vmem>>) offsets(%dma_start3A_417 : memref<128xi32, #tpu.memory_space<vmem>>) semaphore(%arg18 : memref<!tpu.dma_semaphore, #tpu.memory_space<semaphore_mem>>)
      %mul3A_421 = arith.constant 4 : i32
      %mul3A_422 = arith.muli %add3A_375, %mul3A_421 : i32
      %add3A_423 = arith.constant 3 : i32
      %add3A_424 = arith.addi %mul3A_422, %add3A_423 : i32
      %dma_start3A_425 = arith.constant 3 : i32
      %dma_start3A_426 = arith.constant 0 : i32
      %dma_start3A_427 = arith.constant 0 : i32
      %dma_start3A_428 = tpu.memref_slice %arg10[%dma_start3A_425, %dma_start3A_426, %dma_start3A_427] : memref<4x128x16xf32, #tpu.memory_space<vmem>> -> memref<1x128x16xf32, #tpu.memory_space<vmem>>
      %dma_start3A_429 = tpu.memref_squeeze %dma_start3A_428 : memref<1x128x16xf32, #tpu.memory_space<vmem>> -> memref<128x16xf32, #tpu.memory_space<vmem>>
      %dma_start3A_430 = arith.constant 0 : i32
      %dma_start3A_431 = tpu.memref_slice %arg8[%add3A_424, %dma_start3A_430] : memref<80x128xi32, #tpu.memory_space<vmem>> -> memref<1x128xi32, #tpu.memory_space<vmem>>
      %dma_start3A_432 = tpu.memref_squeeze %dma_start3A_431 : memref<1x128xi32, #tpu.memory_space<vmem>> -> memref<128xi32, #tpu.memory_space<vmem>>
      %dma_start3A_433 = arith.constant 0 : i32
      %dma_start3A_434 = arith.constant 0 : i32
      %dma_start3A_435 = tpu.memref_slice %arg17[%dma_start3A_433, %dma_start3A_434] : memref<10240x16xf32, #tpu.memory_space<vmem_shared>> -> memref<10240x16xf32, #tpu.memory_space<vmem_shared>>
      tpu.enqueue_indirect_dma source(%dma_start3A_435 : memref<10240x16xf32, #tpu.memory_space<vmem_shared>>) target(%dma_start3A_429 : memref<128x16xf32, #tpu.memory_space<vmem>>) offsets(%dma_start3A_432 : memref<128xi32, #tpu.memory_space<vmem>>) semaphore(%arg18 : memref<!tpu.dma_semaphore, #tpu.memory_space<semaphore_mem>>)
      %dma_wait3A_436 = arith.constant 0 : i32
      %dma_wait3A_437 = arith.constant 0 : i32
      %dma_wait3A_438 = arith.constant 0 : i32
      %dma_wait3A_439 = arith.constant 0 : i32
      %dma_wait3A_440 = tpu.memref_slice %arg11[%dma_wait3A_437, %dma_wait3A_438, %dma_wait3A_439] : memref<4x128x16xf32, #tpu.memory_space<vmem>> -> memref<1x128x16xf32, #tpu.memory_space<vmem>>
      %dma_wait3A_441 = tpu.memref_squeeze %dma_wait3A_440 : memref<1x128x16xf32, #tpu.memory_space<vmem>> -> memref<128x16xf32, #tpu.memory_space<vmem>>
      %dma_wait3A_442 = arith.constant 0 : i32
      %dma_wait3A_443 = tpu.memref_slice %arg8[%dma_wait3A_436, %dma_wait3A_442] : memref<80x128xi32, #tpu.memory_space<vmem>> -> memref<1x128xi32, #tpu.memory_space<vmem>>
      %dma_wait3A_444 = tpu.memref_squeeze %dma_wait3A_443 : memref<1x128xi32, #tpu.memory_space<vmem>> -> memref<128xi32, #tpu.memory_space<vmem>>
      %dma_wait3A_445 = arith.constant 0 : i32
      %dma_wait3A_446 = arith.constant 0 : i32
      %dma_wait3A_447 = tpu.memref_slice %arg2[%dma_wait3A_445, %dma_wait3A_446] : memref<10240x16xf32, #tpu.memory_space<hbm>> -> memref<10240x16xf32, #tpu.memory_space<hbm>>
      tpu.wait_indirect_dma semaphore(%arg19 : memref<!tpu.dma_semaphore, #tpu.memory_space<semaphore_mem>>) src(%dma_wait3A_447 : memref<10240x16xf32, #tpu.memory_space<hbm>>) dst(%dma_wait3A_441 : memref<128x16xf32, #tpu.memory_space<vmem>>)
      %dma_wait3A_448 = arith.constant 0 : i32
      %dma_wait3A_449 = arith.constant 1 : i32
      %dma_wait3A_450 = arith.constant 0 : i32
      %dma_wait3A_451 = arith.constant 0 : i32
      %dma_wait3A_452 = tpu.memref_slice %arg11[%dma_wait3A_449, %dma_wait3A_450, %dma_wait3A_451] : memref<4x128x16xf32, #tpu.memory_space<vmem>> -> memref<1x128x16xf32, #tpu.memory_space<vmem>>
      %dma_wait3A_453 = tpu.memref_squeeze %dma_wait3A_452 : memref<1x128x16xf32, #tpu.memory_space<vmem>> -> memref<128x16xf32, #tpu.memory_space<vmem>>
      %dma_wait3A_454 = arith.constant 0 : i32
      %dma_wait3A_455 = tpu.memref_slice %arg8[%dma_wait3A_448, %dma_wait3A_454] : memref<80x128xi32, #tpu.memory_space<vmem>> -> memref<1x128xi32, #tpu.memory_space<vmem>>
      %dma_wait3A_456 = tpu.memref_squeeze %dma_wait3A_455 : memref<1x128xi32, #tpu.memory_space<vmem>> -> memref<128xi32, #tpu.memory_space<vmem>>
      %dma_wait3A_457 = arith.constant 0 : i32
      %dma_wait3A_458 = arith.constant 0 : i32
      %dma_wait3A_459 = tpu.memref_slice %arg2[%dma_wait3A_457, %dma_wait3A_458] : memref<10240x16xf32, #tpu.memory_space<hbm>> -> memref<10240x16xf32, #tpu.memory_space<hbm>>
      tpu.wait_indirect_dma semaphore(%arg19 : memref<!tpu.dma_semaphore, #tpu.memory_space<semaphore_mem>>) src(%dma_wait3A_459 : memref<10240x16xf32, #tpu.memory_space<hbm>>) dst(%dma_wait3A_453 : memref<128x16xf32, #tpu.memory_space<vmem>>)
      %dma_wait3A_460 = arith.constant 0 : i32
      %dma_wait3A_461 = arith.constant 2 : i32
      %dma_wait3A_462 = arith.constant 0 : i32
      %dma_wait3A_463 = arith.constant 0 : i32
      %dma_wait3A_464 = tpu.memref_slice %arg11[%dma_wait3A_461, %dma_wait3A_462, %dma_wait3A_463] : memref<4x128x16xf32, #tpu.memory_space<vmem>> -> memref<1x128x16xf32, #tpu.memory_space<vmem>>
      %dma_wait3A_465 = tpu.memref_squeeze %dma_wait3A_464 : memref<1x128x16xf32, #tpu.memory_space<vmem>> -> memref<128x16xf32, #tpu.memory_space<vmem>>
      %dma_wait3A_466 = arith.constant 0 : i32
      %dma_wait3A_467 = tpu.memref_slice %arg8[%dma_wait3A_460, %dma_wait3A_466] : memref<80x128xi32, #tpu.memory_space<vmem>> -> memref<1x128xi32, #tpu.memory_space<vmem>>
      %dma_wait3A_468 = tpu.memref_squeeze %dma_wait3A_467 : memref<1x128xi32, #tpu.memory_space<vmem>> -> memref<128xi32, #tpu.memory_space<vmem>>
      %dma_wait3A_469 = arith.constant 0 : i32
      %dma_wait3A_470 = arith.constant 0 : i32
      %dma_wait3A_471 = tpu.memref_slice %arg2[%dma_wait3A_469, %dma_wait3A_470] : memref<10240x16xf32, #tpu.memory_space<hbm>> -> memref<10240x16xf32, #tpu.memory_space<hbm>>
      tpu.wait_indirect_dma semaphore(%arg19 : memref<!tpu.dma_semaphore, #tpu.memory_space<semaphore_mem>>) src(%dma_wait3A_471 : memref<10240x16xf32, #tpu.memory_space<hbm>>) dst(%dma_wait3A_465 : memref<128x16xf32, #tpu.memory_space<vmem>>)
      %dma_wait3A_472 = arith.constant 0 : i32
      %dma_wait3A_473 = arith.constant 3 : i32
      %dma_wait3A_474 = arith.constant 0 : i32
      %dma_wait3A_475 = arith.constant 0 : i32
      %dma_wait3A_476 = tpu.memref_slice %arg11[%dma_wait3A_473, %dma_wait3A_474, %dma_wait3A_475] : memref<4x128x16xf32, #tpu.memory_space<vmem>> -> memref<1x128x16xf32, #tpu.memory_space<vmem>>
      %dma_wait3A_477 = tpu.memref_squeeze %dma_wait3A_476 : memref<1x128x16xf32, #tpu.memory_space<vmem>> -> memref<128x16xf32, #tpu.memory_space<vmem>>
      %dma_wait3A_478 = arith.constant 0 : i32
      %dma_wait3A_479 = tpu.memref_slice %arg8[%dma_wait3A_472, %dma_wait3A_478] : memref<80x128xi32, #tpu.memory_space<vmem>> -> memref<1x128xi32, #tpu.memory_space<vmem>>
      %dma_wait3A_480 = tpu.memref_squeeze %dma_wait3A_479 : memref<1x128xi32, #tpu.memory_space<vmem>> -> memref<128xi32, #tpu.memory_space<vmem>>
      %dma_wait3A_481 = arith.constant 0 : i32
      %dma_wait3A_482 = arith.constant 0 : i32
      %dma_wait3A_483 = tpu.memref_slice %arg2[%dma_wait3A_481, %dma_wait3A_482] : memref<10240x16xf32, #tpu.memory_space<hbm>> -> memref<10240x16xf32, #tpu.memory_space<hbm>>
      tpu.wait_indirect_dma semaphore(%arg19 : memref<!tpu.dma_semaphore, #tpu.memory_space<semaphore_mem>>) src(%dma_wait3A_483 : memref<10240x16xf32, #tpu.memory_space<hbm>>) dst(%dma_wait3A_477 : memref<128x16xf32, #tpu.memory_space<vmem>>)
      %add3A_484 = arith.constant 1 : i32
      %add3A_485 = arith.addi %add3A_243, %add3A_484 : i32
      %mul3A_486 = arith.constant 4 : i32
      %mul3A_487 = arith.muli %add3A_485, %mul3A_486 : i32
      %add3A_488 = arith.constant 0 : i32
      %add3A_489 = arith.addi %mul3A_487, %add3A_488 : i32
      %run_scoped3A_490 = arith.constant 0 : i32
      "tpu.region"() ({
        %run_scoped3A_506 = tpu.sem_alloc : memref<!tpu.dma_semaphore, #tpu.memory_space<semaphore_mem>>
        %dma_start3A_507 = arith.constant 0 : i32
        %dma_start3A_508 = arith.constant 0 : i32
        %dma_start3A_509 = tpu.memref_slice %arg11[%run_scoped3A_490, %dma_start3A_507, %dma_start3A_508] : memref<4x128x16xf32, #tpu.memory_space<vmem>> -> memref<1x128x16xf32, #tpu.memory_space<vmem>>
        %dma_start3A_510 = tpu.memref_squeeze %dma_start3A_509 : memref<1x128x16xf32, #tpu.memory_space<vmem>> -> memref<128x16xf32, #tpu.memory_space<vmem>>
        %dma_start3A_511 = arith.constant 0 : i32
        %dma_start3A_512 = tpu.memref_slice %arg9[%add3A_489, %dma_start3A_511] : memref<80x128xi32, #tpu.memory_space<vmem>> -> memref<1x128xi32, #tpu.memory_space<vmem>>
        %dma_start3A_513 = tpu.memref_squeeze %dma_start3A_512 : memref<1x128xi32, #tpu.memory_space<vmem>> -> memref<128xi32, #tpu.memory_space<vmem>>
        %dma_start3A_514 = arith.constant 0 : i32
        %dma_start3A_515 = arith.constant 0 : i32
        %dma_start3A_516 = tpu.memref_slice %arg16[%dma_start3A_514, %dma_start3A_515] : memref<10240x16xf32, #tpu.memory_space<vmem_shared>> -> memref<10240x16xf32, #tpu.memory_space<vmem_shared>>
        tpu.enqueue_indirect_dma source(%dma_start3A_510 : memref<128x16xf32, #tpu.memory_space<vmem>>) target(%dma_start3A_516 : memref<10240x16xf32, #tpu.memory_space<vmem_shared>>) offsets(%dma_start3A_513 : memref<128xi32, #tpu.memory_space<vmem>>) semaphore(%run_scoped3A_506 : memref<!tpu.dma_semaphore, #tpu.memory_space<semaphore_mem>>) {add = true}
        %dma_wait3A_517 = arith.constant 0 : i32
        %dma_wait3A_518 = arith.constant 0 : i32
        %dma_wait3A_519 = tpu.memref_slice %arg11[%run_scoped3A_490, %dma_wait3A_517, %dma_wait3A_518] : memref<4x128x16xf32, #tpu.memory_space<vmem>> -> memref<1x128x16xf32, #tpu.memory_space<vmem>>
        %dma_wait3A_520 = tpu.memref_squeeze %dma_wait3A_519 : memref<1x128x16xf32, #tpu.memory_space<vmem>> -> memref<128x16xf32, #tpu.memory_space<vmem>>
        %dma_wait3A_521 = arith.constant 0 : i32
        %dma_wait3A_522 = tpu.memref_slice %arg9[%add3A_489, %dma_wait3A_521] : memref<80x128xi32, #tpu.memory_space<vmem>> -> memref<1x128xi32, #tpu.memory_space<vmem>>
        %dma_wait3A_523 = tpu.memref_squeeze %dma_wait3A_522 : memref<1x128xi32, #tpu.memory_space<vmem>> -> memref<128xi32, #tpu.memory_space<vmem>>
        %dma_wait3A_524 = arith.constant 0 : i32
        %dma_wait3A_525 = arith.constant 0 : i32
        %dma_wait3A_526 = tpu.memref_slice %arg16[%dma_wait3A_524, %dma_wait3A_525] : memref<10240x16xf32, #tpu.memory_space<vmem_shared>> -> memref<10240x16xf32, #tpu.memory_space<vmem_shared>>
        tpu.wait_indirect_dma semaphore(%run_scoped3A_506 : memref<!tpu.dma_semaphore, #tpu.memory_space<semaphore_mem>>) src(%dma_wait3A_520 : memref<128x16xf32, #tpu.memory_space<vmem>>) dst(%dma_wait3A_526 : memref<10240x16xf32, #tpu.memory_space<vmem_shared>>)
        tpu.yield
      }) : () -> ()
      %mul3A_491 = arith.constant 4 : i32
      %mul3A_492 = arith.muli %add3A_485, %mul3A_491 : i32
      %add3A_493 = arith.constant 1 : i32
      %add3A_494 = arith.addi %mul3A_492, %add3A_493 : i32
      %run_scoped3A_495 = arith.constant 1 : i32
      "tpu.region"() ({
        %run_scoped3A_506 = tpu.sem_alloc : memref<!tpu.dma_semaphore, #tpu.memory_space<semaphore_mem>>
        %dma_start3A_507 = arith.constant 0 : i32
        %dma_start3A_508 = arith.constant 0 : i32
        %dma_start3A_509 = tpu.memref_slice %arg11[%run_scoped3A_495, %dma_start3A_507, %dma_start3A_508] : memref<4x128x16xf32, #tpu.memory_space<vmem>> -> memref<1x128x16xf32, #tpu.memory_space<vmem>>
        %dma_start3A_510 = tpu.memref_squeeze %dma_start3A_509 : memref<1x128x16xf32, #tpu.memory_space<vmem>> -> memref<128x16xf32, #tpu.memory_space<vmem>>
        %dma_start3A_511 = arith.constant 0 : i32
        %dma_start3A_512 = tpu.memref_slice %arg9[%add3A_494, %dma_start3A_511] : memref<80x128xi32, #tpu.memory_space<vmem>> -> memref<1x128xi32, #tpu.memory_space<vmem>>
        %dma_start3A_513 = tpu.memref_squeeze %dma_start3A_512 : memref<1x128xi32, #tpu.memory_space<vmem>> -> memref<128xi32, #tpu.memory_space<vmem>>
        %dma_start3A_514 = arith.constant 0 : i32
        %dma_start3A_515 = arith.constant 0 : i32
        %dma_start3A_516 = tpu.memref_slice %arg16[%dma_start3A_514, %dma_start3A_515] : memref<10240x16xf32, #tpu.memory_space<vmem_shared>> -> memref<10240x16xf32, #tpu.memory_space<vmem_shared>>
        tpu.enqueue_indirect_dma source(%dma_start3A_510 : memref<128x16xf32, #tpu.memory_space<vmem>>) target(%dma_start3A_516 : memref<10240x16xf32, #tpu.memory_space<vmem_shared>>) offsets(%dma_start3A_513 : memref<128xi32, #tpu.memory_space<vmem>>) semaphore(%run_scoped3A_506 : memref<!tpu.dma_semaphore, #tpu.memory_space<semaphore_mem>>) {add = true}
        %dma_wait3A_517 = arith.constant 0 : i32
        %dma_wait3A_518 = arith.constant 0 : i32
        %dma_wait3A_519 = tpu.memref_slice %arg11[%run_scoped3A_495, %dma_wait3A_517, %dma_wait3A_518] : memref<4x128x16xf32, #tpu.memory_space<vmem>> -> memref<1x128x16xf32, #tpu.memory_space<vmem>>
        %dma_wait3A_520 = tpu.memref_squeeze %dma_wait3A_519 : memref<1x128x16xf32, #tpu.memory_space<vmem>> -> memref<128x16xf32, #tpu.memory_space<vmem>>
        %dma_wait3A_521 = arith.constant 0 : i32
        %dma_wait3A_522 = tpu.memref_slice %arg9[%add3A_494, %dma_wait3A_521] : memref<80x128xi32, #tpu.memory_space<vmem>> -> memref<1x128xi32, #tpu.memory_space<vmem>>
        %dma_wait3A_523 = tpu.memref_squeeze %dma_wait3A_522 : memref<1x128xi32, #tpu.memory_space<vmem>> -> memref<128xi32, #tpu.memory_space<vmem>>
        %dma_wait3A_524 = arith.constant 0 : i32
        %dma_wait3A_525 = arith.constant 0 : i32
        %dma_wait3A_526 = tpu.memref_slice %arg16[%dma_wait3A_524, %dma_wait3A_525] : memref<10240x16xf32, #tpu.memory_space<vmem_shared>> -> memref<10240x16xf32, #tpu.memory_space<vmem_shared>>
        tpu.wait_indirect_dma semaphore(%run_scoped3A_506 : memref<!tpu.dma_semaphore, #tpu.memory_space<semaphore_mem>>) src(%dma_wait3A_520 : memref<128x16xf32, #tpu.memory_space<vmem>>) dst(%dma_wait3A_526 : memref<10240x16xf32, #tpu.memory_space<vmem_shared>>)
        tpu.yield
      }) : () -> ()
      %mul3A_496 = arith.constant 4 : i32
      %mul3A_497 = arith.muli %add3A_485, %mul3A_496 : i32
      %add3A_498 = arith.constant 2 : i32
      %add3A_499 = arith.addi %mul3A_497, %add3A_498 : i32
      %run_scoped3A_500 = arith.constant 2 : i32
      "tpu.region"() ({
        %run_scoped3A_506 = tpu.sem_alloc : memref<!tpu.dma_semaphore, #tpu.memory_space<semaphore_mem>>
        %dma_start3A_507 = arith.constant 0 : i32
        %dma_start3A_508 = arith.constant 0 : i32
        %dma_start3A_509 = tpu.memref_slice %arg11[%run_scoped3A_500, %dma_start3A_507, %dma_start3A_508] : memref<4x128x16xf32, #tpu.memory_space<vmem>> -> memref<1x128x16xf32, #tpu.memory_space<vmem>>
        %dma_start3A_510 = tpu.memref_squeeze %dma_start3A_509 : memref<1x128x16xf32, #tpu.memory_space<vmem>> -> memref<128x16xf32, #tpu.memory_space<vmem>>
        %dma_start3A_511 = arith.constant 0 : i32
        %dma_start3A_512 = tpu.memref_slice %arg9[%add3A_499, %dma_start3A_511] : memref<80x128xi32, #tpu.memory_space<vmem>> -> memref<1x128xi32, #tpu.memory_space<vmem>>
        %dma_start3A_513 = tpu.memref_squeeze %dma_start3A_512 : memref<1x128xi32, #tpu.memory_space<vmem>> -> memref<128xi32, #tpu.memory_space<vmem>>
        %dma_start3A_514 = arith.constant 0 : i32
        %dma_start3A_515 = arith.constant 0 : i32
        %dma_start3A_516 = tpu.memref_slice %arg16[%dma_start3A_514, %dma_start3A_515] : memref<10240x16xf32, #tpu.memory_space<vmem_shared>> -> memref<10240x16xf32, #tpu.memory_space<vmem_shared>>
        tpu.enqueue_indirect_dma source(%dma_start3A_510 : memref<128x16xf32, #tpu.memory_space<vmem>>) target(%dma_start3A_516 : memref<10240x16xf32, #tpu.memory_space<vmem_shared>>) offsets(%dma_start3A_513 : memref<128xi32, #tpu.memory_space<vmem>>) semaphore(%run_scoped3A_506 : memref<!tpu.dma_semaphore, #tpu.memory_space<semaphore_mem>>) {add = true}
        %dma_wait3A_517 = arith.constant 0 : i32
        %dma_wait3A_518 = arith.constant 0 : i32
        %dma_wait3A_519 = tpu.memref_slice %arg11[%run_scoped3A_500, %dma_wait3A_517, %dma_wait3A_518] : memref<4x128x16xf32, #tpu.memory_space<vmem>> -> memref<1x128x16xf32, #tpu.memory_space<vmem>>
        %dma_wait3A_520 = tpu.memref_squeeze %dma_wait3A_519 : memref<1x128x16xf32, #tpu.memory_space<vmem>> -> memref<128x16xf32, #tpu.memory_space<vmem>>
        %dma_wait3A_521 = arith.constant 0 : i32
        %dma_wait3A_522 = tpu.memref_slice %arg9[%add3A_499, %dma_wait3A_521] : memref<80x128xi32, #tpu.memory_space<vmem>> -> memref<1x128xi32, #tpu.memory_space<vmem>>
        %dma_wait3A_523 = tpu.memref_squeeze %dma_wait3A_522 : memref<1x128xi32, #tpu.memory_space<vmem>> -> memref<128xi32, #tpu.memory_space<vmem>>
        %dma_wait3A_524 = arith.constant 0 : i32
        %dma_wait3A_525 = arith.constant 0 : i32
        %dma_wait3A_526 = tpu.memref_slice %arg16[%dma_wait3A_524, %dma_wait3A_525] : memref<10240x16xf32, #tpu.memory_space<vmem_shared>> -> memref<10240x16xf32, #tpu.memory_space<vmem_shared>>
        tpu.wait_indirect_dma semaphore(%run_scoped3A_506 : memref<!tpu.dma_semaphore, #tpu.memory_space<semaphore_mem>>) src(%dma_wait3A_520 : memref<128x16xf32, #tpu.memory_space<vmem>>) dst(%dma_wait3A_526 : memref<10240x16xf32, #tpu.memory_space<vmem_shared>>)
        tpu.yield
      }) : () -> ()
      %mul3A_501 = arith.constant 4 : i32
      %mul3A_502 = arith.muli %add3A_485, %mul3A_501 : i32
      %add3A_503 = arith.constant 3 : i32
      %add3A_504 = arith.addi %mul3A_502, %add3A_503 : i32
      %run_scoped3A_505 = arith.constant 3 : i32
      "tpu.region"() ({
        %run_scoped3A_506 = tpu.sem_alloc : memref<!tpu.dma_semaphore, #tpu.memory_space<semaphore_mem>>
        %dma_start3A_507 = arith.constant 0 : i32
        %dma_start3A_508 = arith.constant 0 : i32
        %dma_start3A_509 = tpu.memref_slice %arg11[%run_scoped3A_505, %dma_start3A_507, %dma_start3A_508] : memref<4x128x16xf32, #tpu.memory_space<vmem>> -> memref<1x128x16xf32, #tpu.memory_space<vmem>>
        %dma_start3A_510 = tpu.memref_squeeze %dma_start3A_509 : memref<1x128x16xf32, #tpu.memory_space<vmem>> -> memref<128x16xf32, #tpu.memory_space<vmem>>
        %dma_start3A_511 = arith.constant 0 : i32
        %dma_start3A_512 = tpu.memref_slice %arg9[%add3A_504, %dma_start3A_511] : memref<80x128xi32, #tpu.memory_space<vmem>> -> memref<1x128xi32, #tpu.memory_space<vmem>>
        %dma_start3A_513 = tpu.memref_squeeze %dma_start3A_512 : memref<1x128xi32, #tpu.memory_space<vmem>> -> memref<128xi32, #tpu.memory_space<vmem>>
        %dma_start3A_514 = arith.constant 0 : i32
        %dma_start3A_515 = arith.constant 0 : i32
        %dma_start3A_516 = tpu.memref_slice %arg16[%dma_start3A_514, %dma_start3A_515] : memref<10240x16xf32, #tpu.memory_space<vmem_shared>> -> memref<10240x16xf32, #tpu.memory_space<vmem_shared>>
        tpu.enqueue_indirect_dma source(%dma_start3A_510 : memref<128x16xf32, #tpu.memory_space<vmem>>) target(%dma_start3A_516 : memref<10240x16xf32, #tpu.memory_space<vmem_shared>>) offsets(%dma_start3A_513 : memref<128xi32, #tpu.memory_space<vmem>>) semaphore(%run_scoped3A_506 : memref<!tpu.dma_semaphore, #tpu.memory_space<semaphore_mem>>) {add = true}
        %dma_wait3A_517 = arith.constant 0 : i32
        %dma_wait3A_518 = arith.constant 0 : i32
        %dma_wait3A_519 = tpu.memref_slice %arg11[%run_scoped3A_505, %dma_wait3A_517, %dma_wait3A_518] : memref<4x128x16xf32, #tpu.memory_space<vmem>> -> memref<1x128x16xf32, #tpu.memory_space<vmem>>
        %dma_wait3A_520 = tpu.memref_squeeze %dma_wait3A_519 : memref<1x128x16xf32, #tpu.memory_space<vmem>> -> memref<128x16xf32, #tpu.memory_space<vmem>>
        %dma_wait3A_521 = arith.constant 0 : i32
        %dma_wait3A_522 = tpu.memref_slice %arg9[%add3A_504, %dma_wait3A_521] : memref<80x128xi32, #tpu.memory_space<vmem>> -> memref<1x128xi32, #tpu.memory_space<vmem>>
        %dma_wait3A_523 = tpu.memref_squeeze %dma_wait3A_522 : memref<1x128xi32, #tpu.memory_space<vmem>> -> memref<128xi32, #tpu.memory_space<vmem>>
        %dma_wait3A_524 = arith.constant 0 : i32
        %dma_wait3A_525 = arith.constant 0 : i32
        %dma_wait3A_526 = tpu.memref_slice %arg16[%dma_wait3A_524, %dma_wait3A_525] : memref<10240x16xf32, #tpu.memory_space<vmem_shared>> -> memref<10240x16xf32, #tpu.memory_space<vmem_shared>>
        tpu.wait_indirect_dma semaphore(%run_scoped3A_506 : memref<!tpu.dma_semaphore, #tpu.memory_space<semaphore_mem>>) src(%dma_wait3A_520 : memref<128x16xf32, #tpu.memory_space<vmem>>) dst(%dma_wait3A_526 : memref<10240x16xf32, #tpu.memory_space<vmem_shared>>)
        tpu.yield
      }) : () -> ()
    }
    %scan3A_68 = arith.constant 9 : i32
    %dma_start3A_69 = arith.constant 76 : i32
    %dma_start3A_70 = arith.constant 0 : i32
    %dma_start3A_71 = arith.constant 0 : i32
    %dma_start3A_72 = arith.constant 0 : i32
    %dma_start3A_73 = tpu.memref_slice %arg11[%dma_start3A_70, %dma_start3A_71, %dma_start3A_72] : memref<4x128x16xf32, #tpu.memory_space<vmem>> -> memref<1x128x16xf32, #tpu.memory_space<vmem>>
    %dma_start3A_74 = tpu.memref_squeeze %dma_start3A_73 : memref<1x128x16xf32, #tpu.memory_space<vmem>> -> memref<128x16xf32, #tpu.memory_space<vmem>>
    %dma_start3A_75 = arith.constant 0 : i32
    %dma_start3A_76 = tpu.memref_slice %arg8[%dma_start3A_69, %dma_start3A_75] : memref<80x128xi32, #tpu.memory_space<vmem>> -> memref<1x128xi32, #tpu.memory_space<vmem>>
    %dma_start3A_77 = tpu.memref_squeeze %dma_start3A_76 : memref<1x128xi32, #tpu.memory_space<vmem>> -> memref<128xi32, #tpu.memory_space<vmem>>
    %dma_start3A_78 = arith.constant 0 : i32
    %dma_start3A_79 = arith.constant 0 : i32
    %dma_start3A_80 = tpu.memref_slice %arg17[%dma_start3A_78, %dma_start3A_79] : memref<10240x16xf32, #tpu.memory_space<vmem_shared>> -> memref<10240x16xf32, #tpu.memory_space<vmem_shared>>
    tpu.enqueue_indirect_dma source(%dma_start3A_80 : memref<10240x16xf32, #tpu.memory_space<vmem_shared>>) target(%dma_start3A_74 : memref<128x16xf32, #tpu.memory_space<vmem>>) offsets(%dma_start3A_77 : memref<128xi32, #tpu.memory_space<vmem>>) semaphore(%arg19 : memref<!tpu.dma_semaphore, #tpu.memory_space<semaphore_mem>>)
    %dma_start3A_81 = arith.constant 77 : i32
    %dma_start3A_82 = arith.constant 1 : i32
    %dma_start3A_83 = arith.constant 0 : i32
    %dma_start3A_84 = arith.constant 0 : i32
    %dma_start3A_85 = tpu.memref_slice %arg11[%dma_start3A_82, %dma_start3A_83, %dma_start3A_84] : memref<4x128x16xf32, #tpu.memory_space<vmem>> -> memref<1x128x16xf32, #tpu.memory_space<vmem>>
    %dma_start3A_86 = tpu.memref_squeeze %dma_start3A_85 : memref<1x128x16xf32, #tpu.memory_space<vmem>> -> memref<128x16xf32, #tpu.memory_space<vmem>>
    %dma_start3A_87 = arith.constant 0 : i32
    %dma_start3A_88 = tpu.memref_slice %arg8[%dma_start3A_81, %dma_start3A_87] : memref<80x128xi32, #tpu.memory_space<vmem>> -> memref<1x128xi32, #tpu.memory_space<vmem>>
    %dma_start3A_89 = tpu.memref_squeeze %dma_start3A_88 : memref<1x128xi32, #tpu.memory_space<vmem>> -> memref<128xi32, #tpu.memory_space<vmem>>
    %dma_start3A_90 = arith.constant 0 : i32
    %dma_start3A_91 = arith.constant 0 : i32
    %dma_start3A_92 = tpu.memref_slice %arg17[%dma_start3A_90, %dma_start3A_91] : memref<10240x16xf32, #tpu.memory_space<vmem_shared>> -> memref<10240x16xf32, #tpu.memory_space<vmem_shared>>
    tpu.enqueue_indirect_dma source(%dma_start3A_92 : memref<10240x16xf32, #tpu.memory_space<vmem_shared>>) target(%dma_start3A_86 : memref<128x16xf32, #tpu.memory_space<vmem>>) offsets(%dma_start3A_89 : memref<128xi32, #tpu.memory_space<vmem>>) semaphore(%arg19 : memref<!tpu.dma_semaphore, #tpu.memory_space<semaphore_mem>>)
    %dma_start3A_93 = arith.constant 78 : i32
    %dma_start3A_94 = arith.constant 2 : i32
    %dma_start3A_95 = arith.constant 0 : i32
    %dma_start3A_96 = arith.constant 0 : i32
    %dma_start3A_97 = tpu.memref_slice %arg11[%dma_start3A_94, %dma_start3A_95, %dma_start3A_96] : memref<4x128x16xf32, #tpu.memory_space<vmem>> -> memref<1x128x16xf32, #tpu.memory_space<vmem>>
    %dma_start3A_98 = tpu.memref_squeeze %dma_start3A_97 : memref<1x128x16xf32, #tpu.memory_space<vmem>> -> memref<128x16xf32, #tpu.memory_space<vmem>>
    %dma_start3A_99 = arith.constant 0 : i32
    %dma_start3A_100 = tpu.memref_slice %arg8[%dma_start3A_93, %dma_start3A_99] : memref<80x128xi32, #tpu.memory_space<vmem>> -> memref<1x128xi32, #tpu.memory_space<vmem>>
    %dma_start3A_101 = tpu.memref_squeeze %dma_start3A_100 : memref<1x128xi32, #tpu.memory_space<vmem>> -> memref<128xi32, #tpu.memory_space<vmem>>
    %dma_start3A_102 = arith.constant 0 : i32
    %dma_start3A_103 = arith.constant 0 : i32
    %dma_start3A_104 = tpu.memref_slice %arg17[%dma_start3A_102, %dma_start3A_103] : memref<10240x16xf32, #tpu.memory_space<vmem_shared>> -> memref<10240x16xf32, #tpu.memory_space<vmem_shared>>
    tpu.enqueue_indirect_dma source(%dma_start3A_104 : memref<10240x16xf32, #tpu.memory_space<vmem_shared>>) target(%dma_start3A_98 : memref<128x16xf32, #tpu.memory_space<vmem>>) offsets(%dma_start3A_101 : memref<128xi32, #tpu.memory_space<vmem>>) semaphore(%arg19 : memref<!tpu.dma_semaphore, #tpu.memory_space<semaphore_mem>>)
    %dma_start3A_105 = arith.constant 79 : i32
    %dma_start3A_106 = arith.constant 3 : i32
    %dma_start3A_107 = arith.constant 0 : i32
    %dma_start3A_108 = arith.constant 0 : i32
    %dma_start3A_109 = tpu.memref_slice %arg11[%dma_start3A_106, %dma_start3A_107, %dma_start3A_108] : memref<4x128x16xf32, #tpu.memory_space<vmem>> -> memref<1x128x16xf32, #tpu.memory_space<vmem>>
    %dma_start3A_110 = tpu.memref_squeeze %dma_start3A_109 : memref<1x128x16xf32, #tpu.memory_space<vmem>> -> memref<128x16xf32, #tpu.memory_space<vmem>>
    %dma_start3A_111 = arith.constant 0 : i32
    %dma_start3A_112 = tpu.memref_slice %arg8[%dma_start3A_105, %dma_start3A_111] : memref<80x128xi32, #tpu.memory_space<vmem>> -> memref<1x128xi32, #tpu.memory_space<vmem>>
    %dma_start3A_113 = tpu.memref_squeeze %dma_start3A_112 : memref<1x128xi32, #tpu.memory_space<vmem>> -> memref<128xi32, #tpu.memory_space<vmem>>
    %dma_start3A_114 = arith.constant 0 : i32
    %dma_start3A_115 = arith.constant 0 : i32
    %dma_start3A_116 = tpu.memref_slice %arg17[%dma_start3A_114, %dma_start3A_115] : memref<10240x16xf32, #tpu.memory_space<vmem_shared>> -> memref<10240x16xf32, #tpu.memory_space<vmem_shared>>
    tpu.enqueue_indirect_dma source(%dma_start3A_116 : memref<10240x16xf32, #tpu.memory_space<vmem_shared>>) target(%dma_start3A_110 : memref<128x16xf32, #tpu.memory_space<vmem>>) offsets(%dma_start3A_113 : memref<128xi32, #tpu.memory_space<vmem>>) semaphore(%arg19 : memref<!tpu.dma_semaphore, #tpu.memory_space<semaphore_mem>>)
    %dma_wait3A = arith.constant 0 : i32
    %dma_wait3A_117 = arith.constant 0 : i32
    %dma_wait3A_118 = arith.constant 0 : i32
    %dma_wait3A_119 = arith.constant 0 : i32
    %dma_wait3A_120 = tpu.memref_slice %arg10[%dma_wait3A_117, %dma_wait3A_118, %dma_wait3A_119] : memref<4x128x16xf32, #tpu.memory_space<vmem>> -> memref<1x128x16xf32, #tpu.memory_space<vmem>>
    %dma_wait3A_121 = tpu.memref_squeeze %dma_wait3A_120 : memref<1x128x16xf32, #tpu.memory_space<vmem>> -> memref<128x16xf32, #tpu.memory_space<vmem>>
    %dma_wait3A_122 = arith.constant 0 : i32
    %dma_wait3A_123 = tpu.memref_slice %arg8[%dma_wait3A, %dma_wait3A_122] : memref<80x128xi32, #tpu.memory_space<vmem>> -> memref<1x128xi32, #tpu.memory_space<vmem>>
    %dma_wait3A_124 = tpu.memref_squeeze %dma_wait3A_123 : memref<1x128xi32, #tpu.memory_space<vmem>> -> memref<128xi32, #tpu.memory_space<vmem>>
    %dma_wait3A_125 = arith.constant 0 : i32
    %dma_wait3A_126 = arith.constant 0 : i32
    %dma_wait3A_127 = tpu.memref_slice %arg2[%dma_wait3A_125, %dma_wait3A_126] : memref<10240x16xf32, #tpu.memory_space<hbm>> -> memref<10240x16xf32, #tpu.memory_space<hbm>>
    tpu.wait_indirect_dma semaphore(%arg18 : memref<!tpu.dma_semaphore, #tpu.memory_space<semaphore_mem>>) src(%dma_wait3A_127 : memref<10240x16xf32, #tpu.memory_space<hbm>>) dst(%dma_wait3A_121 : memref<128x16xf32, #tpu.memory_space<vmem>>)
    %dma_wait3A_128 = arith.constant 0 : i32
    %dma_wait3A_129 = arith.constant 1 : i32
    %dma_wait3A_130 = arith.constant 0 : i32
    %dma_wait3A_131 = arith.constant 0 : i32
    %dma_wait3A_132 = tpu.memref_slice %arg10[%dma_wait3A_129, %dma_wait3A_130, %dma_wait3A_131] : memref<4x128x16xf32, #tpu.memory_space<vmem>> -> memref<1x128x16xf32, #tpu.memory_space<vmem>>
    %dma_wait3A_133 = tpu.memref_squeeze %dma_wait3A_132 : memref<1x128x16xf32, #tpu.memory_space<vmem>> -> memref<128x16xf32, #tpu.memory_space<vmem>>
    %dma_wait3A_134 = arith.constant 0 : i32
    %dma_wait3A_135 = tpu.memref_slice %arg8[%dma_wait3A_128, %dma_wait3A_134] : memref<80x128xi32, #tpu.memory_space<vmem>> -> memref<1x128xi32, #tpu.memory_space<vmem>>
    %dma_wait3A_136 = tpu.memref_squeeze %dma_wait3A_135 : memref<1x128xi32, #tpu.memory_space<vmem>> -> memref<128xi32, #tpu.memory_space<vmem>>
    %dma_wait3A_137 = arith.constant 0 : i32
    %dma_wait3A_138 = arith.constant 0 : i32
    %dma_wait3A_139 = tpu.memref_slice %arg2[%dma_wait3A_137, %dma_wait3A_138] : memref<10240x16xf32, #tpu.memory_space<hbm>> -> memref<10240x16xf32, #tpu.memory_space<hbm>>
    tpu.wait_indirect_dma semaphore(%arg18 : memref<!tpu.dma_semaphore, #tpu.memory_space<semaphore_mem>>) src(%dma_wait3A_139 : memref<10240x16xf32, #tpu.memory_space<hbm>>) dst(%dma_wait3A_133 : memref<128x16xf32, #tpu.memory_space<vmem>>)
    %dma_wait3A_140 = arith.constant 0 : i32
    %dma_wait3A_141 = arith.constant 2 : i32
    %dma_wait3A_142 = arith.constant 0 : i32
    %dma_wait3A_143 = arith.constant 0 : i32
    %dma_wait3A_144 = tpu.memref_slice %arg10[%dma_wait3A_141, %dma_wait3A_142, %dma_wait3A_143] : memref<4x128x16xf32, #tpu.memory_space<vmem>> -> memref<1x128x16xf32, #tpu.memory_space<vmem>>
    %dma_wait3A_145 = tpu.memref_squeeze %dma_wait3A_144 : memref<1x128x16xf32, #tpu.memory_space<vmem>> -> memref<128x16xf32, #tpu.memory_space<vmem>>
    %dma_wait3A_146 = arith.constant 0 : i32
    %dma_wait3A_147 = tpu.memref_slice %arg8[%dma_wait3A_140, %dma_wait3A_146] : memref<80x128xi32, #tpu.memory_space<vmem>> -> memref<1x128xi32, #tpu.memory_space<vmem>>
    %dma_wait3A_148 = tpu.memref_squeeze %dma_wait3A_147 : memref<1x128xi32, #tpu.memory_space<vmem>> -> memref<128xi32, #tpu.memory_space<vmem>>
    %dma_wait3A_149 = arith.constant 0 : i32
    %dma_wait3A_150 = arith.constant 0 : i32
    %dma_wait3A_151 = tpu.memref_slice %arg2[%dma_wait3A_149, %dma_wait3A_150] : memref<10240x16xf32, #tpu.memory_space<hbm>> -> memref<10240x16xf32, #tpu.memory_space<hbm>>
    tpu.wait_indirect_dma semaphore(%arg18 : memref<!tpu.dma_semaphore, #tpu.memory_space<semaphore_mem>>) src(%dma_wait3A_151 : memref<10240x16xf32, #tpu.memory_space<hbm>>) dst(%dma_wait3A_145 : memref<128x16xf32, #tpu.memory_space<vmem>>)
    %dma_wait3A_152 = arith.constant 0 : i32
    %dma_wait3A_153 = arith.constant 3 : i32
    %dma_wait3A_154 = arith.constant 0 : i32
    %dma_wait3A_155 = arith.constant 0 : i32
    %dma_wait3A_156 = tpu.memref_slice %arg10[%dma_wait3A_153, %dma_wait3A_154, %dma_wait3A_155] : memref<4x128x16xf32, #tpu.memory_space<vmem>> -> memref<1x128x16xf32, #tpu.memory_space<vmem>>
    %dma_wait3A_157 = tpu.memref_squeeze %dma_wait3A_156 : memref<1x128x16xf32, #tpu.memory_space<vmem>> -> memref<128x16xf32, #tpu.memory_space<vmem>>
    %dma_wait3A_158 = arith.constant 0 : i32
    %dma_wait3A_159 = tpu.memref_slice %arg8[%dma_wait3A_152, %dma_wait3A_158] : memref<80x128xi32, #tpu.memory_space<vmem>> -> memref<1x128xi32, #tpu.memory_space<vmem>>
    %dma_wait3A_160 = tpu.memref_squeeze %dma_wait3A_159 : memref<1x128xi32, #tpu.memory_space<vmem>> -> memref<128xi32, #tpu.memory_space<vmem>>
    %dma_wait3A_161 = arith.constant 0 : i32
    %dma_wait3A_162 = arith.constant 0 : i32
    %dma_wait3A_163 = tpu.memref_slice %arg2[%dma_wait3A_161, %dma_wait3A_162] : memref<10240x16xf32, #tpu.memory_space<hbm>> -> memref<10240x16xf32, #tpu.memory_space<hbm>>
    tpu.wait_indirect_dma semaphore(%arg18 : memref<!tpu.dma_semaphore, #tpu.memory_space<semaphore_mem>>) src(%dma_wait3A_163 : memref<10240x16xf32, #tpu.memory_space<hbm>>) dst(%dma_wait3A_157 : memref<128x16xf32, #tpu.memory_space<vmem>>)
    %run_scoped3A_164 = arith.constant 0 : i32
    %run_scoped3A_165 = arith.constant 72 : i32
    "tpu.region"() ({
      %run_scoped3A_239 = tpu.sem_alloc : memref<!tpu.dma_semaphore, #tpu.memory_space<semaphore_mem>>
      %dma_start3A_240 = arith.constant 0 : i32
      %dma_start3A_241 = arith.constant 0 : i32
      %dma_start3A_242 = tpu.memref_slice %arg10[%run_scoped3A_164, %dma_start3A_240, %dma_start3A_241] : memref<4x128x16xf32, #tpu.memory_space<vmem>> -> memref<1x128x16xf32, #tpu.memory_space<vmem>>
      %dma_start3A_243 = tpu.memref_squeeze %dma_start3A_242 : memref<1x128x16xf32, #tpu.memory_space<vmem>> -> memref<128x16xf32, #tpu.memory_space<vmem>>
      %dma_start3A_244 = arith.constant 0 : i32
      %dma_start3A_245 = tpu.memref_slice %arg9[%run_scoped3A_165, %dma_start3A_244] : memref<80x128xi32, #tpu.memory_space<vmem>> -> memref<1x128xi32, #tpu.memory_space<vmem>>
      %dma_start3A_246 = tpu.memref_squeeze %dma_start3A_245 : memref<1x128xi32, #tpu.memory_space<vmem>> -> memref<128xi32, #tpu.memory_space<vmem>>
      %dma_start3A_247 = arith.constant 0 : i32
      %dma_start3A_248 = arith.constant 0 : i32
      %dma_start3A_249 = tpu.memref_slice %arg16[%dma_start3A_247, %dma_start3A_248] : memref<10240x16xf32, #tpu.memory_space<vmem_shared>> -> memref<10240x16xf32, #tpu.memory_space<vmem_shared>>
      tpu.enqueue_indirect_dma source(%dma_start3A_243 : memref<128x16xf32, #tpu.memory_space<vmem>>) target(%dma_start3A_249 : memref<10240x16xf32, #tpu.memory_space<vmem_shared>>) offsets(%dma_start3A_246 : memref<128xi32, #tpu.memory_space<vmem>>) semaphore(%run_scoped3A_239 : memref<!tpu.dma_semaphore, #tpu.memory_space<semaphore_mem>>) {add = true}
      %dma_wait3A_250 = arith.constant 0 : i32
      %dma_wait3A_251 = arith.constant 0 : i32
      %dma_wait3A_252 = tpu.memref_slice %arg10[%run_scoped3A_164, %dma_wait3A_250, %dma_wait3A_251] : memref<4x128x16xf32, #tpu.memory_space<vmem>> -> memref<1x128x16xf32, #tpu.memory_space<vmem>>
      %dma_wait3A_253 = tpu.memref_squeeze %dma_wait3A_252 : memref<1x128x16xf32, #tpu.memory_space<vmem>> -> memref<128x16xf32, #tpu.memory_space<vmem>>
      %dma_wait3A_254 = arith.constant 0 : i32
      %dma_wait3A_255 = tpu.memref_slice %arg9[%run_scoped3A_165, %dma_wait3A_254] : memref<80x128xi32, #tpu.memory_space<vmem>> -> memref<1x128xi32, #tpu.memory_space<vmem>>
      %dma_wait3A_256 = tpu.memref_squeeze %dma_wait3A_255 : memref<1x128xi32, #tpu.memory_space<vmem>> -> memref<128xi32, #tpu.memory_space<vmem>>
      %dma_wait3A_257 = arith.constant 0 : i32
      %dma_wait3A_258 = arith.constant 0 : i32
      %dma_wait3A_259 = tpu.memref_slice %arg16[%dma_wait3A_257, %dma_wait3A_258] : memref<10240x16xf32, #tpu.memory_space<vmem_shared>> -> memref<10240x16xf32, #tpu.memory_space<vmem_shared>>
      tpu.wait_indirect_dma semaphore(%run_scoped3A_239 : memref<!tpu.dma_semaphore, #tpu.memory_space<semaphore_mem>>) src(%dma_wait3A_253 : memref<128x16xf32, #tpu.memory_space<vmem>>) dst(%dma_wait3A_259 : memref<10240x16xf32, #tpu.memory_space<vmem_shared>>)
      tpu.yield
    }) : () -> ()
    %run_scoped3A_166 = arith.constant 1 : i32
    %run_scoped3A_167 = arith.constant 73 : i32
    "tpu.region"() ({
      %run_scoped3A_239 = tpu.sem_alloc : memref<!tpu.dma_semaphore, #tpu.memory_space<semaphore_mem>>
      %dma_start3A_240 = arith.constant 0 : i32
      %dma_start3A_241 = arith.constant 0 : i32
      %dma_start3A_242 = tpu.memref_slice %arg10[%run_scoped3A_166, %dma_start3A_240, %dma_start3A_241] : memref<4x128x16xf32, #tpu.memory_space<vmem>> -> memref<1x128x16xf32, #tpu.memory_space<vmem>>
      %dma_start3A_243 = tpu.memref_squeeze %dma_start3A_242 : memref<1x128x16xf32, #tpu.memory_space<vmem>> -> memref<128x16xf32, #tpu.memory_space<vmem>>
      %dma_start3A_244 = arith.constant 0 : i32
      %dma_start3A_245 = tpu.memref_slice %arg9[%run_scoped3A_167, %dma_start3A_244] : memref<80x128xi32, #tpu.memory_space<vmem>> -> memref<1x128xi32, #tpu.memory_space<vmem>>
      %dma_start3A_246 = tpu.memref_squeeze %dma_start3A_245 : memref<1x128xi32, #tpu.memory_space<vmem>> -> memref<128xi32, #tpu.memory_space<vmem>>
      %dma_start3A_247 = arith.constant 0 : i32
      %dma_start3A_248 = arith.constant 0 : i32
      %dma_start3A_249 = tpu.memref_slice %arg16[%dma_start3A_247, %dma_start3A_248] : memref<10240x16xf32, #tpu.memory_space<vmem_shared>> -> memref<10240x16xf32, #tpu.memory_space<vmem_shared>>
      tpu.enqueue_indirect_dma source(%dma_start3A_243 : memref<128x16xf32, #tpu.memory_space<vmem>>) target(%dma_start3A_249 : memref<10240x16xf32, #tpu.memory_space<vmem_shared>>) offsets(%dma_start3A_246 : memref<128xi32, #tpu.memory_space<vmem>>) semaphore(%run_scoped3A_239 : memref<!tpu.dma_semaphore, #tpu.memory_space<semaphore_mem>>) {add = true}
      %dma_wait3A_250 = arith.constant 0 : i32
      %dma_wait3A_251 = arith.constant 0 : i32
      %dma_wait3A_252 = tpu.memref_slice %arg10[%run_scoped3A_166, %dma_wait3A_250, %dma_wait3A_251] : memref<4x128x16xf32, #tpu.memory_space<vmem>> -> memref<1x128x16xf32, #tpu.memory_space<vmem>>
      %dma_wait3A_253 = tpu.memref_squeeze %dma_wait3A_252 : memref<1x128x16xf32, #tpu.memory_space<vmem>> -> memref<128x16xf32, #tpu.memory_space<vmem>>
      %dma_wait3A_254 = arith.constant 0 : i32
      %dma_wait3A_255 = tpu.memref_slice %arg9[%run_scoped3A_167, %dma_wait3A_254] : memref<80x128xi32, #tpu.memory_space<vmem>> -> memref<1x128xi32, #tpu.memory_space<vmem>>
      %dma_wait3A_256 = tpu.memref_squeeze %dma_wait3A_255 : memref<1x128xi32, #tpu.memory_space<vmem>> -> memref<128xi32, #tpu.memory_space<vmem>>
      %dma_wait3A_257 = arith.constant 0 : i32
      %dma_wait3A_258 = arith.constant 0 : i32
      %dma_wait3A_259 = tpu.memref_slice %arg16[%dma_wait3A_257, %dma_wait3A_258] : memref<10240x16xf32, #tpu.memory_space<vmem_shared>> -> memref<10240x16xf32, #tpu.memory_space<vmem_shared>>
      tpu.wait_indirect_dma semaphore(%run_scoped3A_239 : memref<!tpu.dma_semaphore, #tpu.memory_space<semaphore_mem>>) src(%dma_wait3A_253 : memref<128x16xf32, #tpu.memory_space<vmem>>) dst(%dma_wait3A_259 : memref<10240x16xf32, #tpu.memory_space<vmem_shared>>)
      tpu.yield
    }) : () -> ()
    %run_scoped3A_168 = arith.constant 2 : i32
    %run_scoped3A_169 = arith.constant 74 : i32
    "tpu.region"() ({
      %run_scoped3A_239 = tpu.sem_alloc : memref<!tpu.dma_semaphore, #tpu.memory_space<semaphore_mem>>
      %dma_start3A_240 = arith.constant 0 : i32
      %dma_start3A_241 = arith.constant 0 : i32
      %dma_start3A_242 = tpu.memref_slice %arg10[%run_scoped3A_168, %dma_start3A_240, %dma_start3A_241] : memref<4x128x16xf32, #tpu.memory_space<vmem>> -> memref<1x128x16xf32, #tpu.memory_space<vmem>>
      %dma_start3A_243 = tpu.memref_squeeze %dma_start3A_242 : memref<1x128x16xf32, #tpu.memory_space<vmem>> -> memref<128x16xf32, #tpu.memory_space<vmem>>
      %dma_start3A_244 = arith.constant 0 : i32
      %dma_start3A_245 = tpu.memref_slice %arg9[%run_scoped3A_169, %dma_start3A_244] : memref<80x128xi32, #tpu.memory_space<vmem>> -> memref<1x128xi32, #tpu.memory_space<vmem>>
      %dma_start3A_246 = tpu.memref_squeeze %dma_start3A_245 : memref<1x128xi32, #tpu.memory_space<vmem>> -> memref<128xi32, #tpu.memory_space<vmem>>
      %dma_start3A_247 = arith.constant 0 : i32
      %dma_start3A_248 = arith.constant 0 : i32
      %dma_start3A_249 = tpu.memref_slice %arg16[%dma_start3A_247, %dma_start3A_248] : memref<10240x16xf32, #tpu.memory_space<vmem_shared>> -> memref<10240x16xf32, #tpu.memory_space<vmem_shared>>
      tpu.enqueue_indirect_dma source(%dma_start3A_243 : memref<128x16xf32, #tpu.memory_space<vmem>>) target(%dma_start3A_249 : memref<10240x16xf32, #tpu.memory_space<vmem_shared>>) offsets(%dma_start3A_246 : memref<128xi32, #tpu.memory_space<vmem>>) semaphore(%run_scoped3A_239 : memref<!tpu.dma_semaphore, #tpu.memory_space<semaphore_mem>>) {add = true}
      %dma_wait3A_250 = arith.constant 0 : i32
      %dma_wait3A_251 = arith.constant 0 : i32
      %dma_wait3A_252 = tpu.memref_slice %arg10[%run_scoped3A_168, %dma_wait3A_250, %dma_wait3A_251] : memref<4x128x16xf32, #tpu.memory_space<vmem>> -> memref<1x128x16xf32, #tpu.memory_space<vmem>>
      %dma_wait3A_253 = tpu.memref_squeeze %dma_wait3A_252 : memref<1x128x16xf32, #tpu.memory_space<vmem>> -> memref<128x16xf32, #tpu.memory_space<vmem>>
      %dma_wait3A_254 = arith.constant 0 : i32
      %dma_wait3A_255 = tpu.memref_slice %arg9[%run_scoped3A_169, %dma_wait3A_254] : memref<80x128xi32, #tpu.memory_space<vmem>> -> memref<1x128xi32, #tpu.memory_space<vmem>>
      %dma_wait3A_256 = tpu.memref_squeeze %dma_wait3A_255 : memref<1x128xi32, #tpu.memory_space<vmem>> -> memref<128xi32, #tpu.memory_space<vmem>>
      %dma_wait3A_257 = arith.constant 0 : i32
      %dma_wait3A_258 = arith.constant 0 : i32
      %dma_wait3A_259 = tpu.memref_slice %arg16[%dma_wait3A_257, %dma_wait3A_258] : memref<10240x16xf32, #tpu.memory_space<vmem_shared>> -> memref<10240x16xf32, #tpu.memory_space<vmem_shared>>
      tpu.wait_indirect_dma semaphore(%run_scoped3A_239 : memref<!tpu.dma_semaphore, #tpu.memory_space<semaphore_mem>>) src(%dma_wait3A_253 : memref<128x16xf32, #tpu.memory_space<vmem>>) dst(%dma_wait3A_259 : memref<10240x16xf32, #tpu.memory_space<vmem_shared>>)
      tpu.yield
    }) : () -> ()
    %run_scoped3A_170 = arith.constant 3 : i32
    %run_scoped3A_171 = arith.constant 75 : i32
    "tpu.region"() ({
      %run_scoped3A_239 = tpu.sem_alloc : memref<!tpu.dma_semaphore, #tpu.memory_space<semaphore_mem>>
      %dma_start3A_240 = arith.constant 0 : i32
      %dma_start3A_241 = arith.constant 0 : i32
      %dma_start3A_242 = tpu.memref_slice %arg10[%run_scoped3A_170, %dma_start3A_240, %dma_start3A_241] : memref<4x128x16xf32, #tpu.memory_space<vmem>> -> memref<1x128x16xf32, #tpu.memory_space<vmem>>
      %dma_start3A_243 = tpu.memref_squeeze %dma_start3A_242 : memref<1x128x16xf32, #tpu.memory_space<vmem>> -> memref<128x16xf32, #tpu.memory_space<vmem>>
      %dma_start3A_244 = arith.constant 0 : i32
      %dma_start3A_245 = tpu.memref_slice %arg9[%run_scoped3A_171, %dma_start3A_244] : memref<80x128xi32, #tpu.memory_space<vmem>> -> memref<1x128xi32, #tpu.memory_space<vmem>>
      %dma_start3A_246 = tpu.memref_squeeze %dma_start3A_245 : memref<1x128xi32, #tpu.memory_space<vmem>> -> memref<128xi32, #tpu.memory_space<vmem>>
      %dma_start3A_247 = arith.constant 0 : i32
      %dma_start3A_248 = arith.constant 0 : i32
      %dma_start3A_249 = tpu.memref_slice %arg16[%dma_start3A_247, %dma_start3A_248] : memref<10240x16xf32, #tpu.memory_space<vmem_shared>> -> memref<10240x16xf32, #tpu.memory_space<vmem_shared>>
      tpu.enqueue_indirect_dma source(%dma_start3A_243 : memref<128x16xf32, #tpu.memory_space<vmem>>) target(%dma_start3A_249 : memref<10240x16xf32, #tpu.memory_space<vmem_shared>>) offsets(%dma_start3A_246 : memref<128xi32, #tpu.memory_space<vmem>>) semaphore(%run_scoped3A_239 : memref<!tpu.dma_semaphore, #tpu.memory_space<semaphore_mem>>) {add = true}
      %dma_wait3A_250 = arith.constant 0 : i32
      %dma_wait3A_251 = arith.constant 0 : i32
      %dma_wait3A_252 = tpu.memref_slice %arg10[%run_scoped3A_170, %dma_wait3A_250, %dma_wait3A_251] : memref<4x128x16xf32, #tpu.memory_space<vmem>> -> memref<1x128x16xf32, #tpu.memory_space<vmem>>
      %dma_wait3A_253 = tpu.memref_squeeze %dma_wait3A_252 : memref<1x128x16xf32, #tpu.memory_space<vmem>> -> memref<128x16xf32, #tpu.memory_space<vmem>>
      %dma_wait3A_254 = arith.constant 0 : i32
      %dma_wait3A_255 = tpu.memref_slice %arg9[%run_scoped3A_171, %dma_wait3A_254] : memref<80x128xi32, #tpu.memory_space<vmem>> -> memref<1x128xi32, #tpu.memory_space<vmem>>
      %dma_wait3A_256 = tpu.memref_squeeze %dma_wait3A_255 : memref<1x128xi32, #tpu.memory_space<vmem>> -> memref<128xi32, #tpu.memory_space<vmem>>
      %dma_wait3A_257 = arith.constant 0 : i32
      %dma_wait3A_258 = arith.constant 0 : i32
      %dma_wait3A_259 = tpu.memref_slice %arg16[%dma_wait3A_257, %dma_wait3A_258] : memref<10240x16xf32, #tpu.memory_space<vmem_shared>> -> memref<10240x16xf32, #tpu.memory_space<vmem_shared>>
      tpu.wait_indirect_dma semaphore(%run_scoped3A_239 : memref<!tpu.dma_semaphore, #tpu.memory_space<semaphore_mem>>) src(%dma_wait3A_253 : memref<128x16xf32, #tpu.memory_space<vmem>>) dst(%dma_wait3A_259 : memref<10240x16xf32, #tpu.memory_space<vmem_shared>>)
      tpu.yield
    }) : () -> ()
    %dma_wait3A_172 = arith.constant 0 : i32
    %dma_wait3A_173 = arith.constant 0 : i32
    %dma_wait3A_174 = arith.constant 0 : i32
    %dma_wait3A_175 = arith.constant 0 : i32
    %dma_wait3A_176 = tpu.memref_slice %arg11[%dma_wait3A_173, %dma_wait3A_174, %dma_wait3A_175] : memref<4x128x16xf32, #tpu.memory_space<vmem>> -> memref<1x128x16xf32, #tpu.memory_space<vmem>>
    %dma_wait3A_177 = tpu.memref_squeeze %dma_wait3A_176 : memref<1x128x16xf32, #tpu.memory_space<vmem>> -> memref<128x16xf32, #tpu.memory_space<vmem>>
    %dma_wait3A_178 = arith.constant 0 : i32
    %dma_wait3A_179 = tpu.memref_slice %arg8[%dma_wait3A_172, %dma_wait3A_178] : memref<80x128xi32, #tpu.memory_space<vmem>> -> memref<1x128xi32, #tpu.memory_space<vmem>>
    %dma_wait3A_180 = tpu.memref_squeeze %dma_wait3A_179 : memref<1x128xi32, #tpu.memory_space<vmem>> -> memref<128xi32, #tpu.memory_space<vmem>>
    %dma_wait3A_181 = arith.constant 0 : i32
    %dma_wait3A_182 = arith.constant 0 : i32
    %dma_wait3A_183 = tpu.memref_slice %arg2[%dma_wait3A_181, %dma_wait3A_182] : memref<10240x16xf32, #tpu.memory_space<hbm>> -> memref<10240x16xf32, #tpu.memory_space<hbm>>
    tpu.wait_indirect_dma semaphore(%arg19 : memref<!tpu.dma_semaphore, #tpu.memory_space<semaphore_mem>>) src(%dma_wait3A_183 : memref<10240x16xf32, #tpu.memory_space<hbm>>) dst(%dma_wait3A_177 : memref<128x16xf32, #tpu.memory_space<vmem>>)
    %dma_wait3A_184 = arith.constant 0 : i32
    %dma_wait3A_185 = arith.constant 1 : i32
    %dma_wait3A_186 = arith.constant 0 : i32
    %dma_wait3A_187 = arith.constant 0 : i32
    %dma_wait3A_188 = tpu.memref_slice %arg11[%dma_wait3A_185, %dma_wait3A_186, %dma_wait3A_187] : memref<4x128x16xf32, #tpu.memory_space<vmem>> -> memref<1x128x16xf32, #tpu.memory_space<vmem>>
    %dma_wait3A_189 = tpu.memref_squeeze %dma_wait3A_188 : memref<1x128x16xf32, #tpu.memory_space<vmem>> -> memref<128x16xf32, #tpu.memory_space<vmem>>
    %dma_wait3A_190 = arith.constant 0 : i32
    %dma_wait3A_191 = tpu.memref_slice %arg8[%dma_wait3A_184, %dma_wait3A_190] : memref<80x128xi32, #tpu.memory_space<vmem>> -> memref<1x128xi32, #tpu.memory_space<vmem>>
    %dma_wait3A_192 = tpu.memref_squeeze %dma_wait3A_191 : memref<1x128xi32, #tpu.memory_space<vmem>> -> memref<128xi32, #tpu.memory_space<vmem>>
    %dma_wait3A_193 = arith.constant 0 : i32
    %dma_wait3A_194 = arith.constant 0 : i32
    %dma_wait3A_195 = tpu.memref_slice %arg2[%dma_wait3A_193, %dma_wait3A_194] : memref<10240x16xf32, #tpu.memory_space<hbm>> -> memref<10240x16xf32, #tpu.memory_space<hbm>>
    tpu.wait_indirect_dma semaphore(%arg19 : memref<!tpu.dma_semaphore, #tpu.memory_space<semaphore_mem>>) src(%dma_wait3A_195 : memref<10240x16xf32, #tpu.memory_space<hbm>>) dst(%dma_wait3A_189 : memref<128x16xf32, #tpu.memory_space<vmem>>)
    %dma_wait3A_196 = arith.constant 0 : i32
    %dma_wait3A_197 = arith.constant 2 : i32
    %dma_wait3A_198 = arith.constant 0 : i32
    %dma_wait3A_199 = arith.constant 0 : i32
    %dma_wait3A_200 = tpu.memref_slice %arg11[%dma_wait3A_197, %dma_wait3A_198, %dma_wait3A_199] : memref<4x128x16xf32, #tpu.memory_space<vmem>> -> memref<1x128x16xf32, #tpu.memory_space<vmem>>
    %dma_wait3A_201 = tpu.memref_squeeze %dma_wait3A_200 : memref<1x128x16xf32, #tpu.memory_space<vmem>> -> memref<128x16xf32, #tpu.memory_space<vmem>>
    %dma_wait3A_202 = arith.constant 0 : i32
    %dma_wait3A_203 = tpu.memref_slice %arg8[%dma_wait3A_196, %dma_wait3A_202] : memref<80x128xi32, #tpu.memory_space<vmem>> -> memref<1x128xi32, #tpu.memory_space<vmem>>
    %dma_wait3A_204 = tpu.memref_squeeze %dma_wait3A_203 : memref<1x128xi32, #tpu.memory_space<vmem>> -> memref<128xi32, #tpu.memory_space<vmem>>
    %dma_wait3A_205 = arith.constant 0 : i32
    %dma_wait3A_206 = arith.constant 0 : i32
    %dma_wait3A_207 = tpu.memref_slice %arg2[%dma_wait3A_205, %dma_wait3A_206] : memref<10240x16xf32, #tpu.memory_space<hbm>> -> memref<10240x16xf32, #tpu.memory_space<hbm>>
    tpu.wait_indirect_dma semaphore(%arg19 : memref<!tpu.dma_semaphore, #tpu.memory_space<semaphore_mem>>) src(%dma_wait3A_207 : memref<10240x16xf32, #tpu.memory_space<hbm>>) dst(%dma_wait3A_201 : memref<128x16xf32, #tpu.memory_space<vmem>>)
    %dma_wait3A_208 = arith.constant 0 : i32
    %dma_wait3A_209 = arith.constant 3 : i32
    %dma_wait3A_210 = arith.constant 0 : i32
    %dma_wait3A_211 = arith.constant 0 : i32
    %dma_wait3A_212 = tpu.memref_slice %arg11[%dma_wait3A_209, %dma_wait3A_210, %dma_wait3A_211] : memref<4x128x16xf32, #tpu.memory_space<vmem>> -> memref<1x128x16xf32, #tpu.memory_space<vmem>>
    %dma_wait3A_213 = tpu.memref_squeeze %dma_wait3A_212 : memref<1x128x16xf32, #tpu.memory_space<vmem>> -> memref<128x16xf32, #tpu.memory_space<vmem>>
    %dma_wait3A_214 = arith.constant 0 : i32
    %dma_wait3A_215 = tpu.memref_slice %arg8[%dma_wait3A_208, %dma_wait3A_214] : memref<80x128xi32, #tpu.memory_space<vmem>> -> memref<1x128xi32, #tpu.memory_space<vmem>>
    %dma_wait3A_216 = tpu.memref_squeeze %dma_wait3A_215 : memref<1x128xi32, #tpu.memory_space<vmem>> -> memref<128xi32, #tpu.memory_space<vmem>>
    %dma_wait3A_217 = arith.constant 0 : i32
    %dma_wait3A_218 = arith.constant 0 : i32
    %dma_wait3A_219 = tpu.memref_slice %arg2[%dma_wait3A_217, %dma_wait3A_218] : memref<10240x16xf32, #tpu.memory_space<hbm>> -> memref<10240x16xf32, #tpu.memory_space<hbm>>
    tpu.wait_indirect_dma semaphore(%arg19 : memref<!tpu.dma_semaphore, #tpu.memory_space<semaphore_mem>>) src(%dma_wait3A_219 : memref<10240x16xf32, #tpu.memory_space<hbm>>) dst(%dma_wait3A_213 : memref<128x16xf32, #tpu.memory_space<vmem>>)
    %run_scoped3A_220 = arith.constant 0 : i32
    %run_scoped3A_221 = arith.constant 76 : i32
    "tpu.region"() ({
      %run_scoped3A_239 = tpu.sem_alloc : memref<!tpu.dma_semaphore, #tpu.memory_space<semaphore_mem>>
      %dma_start3A_240 = arith.constant 0 : i32
      %dma_start3A_241 = arith.constant 0 : i32
      %dma_start3A_242 = tpu.memref_slice %arg11[%run_scoped3A_220, %dma_start3A_240, %dma_start3A_241] : memref<4x128x16xf32, #tpu.memory_space<vmem>> -> memref<1x128x16xf32, #tpu.memory_space<vmem>>
      %dma_start3A_243 = tpu.memref_squeeze %dma_start3A_242 : memref<1x128x16xf32, #tpu.memory_space<vmem>> -> memref<128x16xf32, #tpu.memory_space<vmem>>
      %dma_start3A_244 = arith.constant 0 : i32
      %dma_start3A_245 = tpu.memref_slice %arg9[%run_scoped3A_221, %dma_start3A_244] : memref<80x128xi32, #tpu.memory_space<vmem>> -> memref<1x128xi32, #tpu.memory_space<vmem>>
      %dma_start3A_246 = tpu.memref_squeeze %dma_start3A_245 : memref<1x128xi32, #tpu.memory_space<vmem>> -> memref<128xi32, #tpu.memory_space<vmem>>
      %dma_start3A_247 = arith.constant 0 : i32
      %dma_start3A_248 = arith.constant 0 : i32
      %dma_start3A_249 = tpu.memref_slice %arg16[%dma_start3A_247, %dma_start3A_248] : memref<10240x16xf32, #tpu.memory_space<vmem_shared>> -> memref<10240x16xf32, #tpu.memory_space<vmem_shared>>
      tpu.enqueue_indirect_dma source(%dma_start3A_243 : memref<128x16xf32, #tpu.memory_space<vmem>>) target(%dma_start3A_249 : memref<10240x16xf32, #tpu.memory_space<vmem_shared>>) offsets(%dma_start3A_246 : memref<128xi32, #tpu.memory_space<vmem>>) semaphore(%run_scoped3A_239 : memref<!tpu.dma_semaphore, #tpu.memory_space<semaphore_mem>>) {add = true}
      %dma_wait3A_250 = arith.constant 0 : i32
      %dma_wait3A_251 = arith.constant 0 : i32
      %dma_wait3A_252 = tpu.memref_slice %arg11[%run_scoped3A_220, %dma_wait3A_250, %dma_wait3A_251] : memref<4x128x16xf32, #tpu.memory_space<vmem>> -> memref<1x128x16xf32, #tpu.memory_space<vmem>>
      %dma_wait3A_253 = tpu.memref_squeeze %dma_wait3A_252 : memref<1x128x16xf32, #tpu.memory_space<vmem>> -> memref<128x16xf32, #tpu.memory_space<vmem>>
      %dma_wait3A_254 = arith.constant 0 : i32
      %dma_wait3A_255 = tpu.memref_slice %arg9[%run_scoped3A_221, %dma_wait3A_254] : memref<80x128xi32, #tpu.memory_space<vmem>> -> memref<1x128xi32, #tpu.memory_space<vmem>>
      %dma_wait3A_256 = tpu.memref_squeeze %dma_wait3A_255 : memref<1x128xi32, #tpu.memory_space<vmem>> -> memref<128xi32, #tpu.memory_space<vmem>>
      %dma_wait3A_257 = arith.constant 0 : i32
      %dma_wait3A_258 = arith.constant 0 : i32
      %dma_wait3A_259 = tpu.memref_slice %arg16[%dma_wait3A_257, %dma_wait3A_258] : memref<10240x16xf32, #tpu.memory_space<vmem_shared>> -> memref<10240x16xf32, #tpu.memory_space<vmem_shared>>
      tpu.wait_indirect_dma semaphore(%run_scoped3A_239 : memref<!tpu.dma_semaphore, #tpu.memory_space<semaphore_mem>>) src(%dma_wait3A_253 : memref<128x16xf32, #tpu.memory_space<vmem>>) dst(%dma_wait3A_259 : memref<10240x16xf32, #tpu.memory_space<vmem_shared>>)
      tpu.yield
    }) : () -> ()
    %run_scoped3A_222 = arith.constant 1 : i32
    %run_scoped3A_223 = arith.constant 77 : i32
    "tpu.region"() ({
      %run_scoped3A_239 = tpu.sem_alloc : memref<!tpu.dma_semaphore, #tpu.memory_space<semaphore_mem>>
      %dma_start3A_240 = arith.constant 0 : i32
      %dma_start3A_241 = arith.constant 0 : i32
      %dma_start3A_242 = tpu.memref_slice %arg11[%run_scoped3A_222, %dma_start3A_240, %dma_start3A_241] : memref<4x128x16xf32, #tpu.memory_space<vmem>> -> memref<1x128x16xf32, #tpu.memory_space<vmem>>
      %dma_start3A_243 = tpu.memref_squeeze %dma_start3A_242 : memref<1x128x16xf32, #tpu.memory_space<vmem>> -> memref<128x16xf32, #tpu.memory_space<vmem>>
      %dma_start3A_244 = arith.constant 0 : i32
      %dma_start3A_245 = tpu.memref_slice %arg9[%run_scoped3A_223, %dma_start3A_244] : memref<80x128xi32, #tpu.memory_space<vmem>> -> memref<1x128xi32, #tpu.memory_space<vmem>>
      %dma_start3A_246 = tpu.memref_squeeze %dma_start3A_245 : memref<1x128xi32, #tpu.memory_space<vmem>> -> memref<128xi32, #tpu.memory_space<vmem>>
      %dma_start3A_247 = arith.constant 0 : i32
      %dma_start3A_248 = arith.constant 0 : i32
      %dma_start3A_249 = tpu.memref_slice %arg16[%dma_start3A_247, %dma_start3A_248] : memref<10240x16xf32, #tpu.memory_space<vmem_shared>> -> memref<10240x16xf32, #tpu.memory_space<vmem_shared>>
      tpu.enqueue_indirect_dma source(%dma_start3A_243 : memref<128x16xf32, #tpu.memory_space<vmem>>) target(%dma_start3A_249 : memref<10240x16xf32, #tpu.memory_space<vmem_shared>>) offsets(%dma_start3A_246 : memref<128xi32, #tpu.memory_space<vmem>>) semaphore(%run_scoped3A_239 : memref<!tpu.dma_semaphore, #tpu.memory_space<semaphore_mem>>) {add = true}
      %dma_wait3A_250 = arith.constant 0 : i32
      %dma_wait3A_251 = arith.constant 0 : i32
      %dma_wait3A_252 = tpu.memref_slice %arg11[%run_scoped3A_222, %dma_wait3A_250, %dma_wait3A_251] : memref<4x128x16xf32, #tpu.memory_space<vmem>> -> memref<1x128x16xf32, #tpu.memory_space<vmem>>
      %dma_wait3A_253 = tpu.memref_squeeze %dma_wait3A_252 : memref<1x128x16xf32, #tpu.memory_space<vmem>> -> memref<128x16xf32, #tpu.memory_space<vmem>>
      %dma_wait3A_254 = arith.constant 0 : i32
      %dma_wait3A_255 = tpu.memref_slice %arg9[%run_scoped3A_223, %dma_wait3A_254] : memref<80x128xi32, #tpu.memory_space<vmem>> -> memref<1x128xi32, #tpu.memory_space<vmem>>
      %dma_wait3A_256 = tpu.memref_squeeze %dma_wait3A_255 : memref<1x128xi32, #tpu.memory_space<vmem>> -> memref<128xi32, #tpu.memory_space<vmem>>
      %dma_wait3A_257 = arith.constant 0 : i32
      %dma_wait3A_258 = arith.constant 0 : i32
      %dma_wait3A_259 = tpu.memref_slice %arg16[%dma_wait3A_257, %dma_wait3A_258] : memref<10240x16xf32, #tpu.memory_space<vmem_shared>> -> memref<10240x16xf32, #tpu.memory_space<vmem_shared>>
      tpu.wait_indirect_dma semaphore(%run_scoped3A_239 : memref<!tpu.dma_semaphore, #tpu.memory_space<semaphore_mem>>) src(%dma_wait3A_253 : memref<128x16xf32, #tpu.memory_space<vmem>>) dst(%dma_wait3A_259 : memref<10240x16xf32, #tpu.memory_space<vmem_shared>>)
      tpu.yield
    }) : () -> ()
    %run_scoped3A_224 = arith.constant 2 : i32
    %run_scoped3A_225 = arith.constant 78 : i32
    "tpu.region"() ({
      %run_scoped3A_239 = tpu.sem_alloc : memref<!tpu.dma_semaphore, #tpu.memory_space<semaphore_mem>>
      %dma_start3A_240 = arith.constant 0 : i32
      %dma_start3A_241 = arith.constant 0 : i32
      %dma_start3A_242 = tpu.memref_slice %arg11[%run_scoped3A_224, %dma_start3A_240, %dma_start3A_241] : memref<4x128x16xf32, #tpu.memory_space<vmem>> -> memref<1x128x16xf32, #tpu.memory_space<vmem>>
      %dma_start3A_243 = tpu.memref_squeeze %dma_start3A_242 : memref<1x128x16xf32, #tpu.memory_space<vmem>> -> memref<128x16xf32, #tpu.memory_space<vmem>>
      %dma_start3A_244 = arith.constant 0 : i32
      %dma_start3A_245 = tpu.memref_slice %arg9[%run_scoped3A_225, %dma_start3A_244] : memref<80x128xi32, #tpu.memory_space<vmem>> -> memref<1x128xi32, #tpu.memory_space<vmem>>
      %dma_start3A_246 = tpu.memref_squeeze %dma_start3A_245 : memref<1x128xi32, #tpu.memory_space<vmem>> -> memref<128xi32, #tpu.memory_space<vmem>>
      %dma_start3A_247 = arith.constant 0 : i32
      %dma_start3A_248 = arith.constant 0 : i32
      %dma_start3A_249 = tpu.memref_slice %arg16[%dma_start3A_247, %dma_start3A_248] : memref<10240x16xf32, #tpu.memory_space<vmem_shared>> -> memref<10240x16xf32, #tpu.memory_space<vmem_shared>>
      tpu.enqueue_indirect_dma source(%dma_start3A_243 : memref<128x16xf32, #tpu.memory_space<vmem>>) target(%dma_start3A_249 : memref<10240x16xf32, #tpu.memory_space<vmem_shared>>) offsets(%dma_start3A_246 : memref<128xi32, #tpu.memory_space<vmem>>) semaphore(%run_scoped3A_239 : memref<!tpu.dma_semaphore, #tpu.memory_space<semaphore_mem>>) {add = true}
      %dma_wait3A_250 = arith.constant 0 : i32
      %dma_wait3A_251 = arith.constant 0 : i32
      %dma_wait3A_252 = tpu.memref_slice %arg11[%run_scoped3A_224, %dma_wait3A_250, %dma_wait3A_251] : memref<4x128x16xf32, #tpu.memory_space<vmem>> -> memref<1x128x16xf32, #tpu.memory_space<vmem>>
      %dma_wait3A_253 = tpu.memref_squeeze %dma_wait3A_252 : memref<1x128x16xf32, #tpu.memory_space<vmem>> -> memref<128x16xf32, #tpu.memory_space<vmem>>
      %dma_wait3A_254 = arith.constant 0 : i32
      %dma_wait3A_255 = tpu.memref_slice %arg9[%run_scoped3A_225, %dma_wait3A_254] : memref<80x128xi32, #tpu.memory_space<vmem>> -> memref<1x128xi32, #tpu.memory_space<vmem>>
      %dma_wait3A_256 = tpu.memref_squeeze %dma_wait3A_255 : memref<1x128xi32, #tpu.memory_space<vmem>> -> memref<128xi32, #tpu.memory_space<vmem>>
      %dma_wait3A_257 = arith.constant 0 : i32
      %dma_wait3A_258 = arith.constant 0 : i32
      %dma_wait3A_259 = tpu.memref_slice %arg16[%dma_wait3A_257, %dma_wait3A_258] : memref<10240x16xf32, #tpu.memory_space<vmem_shared>> -> memref<10240x16xf32, #tpu.memory_space<vmem_shared>>
      tpu.wait_indirect_dma semaphore(%run_scoped3A_239 : memref<!tpu.dma_semaphore, #tpu.memory_space<semaphore_mem>>) src(%dma_wait3A_253 : memref<128x16xf32, #tpu.memory_space<vmem>>) dst(%dma_wait3A_259 : memref<10240x16xf32, #tpu.memory_space<vmem_shared>>)
      tpu.yield
    }) : () -> ()
    %run_scoped3A_226 = arith.constant 3 : i32
    %run_scoped3A_227 = arith.constant 79 : i32
    "tpu.region"() ({
      %run_scoped3A_239 = tpu.sem_alloc : memref<!tpu.dma_semaphore, #tpu.memory_space<semaphore_mem>>
      %dma_start3A_240 = arith.constant 0 : i32
      %dma_start3A_241 = arith.constant 0 : i32
      %dma_start3A_242 = tpu.memref_slice %arg11[%run_scoped3A_226, %dma_start3A_240, %dma_start3A_241] : memref<4x128x16xf32, #tpu.memory_space<vmem>> -> memref<1x128x16xf32, #tpu.memory_space<vmem>>
      %dma_start3A_243 = tpu.memref_squeeze %dma_start3A_242 : memref<1x128x16xf32, #tpu.memory_space<vmem>> -> memref<128x16xf32, #tpu.memory_space<vmem>>
      %dma_start3A_244 = arith.constant 0 : i32
      %dma_start3A_245 = tpu.memref_slice %arg9[%run_scoped3A_227, %dma_start3A_244] : memref<80x128xi32, #tpu.memory_space<vmem>> -> memref<1x128xi32, #tpu.memory_space<vmem>>
      %dma_start3A_246 = tpu.memref_squeeze %dma_start3A_245 : memref<1x128xi32, #tpu.memory_space<vmem>> -> memref<128xi32, #tpu.memory_space<vmem>>
      %dma_start3A_247 = arith.constant 0 : i32
      %dma_start3A_248 = arith.constant 0 : i32
      %dma_start3A_249 = tpu.memref_slice %arg16[%dma_start3A_247, %dma_start3A_248] : memref<10240x16xf32, #tpu.memory_space<vmem_shared>> -> memref<10240x16xf32, #tpu.memory_space<vmem_shared>>
      tpu.enqueue_indirect_dma source(%dma_start3A_243 : memref<128x16xf32, #tpu.memory_space<vmem>>) target(%dma_start3A_249 : memref<10240x16xf32, #tpu.memory_space<vmem_shared>>) offsets(%dma_start3A_246 : memref<128xi32, #tpu.memory_space<vmem>>) semaphore(%run_scoped3A_239 : memref<!tpu.dma_semaphore, #tpu.memory_space<semaphore_mem>>) {add = true}
      %dma_wait3A_250 = arith.constant 0 : i32
      %dma_wait3A_251 = arith.constant 0 : i32
      %dma_wait3A_252 = tpu.memref_slice %arg11[%run_scoped3A_226, %dma_wait3A_250, %dma_wait3A_251] : memref<4x128x16xf32, #tpu.memory_space<vmem>> -> memref<1x128x16xf32, #tpu.memory_space<vmem>>
      %dma_wait3A_253 = tpu.memref_squeeze %dma_wait3A_252 : memref<1x128x16xf32, #tpu.memory_space<vmem>> -> memref<128x16xf32, #tpu.memory_space<vmem>>
      %dma_wait3A_254 = arith.constant 0 : i32
      %dma_wait3A_255 = tpu.memref_slice %arg9[%run_scoped3A_227, %dma_wait3A_254] : memref<80x128xi32, #tpu.memory_space<vmem>> -> memref<1x128xi32, #tpu.memory_space<vmem>>
      %dma_wait3A_256 = tpu.memref_squeeze %dma_wait3A_255 : memref<1x128xi32, #tpu.memory_space<vmem>> -> memref<128xi32, #tpu.memory_space<vmem>>
      %dma_wait3A_257 = arith.constant 0 : i32
      %dma_wait3A_258 = arith.constant 0 : i32
      %dma_wait3A_259 = tpu.memref_slice %arg16[%dma_wait3A_257, %dma_wait3A_258] : memref<10240x16xf32, #tpu.memory_space<vmem_shared>> -> memref<10240x16xf32, #tpu.memory_space<vmem_shared>>
      tpu.wait_indirect_dma semaphore(%run_scoped3A_239 : memref<!tpu.dma_semaphore, #tpu.memory_space<semaphore_mem>>) src(%dma_wait3A_253 : memref<128x16xf32, #tpu.memory_space<vmem>>) dst(%dma_wait3A_259 : memref<10240x16xf32, #tpu.memory_space<vmem_shared>>)
      tpu.yield
    }) : () -> ()
    %barrier3A_228 = arith.constant 0 : index
    tpu.barrier barrier_id(%barrier3A_228)
    "tpu.region"() ({
      %run_scoped3A_239 = tpu.sem_alloc : memref<!tpu.dma_semaphore, #tpu.memory_space<semaphore_mem>>
      %dma_start3A_240 = arith.constant 0 : i32
      %dma_start3A_241 = tpu.memref_slice %arg16[%mul3A_2, %dma_start3A_240] : memref<10240x16xf32, #tpu.memory_space<vmem_shared>> -> memref<640x16xf32, #tpu.memory_space<vmem_shared>>
      %dma_start3A_242 = arith.constant 0 : i32
      %dma_start3A_243 = tpu.memref_slice %arg16[%mul3A_2, %dma_start3A_242] : memref<10240x16xf32, #tpu.memory_space<vmem_shared>> -> memref<640x16xf32, #tpu.memory_space<vmem_shared>>
      tpu.enqueue_dma source(%dma_start3A_243 : memref<640x16xf32, #tpu.memory_space<vmem_shared>>) target(%arg13 : memref<640x16xf32, #tpu.memory_space<vmem>>) target_semaphore(%run_scoped3A_239 : memref<!tpu.dma_semaphore, #tpu.memory_space<semaphore_mem>>)
      %dma_wait3A_244 = arith.constant 0 : i32
      %dma_wait3A_245 = tpu.memref_slice %arg16[%mul3A_2, %dma_wait3A_244] : memref<10240x16xf32, #tpu.memory_space<vmem_shared>> -> memref<640x16xf32, #tpu.memory_space<vmem_shared>>
      %dma_wait3A_246 = arith.constant 0 : i32
      %dma_wait3A_247 = tpu.memref_slice %arg16[%mul3A_2, %dma_wait3A_246] : memref<10240x16xf32, #tpu.memory_space<vmem_shared>> -> memref<640x16xf32, #tpu.memory_space<vmem_shared>>
      tpu.wait_dma2 semaphore(%run_scoped3A_239 : memref<!tpu.dma_semaphore, #tpu.memory_space<semaphore_mem>>) src(%dma_wait3A_247 : memref<640x16xf32, #tpu.memory_space<vmem_shared>>) dst(%arg13 : memref<640x16xf32, #tpu.memory_space<vmem>>)
      tpu.yield
    }) : () -> ()
    %broadcast_in_dim3A = vector.broadcast %arg0 : i32 to vector<16xi32>
    %eq3A = arith.constant 0 : i32
    %eq3A_229 = vector.broadcast %eq3A : i32 to vector<16xi32>
    %eq3A_230 = arith.cmpi eq, %broadcast_in_dim3A, %eq3A_229 : vector<16xi32>
    %jit3A = arith.constant 1.000000e+00 : f32
    %jit3A_231 = arith.constant 0.000000e+00 : f32
    %broadcast_in_dim3A_232 = vector.broadcast %jit3A : f32 to vector<16xf32>
    %broadcast_in_dim3A_233 = vector.broadcast %jit3A_231 : f32 to vector<16xf32>
    %select_n3A = arith.select %eq3A_230, %broadcast_in_dim3A_232, %broadcast_in_dim3A_233 : vector<16xi1>, vector<16xf32>
    %scan3A_234 = arith.constant 0 : i32
    %scan3A_235 = arith.constant 320 : i32
    %scan3A_236 = arith.addi %scan3A_234, %scan3A_235 : i32
    %scan3A_237 = arith.constant 1 : i32
    scf.for %scan3A_239 = %scan3A_234 to %scan3A_236 step %scan3A_237  : i32 {
      %mul3A_240 = arith.constant 2 : i32
      %mul3A_241 = arith.muli %scan3A_239, %mul3A_240 : i32
      %add3A_242 = arith.constant 0 : i32
      %add3A_243 = arith.addi %add3A_242, %mul3A_241 : i32
      %add3A_244 = arith.constant 0 : i32
      %add3A_245 = arith.addi %add3A_243, %add3A_244 : i32
      %broadcast_in_dim3A_246 = vector.broadcast %add3A_245 : i32 to vector<16xi32>
      %gather3A = tpu.vector_load_idx %arg14[%broadcast_in_dim3A_246] : memref<640xf32, #tpu.memory_space<vmem>>[vector<16xi32>], vector<16xf32>,
      %add3A_247 = arith.constant 0 : i32
      %add3A_248 = arith.addi %add3A_243, %add3A_247 : i32
      %get3A = arith.index_cast %add3A_248 : i32 to index
      %get3A_249 = arith.constant 0 : index
      %get3A_250 = tpu.vector_load %arg13[%get3A, %get3A_249] {strides = array<i32>} : memref<640x16xf32, #tpu.memory_space<vmem>>, vector<16xf32>,
      %add3A_251 = arith.constant 0 : i32
      %add3A_252 = arith.addi %add3A_243, %add3A_251 : i32
      %get3A_253 = arith.index_cast %add3A_252 : i32 to index
      %get3A_254 = arith.constant 0 : index
      %get3A_255 = tpu.vector_load %arg12[%get3A_253, %get3A_254] {strides = array<i32>} : memref<640x16xf32, #tpu.memory_space<vmem>>, vector<16xf32>,
      %mul3A_256 = arith.mulf %select_n3A, %get3A_255 : vector<16xf32>
      %add3A_257 = arith.addf %get3A_250, %mul3A_256 : vector<16xf32>
      %mul3A_258 = arith.mulf %add3A_257, %gather3A : vector<16xf32>
      %add3A_259 = arith.constant 0 : i32
      %add3A_260 = arith.addi %add3A_243, %add3A_259 : i32
      %swap3A = arith.index_cast %add3A_260 : i32 to index
      %swap3A_261 = arith.constant 0 : index
      %swap3A_262 = tpu.vector_load %arg13[%swap3A, %swap3A_261] {strides = array<i32>} : memref<640x16xf32, #tpu.memory_space<vmem>>, vector<16xf32>,
      tpu.vector_store %arg13[%swap3A, %swap3A_261], %mul3A_258 {strides = array<i32>} : memref<640x16xf32, #tpu.memory_space<vmem>>, vector<16xf32>,
      %add3A_263 = arith.constant 1 : i32
      %add3A_264 = arith.addi %add3A_243, %add3A_263 : i32
      %broadcast_in_dim3A_265 = vector.broadcast %add3A_264 : i32 to vector<16xi32>
      %gather3A_266 = tpu.vector_load_idx %arg14[%broadcast_in_dim3A_265] : memref<640xf32, #tpu.memory_space<vmem>>[vector<16xi32>], vector<16xf32>,
      %add3A_267 = arith.constant 1 : i32
      %add3A_268 = arith.addi %add3A_243, %add3A_267 : i32
      %get3A_269 = arith.index_cast %add3A_268 : i32 to index
      %get3A_270 = arith.constant 0 : index
      %get3A_271 = tpu.vector_load %arg13[%get3A_269, %get3A_270] {strides = array<i32>} : memref<640x16xf32, #tpu.memory_space<vmem>>, vector<16xf32>,
      %add3A_272 = arith.constant 1 : i32
      %add3A_273 = arith.addi %add3A_243, %add3A_272 : i32
      %get3A_274 = arith.index_cast %add3A_273 : i32 to index
      %get3A_275 = arith.constant 0 : index
      %get3A_276 = tpu.vector_load %arg12[%get3A_274, %get3A_275] {strides = array<i32>} : memref<640x16xf32, #tpu.memory_space<vmem>>, vector<16xf32>,
      %mul3A_277 = arith.mulf %select_n3A, %get3A_276 : vector<16xf32>
      %add3A_278 = arith.addf %get3A_271, %mul3A_277 : vector<16xf32>
      %mul3A_279 = arith.mulf %add3A_278, %gather3A_266 : vector<16xf32>
      %add3A_280 = arith.constant 1 : i32
      %add3A_281 = arith.addi %add3A_243, %add3A_280 : i32
      %swap3A_282 = arith.index_cast %add3A_281 : i32 to index
      %swap3A_283 = arith.constant 0 : index
      %swap3A_284 = tpu.vector_load %arg13[%swap3A_282, %swap3A_283] {strides = array<i32>} : memref<640x16xf32, #tpu.memory_space<vmem>>, vector<16xf32>,
      tpu.vector_store %arg13[%swap3A_282, %swap3A_283], %mul3A_279 {strides = array<i32>} : memref<640x16xf32, #tpu.memory_space<vmem>>, vector<16xf32>,
    }
    %scan3A_238 = arith.constant 320 : i32
    "tpu.region"() ({
      %run_scoped3A_239 = tpu.sem_alloc : memref<!tpu.dma_semaphore, #tpu.memory_space<semaphore_mem>>
      %dma_start3A_240 = arith.constant 0 : i32
      %dma_start3A_241 = arith.constant 0 : i32
      %dma_start3A_242 = tpu.memref_slice %arg7[%arg0, %dma_start3A_240, %dma_start3A_241] : memref<2x10240x16xf32, #tpu.memory_space<hbm>> -> memref<1x10240x16xf32, #tpu.memory_space<hbm>>
      %dma_start3A_243 = tpu.memref_squeeze %dma_start3A_242 : memref<1x10240x16xf32, #tpu.memory_space<hbm>> -> memref<10240x16xf32, #tpu.memory_space<hbm>>
      %dma_start3A_244 = arith.constant 0 : i32
      %dma_start3A_245 = tpu.memref_slice %dma_start3A_243[%mul3A_2, %dma_start3A_244] : memref<10240x16xf32, #tpu.memory_space<hbm>> -> memref<640x16xf32, #tpu.memory_space<hbm>>
      %dma_start3A_246 = arith.constant 0 : i32
      %dma_start3A_247 = arith.constant 0 : i32
      %dma_start3A_248 = tpu.memref_slice %arg7[%arg0, %dma_start3A_246, %dma_start3A_247] : memref<2x10240x16xf32, #tpu.memory_space<hbm>> -> memref<1x10240x16xf32, #tpu.memory_space<hbm>>
      %dma_start3A_249 = tpu.memref_squeeze %dma_start3A_248 : memref<1x10240x16xf32, #tpu.memory_space<hbm>> -> memref<10240x16xf32, #tpu.memory_space<hbm>>
      %dma_start3A_250 = arith.constant 0 : i32
      %dma_start3A_251 = tpu.memref_slice %dma_start3A_249[%mul3A_2, %dma_start3A_250] : memref<10240x16xf32, #tpu.memory_space<hbm>> -> memref<640x16xf32, #tpu.memory_space<hbm>>
      tpu.enqueue_dma source(%arg13 : memref<640x16xf32, #tpu.memory_space<vmem>>) target(%dma_start3A_251 : memref<640x16xf32, #tpu.memory_space<hbm>>) target_semaphore(%run_scoped3A_239 : memref<!tpu.dma_semaphore, #tpu.memory_space<semaphore_mem>>)
      %dma_wait3A_252 = arith.constant 0 : i32
      %dma_wait3A_253 = arith.constant 0 : i32
      %dma_wait3A_254 = tpu.memref_slice %arg7[%arg0, %dma_wait3A_252, %dma_wait3A_253] : memref<2x10240x16xf32, #tpu.memory_space<hbm>> -> memref<1x10240x16xf32, #tpu.memory_space<hbm>>
      %dma_wait3A_255 = tpu.memref_squeeze %dma_wait3A_254 : memref<1x10240x16xf32, #tpu.memory_space<hbm>> -> memref<10240x16xf32, #tpu.memory_space<hbm>>
      %dma_wait3A_256 = arith.constant 0 : i32
      %dma_wait3A_257 = tpu.memref_slice %dma_wait3A_255[%mul3A_2, %dma_wait3A_256] : memref<10240x16xf32, #tpu.memory_space<hbm>> -> memref<640x16xf32, #tpu.memory_space<hbm>>
      %dma_wait3A_258 = arith.constant 0 : i32
      %dma_wait3A_259 = arith.constant 0 : i32
      %dma_wait3A_260 = tpu.memref_slice %arg7[%arg0, %dma_wait3A_258, %dma_wait3A_259] : memref<2x10240x16xf32, #tpu.memory_space<hbm>> -> memref<1x10240x16xf32, #tpu.memory_space<hbm>>
      %dma_wait3A_261 = tpu.memref_squeeze %dma_wait3A_260 : memref<1x10240x16xf32, #tpu.memory_space<hbm>> -> memref<10240x16xf32, #tpu.memory_space<hbm>>
      %dma_wait3A_262 = arith.constant 0 : i32
      %dma_wait3A_263 = tpu.memref_slice %dma_wait3A_261[%mul3A_2, %dma_wait3A_262] : memref<10240x16xf32, #tpu.memory_space<hbm>> -> memref<640x16xf32, #tpu.memory_space<hbm>>
      tpu.wait_dma2 semaphore(%run_scoped3A_239 : memref<!tpu.dma_semaphore, #tpu.memory_space<semaphore_mem>>) src(%arg13 : memref<640x16xf32, #tpu.memory_space<vmem>>) dst(%dma_wait3A_263 : memref<640x16xf32, #tpu.memory_space<hbm>>)
      tpu.yield
    }) : () -> ()
    return
  }
}

module attributes {stable_mosaic.version = 14 : i64} {
  func.func @body(%arg0: memref<1280x1024xf32, #tpu.memory_space<vmem>>, %arg1: memref<128x16xf32, #tpu.memory_space<vmem>>, %arg2: memref<1280x128xf32, #tpu.memory_space<vmem>>) attributes {dimension_semantics = [], scalar_prefetch = 0 : i64, scratch_operands = 0 : i64, tpu.core_type = #tpu.core_type<tc>} {
    %get3A = arith.constant 0 : index
    %get3A_0 = arith.constant 0 : index
    %get3A_1 = vector.load %arg1[%get3A, %get3A_0] : memref<128x16xf32, #tpu.memory_space<vmem>>, vector<128x16xf32>
    %get3A_2 = arith.constant 0 : index
    %get3A_3 = arith.constant 0 : index
    %get3A_4 = vector.load %arg0[%get3A_2, %get3A_3] : memref<1280x1024xf32, #tpu.memory_space<vmem>>, vector<1280x128xf32>
    %dot_general3A = arith.constant dense<0.000000e+00> : vector<1280x16xf32>
    %dot_general3A_5 = tpu.matmul %get3A_4, %get3A_1, %dot_general3A {dimension_numbers = #tpu.dot_dimension_numbers<[1], [0], [0], [1], [0, 0, 1, 1], [], []>, transpose_lhs_hint = false} : vector<1280x128xf32>, vector<128x16xf32>, vector<1280x16xf32> -> vector<1280x16xf32>
    %swap3A = arith.constant 0 : index
    %swap3A_6 = arith.constant 0 : index
    %swap3A_7 = vector.load %arg2[%swap3A, %swap3A_6] : memref<1280x128xf32, #tpu.memory_space<vmem>>, vector<1280x16xf32>
    tpu.vector_store %arg2[%swap3A, %swap3A_6], %dot_general3A_5 {strides = array<i32>} : memref<1280x128xf32, #tpu.memory_space<vmem>>, vector<1280x16xf32>,
    %get3A_8 = arith.constant 0 : index
    %get3A_9 = arith.constant 128 : index
    %get3A_10 = vector.load %arg0[%get3A_8, %get3A_9] : memref<1280x1024xf32, #tpu.memory_space<vmem>>, vector<1280x128xf32>
    %dot_general3A_11 = arith.constant dense<0.000000e+00> : vector<1280x16xf32>
    %dot_general3A_12 = tpu.matmul %get3A_10, %get3A_1, %dot_general3A_11 {dimension_numbers = #tpu.dot_dimension_numbers<[1], [0], [0], [1], [0, 0, 1, 1], [], []>, transpose_lhs_hint = false} : vector<1280x128xf32>, vector<128x16xf32>, vector<1280x16xf32> -> vector<1280x16xf32>
    %swap3A_13 = arith.constant 0 : index
    %swap3A_14 = arith.constant 16 : index
    %swap3A_15 = vector.load %arg2[%swap3A_13, %swap3A_14] : memref<1280x128xf32, #tpu.memory_space<vmem>>, vector<1280x16xf32>
    tpu.vector_store %arg2[%swap3A_13, %swap3A_14], %dot_general3A_12 {strides = array<i32>} : memref<1280x128xf32, #tpu.memory_space<vmem>>, vector<1280x16xf32>,
    %get3A_16 = arith.constant 0 : index
    %get3A_17 = arith.constant 256 : index
    %get3A_18 = vector.load %arg0[%get3A_16, %get3A_17] : memref<1280x1024xf32, #tpu.memory_space<vmem>>, vector<1280x128xf32>
    %dot_general3A_19 = arith.constant dense<0.000000e+00> : vector<1280x16xf32>
    %dot_general3A_20 = tpu.matmul %get3A_18, %get3A_1, %dot_general3A_19 {dimension_numbers = #tpu.dot_dimension_numbers<[1], [0], [0], [1], [0, 0, 1, 1], [], []>, transpose_lhs_hint = false} : vector<1280x128xf32>, vector<128x16xf32>, vector<1280x16xf32> -> vector<1280x16xf32>
    %swap3A_21 = arith.constant 0 : index
    %swap3A_22 = arith.constant 32 : index
    %swap3A_23 = vector.load %arg2[%swap3A_21, %swap3A_22] : memref<1280x128xf32, #tpu.memory_space<vmem>>, vector<1280x16xf32>
    tpu.vector_store %arg2[%swap3A_21, %swap3A_22], %dot_general3A_20 {strides = array<i32>} : memref<1280x128xf32, #tpu.memory_space<vmem>>, vector<1280x16xf32>,
    %get3A_24 = arith.constant 0 : index
    %get3A_25 = arith.constant 384 : index
    %get3A_26 = vector.load %arg0[%get3A_24, %get3A_25] : memref<1280x1024xf32, #tpu.memory_space<vmem>>, vector<1280x128xf32>
    %dot_general3A_27 = arith.constant dense<0.000000e+00> : vector<1280x16xf32>
    %dot_general3A_28 = tpu.matmul %get3A_26, %get3A_1, %dot_general3A_27 {dimension_numbers = #tpu.dot_dimension_numbers<[1], [0], [0], [1], [0, 0, 1, 1], [], []>, transpose_lhs_hint = false} : vector<1280x128xf32>, vector<128x16xf32>, vector<1280x16xf32> -> vector<1280x16xf32>
    %swap3A_29 = arith.constant 0 : index
    %swap3A_30 = arith.constant 48 : index
    %swap3A_31 = vector.load %arg2[%swap3A_29, %swap3A_30] : memref<1280x128xf32, #tpu.memory_space<vmem>>, vector<1280x16xf32>
    tpu.vector_store %arg2[%swap3A_29, %swap3A_30], %dot_general3A_28 {strides = array<i32>} : memref<1280x128xf32, #tpu.memory_space<vmem>>, vector<1280x16xf32>,
    %get3A_32 = arith.constant 0 : index
    %get3A_33 = arith.constant 512 : index
    %get3A_34 = vector.load %arg0[%get3A_32, %get3A_33] : memref<1280x1024xf32, #tpu.memory_space<vmem>>, vector<1280x128xf32>
    %dot_general3A_35 = arith.constant dense<0.000000e+00> : vector<1280x16xf32>
    %dot_general3A_36 = tpu.matmul %get3A_34, %get3A_1, %dot_general3A_35 {dimension_numbers = #tpu.dot_dimension_numbers<[1], [0], [0], [1], [0, 0, 1, 1], [], []>, transpose_lhs_hint = false} : vector<1280x128xf32>, vector<128x16xf32>, vector<1280x16xf32> -> vector<1280x16xf32>
    %swap3A_37 = arith.constant 0 : index
    %swap3A_38 = arith.constant 64 : index
    %swap3A_39 = vector.load %arg2[%swap3A_37, %swap3A_38] : memref<1280x128xf32, #tpu.memory_space<vmem>>, vector<1280x16xf32>
    tpu.vector_store %arg2[%swap3A_37, %swap3A_38], %dot_general3A_36 {strides = array<i32>} : memref<1280x128xf32, #tpu.memory_space<vmem>>, vector<1280x16xf32>,
    %get3A_40 = arith.constant 0 : index
    %get3A_41 = arith.constant 640 : index
    %get3A_42 = vector.load %arg0[%get3A_40, %get3A_41] : memref<1280x1024xf32, #tpu.memory_space<vmem>>, vector<1280x128xf32>
    %dot_general3A_43 = arith.constant dense<0.000000e+00> : vector<1280x16xf32>
    %dot_general3A_44 = tpu.matmul %get3A_42, %get3A_1, %dot_general3A_43 {dimension_numbers = #tpu.dot_dimension_numbers<[1], [0], [0], [1], [0, 0, 1, 1], [], []>, transpose_lhs_hint = false} : vector<1280x128xf32>, vector<128x16xf32>, vector<1280x16xf32> -> vector<1280x16xf32>
    %swap3A_45 = arith.constant 0 : index
    %swap3A_46 = arith.constant 80 : index
    %swap3A_47 = vector.load %arg2[%swap3A_45, %swap3A_46] : memref<1280x128xf32, #tpu.memory_space<vmem>>, vector<1280x16xf32>
    tpu.vector_store %arg2[%swap3A_45, %swap3A_46], %dot_general3A_44 {strides = array<i32>} : memref<1280x128xf32, #tpu.memory_space<vmem>>, vector<1280x16xf32>,
    %get3A_48 = arith.constant 0 : index
    %get3A_49 = arith.constant 768 : index
    %get3A_50 = vector.load %arg0[%get3A_48, %get3A_49] : memref<1280x1024xf32, #tpu.memory_space<vmem>>, vector<1280x128xf32>
    %dot_general3A_51 = arith.constant dense<0.000000e+00> : vector<1280x16xf32>
    %dot_general3A_52 = tpu.matmul %get3A_50, %get3A_1, %dot_general3A_51 {dimension_numbers = #tpu.dot_dimension_numbers<[1], [0], [0], [1], [0, 0, 1, 1], [], []>, transpose_lhs_hint = false} : vector<1280x128xf32>, vector<128x16xf32>, vector<1280x16xf32> -> vector<1280x16xf32>
    %swap3A_53 = arith.constant 0 : index
    %swap3A_54 = arith.constant 96 : index
    %swap3A_55 = vector.load %arg2[%swap3A_53, %swap3A_54] : memref<1280x128xf32, #tpu.memory_space<vmem>>, vector<1280x16xf32>
    tpu.vector_store %arg2[%swap3A_53, %swap3A_54], %dot_general3A_52 {strides = array<i32>} : memref<1280x128xf32, #tpu.memory_space<vmem>>, vector<1280x16xf32>,
    %get3A_56 = arith.constant 0 : index
    %get3A_57 = arith.constant 896 : index
    %get3A_58 = vector.load %arg0[%get3A_56, %get3A_57] : memref<1280x1024xf32, #tpu.memory_space<vmem>>, vector<1280x128xf32>
    %dot_general3A_59 = arith.constant dense<0.000000e+00> : vector<1280x16xf32>
    %dot_general3A_60 = tpu.matmul %get3A_58, %get3A_1, %dot_general3A_59 {dimension_numbers = #tpu.dot_dimension_numbers<[1], [0], [0], [1], [0, 0, 1, 1], [], []>, transpose_lhs_hint = false} : vector<1280x128xf32>, vector<128x16xf32>, vector<1280x16xf32> -> vector<1280x16xf32>
    %swap3A_61 = arith.constant 0 : index
    %swap3A_62 = arith.constant 112 : index
    %swap3A_63 = vector.load %arg2[%swap3A_61, %swap3A_62] : memref<1280x128xf32, #tpu.memory_space<vmem>>, vector<1280x16xf32>
    tpu.vector_store %arg2[%swap3A_61, %swap3A_62], %dot_general3A_60 {strides = array<i32>} : memref<1280x128xf32, #tpu.memory_space<vmem>>, vector<1280x16xf32>,
    return
  }
}

module attributes {stable_mosaic.version = 14 : i64} {
  func.func @body(%arg0: memref<2x1280x128xf32, #tpu.memory_space<vmem>>, %arg1: memref<1x128xf32, #tpu.memory_space<vmem>>, %arg2: memref<1280x128xf32, #tpu.memory_space<vmem>>) attributes {dimension_semantics = [], scalar_prefetch = 0 : i64, scratch_operands = 0 : i64, tpu.core_type = #tpu.core_type<tc>} {
    %get3A = arith.constant 0 : index
    %get3A_0 = arith.constant 0 : index
    %get3A_1 = arith.constant 0 : index
    %get3A_2 = vector.load %arg0[%get3A, %get3A_0, %get3A_1] : memref<2x1280x128xf32, #tpu.memory_space<vmem>>, vector<1x1280x128xf32>
    %get3A_3 = vector.shape_cast %get3A_2 : vector<1x1280x128xf32> to vector<1280x128xf32>
    %get3A_4 = arith.constant 1 : index
    %get3A_5 = arith.constant 0 : index
    %get3A_6 = arith.constant 0 : index
    %get3A_7 = vector.load %arg0[%get3A_4, %get3A_5, %get3A_6] : memref<2x1280x128xf32, #tpu.memory_space<vmem>>, vector<1x1280x128xf32>
    %get3A_8 = vector.shape_cast %get3A_7 : vector<1x1280x128xf32> to vector<1280x128xf32>
    %add3A = arith.addf %get3A_3, %get3A_8 : vector<1280x128xf32>
    %get3A_9 = arith.constant 0 : index
    %get3A_10 = arith.constant 0 : index
    %get3A_11 = vector.load %arg1[%get3A_9, %get3A_10] : memref<1x128xf32, #tpu.memory_space<vmem>>, vector<1x128xf32>
    %add3A_12 = vector.broadcast %get3A_11 : vector<1x128xf32> to vector<1280x128xf32>
    %add3A_13 = arith.addf %add3A, %add3A_12 : vector<1280x128xf32>
    %max3A = arith.constant 0.000000e+00 : f32
    %max3A_14 = vector.broadcast %max3A : f32 to vector<1280x128xf32>
    %max3A_15 = arith.maximumf %add3A_13, %max3A_14 : vector<1280x128xf32>
    %swap3A = arith.constant 0 : index
    %swap3A_16 = arith.constant 0 : index
    %swap3A_17 = vector.load %arg2[%swap3A, %swap3A_16] : memref<1280x128xf32, #tpu.memory_space<vmem>>, vector<1280x128xf32>
    tpu.vector_store %arg2[%swap3A, %swap3A_16], %max3A_15 {strides = array<i32>} : memref<1280x128xf32, #tpu.memory_space<vmem>>, vector<1280x128xf32>,
    return
  }
}

module attributes {stable_mosaic.version = 14 : i64} {
  func.func @body(%arg0: memref<2x1280x128xf32, #tpu.memory_space<vmem>>, %arg1: memref<16x3xf32, #tpu.memory_space<vmem>>, %arg2: memref<1x3xf32, #tpu.memory_space<vmem>>, %arg3: memref<1280x24xf32, #tpu.memory_space<vmem>>) attributes {dimension_semantics = [], scalar_prefetch = 0 : i64, scratch_operands = 0 : i64, tpu.core_type = #tpu.core_type<tc>} {
    %get3A = arith.constant 0 : index
    %get3A_0 = arith.constant 0 : index
    %get3A_1 = arith.constant 0 : index
    %get3A_2 = vector.load %arg0[%get3A, %get3A_0, %get3A_1] : memref<2x1280x128xf32, #tpu.memory_space<vmem>>, vector<1x1280x128xf32>
    %get3A_3 = vector.shape_cast %get3A_2 : vector<1x1280x128xf32> to vector<1280x128xf32>
    %get3A_4 = arith.constant 1 : index
    %get3A_5 = arith.constant 0 : index
    %get3A_6 = arith.constant 0 : index
    %get3A_7 = vector.load %arg0[%get3A_4, %get3A_5, %get3A_6] : memref<2x1280x128xf32, #tpu.memory_space<vmem>>, vector<1x1280x128xf32>
    %get3A_8 = vector.shape_cast %get3A_7 : vector<1x1280x128xf32> to vector<1280x128xf32>
    %add3A = arith.addf %get3A_3, %get3A_8 : vector<1280x128xf32>
    %get3A_9 = arith.constant 0 : index
    %get3A_10 = arith.constant 0 : index
    %get3A_11 = vector.load %arg1[%get3A_9, %get3A_10] : memref<16x3xf32, #tpu.memory_space<vmem>>, vector<16x3xf32>
    %get3A_12 = arith.constant 0 : index
    %get3A_13 = arith.constant 0 : index
    %get3A_14 = vector.load %arg2[%get3A_12, %get3A_13] : memref<1x3xf32, #tpu.memory_space<vmem>>, vector<1x3xf32>
    %slice3A = vector.extract_strided_slice %add3A {offsets = [0, 0], sizes = [1280, 16], strides = [1, 1]} : vector<1280x128xf32> to vector<1280x16xf32>
    %dot_general3A = arith.constant dense<0.000000e+00> : vector<1280x3xf32>
    %dot_general3A_15 = tpu.matmul %slice3A, %get3A_11, %dot_general3A {dimension_numbers = #tpu.dot_dimension_numbers<[1], [0], [0], [1], [0, 0, 1, 1], [], []>, transpose_lhs_hint = false} : vector<1280x16xf32>, vector<16x3xf32>, vector<1280x3xf32> -> vector<1280x3xf32>
    %add3A_16 = vector.broadcast %get3A_14 : vector<1x3xf32> to vector<1280x3xf32>
    %add3A_17 = arith.addf %dot_general3A_15, %add3A_16 : vector<1280x3xf32>
    %swap3A = arith.constant 0 : index
    %swap3A_18 = arith.constant 0 : index
    %swap3A_19 = vector.load %arg3[%swap3A, %swap3A_18] : memref<1280x24xf32, #tpu.memory_space<vmem>>, vector<1280x3xf32>
    tpu.vector_store %arg3[%swap3A, %swap3A_18], %add3A_17 {strides = array<i32>} : memref<1280x24xf32, #tpu.memory_space<vmem>>, vector<1280x3xf32>,
    %slice3A_20 = vector.extract_strided_slice %add3A {offsets = [0, 16], sizes = [1280, 16], strides = [1, 1]} : vector<1280x128xf32> to vector<1280x16xf32>
    %dot_general3A_21 = arith.constant dense<0.000000e+00> : vector<1280x3xf32>
    %dot_general3A_22 = tpu.matmul %slice3A_20, %get3A_11, %dot_general3A_21 {dimension_numbers = #tpu.dot_dimension_numbers<[1], [0], [0], [1], [0, 0, 1, 1], [], []>, transpose_lhs_hint = false} : vector<1280x16xf32>, vector<16x3xf32>, vector<1280x3xf32> -> vector<1280x3xf32>
    %add3A_23 = vector.broadcast %get3A_14 : vector<1x3xf32> to vector<1280x3xf32>
    %add3A_24 = arith.addf %dot_general3A_22, %add3A_23 : vector<1280x3xf32>
    %swap3A_25 = arith.constant 0 : index
    %swap3A_26 = arith.constant 3 : index
    %swap3A_27 = vector.load %arg3[%swap3A_25, %swap3A_26] : memref<1280x24xf32, #tpu.memory_space<vmem>>, vector<1280x3xf32>
    tpu.vector_store %arg3[%swap3A_25, %swap3A_26], %add3A_24 {strides = array<i32>} : memref<1280x24xf32, #tpu.memory_space<vmem>>, vector<1280x3xf32>,
    %slice3A_28 = vector.extract_strided_slice %add3A {offsets = [0, 32], sizes = [1280, 16], strides = [1, 1]} : vector<1280x128xf32> to vector<1280x16xf32>
    %dot_general3A_29 = arith.constant dense<0.000000e+00> : vector<1280x3xf32>
    %dot_general3A_30 = tpu.matmul %slice3A_28, %get3A_11, %dot_general3A_29 {dimension_numbers = #tpu.dot_dimension_numbers<[1], [0], [0], [1], [0, 0, 1, 1], [], []>, transpose_lhs_hint = false} : vector<1280x16xf32>, vector<16x3xf32>, vector<1280x3xf32> -> vector<1280x3xf32>
    %add3A_31 = vector.broadcast %get3A_14 : vector<1x3xf32> to vector<1280x3xf32>
    %add3A_32 = arith.addf %dot_general3A_30, %add3A_31 : vector<1280x3xf32>
    %swap3A_33 = arith.constant 0 : index
    %swap3A_34 = arith.constant 6 : index
    %swap3A_35 = vector.load %arg3[%swap3A_33, %swap3A_34] : memref<1280x24xf32, #tpu.memory_space<vmem>>, vector<1280x3xf32>
    tpu.vector_store %arg3[%swap3A_33, %swap3A_34], %add3A_32 {strides = array<i32>} : memref<1280x24xf32, #tpu.memory_space<vmem>>, vector<1280x3xf32>,
    %slice3A_36 = vector.extract_strided_slice %add3A {offsets = [0, 48], sizes = [1280, 16], strides = [1, 1]} : vector<1280x128xf32> to vector<1280x16xf32>
    %dot_general3A_37 = arith.constant dense<0.000000e+00> : vector<1280x3xf32>
    %dot_general3A_38 = tpu.matmul %slice3A_36, %get3A_11, %dot_general3A_37 {dimension_numbers = #tpu.dot_dimension_numbers<[1], [0], [0], [1], [0, 0, 1, 1], [], []>, transpose_lhs_hint = false} : vector<1280x16xf32>, vector<16x3xf32>, vector<1280x3xf32> -> vector<1280x3xf32>
    %add3A_39 = vector.broadcast %get3A_14 : vector<1x3xf32> to vector<1280x3xf32>
    %add3A_40 = arith.addf %dot_general3A_38, %add3A_39 : vector<1280x3xf32>
    %swap3A_41 = arith.constant 0 : index
    %swap3A_42 = arith.constant 9 : index
    %swap3A_43 = vector.load %arg3[%swap3A_41, %swap3A_42] : memref<1280x24xf32, #tpu.memory_space<vmem>>, vector<1280x3xf32>
    tpu.vector_store %arg3[%swap3A_41, %swap3A_42], %add3A_40 {strides = array<i32>} : memref<1280x24xf32, #tpu.memory_space<vmem>>, vector<1280x3xf32>,
    %slice3A_44 = vector.extract_strided_slice %add3A {offsets = [0, 64], sizes = [1280, 16], strides = [1, 1]} : vector<1280x128xf32> to vector<1280x16xf32>
    %dot_general3A_45 = arith.constant dense<0.000000e+00> : vector<1280x3xf32>
    %dot_general3A_46 = tpu.matmul %slice3A_44, %get3A_11, %dot_general3A_45 {dimension_numbers = #tpu.dot_dimension_numbers<[1], [0], [0], [1], [0, 0, 1, 1], [], []>, transpose_lhs_hint = false} : vector<1280x16xf32>, vector<16x3xf32>, vector<1280x3xf32> -> vector<1280x3xf32>
    %add3A_47 = vector.broadcast %get3A_14 : vector<1x3xf32> to vector<1280x3xf32>
    %add3A_48 = arith.addf %dot_general3A_46, %add3A_47 : vector<1280x3xf32>
    %swap3A_49 = arith.constant 0 : index
    %swap3A_50 = arith.constant 12 : index
    %swap3A_51 = vector.load %arg3[%swap3A_49, %swap3A_50] : memref<1280x24xf32, #tpu.memory_space<vmem>>, vector<1280x3xf32>
    tpu.vector_store %arg3[%swap3A_49, %swap3A_50], %add3A_48 {strides = array<i32>} : memref<1280x24xf32, #tpu.memory_space<vmem>>, vector<1280x3xf32>,
    %slice3A_52 = vector.extract_strided_slice %add3A {offsets = [0, 80], sizes = [1280, 16], strides = [1, 1]} : vector<1280x128xf32> to vector<1280x16xf32>
    %dot_general3A_53 = arith.constant dense<0.000000e+00> : vector<1280x3xf32>
    %dot_general3A_54 = tpu.matmul %slice3A_52, %get3A_11, %dot_general3A_53 {dimension_numbers = #tpu.dot_dimension_numbers<[1], [0], [0], [1], [0, 0, 1, 1], [], []>, transpose_lhs_hint = false} : vector<1280x16xf32>, vector<16x3xf32>, vector<1280x3xf32> -> vector<1280x3xf32>
    %add3A_55 = vector.broadcast %get3A_14 : vector<1x3xf32> to vector<1280x3xf32>
    %add3A_56 = arith.addf %dot_general3A_54, %add3A_55 : vector<1280x3xf32>
    %swap3A_57 = arith.constant 0 : index
    %swap3A_58 = arith.constant 15 : index
    %swap3A_59 = vector.load %arg3[%swap3A_57, %swap3A_58] : memref<1280x24xf32, #tpu.memory_space<vmem>>, vector<1280x3xf32>
    tpu.vector_store %arg3[%swap3A_57, %swap3A_58], %add3A_56 {strides = array<i32>} : memref<1280x24xf32, #tpu.memory_space<vmem>>, vector<1280x3xf32>,
    %slice3A_60 = vector.extract_strided_slice %add3A {offsets = [0, 96], sizes = [1280, 16], strides = [1, 1]} : vector<1280x128xf32> to vector<1280x16xf32>
    %dot_general3A_61 = arith.constant dense<0.000000e+00> : vector<1280x3xf32>
    %dot_general3A_62 = tpu.matmul %slice3A_60, %get3A_11, %dot_general3A_61 {dimension_numbers = #tpu.dot_dimension_numbers<[1], [0], [0], [1], [0, 0, 1, 1], [], []>, transpose_lhs_hint = false} : vector<1280x16xf32>, vector<16x3xf32>, vector<1280x3xf32> -> vector<1280x3xf32>
    %add3A_63 = vector.broadcast %get3A_14 : vector<1x3xf32> to vector<1280x3xf32>
    %add3A_64 = arith.addf %dot_general3A_62, %add3A_63 : vector<1280x3xf32>
    %swap3A_65 = arith.constant 0 : index
    %swap3A_66 = arith.constant 18 : index
    %swap3A_67 = vector.load %arg3[%swap3A_65, %swap3A_66] : memref<1280x24xf32, #tpu.memory_space<vmem>>, vector<1280x3xf32>
    tpu.vector_store %arg3[%swap3A_65, %swap3A_66], %add3A_64 {strides = array<i32>} : memref<1280x24xf32, #tpu.memory_space<vmem>>, vector<1280x3xf32>,
    %slice3A_68 = vector.extract_strided_slice %add3A {offsets = [0, 112], sizes = [1280, 16], strides = [1, 1]} : vector<1280x128xf32> to vector<1280x16xf32>
    %dot_general3A_69 = arith.constant dense<0.000000e+00> : vector<1280x3xf32>
    %dot_general3A_70 = tpu.matmul %slice3A_68, %get3A_11, %dot_general3A_69 {dimension_numbers = #tpu.dot_dimension_numbers<[1], [0], [0], [1], [0, 0, 1, 1], [], []>, transpose_lhs_hint = false} : vector<1280x16xf32>, vector<16x3xf32>, vector<1280x3xf32> -> vector<1280x3xf32>
    %add3A_71 = vector.broadcast %get3A_14 : vector<1x3xf32> to vector<1280x3xf32>
    %add3A_72 = arith.addf %dot_general3A_70, %add3A_71 : vector<1280x3xf32>
    %swap3A_73 = arith.constant 0 : index
    %swap3A_74 = arith.constant 21 : index
    %swap3A_75 = vector.load %arg3[%swap3A_73, %swap3A_74] : memref<1280x24xf32, #tpu.memory_space<vmem>>, vector<1280x3xf32>
    tpu.vector_store %arg3[%swap3A_73, %swap3A_74], %add3A_72 {strides = array<i32>} : memref<1280x24xf32, #tpu.memory_space<vmem>>, vector<1280x3xf32>,
    return
  }
}

</mosaic_0001>

<sc_bundles>
// kernel: kernel.11.cloned.1.call-start
scs
__scs_entry_jumppad:
0x0: {  	(pc) =	sbr.rel $0x88, $3  }
0x1: {  	(tag) =	ssettag $0x0;
	lr =	simm.s32 $0x1  }
0x2: {  	[smem:$0x3F9B] =	sst lr;
	_ =	strace $0xD0000000  }
0x3: {  	_ = 	snop  }
0x4: {  	_ = 	snop  }
0x5: {  	_ = 	snop  }
0x6: {  	_ = 	snop  }
0x7: {  	_ = 	snop  }
__scs_overlays_trampoline_lowered:
0x8: {  	[smem:$0x3FAA] =	sst s0  }
0x9: {  	[smem:$0x3FAB] =	sst s1  }
0xa: {  	[smem:$0x3FAC] =	sst s2  }
0xb: {  	[smem:$0x3FAD] =	sst s3  }
0xc: {  	[smem:$0x3FAE] =	sst s4  }
0xd: {  	[smem:$0x3FAF] =	sst s5  }
0xe: {  	[smem:$0x3FB0] =	sst s6  }
0xf: {  	[smem:$0x3FB1] =	sst s7  }
0x10: {  	[smem:$0x3FB2] =	sst s8  }
0x11: {  	[smem:$0x3FB3] =	sst s9;
	s0 =	simm.s32 @!p0 $0x0  }
0x12: {  	s1 =	sld [smem:$0x3F99];
	s0 =	simm.s32 @p0 $0x1  }
0x13: {  	[smem:$0x3FB4] =	sst s0;
	s0 =	simm.s32 @!p1 $0x0  }
0x14: {  	s2 =	sld [smem:$0x3F98];
	s0 =	simm.s32 @p1 $0x1  }
0x15: {  	[smem:$0x3FB5] =	sst s0;
	s0 =	simm.s32 @!p2 $0x0  }
0x16: {  	s3 =	sld [smem:$0x3FDB];
	s0 =	simm.s32 @p2 $0x1  }
0x17: {  	s4 =	simm.s32 $0x1BF5;
	[smem:$0x3FB7] =	sst s0  }
0x18: {  	s0 =	sld [smem:$0x3F9A];
	_ =	swait.ge [sflag:s4], $0x0  }
0x19: {  	s7 =	sld [smem:$0x3F9B]  }
0x1a: {  	s8 =	sadd.s32 $0xFFFFE003, lr  }
0x1b: {  	s9 =	sadd.s32 $0xFFFFFEF7, lr;
	s5 =	simm.s32 $0xFFFFFFFF;
	p2 =	slt.u32 s8, $0xFFFFF086  }
0x1c: {  	p1 =	slt.u32 s9, $0xF7A;
	s5 =	simm.s32 @!p2 $0x0  }
0x1d: {  	s5 =	simm.s32 @p1 $0x1;
	p0 =	seq.s32 s7, s2  }
0x1e: {  	s7 =	smul.u32 @!p0 $0xF7A, s2;
	p2 =	seq.s32 @!p0 s5, $0x0  }
0x1f: {  	s9 =	smul.u32 $0xF7A, s1;
	s8 =	simm.s32 @!p0 $0x1BF5;
	p2 =	por !p2, p0  }
0x20: {  	[sflag:s8] =	ssyncset.s32 @!p0 $0xFFFFF086;
	s6 =	sadd.s32 @!p0 s3, s7;
	s7 =	simm.s32 @!p0 $0x108  }
0x21: {  	s3 =	sadd.s32 s3, s9;
	s6 =	sadd.s32 @!p0 $0x88, s6;
	s7 =	simm.s32 @p2 $0x1082  }
0x22: {  	[simem:s7], [sflag:s8] =	dma.local @!p0 [hbm:s6], $0xF7A  }
0x23: {  	s9 =	sor.u32 $0xD0000000, s2;
	s6 =	simm.s32 $0x108;
	_ =	swait.ge @!p0 [sflag:s8], $0x0  }
0x24: {  	s3 =	sadd.s32 $0x88, s3;
	s6 =	simm.s32 @!p1 $0x1082;
	[sflag:s4] =	ssyncset.s32 $0xFFFFF086  }
0x25: {  	[simem:s6], [sflag:s4] =	dma.local [hbm:s3], $0xF7A  }
0x26: {  	[smem:$0x3F9B] =	sst s1;
	(tag) =	ssettag s2;
	_ =	strace s9  }
0x27: {  	s1 =	sld [smem:$0x3FAB]  }
0x28: {  	s2 =	sld [smem:$0x3FAC]  }
0x29: {  	s4 =	sld [smem:$0x3FAE]  }
0x2a: {  	p0 =	seq.s32 s5, $0x0;
	s5 =	sld [smem:$0x3FAF]  }
0x2b: {  	s6 =	sld [smem:$0x3FB0]  }
0x2c: {  	s7 =	sld [smem:$0x3FB1]  }
0x2d: {  	s3 =	simm.s32 $0x108;
	s8 =	sld [smem:$0x3FB2]  }
0x2e: {  	s3 =	simm.s32 @!p0 $0x1082;
	s9 =	sld [smem:$0x3FB3]  }
0x2f: {  	lr =	sadd.s32 s0, s3;
	s0 =	sld [smem:$0x3FAA]  }
0x30: {  	s3 =	sld [smem:$0x3FAD]  }
0x31: {  	[smem:$0x3FB6] =	sst s10  }
0x32: {  	s10 =	sld [smem:$0x3FB4];
	_ =	sdelay $0x3  }
0x33: {  	p0 =	seq.s32 s10, $0x1;
	s10 =	sld [smem:$0x3FB6];
	_ =	sdelay $0x3  }
0x34: {  	[smem:$0x3FB6] =	sst s10  }
0x35: {  	s10 =	sld [smem:$0x3FB5];
	_ =	sdelay $0x3  }
0x36: {  	p1 =	seq.s32 s10, $0x1;
	s10 =	sld [smem:$0x3FB6];
	_ =	sdelay $0x3  }
0x37: {  	[smem:$0x3FB6] =	sst s10  }
0x38: {  	s10 =	sld [smem:$0x3FB7]  }
0x39: {  	_ = 	snop;
	(pc) =	sbr.ind lr, $3  }
0x3a: {  	_ = 	snop  }
0x3b: {  	_ = 	snop  }
0x3c: {  	p2 =	seq.s32 s10, $0x1;
	s10 =	sld [smem:$0x3FB6]  }
0x3d: {  	_ =	shalt  }
0x3e: {  	_ =	shalt  }
0x3f: {  	_ =	shalt  }
0x40: {  	_ =	shalt  }
0x41: {  	_ =	shalt  }
0x42: {  	_ =	shalt  }
0x43: {  	_ =	shalt  }
0x44: {  	_ =	shalt  }
0x45: {  	_ =	shalt  }
0x46: {  	_ =	shalt  }
0x47: {  	_ =	shalt  }
0x48: {  	_ =	shalt  }
0x49: {  	_ =	shalt  }
0x4a: {  	_ =	shalt  }
0x4b: {  	_ =	shalt  }
0x4c: {  	_ =	shalt  }
0x4d: {  	_ =	shalt  }
0x4e: {  	_ =	shalt  }
0x4f: {  	_ =	shalt  }
0x50: {  	_ =	shalt  }
0x51: {  	_ =	shalt  }
0x52: {  	_ =	shalt  }
0x53: {  	_ =	shalt  }
0x54: {  	_ =	shalt  }
0x55: {  	_ =	shalt  }
0x56: {  	_ =	shalt  }
0x57: {  	_ =	shalt  }
0x58: {  	_ =	shalt  }
0x59: {  	_ =	shalt  }
0x5a: {  	_ =	shalt  }
0x5b: {  	_ =	shalt  }
0x5c: {  	_ =	shalt  }
0x5d: {  	_ =	shalt  }
0x5e: {  	_ =	shalt  }
0x5f: {  	_ =	shalt  }
0x60: {  	_ =	shalt  }
0x61: {  	_ =	shalt  }
0x62: {  	_ =	shalt  }
0x63: {  	_ =	shalt  }
0x64: {  	_ =	shalt  }
0x65: {  	_ =	shalt  }
0x66: {  	_ =	shalt  }
0x67: {  	_ =	shalt  }
0x68: {  	_ =	shalt  }
0x69: {  	_ =	shalt  }
0x6a: {  	_ =	shalt  }
0x6b: {  	_ =	shalt  }
0x6c: {  	_ =	shalt  }
0x6d: {  	_ =	shalt  }
0x6e: {  	_ =	shalt  }
0x6f: {  	_ =	shalt  }
0x70: {  	_ =	shalt  }
0x71: {  	_ =	shalt  }
0x72: {  	_ =	shalt  }
0x73: {  	_ =	shalt  }
0x74: {  	_ =	shalt  }
0x75: {  	_ =	shalt  }
0x76: {  	_ =	shalt  }
0x77: {  	_ =	shalt  }
0x78: {  	_ =	shalt  }
0x79: {  	_ =	shalt  }
0x7a: {  	_ =	shalt  }
0x7b: {  	_ =	shalt  }
0x7c: {  	_ =	shalt  }
0x7d: {  	_ =	shalt  }
0x7e: {  	_ =	shalt  }
0x7f: {  	_ =	shalt  }
0x80: {  	_ =	shalt  }
0x81: {  	_ =	shalt  }
0x82: {  	_ =	shalt  }
0x83: {  	_ =	shalt  }
0x84: {  	_ =	shalt  }
0x85: {  	_ =	shalt  }
0x86: {  	_ =	shalt  }
0x87: {  	_ =	shalt  }
.Lfunc_end0:
.L_simem_size_0:
called_computation.1_lowered:
.L_overlay_start_0:
0x88: {  	s2 =	sld [smem:$0x3FD9]  }
0x89: {  	s3 =	sld [smem:$0x3FFE];
	_ =	sdelay $0x1  }
0x8a: {  	s1 =	srdreg.scid  }
0x8b: {  	s0 =	sand.u32 $0x1, s1  }
0x8c: {  	s17 =	sshll.u32 s0, $0xA;
	s2 =	sadd.s32 s3, s2  }
0x8d: {  	s2 =	sadd.s32 s2, s17  }
0x8e: {  	[smem:$0x3FC2] =	sst s2  }
0x8f: {  	_ = 	snop  }
0x90: {  	s2 =	sld [smem:$0x3FD0];
	(tm) =	ssettm $0x1  }
0x91: {  	s18 =	sld [smem:$0x3FFB];
	_ =	sdelay $0x3  }
0x92: {  	_ =	strace s18  }
0x93: {  	s3 =	sld [smem:$0x3FFC];
	_ =	sdelay $0x3  }
0x94: {  	_ =	strace s3  }
0x95: {  	s3 =	sld [smem:$0x3FFD];
	_ =	sdelay $0x3  }
0x96: {  	_ =	strace s3  }
0x97: {  	_ =	strace $0x8FFFFFFF  }
0x98: {  	s19 =	sld [smem:$0x3FDB];
	_ =	sdelay $0x1  }
0x99: {  	s4 =	simm.s32 $_scs_section_size  }
0x9a: {  	s5 =	simm.s32 $_size__tile_overlayer_lowered;
	s6 =	simm.s32 $_tile_overlayer_lowered  }
0x9b: {  	s22 =	simm.s32 $0x1BFF;
	s21 =	sshll.u32 s6, $0x1;
	s3 =	sadd.s32 s4, s19  }
0x9c: {  	s7 =	simm.s32 $0x0;
	s20 =	sshll.u32 s5, $0x1;
	s5 =	sadd.s32 s21, s3  }
0x9d: {  	[timem:s7], [sflag:s22] =	dma.local [hbm:s5], s20  }
0x9e: {  	_ =	swait.ge [sflag:s22], s20  }
0x9f: {  	s4 =	ssub.s32 $0x0, s20;
	[sflag:s22] =	ssyncset.done $0x0  }
0xa0: {  	[sflag:s22] =	ssyncadd.s32 s4;
	_ =	sdelay $0x1  }
0xa1: {  	s23 =	simm.s32 $0x1B8B  }
0xa2: {  	_ =	swait.ge [sflag:s23], $0x1  }
0xa3: {  	[sflag:s23] =	ssyncset.done $0x0  }
0xa4: {  	s25 =	simm.s32 $0x1B8E;
	s24 =	sld [smem:$0x3FFE];
	[sflag:s23] =	ssyncadd.s32 $0xFFFFFFFF  }
0xa5: {  	s26 =	simm.s32 $execute0_lowered;
	[smem:$0x3FD2] =	sst s25  }
0xa6: {  	s5 =	sshll.u32 s26, $0x1;
	_ =	strace $0x80000049;
	[dreg:$0x1] =	wrdreg $0xFFFFFFFF  }
0xa7: {  	s28 =	simm.s32 $_size_execute0_lowered;
	s3 =	sadd.s32 s3, s5;
	[dreg:$0x0] =	wrdreg $0x0  }
0xa8: {  	s5 =	sshll.u32 s28, $0x1;
	[dreg:$0x2] =	wrdreg s3  }
0xa9: {  	[dreg:$0x3] =	wrdreg s5  }
0xaa: {  	[dreg:$0x4] =	wrdreg $0xC0  }
0xab: {  	_ =	task [dreg:s7], $0x5FFFF  }
0xac: {  	[dreg:$0x1] =	wrdreg $0xFFFFFFFF  }
0xad: {  	[dreg:$0x0] =	wrdreg $0x60  }
0xae: {  	[dreg:$0x2] =	wrdreg s24  }
0xaf: {  	[dreg:$0x3] =	wrdreg s2  }
0xb0: {  	[dreg:$0x4] =	wrdreg $0xE5000  }
0xb1: {  	[dreg:$0x5] =	wrdreg $0x10D000  }
0xb2: {  	[dreg:$0x6] =	wrdreg $0x9  }
0xb3: {  	_ =	task.clear_ibuf [dreg:s7], $0x7FFFF;
	_ =	strace $0x90000049  }
0xb4: {  	s29 =	simm.s32 $0x9;
	_ =	strace $0x8000004B  }
0xb5: {  	_ =	swait.ge [sflag:s29], $0x1  }
0xb6: {  	[sflag:s29] =	ssyncadd.s32 $0xFFFFFFFF  }
0xb7: {  	_ =	strace $0x9000004B  }
0xb8: {  	_ =	sfence  }
0xb9: {  	s30 =	sld [smem:$0x0];
	_ =	sdelay $0x2  }
0xba: {  	s31 =	sshll.u32 s1, $0xD;
	s1 =	sshrl.u32 s1, $0x2  }
0xbb: {  	s3 =	sand.u32 $0x4000, s31;
	s1 =	sadd.s32 s1, s30  }
0xbc: {  	s0 =	sor.u32 s3, s0;
	s1 =	sshll.u32 s1, $0x11  }
0xbd: {  	s0 =	sor.u32 s1, s0  }
0xbe: {  	s0 =	sadd.s32 $0x8F2B, s0  }
0xbf: {  	[sflag:s0] =	ssyncadd.remote.s32 $0x1  }
0xc0: {  	_ =	sfence.sel $0xFFFF  }
0xc1: {  	[dreg:$0x0] =	wrdreg $0xFFFFFFFF;
	(pc) =	sbr.abs _section_cstart, $3  }
0xc2: {  	[dreg:$0x1] =	wrdreg $0xFFFFFFFF  }
0xc3: {  	_ =	task.clear_ibuf [dreg:s7], $0x2FFFF;
	_ =	strace $0x9FFFFFFF  }
0xc4: {  	(tm) =	ssettm $0x7FFFFFFF  }
0xc5: {  	_ =	shalt  }
tec
execute0_lowered:
.L_overlay_start_1:
0x0: {  	(tag) =	ssettag $0x1  }
0x1: {  	s0 =	rddreg [dreg:$0x0]  }
0x2: {  	s3 =	rddreg [dreg:$0x1]  }
0x3: {  	s1 =	rddreg [dreg:$0x2]  }
0x4: {  	s2 =	rddreg [dreg:$0x3];
	s4 =	srdreg.scid  }
0x5: {  	s14 =	stileid.u32;
	s15 =	simm.s32 $0x3;
	s17 =	simm.s32 $0xE000  }
0x6: {  	s21 =	simm.s32 $0x80;
	s29 =	simm.s32 $0x6800;
	s30 =	simm.s32 $0x7000  }
0x7: {  	s31 =	simm.s32 $0x7800;
	s19 =	simm.s32 $0x1;
	s20 =	simm.s32 $0x2  }
0x8: {  	s28 =	simm.s32 $0x0;
	s6 =	sand.u32 $0x1, s4;
	s7 =	smul.u32 $0x2800, s14  }
0x9: {  	s4 =	simm.s32 $0x0;
	s16 =	smul.u32 $0x50, s14;
	s24 =	sshll.u32 s14, $0x6  }
0xa: {  	s5 =	sshll.u32 s6, $0x4;
	[smem:$0x7FF] =	sst s4;
	s9 =	smul.u32 $0x5000, s6  }
0xb: {  	s10 =	ssub.s32 $0x2, s6;
	p0 =	seq.s32 s6, $0x0;
	s5 =	sor.u32 s14, s5  }
0xc: {  	_ =	strace $0x8000004A;
	s8 =	sshrl.u32 s7, $0x3;
	s22 =	sshrl.u32 s10, $0x1  }
0xd: {  	s26 =	sadd.s32 s3, s16;
	s3 =	sadd.s32 $0x500, s3;
	s5 =	smul.u32 $0x500, s5  }
0xe: {  	s11 =	sadd.s32 s8, s0;
	s13 =	ssub.s32 s10, s22;
	[dreg:$0x8] =	wrdreg s26  }
0xf: {  	s18 =	sadd.s32 s16, s3;
	s22 =	simm.s32 $0x5000;
	s26 =	simm.s32 $0x6000  }
0x10: {  	s3 =	simm.s32 $0x8800;
	s23 =	sadd.s32 $0x2800, s11;
	s25 =	sadd.s32 $0x16200, s11  }
0x11: {  	s13 =	smax.u32 s13, $0x1;
	s12 =	sadd.s32 s5, s0;
	s0 =	sadd.s32 s9, s0  }
0x12: {  	s5 =	sadd.s32 s7, s1;
	[dreg:$0x5] =	wrdreg s23;
	s9 =	sor.u32 $0x1C03, s24  }
0x13: {  	[dreg:$0x7] =	wrdreg s25;
	s23 =	simm.s32 $0x5800;
	s25 =	simm.s32 $0xB800  }
0x14: {  	[dreg:$0x6] =	wrdreg s9;
	s10 =	sadd.s32 $0x25200, s12;
	s11 =	sadd.s32 $0x1B200, s12  }
0x15: {  	v0 =	vimm.f32 $1.000000000e+00;
	s12 =	sadd.s32 s7, s2;
	s0 =	sadd.s32 $0x7800, s0;
	s14 =	sshrl.u32 s5, $0x3  }
0x16: {  	v0 =	vpsel !p0, $0x0, v0;
	s9 =	simm.s32 $0x9000;
	s24 =	sadd.s32 s8, s0;
	s0 =	simm.s32 $0x8000  }
.LBB2_1:
0x17: {  	s6 =	rddreg [dreg:$0x5]  }
0x18: {  	s7 =	rddreg [dreg:$0x6]  }
0x19: {  	[spmem:s14], [sflag:s7] =	dma.local [hbm:s6], $0x500  }
0x1a: {  	_ =	swait.ge [sflag:s15], $0x500  }
0x1b: {  	[sflag:s15] =	ssyncset.done $0x0  }
0x1c: {  	s16 =	rddreg [dreg:$0x7];
	[sflag:s15] =	ssyncadd.s32 $0xFFFFFB00  }
0x1d: {  	[tilespmem:s9], [sflag:$0x3] =	stream.linear.gather [hbm4b:s16+s4], $0x2800, $0x38;
	[tilespmem:$0x13500] =	vst v63  }
0x1e: {  	_ =	swait.ge [sflag:s15], $0x2800  }
0x1f: {  	[sflag:s15] =	ssyncset.done $0x0  }
0x20: {  	s7 =	rddreg [dreg:$0x8];
	[sflag:s15] =	ssyncadd.s32 $0xFFFFD800  }
0x21: {  	[tilespmem:s17], [sflag:$0x3] =	stream.linear.gather [hbm4b:s7+s4], $0x280, $0x38;
	[tilespmem:$0x13500] =	vst v63  }
0x22: {  	_ =	swait.ge [sflag:s15], $0x280  }
0x23: {  	[sflag:s15] =	ssyncset.done $0x0  }
0x24: {  	s8 =	simm.s32 $0xE280;
	[sflag:s15] =	ssyncadd.s32 $0xFFFFFD80  }
0x25: {  	[tilespmem:s8], [sflag:$0x3] =	stream.linear.gather [hbm4b:s18+s4], $0x280, $0x38;
	[tilespmem:$0x13500] =	vst v63  }
0x26: {  	_ =	swait.ge [sflag:s15], $0x280  }
0x27: {  	[sflag:s15] =	ssyncset.done $0x0  }
0x28: {  	[sflag:s15] =	ssyncadd.s32 $0xFFFFFD80  }
0x29: {  	[tilespmem:s4], [sflag:$0x3] =	stream.linear.gather [hbm4b:s10+s4], $0x2800, $0x38;
	[tilespmem:$0x13500] =	vst v63  }
0x2a: {  	_ =	swait.ge [sflag:s15], $0x2800  }
0x2b: {  	[sflag:s15] =	ssyncset.done $0x0  }
0x2c: {  	s16 =	simm.s32 $0x2800;
	[sflag:s15] =	ssyncadd.s32 $0xFFFFD800  }
0x2d: {  	[tilespmem:s16], [sflag:$0x3] =	stream.linear.gather [hbm4b:s11+s4], $0x2800, $0x38;
	[tilespmem:$0x13500] =	vst v63  }
0x2e: {  	_ =	swait.ge [sflag:s15], $0x2800  }
0x2f: {  	[sflag:s15] =	ssyncset.done $0x0  }
0x30: {  	s6 =	simm.s32 $0x0;
	[sflag:s15] =	ssyncadd.s32 $0xFFFFD800  }
0x31: {  	s7 =	simm.s32 $0x40;
	v1 =	vld [tilespmem:s6+$0xE280]  }
.LBB2_2:
0x32: {  	p0 =	sne.s32 s7, $0x9C0;
	v2 =	vld [tilespmem:s6+$0xE000];
	_ =	sdelay $0x4  }
0x33: {  	v1 =	vadd.f32 v1, v2;
	_ =	sdelay $0x1  }
0x34: {  	v1 =	vadd.f32 $1.000000000e+00, v1;
	_ =	sdelay $0x1  }
0x35: {  	v2 =	vshra.s32 v1, $0x1;
	v1 =	vmul.f32 $5.000000000e-01, v1  }
0x36: {  	v2 =	vsub.s32 $0x5F3759DF, v2  }
0x37: {  	v3 =	vmul.f32 v2, v1;
	_ =	sdelay $0x1  }
0x38: {  	v3 =	vmul.f32 v2, v3;
	_ =	sdelay $0x1  }
0x39: {  	v3 =	vsub.f32 $1.500000000e+00, v3;
	_ =	sdelay $0x1  }
0x3a: {  	v2 =	vmul.f32 v2, v3;
	_ =	sdelay $0x1  }
0x3b: {  	v3 =	vmul.f32 v2, v1;
	_ =	sdelay $0x1  }
0x3c: {  	v3 =	vmul.f32 v3, v2;
	_ =	sdelay $0x1  }
0x3d: {  	v3 =	vsub.f32 $1.500000000e+00, v3;
	_ =	sdelay $0x1  }
0x3e: {  	v2 =	vmul.f32 v3, v2;
	_ =	sdelay $0x1  }
0x3f: {  	v1 =	vmul.f32 v2, v1;
	_ =	sdelay $0x1  }
0x40: {  	v1 =	vmul.f32 v1, v2;
	_ =	sdelay $0x1  }
.Ltmp0:
0x41: {  	v1 =	vsub.f32 $1.500000000e+00, v1;
	(pc) =	sbr.rel @p0 .LBB2_2-.Ltmp0, $4  }
0x42: {  	_ = 	snop  }
0x43: {  	v2 =	vmul.f32 v1, v2  }
0x44: {  	s8 =	sshra.s32 s7, $0x2  }
0x45: {  	s7 =	sadd.s32 $0x40, s7;
	v1 =	vld [tilespmem:s8+$0xE280];
	[tilespmem:s6+$0xE000] =	vst v2;
	s6 =	smov.u32 s8  }
0x46: {  	v2 =	vld [tilespmem:s6+$0xE000];
	_ =	sdelay $0x4  }
0x47: {  	v1 =	vadd.f32 v1, v2;
	_ =	sdelay $0x1  }
0x48: {  	v1 =	vadd.f32 $1.000000000e+00, v1;
	_ =	sdelay $0x1  }
0x49: {  	v2 =	vshra.s32 v1, $0x1;
	v1 =	vmul.f32 $5.000000000e-01, v1  }
0x4a: {  	v2 =	vsub.s32 $0x5F3759DF, v2  }
0x4b: {  	v3 =	vmul.f32 v2, v1;
	_ =	sdelay $0x1  }
0x4c: {  	v3 =	vmul.f32 v2, v3;
	_ =	sdelay $0x1  }
0x4d: {  	v3 =	vsub.f32 $1.500000000e+00, v3;
	_ =	sdelay $0x1  }
0x4e: {  	v2 =	vmul.f32 v2, v3;
	_ =	sdelay $0x1  }
0x4f: {  	v3 =	vmul.f32 v2, v1;
	_ =	sdelay $0x1  }
0x50: {  	v3 =	vmul.f32 v3, v2;
	_ =	sdelay $0x1  }
0x51: {  	v3 =	vsub.f32 $1.500000000e+00, v3;
	_ =	sdelay $0x1  }
0x52: {  	v2 =	vmul.f32 v3, v2;
	_ =	sdelay $0x1  }
0x53: {  	s7 =	simm.s32 $0x0;
	v1 =	vmul.f32 v2, v1  }
0x54: {  	v3 =	vmov s7  }
0x55: {  	v3 =	vand.u32 $0xFFFFFFFE, v3;
	v1 =	vmul.f32 v1, v2  }
0x56: {  	v3 =	vbroadcast v3, $0x0  }
0x57: {  	v1 =	vsub.f32 $1.500000000e+00, v1;
	_ =	sdelay $0x1  }
0x58: {  	v1 =	vmul.f32 v1, v2;
	_ =	sdelay $0x1  }
0x59: {  	[tilespmem:s6+$0xE000] =	vst v1  }
0x5a: {  	s6 =	simm.s32 $0x9010;
	v1 =	vld.idx.msk [tilespmem:v3+s17+$0x0], $0xffff  }
0x5b: {  	v2 =	vld [tilespmem:s6+$0xFFFFFFF0];
	_ =	sdelay $0x1  }
0x5c: {  	s16 =	simm.s32 $0x1  }
0x5d: {  	v3 =	vmov s16;
	_ =	sdelay $0x1  }
0x5e: {  	v1 =	vmul.f32 v2, v1;
	_ =	sdelay $0x1  }
0x5f: {  	[tilespmem:s6+$0xFFFFFFF0] =	vst v1  }
0x60: {  	s8 =	simm.s32 $0x5;
	s7 =	simm.s32 $0x3;
	s16 =	simm.s32 $0x2;
	v1 =	vld.idx.msk [tilespmem:v3+s17+$0x0], $0xffff  }
.LBB2_4:
0x61: {  	p0 =	sne.s32 s8, $0x27F;
	v2 =	vmov s16;
	v3 =	vld [tilespmem:s6+$0x0]  }
0x62: {  	v2 =	vand.u32 $0xFFFFFFFE, v2  }
0x63: {  	v2 =	vbroadcast v2, $0x0;
	_ =	sdelay $0x2  }
0x64: {  	v1 =	vmul.f32 v3, v1;
	_ =	sdelay $0x1  }
0x65: {  	[tilespmem:s6+$0x0] =	vst v1  }
0x66: {  	s6 =	sadd.s32 $0x20, s6;
	v1 =	vld.idx.msk [tilespmem:v2+s17+$0x0], $0xffff  }
0x67: {  	v2 =	vld [tilespmem:s6+$0xFFFFFFF0];
	_ =	sdelay $0x2  }
0x68: {  	v3 =	vmov s7;
	s7 =	smov.u32 s8  }
.Ltmp1:
0x69: {  	(pc) =	sbr.rel @p0 .LBB2_4-.Ltmp1, $3  }
0x6a: {  	v1 =	vmul.f32 v2, v1;
	_ =	sdelay $0x1  }
0x6b: {  	[tilespmem:s6+$0xFFFFFFF0] =	vst v1  }
0x6c: {  	s8 =	sadd.s32 $0x2, s8;
	s16 =	sadd.s32 $0xFFFFFFFF, s7;
	v1 =	vld.idx.msk [tilespmem:v3+s17+$0x0], $0xffff  }
0x6d: {  	v2 =	vmov s16;
	v3 =	vld [tilespmem:s6+$0x0]  }
0x6e: {  	v2 =	vand.u32 $0xFFFFFFFE, v2  }
0x6f: {  	v2 =	vbroadcast v2, $0x0;
	_ =	sdelay $0x2  }
0x70: {  	v1 =	vmul.f32 v3, v1;
	_ =	sdelay $0x1  }
0x71: {  	[tilespmem:s6+$0x0] =	vst v1  }
0x72: {  	s16 =	sadd.s32 $0x20, s6;
	v1 =	vld.idx.msk [tilespmem:v2+s17+$0x0], $0xffff  }
0x73: {  	v2 =	vld [tilespmem:s16+$0xFFFFFFF0];
	_ =	sdelay $0x2  }
0x74: {  	v3 =	vmov s7;
	_ =	sdelay $0x1  }
0x75: {  	v1 =	vmul.f32 v2, v1;
	_ =	sdelay $0x1  }
0x76: {  	v2 =	vld [tilespmem:s16+$0x0];
	[tilespmem:s16+$0xFFFFFFF0] =	vst v1  }
0x77: {  	v1 =	vld.idx.msk [tilespmem:v3+s17+$0x0], $0xffff;
	_ =	sdelay $0x4  }
0x78: {  	v1 =	vmul.f32 v2, v1;
	_ =	sdelay $0x1  }
0x79: {  	[tilespmem:s16+$0x0] =	vst v1  }
0x7a: {  	[spmem:s12] =	stream.linear.scatter [tilespmem:s9], [sflag:$0x3], $0x2800, $0x38;
	[tilespmem:$0x13500] =	vst v63  }
0x7b: {  	_ =	swait.ge [sflag:s15], $0x2800  }
0x7c: {  	[sflag:s15] =	ssyncset.done $0x0  }
0x7d: {  	[sflag:s15] =	ssyncadd.s32 $0xFFFFD800  }
0x7e: {  	s8 =	simm.s32 $0x0;
	[bflag:$0x0] =	sbarrier.arrive $0xFFFF  }
0x7f: {  	[tilespmem:s22], [sflag:$0x1] =	stream.indirect.gather [spmem:s2], $0x10, s8, s21, $0xb8;
	[tilespmem:$0x13500] =	vst v63  }
0x80: {  	_ = 	snop  }
0x81: {  	[tilespmem:s23], [sflag:$0x1] =	stream.indirect.gather [spmem:s2], $0x10, s21, s21, $0xb8;
	[tilespmem:$0x13500] =	vst v63  }
0x82: {  	s9 =	simm.s32 $0x100  }
0x83: {  	[tilespmem:s26], [sflag:$0x1] =	stream.indirect.gather [spmem:s2], $0x10, s9, s21, $0xb8;
	[tilespmem:$0x13500] =	vst v63  }
0x84: {  	s16 =	simm.s32 $0x180  }
0x85: {  	[tilespmem:s29], [sflag:$0x1] =	stream.indirect.gather [spmem:s2], $0x10, s16, s21, $0xb8;
	[tilespmem:$0x13500] =	vst v63  }
0x86: {  	s7 =	simm.s32 $0x200  }
0x87: {  	[tilespmem:s30], [sflag:$0x2] =	stream.indirect.gather [spmem:s2], $0x10, s7, s21, $0xb8;
	[tilespmem:$0x13500] =	vst v63  }
0x88: {  	s8 =	simm.s32 $0x280  }
0x89: {  	[tilespmem:s31], [sflag:$0x2] =	stream.indirect.gather [spmem:s2], $0x10, s8, s21, $0xb8;
	[tilespmem:$0x13500] =	vst v63  }
0x8a: {  	s9 =	simm.s32 $0x300  }
0x8b: {  	[tilespmem:s0], [sflag:$0x2] =	stream.indirect.gather [spmem:s2], $0x10, s9, s21, $0xb8;
	[tilespmem:$0x13500] =	vst v63  }
0x8c: {  	s16 =	simm.s32 $0x380  }
0x8d: {  	[tilespmem:s3], [sflag:$0x2] =	stream.indirect.gather [spmem:s2], $0x10, s16, s21, $0xb8;
	[tilespmem:$0x13500] =	vst v63  }
0x8e: {  	_ =	swait.ge [sflag:s19], $0x800  }
0x8f: {  	[sflag:s19] =	ssyncset.done $0x0  }
0x90: {  	[sflag:s19] =	ssyncadd.s32 $0xFFFFF800  }
0x91: {  	_ =	swait.ge [sflag:s19], $0x800  }
0x92: {  	[sflag:s19] =	ssyncset.done $0x0  }
0x93: {  	[sflag:s19] =	ssyncadd.s32 $0xFFFFF800  }
0x94: {  	_ =	swait.ge [sflag:s19], $0x800  }
0x95: {  	[sflag:s19] =	ssyncset.done $0x0  }
0x96: {  	[sflag:s19] =	ssyncadd.s32 $0xFFFFF800  }
0x97: {  	_ =	swait.ge [sflag:s19], $0x800  }
0x98: {  	[sflag:s19] =	ssyncset.done $0x0  }
0x99: {  	s7 =	simm.s32 $0x2800;
	[sflag:s19] =	ssyncadd.s32 $0xFFFFF800  }
0x9a: {  	[spmem:s1] =	stream.indirect.scatter.add.f32 [tilespmem:s22], [sflag:$0x3], $0x10, s7, s21, $0xb8;
	[tilespmem:$0x13500] =	vst v63  }
0x9b: {  	_ =	swait.ge [sflag:s15], $0x800  }
0x9c: {  	[sflag:s15] =	ssyncset.done $0x0  }
0x9d: {  	s8 =	simm.s32 $0x2880;
	[sflag:s15] =	ssyncadd.s32 $0xFFFFF800  }
0x9e: {  	[spmem:s1] =	stream.indirect.scatter.add.f32 [tilespmem:s23], [sflag:$0x3], $0x10, s8, s21, $0xb8;
	[tilespmem:$0x13500] =	vst v63  }
0x9f: {  	_ =	swait.ge [sflag:s15], $0x800  }
0xa0: {  	[sflag:s15] =	ssyncset.done $0x0  }
0xa1: {  	s9 =	simm.s32 $0x2900;
	[sflag:s15] =	ssyncadd.s32 $0xFFFFF800  }
0xa2: {  	[spmem:s1] =	stream.indirect.scatter.add.f32 [tilespmem:s26], [sflag:$0x3], $0x10, s9, s21, $0xb8;
	[tilespmem:$0x13500] =	vst v63  }
0xa3: {  	_ =	swait.ge [sflag:s15], $0x800  }
0xa4: {  	[sflag:s15] =	ssyncset.done $0x0  }
0xa5: {  	s16 =	simm.s32 $0x2980;
	[sflag:s15] =	ssyncadd.s32 $0xFFFFF800  }
0xa6: {  	[spmem:s1] =	stream.indirect.scatter.add.f32 [tilespmem:s29], [sflag:$0x3], $0x10, s16, s21, $0xb8;
	[tilespmem:$0x13500] =	vst v63  }
0xa7: {  	_ =	swait.ge [sflag:s15], $0x800  }
0xa8: {  	[sflag:s15] =	ssyncset.done $0x0  }
0xa9: {  	s7 =	simm.s32 $0x400;
	[sflag:s15] =	ssyncadd.s32 $0xFFFFF800  }
0xaa: {  	[tilespmem:s22], [sflag:$0x1] =	stream.indirect.gather [spmem:s2], $0x10, s7, s21, $0xb8;
	[tilespmem:$0x13500] =	vst v63  }
0xab: {  	s8 =	simm.s32 $0x480  }
0xac: {  	[tilespmem:s23], [sflag:$0x1] =	stream.indirect.gather [spmem:s2], $0x10, s8, s21, $0xb8;
	[tilespmem:$0x13500] =	vst v63  }
0xad: {  	s9 =	simm.s32 $0x500  }
0xae: {  	[tilespmem:s26], [sflag:$0x1] =	stream.indirect.gather [spmem:s2], $0x10, s9, s21, $0xb8;
	[tilespmem:$0x13500] =	vst v63  }
0xaf: {  	s16 =	simm.s32 $0x580  }
0xb0: {  	[tilespmem:s29], [sflag:$0x1] =	stream.indirect.gather [spmem:s2], $0x10, s16, s21, $0xb8;
	[tilespmem:$0x13500] =	vst v63  }
0xb1: {  	_ =	swait.ge [sflag:s20], $0x800  }
0xb2: {  	[sflag:s20] =	ssyncset.done $0x0  }
0xb3: {  	[sflag:s20] =	ssyncadd.s32 $0xFFFFF800  }
0xb4: {  	_ =	swait.ge [sflag:s20], $0x800  }
0xb5: {  	[sflag:s20] =	ssyncset.done $0x0  }
0xb6: {  	[sflag:s20] =	ssyncadd.s32 $0xFFFFF800  }
0xb7: {  	_ =	swait.ge [sflag:s20], $0x800  }
0xb8: {  	[sflag:s20] =	ssyncset.done $0x0  }
0xb9: {  	[sflag:s20] =	ssyncadd.s32 $0xFFFFF800  }
0xba: {  	_ =	swait.ge [sflag:s20], $0x800  }
0xbb: {  	[sflag:s20] =	ssyncset.done $0x0  }
0xbc: {  	s7 =	simm.s32 $0x2A00;
	[sflag:s20] =	ssyncadd.s32 $0xFFFFF800  }
0xbd: {  	[spmem:s1] =	stream.indirect.scatter.add.f32 [tilespmem:s30], [sflag:$0x3], $0x10, s7, s21, $0xb8;
	[tilespmem:$0x13500] =	vst v63  }
0xbe: {  	_ =	swait.ge [sflag:s15], $0x800  }
0xbf: {  	[sflag:s15] =	ssyncset.done $0x0  }
0xc0: {  	s8 =	simm.s32 $0x2A80;
	[sflag:s15] =	ssyncadd.s32 $0xFFFFF800  }
0xc1: {  	[spmem:s1] =	stream.indirect.scatter.add.f32 [tilespmem:s31], [sflag:$0x3], $0x10, s8, s21, $0xb8;
	[tilespmem:$0x13500] =	vst v63  }
0xc2: {  	_ =	swait.ge [sflag:s15], $0x800  }
0xc3: {  	[sflag:s15] =	ssyncset.done $0x0  }
0xc4: {  	s9 =	simm.s32 $0x2B00;
	[sflag:s15] =	ssyncadd.s32 $0xFFFFF800  }
0xc5: {  	[spmem:s1] =	stream.indirect.scatter.add.f32 [tilespmem:s0], [sflag:$0x3], $0x10, s9, s21, $0xb8;
	[tilespmem:$0x13500] =	vst v63  }
0xc6: {  	_ =	swait.ge [sflag:s15], $0x800  }
0xc7: {  	[sflag:s15] =	ssyncset.done $0x0  }
0xc8: {  	s16 =	simm.s32 $0x2B80;
	[sflag:s15] =	ssyncadd.s32 $0xFFFFF800  }
0xc9: {  	[spmem:s1] =	stream.indirect.scatter.add.f32 [tilespmem:s3], [sflag:$0x3], $0x10, s16, s21, $0xb8;
	[tilespmem:$0x13500] =	vst v63  }
0xca: {  	_ =	swait.ge [sflag:s15], $0x800  }
0xcb: {  	s6 =	simm.s32 $0x400;
	s8 =	simm.s32 $0x2000;
	[sflag:s15] =	ssyncset.done $0x0  }
.LBB2_6:
0xcc: {  	s9 =	sadd.s32 $0x200, s6  }
0xcd: {  	[sflag:s15] =	ssyncadd.s32 $0xFFFFF800;
	s16 =	smov.u32 s8;
	s7 =	sadd.s32 $0x1000, s8  }
0xce: {  	[tilespmem:s30], [sflag:$0x2] =	stream.indirect.gather [spmem:s2], $0x10, s9, s21, $0xb8;
	[tilespmem:$0x13500] =	vst v63  }
0xcf: {  	p0 =	sne.s32 s8, $0x8000;
	s8 =	sadd.s32 $0x280, s6  }
0xd0: {  	[tilespmem:s31], [sflag:$0x2] =	stream.indirect.gather [spmem:s2], $0x10, s8, s21, $0xb8;
	[tilespmem:$0x13500] =	vst v63  }
0xd1: {  	s8 =	sadd.s32 $0x300, s6  }
0xd2: {  	[tilespmem:s0], [sflag:$0x2] =	stream.indirect.gather [spmem:s2], $0x10, s8, s21, $0xb8;
	[tilespmem:$0x13500] =	vst v63  }
0xd3: {  	s8 =	sadd.s32 $0x380, s6  }
0xd4: {  	[tilespmem:s3], [sflag:$0x2] =	stream.indirect.gather [spmem:s2], $0x10, s8, s21, $0xb8;
	[tilespmem:$0x13500] =	vst v63  }
0xd5: {  	_ =	swait.ge [sflag:s19], $0x800  }
0xd6: {  	[sflag:s19] =	ssyncset.done $0x0  }
0xd7: {  	[sflag:s19] =	ssyncadd.s32 $0xFFFFF800  }
0xd8: {  	_ =	swait.ge [sflag:s19], $0x800  }
0xd9: {  	[sflag:s19] =	ssyncset.done $0x0  }
0xda: {  	[sflag:s19] =	ssyncadd.s32 $0xFFFFF800  }
0xdb: {  	_ =	swait.ge [sflag:s19], $0x800  }
0xdc: {  	[sflag:s19] =	ssyncset.done $0x0  }
0xdd: {  	[sflag:s19] =	ssyncadd.s32 $0xFFFFF800  }
0xde: {  	_ =	swait.ge [sflag:s19], $0x800  }
0xdf: {  	[sflag:s19] =	ssyncset.done $0x0  }
0xe0: {  	s8 =	sadd.s32 $0x2800, s6;
	[sflag:s19] =	ssyncadd.s32 $0xFFFFF800  }
0xe1: {  	[spmem:s1] =	stream.indirect.scatter.add.f32 [tilespmem:s22], [sflag:$0x3], $0x10, s8, s21, $0xb8;
	[tilespmem:$0x13500] =	vst v63  }
0xe2: {  	_ =	swait.ge [sflag:s15], $0x800  }
0xe3: {  	[sflag:s15] =	ssyncset.done $0x0  }
0xe4: {  	s8 =	sadd.s32 $0x2880, s6;
	[sflag:s15] =	ssyncadd.s32 $0xFFFFF800  }
0xe5: {  	[spmem:s1] =	stream.indirect.scatter.add.f32 [tilespmem:s23], [sflag:$0x3], $0x10, s8, s21, $0xb8;
	[tilespmem:$0x13500] =	vst v63  }
0xe6: {  	_ =	swait.ge [sflag:s15], $0x800  }
0xe7: {  	[sflag:s15] =	ssyncset.done $0x0  }
0xe8: {  	s8 =	sadd.s32 $0x2900, s6;
	[sflag:s15] =	ssyncadd.s32 $0xFFFFF800  }
0xe9: {  	[spmem:s1] =	stream.indirect.scatter.add.f32 [tilespmem:s26], [sflag:$0x3], $0x10, s8, s21, $0xb8;
	[tilespmem:$0x13500] =	vst v63  }
0xea: {  	_ =	swait.ge [sflag:s15], $0x800  }
0xeb: {  	[sflag:s15] =	ssyncset.done $0x0  }
0xec: {  	s8 =	sadd.s32 $0x2980, s6;
	[sflag:s15] =	ssyncadd.s32 $0xFFFFF800  }
0xed: {  	[spmem:s1] =	stream.indirect.scatter.add.f32 [tilespmem:s29], [sflag:$0x3], $0x10, s8, s21, $0xb8;
	[tilespmem:$0x13500] =	vst v63  }
0xee: {  	_ =	swait.ge [sflag:s15], $0x800  }
0xef: {  	[sflag:s15] =	ssyncset.done $0x0  }
0xf0: {  	s8 =	sadd.s32 $0x400, s6;
	[sflag:s15] =	ssyncadd.s32 $0xFFFFF800  }
0xf1: {  	[tilespmem:s22], [sflag:$0x1] =	stream.indirect.gather [spmem:s2], $0x10, s8, s21, $0xb8;
	[tilespmem:$0x13500] =	vst v63  }
0xf2: {  	s8 =	sadd.s32 $0x480, s6  }
0xf3: {  	[tilespmem:s23], [sflag:$0x1] =	stream.indirect.gather [spmem:s2], $0x10, s8, s21, $0xb8;
	[tilespmem:$0x13500] =	vst v63  }
0xf4: {  	s8 =	sadd.s32 $0x500, s6  }
0xf5: {  	[tilespmem:s26], [sflag:$0x1] =	stream.indirect.gather [spmem:s2], $0x10, s8, s21, $0xb8;
	[tilespmem:$0x13500] =	vst v63  }
0xf6: {  	s8 =	sadd.s32 $0x580, s6  }
0xf7: {  	[tilespmem:s29], [sflag:$0x1] =	stream.indirect.gather [spmem:s2], $0x10, s8, s21, $0xb8;
	[tilespmem:$0x13500] =	vst v63  }
0xf8: {  	_ =	swait.ge [sflag:s20], $0x800  }
0xf9: {  	[sflag:s20] =	ssyncset.done $0x0  }
0xfa: {  	[sflag:s20] =	ssyncadd.s32 $0xFFFFF800  }
0xfb: {  	_ =	swait.ge [sflag:s20], $0x800  }
0xfc: {  	[sflag:s20] =	ssyncset.done $0x0  }
0xfd: {  	[sflag:s20] =	ssyncadd.s32 $0xFFFFF800  }
0xfe: {  	_ =	swait.ge [sflag:s20], $0x800  }
0xff: {  	[sflag:s20] =	ssyncset.done $0x0  }
0x100: {  	[sflag:s20] =	ssyncadd.s32 $0xFFFFF800  }
0x101: {  	_ =	swait.ge [sflag:s20], $0x800  }
0x102: {  	[sflag:s20] =	ssyncset.done $0x0  }
0x103: {  	s8 =	sadd.s32 $0x2A00, s6;
	[sflag:s20] =	ssyncadd.s32 $0xFFFFF800  }
0x104: {  	[spmem:s1] =	stream.indirect.scatter.add.f32 [tilespmem:s30], [sflag:$0x3], $0x10, s8, s21, $0xb8;
	[tilespmem:$0x13500] =	vst v63  }
0x105: {  	_ =	swait.ge [sflag:s15], $0x800  }
0x106: {  	[sflag:s15] =	ssyncset.done $0x0  }
0x107: {  	s8 =	sadd.s32 $0x2A80, s6;
	[sflag:s15] =	ssyncadd.s32 $0xFFFFF800  }
0x108: {  	[spmem:s1] =	stream.indirect.scatter.add.f32 [tilespmem:s31], [sflag:$0x3], $0x10, s8, s21, $0xb8;
	[tilespmem:$0x13500] =	vst v63  }
0x109: {  	_ =	swait.ge [sflag:s15], $0x800  }
0x10a: {  	[sflag:s15] =	ssyncset.done $0x0  }
0x10b: {  	s8 =	sadd.s32 $0x2B00, s6;
	[sflag:s15] =	ssyncadd.s32 $0xFFFFF800  }
0x10c: {  	[spmem:s1] =	stream.indirect.scatter.add.f32 [tilespmem:s0], [sflag:$0x3], $0x10, s8, s21, $0xb8;
	[tilespmem:$0x13500] =	vst v63  }
0x10d: {  	_ =	swait.ge [sflag:s15], $0x800  }
.Ltmp2:
0x10e: {  	[sflag:s15] =	ssyncset.done $0x0;
	(pc) =	sbr.rel @p0 .LBB2_6-.Ltmp2, $4  }
0x10f: {  	s6 =	sadd.s32 $0x2B80, s6;
	[sflag:s15] =	ssyncadd.s32 $0xFFFFF800  }
0x110: {  	[spmem:s1] =	stream.indirect.scatter.add.f32 [tilespmem:s3], [sflag:$0x3], $0x10, s6, s21, $0xb8;
	[tilespmem:$0x13500] =	vst v63  }
0x111: {  	_ =	swait.ge [sflag:s15], $0x800  }
0x112: {  	s8 =	smov.u32 s7;
	s6 =	sshra.s32 s16, $0x2;
	[sflag:s15] =	ssyncset.done $0x0  }
0x113: {  	s7 =	sadd.s32 $0x200, s6;
	[sflag:s15] =	ssyncadd.s32 $0xFFFFF800  }
0x114: {  	[tilespmem:s30], [sflag:$0x2] =	stream.indirect.gather [spmem:s2], $0x10, s7, s21, $0xb8;
	[tilespmem:$0x13500] =	vst v63  }
0x115: {  	s8 =	sadd.s32 $0x280, s6  }
0x116: {  	[tilespmem:s31], [sflag:$0x2] =	stream.indirect.gather [spmem:s2], $0x10, s8, s21, $0xb8;
	[tilespmem:$0x13500] =	vst v63  }
0x117: {  	s9 =	sadd.s32 $0x300, s6  }
0x118: {  	[tilespmem:s0], [sflag:$0x2] =	stream.indirect.gather [spmem:s2], $0x10, s9, s21, $0xb8;
	[tilespmem:$0x13500] =	vst v63  }
0x119: {  	s16 =	sadd.s32 $0x380, s6  }
0x11a: {  	[tilespmem:s3], [sflag:$0x2] =	stream.indirect.gather [spmem:s2], $0x10, s16, s21, $0xb8;
	[tilespmem:$0x13500] =	vst v63  }
0x11b: {  	_ =	swait.ge [sflag:s19], $0x800  }
0x11c: {  	[sflag:s19] =	ssyncset.done $0x0  }
0x11d: {  	[sflag:s19] =	ssyncadd.s32 $0xFFFFF800  }
0x11e: {  	_ =	swait.ge [sflag:s19], $0x800  }
0x11f: {  	[sflag:s19] =	ssyncset.done $0x0  }
0x120: {  	[sflag:s19] =	ssyncadd.s32 $0xFFFFF800  }
0x121: {  	_ =	swait.ge [sflag:s19], $0x800  }
0x122: {  	[sflag:s19] =	ssyncset.done $0x0  }
0x123: {  	[sflag:s19] =	ssyncadd.s32 $0xFFFFF800  }
0x124: {  	_ =	swait.ge [sflag:s19], $0x800  }
0x125: {  	[sflag:s19] =	ssyncset.done $0x0  }
0x126: {  	s8 =	sadd.s32 $0x2800, s6;
	[sflag:s19] =	ssyncadd.s32 $0xFFFFF800  }
0x127: {  	[spmem:s1] =	stream.indirect.scatter.add.f32 [tilespmem:s22], [sflag:$0x3], $0x10, s8, s21, $0xb8;
	[tilespmem:$0x13500] =	vst v63  }
0x128: {  	_ =	swait.ge [sflag:s15], $0x800  }
0x129: {  	[sflag:s15] =	ssyncset.done $0x0  }
0x12a: {  	s9 =	sadd.s32 $0x2880, s6;
	[sflag:s15] =	ssyncadd.s32 $0xFFFFF800  }
0x12b: {  	[spmem:s1] =	stream.indirect.scatter.add.f32 [tilespmem:s23], [sflag:$0x3], $0x10, s9, s21, $0xb8;
	[tilespmem:$0x13500] =	vst v63  }
0x12c: {  	_ =	swait.ge [sflag:s15], $0x800  }
0x12d: {  	[sflag:s15] =	ssyncset.done $0x0  }
0x12e: {  	s16 =	sadd.s32 $0x2900, s6;
	[sflag:s15] =	ssyncadd.s32 $0xFFFFF800  }
0x12f: {  	[spmem:s1] =	stream.indirect.scatter.add.f32 [tilespmem:s26], [sflag:$0x3], $0x10, s16, s21, $0xb8;
	[tilespmem:$0x13500] =	vst v63  }
0x130: {  	_ =	swait.ge [sflag:s15], $0x800  }
0x131: {  	[sflag:s15] =	ssyncset.done $0x0  }
0x132: {  	s8 =	sadd.s32 $0x2980, s6;
	[sflag:s15] =	ssyncadd.s32 $0xFFFFF800  }
0x133: {  	[spmem:s1] =	stream.indirect.scatter.add.f32 [tilespmem:s29], [sflag:$0x3], $0x10, s8, s21, $0xb8;
	[tilespmem:$0x13500] =	vst v63  }
0x134: {  	_ =	swait.ge [sflag:s15], $0x800  }
0x135: {  	[sflag:s15] =	ssyncset.done $0x0  }
0x136: {  	s9 =	sadd.s32 $0x400, s6;
	[sflag:s15] =	ssyncadd.s32 $0xFFFFF800  }
0x137: {  	[tilespmem:s22], [sflag:$0x1] =	stream.indirect.gather [spmem:s2], $0x10, s9, s21, $0xb8;
	[tilespmem:$0x13500] =	vst v63  }
0x138: {  	s16 =	sadd.s32 $0x480, s6  }
0x139: {  	[tilespmem:s23], [sflag:$0x1] =	stream.indirect.gather [spmem:s2], $0x10, s16, s21, $0xb8;
	[tilespmem:$0x13500] =	vst v63  }
0x13a: {  	s8 =	sadd.s32 $0x500, s6  }
0x13b: {  	[tilespmem:s26], [sflag:$0x1] =	stream.indirect.gather [spmem:s2], $0x10, s8, s21, $0xb8;
	[tilespmem:$0x13500] =	vst v63  }
0x13c: {  	s9 =	sadd.s32 $0x580, s6  }
0x13d: {  	[tilespmem:s29], [sflag:$0x1] =	stream.indirect.gather [spmem:s2], $0x10, s9, s21, $0xb8;
	[tilespmem:$0x13500] =	vst v63  }
0x13e: {  	_ =	swait.ge [sflag:s20], $0x800  }
0x13f: {  	[sflag:s20] =	ssyncset.done $0x0  }
0x140: {  	[sflag:s20] =	ssyncadd.s32 $0xFFFFF800  }
0x141: {  	_ =	swait.ge [sflag:s20], $0x800  }
0x142: {  	[sflag:s20] =	ssyncset.done $0x0  }
0x143: {  	[sflag:s20] =	ssyncadd.s32 $0xFFFFF800  }
0x144: {  	_ =	swait.ge [sflag:s20], $0x800  }
0x145: {  	[sflag:s20] =	ssyncset.done $0x0  }
0x146: {  	[sflag:s20] =	ssyncadd.s32 $0xFFFFF800  }
0x147: {  	_ =	swait.ge [sflag:s20], $0x800  }
0x148: {  	[sflag:s20] =	ssyncset.done $0x0  }
0x149: {  	s16 =	sadd.s32 $0x2A00, s6;
	[sflag:s20] =	ssyncadd.s32 $0xFFFFF800  }
0x14a: {  	[spmem:s1] =	stream.indirect.scatter.add.f32 [tilespmem:s30], [sflag:$0x3], $0x10, s16, s21, $0xb8;
	[tilespmem:$0x13500] =	vst v63  }
0x14b: {  	_ =	swait.ge [sflag:s15], $0x800  }
0x14c: {  	[sflag:s15] =	ssyncset.done $0x0  }
0x14d: {  	s8 =	sadd.s32 $0x2A80, s6;
	[sflag:s15] =	ssyncadd.s32 $0xFFFFF800  }
0x14e: {  	[spmem:s1] =	stream.indirect.scatter.add.f32 [tilespmem:s31], [sflag:$0x3], $0x10, s8, s21, $0xb8;
	[tilespmem:$0x13500] =	vst v63  }
0x14f: {  	_ =	swait.ge [sflag:s15], $0x800  }
0x150: {  	[sflag:s15] =	ssyncset.done $0x0  }
0x151: {  	s9 =	sadd.s32 $0x2B00, s6;
	[sflag:s15] =	ssyncadd.s32 $0xFFFFF800  }
0x152: {  	[spmem:s1] =	stream.indirect.scatter.add.f32 [tilespmem:s0], [sflag:$0x3], $0x10, s9, s21, $0xb8;
	[tilespmem:$0x13500] =	vst v63  }
0x153: {  	_ =	swait.ge [sflag:s15], $0x800  }
0x154: {  	[sflag:s15] =	ssyncset.done $0x0  }
0x155: {  	s16 =	sadd.s32 $0x2B80, s6;
	[sflag:s15] =	ssyncadd.s32 $0xFFFFF800  }
0x156: {  	[spmem:s1] =	stream.indirect.scatter.add.f32 [tilespmem:s3], [sflag:$0x3], $0x10, s16, s21, $0xb8;
	[tilespmem:$0x13500] =	vst v63  }
0x157: {  	_ =	swait.ge [sflag:s15], $0x800  }
0x158: {  	[sflag:s15] =	ssyncset.done $0x0  }
0x159: {  	s7 =	simm.s32 $0x2600;
	[sflag:s15] =	ssyncadd.s32 $0xFFFFF800  }
0x15a: {  	[tilespmem:s30], [sflag:$0x2] =	stream.indirect.gather [spmem:s2], $0x10, s7, s21, $0xb8;
	[tilespmem:$0x13500] =	vst v63  }
0x15b: {  	s8 =	simm.s32 $0x2680  }
0x15c: {  	[tilespmem:s31], [sflag:$0x2] =	stream.indirect.gather [spmem:s2], $0x10, s8, s21, $0xb8;
	[tilespmem:$0x13500] =	vst v63  }
0x15d: {  	s9 =	simm.s32 $0x2700  }
0x15e: {  	[tilespmem:s0], [sflag:$0x2] =	stream.indirect.gather [spmem:s2], $0x10, s9, s21, $0xb8;
	[tilespmem:$0x13500] =	vst v63  }
0x15f: {  	s16 =	simm.s32 $0x2780  }
0x160: {  	[tilespmem:s3], [sflag:$0x2] =	stream.indirect.gather [spmem:s2], $0x10, s16, s21, $0xb8;
	[tilespmem:$0x13500] =	vst v63  }
0x161: {  	s16 =	simm.s32 $0x1  }
0x162: {  	_ =	swait.ge [sflag:s16], $0x800  }
0x163: {  	[sflag:s16] =	ssyncset.done $0x0  }
0x164: {  	[sflag:s16] =	ssyncadd.s32 $0xFFFFF800  }
0x165: {  	_ =	swait.ge [sflag:s16], $0x800  }
0x166: {  	[sflag:s16] =	ssyncset.done $0x0  }
0x167: {  	[sflag:s16] =	ssyncadd.s32 $0xFFFFF800  }
0x168: {  	_ =	swait.ge [sflag:s16], $0x800  }
0x169: {  	[sflag:s16] =	ssyncset.done $0x0  }
0x16a: {  	[sflag:s16] =	ssyncadd.s32 $0xFFFFF800  }
0x16b: {  	_ =	swait.ge [sflag:s16], $0x800  }
0x16c: {  	[sflag:s16] =	ssyncset.done $0x0  }
0x16d: {  	s7 =	simm.s32 $0x4C00;
	[sflag:s16] =	ssyncadd.s32 $0xFFFFF800  }
0x16e: {  	[spmem:s1] =	stream.indirect.scatter.add.f32 [tilespmem:s22], [sflag:$0x3], $0x10, s7, s21, $0xb8;
	[tilespmem:$0x13500] =	vst v63  }
0x16f: {  	_ =	swait.ge [sflag:s15], $0x800  }
0x170: {  	[sflag:s15] =	ssyncset.done $0x0  }
0x171: {  	s8 =	simm.s32 $0x4C80;
	[sflag:s15] =	ssyncadd.s32 $0xFFFFF800  }
0x172: {  	[spmem:s1] =	stream.indirect.scatter.add.f32 [tilespmem:s23], [sflag:$0x3], $0x10, s8, s21, $0xb8;
	[tilespmem:$0x13500] =	vst v63  }
0x173: {  	_ =	swait.ge [sflag:s15], $0x800  }
0x174: {  	[sflag:s15] =	ssyncset.done $0x0  }
0x175: {  	s9 =	simm.s32 $0x4D00;
	[sflag:s15] =	ssyncadd.s32 $0xFFFFF800  }
0x176: {  	[spmem:s1] =	stream.indirect.scatter.add.f32 [tilespmem:s26], [sflag:$0x3], $0x10, s9, s21, $0xb8;
	[tilespmem:$0x13500] =	vst v63  }
0x177: {  	_ =	swait.ge [sflag:s15], $0x800  }
0x178: {  	[sflag:s15] =	ssyncset.done $0x0  }
0x179: {  	s7 =	simm.s32 $0x4D80;
	[sflag:s15] =	ssyncadd.s32 $0xFFFFF800  }
0x17a: {  	[spmem:s1] =	stream.indirect.scatter.add.f32 [tilespmem:s29], [sflag:$0x3], $0x10, s7, s21, $0xb8;
	[tilespmem:$0x13500] =	vst v63  }
0x17b: {  	_ =	swait.ge [sflag:s15], $0x800  }
0x17c: {  	[sflag:s15] =	ssyncset.done $0x0  }
0x17d: {  	[sflag:s15] =	ssyncadd.s32 $0xFFFFF800  }
0x17e: {  	_ =	swait.ge [sflag:s20], $0x800  }
0x17f: {  	[sflag:s20] =	ssyncset.done $0x0  }
0x180: {  	[sflag:s20] =	ssyncadd.s32 $0xFFFFF800  }
0x181: {  	_ =	swait.ge [sflag:s20], $0x800  }
0x182: {  	[sflag:s20] =	ssyncset.done $0x0  }
0x183: {  	[sflag:s20] =	ssyncadd.s32 $0xFFFFF800  }
0x184: {  	_ =	swait.ge [sflag:s20], $0x800  }
0x185: {  	[sflag:s20] =	ssyncset.done $0x0  }
0x186: {  	[sflag:s20] =	ssyncadd.s32 $0xFFFFF800  }
0x187: {  	_ =	swait.ge [sflag:s20], $0x800  }
0x188: {  	[sflag:s20] =	ssyncset.done $0x0  }
0x189: {  	s8 =	simm.s32 $0x4E00;
	[sflag:s20] =	ssyncadd.s32 $0xFFFFF800  }
0x18a: {  	[spmem:s1] =	stream.indirect.scatter.add.f32 [tilespmem:s30], [sflag:$0x3], $0x10, s8, s21, $0xb8;
	[tilespmem:$0x13500] =	vst v63  }
0x18b: {  	_ =	swait.ge [sflag:s15], $0x800  }
0x18c: {  	[sflag:s15] =	ssyncset.done $0x0  }
0x18d: {  	s9 =	simm.s32 $0x4E80;
	[sflag:s15] =	ssyncadd.s32 $0xFFFFF800  }
0x18e: {  	[spmem:s1] =	stream.indirect.scatter.add.f32 [tilespmem:s31], [sflag:$0x3], $0x10, s9, s21, $0xb8;
	[tilespmem:$0x13500] =	vst v63  }
0x18f: {  	_ =	swait.ge [sflag:s15], $0x800  }
0x190: {  	[sflag:s15] =	ssyncset.done $0x0  }
0x191: {  	s7 =	simm.s32 $0x4F00;
	[sflag:s15] =	ssyncadd.s32 $0xFFFFF800  }
0x192: {  	[spmem:s1] =	stream.indirect.scatter.add.f32 [tilespmem:s0], [sflag:$0x3], $0x10, s7, s21, $0xb8;
	[tilespmem:$0x13500] =	vst v63  }
0x193: {  	_ =	swait.ge [sflag:s15], $0x800  }
0x194: {  	[sflag:s15] =	ssyncset.done $0x0  }
0x195: {  	s8 =	simm.s32 $0x4F80;
	[sflag:s15] =	ssyncadd.s32 $0xFFFFF800  }
0x196: {  	[spmem:s1] =	stream.indirect.scatter.add.f32 [tilespmem:s3], [sflag:$0x3], $0x10, s8, s21, $0xb8;
	[tilespmem:$0x13500] =	vst v63  }
0x197: {  	_ =	swait.ge [sflag:s15], $0x800  }
0x198: {  	[sflag:s15] =	ssyncset.done $0x0  }
0x199: {  	[sflag:s15] =	ssyncadd.s32 $0xFFFFF800  }
0x19a: {  	s9 =	simm.s32 $0x0;
	[bflag:$0x0] =	sbarrier.arrive $0xFFFF  }
0x19b: {  	v1 =	vmov s9;
	[tilespmem:s25], [sflag:$0x3] =	stream.linear.gather [spmem:s5], $0x2800, $0x38;
	[tilespmem:$0x13500] =	vst v63  }
0x19c: {  	v1 =	vand.u32 $0xFFFFFFFE, v1;
	_ =	swait.ge [sflag:s15], $0x2800  }
0x19d: {  	v1 =	vbroadcast v1, $0x0;
	[sflag:s15] =	ssyncset.done $0x0  }
0x19e: {  	s7 =	simm.s32 $0x9010;
	[sflag:s15] =	ssyncadd.s32 $0xFFFFD800  }
0x19f: {  	v2 =	vld [tilespmem:s7+$0xFFFFFFF0]  }
0x1a0: {  	s6 =	simm.s32 $0xB810  }
0x1a1: {  	v3 =	vld [tilespmem:s6+$0xFFFFFFF0];
	_ =	sdelay $0x1  }
0x1a2: {  	v1 =	vld.idx.msk [tilespmem:v1+s17+$0x0], $0xffff  }
0x1a3: {  	v2 =	vmul.f32 v2, v0;
	_ =	sdelay $0x1  }
0x1a4: {  	v2 =	vadd.f32 v2, v3;
	_ =	sdelay $0x1  }
0x1a5: {  	v1 =	vmul.f32 v2, v1;
	v2 =	vmov s16;
	_ =	sdelay $0x2  }
0x1a6: {  	[tilespmem:s6+$0xFFFFFFF0] =	vst v1  }
0x1a7: {  	v3 =	vld [tilespmem:s7+$0x0]  }
0x1a8: {  	v1 =	vld.idx.msk [tilespmem:v2+s17+$0x0], $0xffff  }
0x1a9: {  	v2 =	vld [tilespmem:s6+$0x0];
	_ =	sdelay $0x1  }
0x1aa: {  	s8 =	simm.s32 $0x2  }
0x1ab: {  	v4 =	vmov s8;
	v3 =	vmul.f32 v3, v0  }
0x1ac: {  	s8 =	simm.s32 $0x5;
	v4 =	vand.u32 $0xFFFFFFFE, v4;
	s16 =	simm.s32 $0x3  }
.LBB2_8:
0x1ad: {  	p0 =	sne.s32 s8, $0x27F;
	v4 =	vbroadcast v4, $0x0;
	v2 =	vadd.f32 v3, v2;
	_ =	sdelay $0x1  }
0x1ae: {  	v1 =	vmul.f32 v2, v1;
	_ =	sdelay $0x1  }
0x1af: {  	s7 =	sadd.s32 $0x20, s7;
	[tilespmem:s6+$0x0] =	vst v1  }
0x1b0: {  	v1 =	vld [tilespmem:s7+$0xFFFFFFF0]  }
0x1b1: {  	s6 =	sadd.s32 $0x20, s6;
	v2 =	vld.idx.msk [tilespmem:v4+s17+$0x0], $0xffff  }
0x1b2: {  	v3 =	vld [tilespmem:s6+$0xFFFFFFF0];
	_ =	sdelay $0x2  }
0x1b3: {  	v1 =	vmul.f32 v1, v0;
	_ =	sdelay $0x1  }
0x1b4: {  	v1 =	vadd.f32 v1, v3  }
0x1b5: {  	v3 =	vmov s16;
	s16 =	smov.u32 s8  }
0x1b6: {  	v1 =	vmul.f32 v1, v2;
	_ =	sdelay $0x1  }
0x1b7: {  	[tilespmem:s6+$0xFFFFFFF0] =	vst v1  }
0x1b8: {  	v4 =	vld [tilespmem:s7+$0x0]  }
0x1b9: {  	v1 =	vld.idx.msk [tilespmem:v3+s17+$0x0], $0xffff  }
.Ltmp3:
0x1ba: {  	v2 =	vld [tilespmem:s6+$0x0];
	(pc) =	sbr.rel @p0 .LBB2_8-.Ltmp3, $4  }
0x1bb: {  	_ = 	snop  }
0x1bc: {  	s9 =	sadd.s32 $0xFFFFFFFF, s8  }
0x1bd: {  	v5 =	vmov s9;
	v3 =	vmul.f32 v4, v0  }
0x1be: {  	s8 =	sadd.s32 $0x2, s8;
	v4 =	vand.u32 $0xFFFFFFFE, v5  }
0x1bf: {  	v2 =	vadd.f32 v3, v2;
	_ =	sdelay $0x1  }
0x1c0: {  	v1 =	vmul.f32 v2, v1  }
0x1c1: {  	v2 =	vbroadcast v4, $0x0  }
0x1c2: {  	s7 =	sadd.s32 $0x20, s7;
	[tilespmem:s6+$0x0] =	vst v1  }
0x1c3: {  	v1 =	vld [tilespmem:s7+$0xFFFFFFF0]  }
0x1c4: {  	s9 =	sadd.s32 $0x20, s6  }
0x1c5: {  	v3 =	vld [tilespmem:s9+$0xFFFFFFF0];
	_ =	sdelay $0x1  }
0x1c6: {  	v2 =	vld.idx.msk [tilespmem:v2+s17+$0x0], $0xffff  }
0x1c7: {  	v1 =	vmul.f32 v1, v0;
	_ =	sdelay $0x1  }
0x1c8: {  	v1 =	vadd.f32 v1, v3;
	_ =	sdelay $0x1  }
0x1c9: {  	v1 =	vmul.f32 v1, v2;
	_ =	sdelay $0x1  }
0x1ca: {  	v2 =	vmov s16;
	[tilespmem:s9+$0xFFFFFFF0] =	vst v1  }
0x1cb: {  	v1 =	vld [tilespmem:s7+$0x0];
	_ =	sdelay $0x1  }
0x1cc: {  	v3 =	vld [tilespmem:s9+$0x0];
	_ =	sdelay $0x1  }
0x1cd: {  	v2 =	vld.idx.msk [tilespmem:v2+s17+$0x0], $0xffff  }
0x1ce: {  	v1 =	vmul.f32 v1, v0;
	_ =	sdelay $0x1  }
0x1cf: {  	v1 =	vadd.f32 v1, v3;
	_ =	sdelay $0x1  }
0x1d0: {  	s28 =	sadd.s32 $0x1, s28;
	v1 =	vmul.f32 v1, v2  }
0x1d1: {  	p0 =	sne.s32 s28, s13  }
.Ltmp4:
0x1d2: {  	[tilespmem:s9+$0x0] =	vst v1;
	(pc) =	sbr.rel @p0 .LBB2_1-.Ltmp4, $4  }
0x1d3: {  	[hbm4b:s24+s4] =	stream.linear.scatter [tilespmem:s25], [sflag:$0x3], $0x2800, $0x38;
	[tilespmem:$0x13500] =	vst v63  }
0x1d4: {  	_ =	swait.ge [sflag:s15], $0x2800  }
0x1d5: {  	[sflag:s15] =	ssyncset.done $0x0  }
0x1d6: {  	s9 =	simm.s32 $0x9000;
	[sflag:s15] =	ssyncadd.s32 $0xFFFFD800  }
0x1d7: {  	_ =	sfence.sel $0x180000  }
0x1d8: {  	[bflag:$0x0] =	sbarrier.arrive $0xFFFF  }
0x1d9: {  	_ =	strace $0x9000004A  }
0x1da: {  	s0 =	stileid.u32;
	[bflag:$0x2] =	sbarrier.arrive $0xFFFF  }
0x1db: {  	p0 =	sne.s32 s0, $0x0;
	s0 =	rddreg [dreg:$0x4]  }
0x1dc: {  	s0 =	sadd.s32 @!p0 $0x100000, s0  }
0x1dd: {  	[sflag:s0] =	ssyncadd.tile.s32 @!p0 $0x1;
	_ =	shalt  }
.Lfunc_end2:
_tile_overlayer_lowered:
.L_overlay_start_2:
0x1de: {  	(tag) =	ssettag $0x2  }
0x1df: {  	s0 =	rddreg [dreg:$0x0];
	s2 =	stileid.u32  }
0x1e0: {  	s1 =	rddreg [dreg:$0x1];
	p0 =	sne.s32 s2, $0x0  }
0x1e1: {  	s3 =	rddreg [dreg:$0x2];
	[bflag:$0x3] =	sbarrier.arrive $0xFFFF;
	s2 =	simm.s32 @!p0 $0x1C03  }
0x1e2: {  	[timem:s3], [sflag:s2] =	dma.local @!p0 [hbm:s0], s1  }
0x1e3: {  	s0 =	simm.s32 @!p0 $0x3  }
0x1e4: {  	_ =	swait.ge @!p0 [sflag:s0], s1  }
0x1e5: {  	s1 =	ssub.s32 @!p0 $0x0, s1;
	[sflag:s0] =	ssyncset.done @!p0 $0x0  }
0x1e6: {  	[sflag:s0] =	ssyncadd.s32 @!p0 s1  }
0x1e7: {  	[bflag:$0x3] =	sbarrier.arrive $0xFFFF  }
0x1e8: {  	_ =	shalt  }

// kernel: kernel.14.cloned.1.call-start
scs
__scs_entry_jumppad:
0x0: {  	(pc) =	sbr.rel $0x88, $3  }
0x1: {  	(tag) =	ssettag $0x0;
	lr =	simm.s32 $0x1  }
0x2: {  	[smem:$0x3F9B] =	sst lr;
	_ =	strace $0xD0000000  }
0x3: {  	_ = 	snop  }
0x4: {  	_ = 	snop  }
0x5: {  	_ = 	snop  }
0x6: {  	_ = 	snop  }
0x7: {  	_ = 	snop  }
__scs_overlays_trampoline_lowered:
0x8: {  	[smem:$0x3FAA] =	sst s0  }
0x9: {  	[smem:$0x3FAB] =	sst s1  }
0xa: {  	[smem:$0x3FAC] =	sst s2  }
0xb: {  	[smem:$0x3FAD] =	sst s3  }
0xc: {  	[smem:$0x3FAE] =	sst s4  }
0xd: {  	[smem:$0x3FAF] =	sst s5  }
0xe: {  	[smem:$0x3FB0] =	sst s6  }
0xf: {  	[smem:$0x3FB1] =	sst s7  }
0x10: {  	[smem:$0x3FB2] =	sst s8  }
0x11: {  	[smem:$0x3FB3] =	sst s9;
	s0 =	simm.s32 @!p0 $0x0  }
0x12: {  	s1 =	sld [smem:$0x3F99];
	s0 =	simm.s32 @p0 $0x1  }
0x13: {  	[smem:$0x3FB4] =	sst s0;
	s0 =	simm.s32 @!p1 $0x0  }
0x14: {  	s2 =	sld [smem:$0x3F98];
	s0 =	simm.s32 @p1 $0x1  }
0x15: {  	[smem:$0x3FB5] =	sst s0;
	s0 =	simm.s32 @!p2 $0x0  }
0x16: {  	s3 =	sld [smem:$0x3FDB];
	s0 =	simm.s32 @p2 $0x1  }
0x17: {  	s4 =	simm.s32 $0x1BF5;
	[smem:$0x3FB7] =	sst s0  }
0x18: {  	s0 =	sld [smem:$0x3F9A];
	_ =	swait.ge [sflag:s4], $0x0  }
0x19: {  	s7 =	sld [smem:$0x3F9B]  }
0x1a: {  	s8 =	sadd.s32 $0xFFFFE003, lr  }
0x1b: {  	s9 =	sadd.s32 $0xFFFFFEF7, lr;
	s5 =	simm.s32 $0xFFFFFFFF;
	p2 =	slt.u32 s8, $0xFFFFF086  }
0x1c: {  	p1 =	slt.u32 s9, $0xF7A;
	s5 =	simm.s32 @!p2 $0x0  }
0x1d: {  	s5 =	simm.s32 @p1 $0x1;
	p0 =	seq.s32 s7, s2  }
0x1e: {  	s7 =	smul.u32 @!p0 $0xF7A, s2;
	p2 =	seq.s32 @!p0 s5, $0x0  }
0x1f: {  	s9 =	smul.u32 $0xF7A, s1;
	s8 =	simm.s32 @!p0 $0x1BF5;
	p2 =	por !p2, p0  }
0x20: {  	[sflag:s8] =	ssyncset.s32 @!p0 $0xFFFFF086;
	s6 =	sadd.s32 @!p0 s3, s7;
	s7 =	simm.s32 @!p0 $0x108  }
0x21: {  	s3 =	sadd.s32 s3, s9;
	s6 =	sadd.s32 @!p0 $0x88, s6;
	s7 =	simm.s32 @p2 $0x1082  }
0x22: {  	[simem:s7], [sflag:s8] =	dma.local @!p0 [hbm:s6], $0xF7A  }
0x23: {  	s9 =	sor.u32 $0xD0000000, s2;
	s6 =	simm.s32 $0x108;
	_ =	swait.ge @!p0 [sflag:s8], $0x0  }
0x24: {  	s3 =	sadd.s32 $0x88, s3;
	s6 =	simm.s32 @!p1 $0x1082;
	[sflag:s4] =	ssyncset.s32 $0xFFFFF086  }
0x25: {  	[simem:s6], [sflag:s4] =	dma.local [hbm:s3], $0xF7A  }
0x26: {  	[smem:$0x3F9B] =	sst s1;
	(tag) =	ssettag s2;
	_ =	strace s9  }
0x27: {  	s1 =	sld [smem:$0x3FAB]  }
0x28: {  	s2 =	sld [smem:$0x3FAC]  }
0x29: {  	s4 =	sld [smem:$0x3FAE]  }
0x2a: {  	p0 =	seq.s32 s5, $0x0;
	s5 =	sld [smem:$0x3FAF]  }
0x2b: {  	s6 =	sld [smem:$0x3FB0]  }
0x2c: {  	s7 =	sld [smem:$0x3FB1]  }
0x2d: {  	s3 =	simm.s32 $0x108;
	s8 =	sld [smem:$0x3FB2]  }
0x2e: {  	s3 =	simm.s32 @!p0 $0x1082;
	s9 =	sld [smem:$0x3FB3]  }
0x2f: {  	lr =	sadd.s32 s0, s3;
	s0 =	sld [smem:$0x3FAA]  }
0x30: {  	s3 =	sld [smem:$0x3FAD]  }
0x31: {  	[smem:$0x3FB6] =	sst s10  }
0x32: {  	s10 =	sld [smem:$0x3FB4];
	_ =	sdelay $0x3  }
0x33: {  	p0 =	seq.s32 s10, $0x1;
	s10 =	sld [smem:$0x3FB6];
	_ =	sdelay $0x3  }
0x34: {  	[smem:$0x3FB6] =	sst s10  }
0x35: {  	s10 =	sld [smem:$0x3FB5];
	_ =	sdelay $0x3  }
0x36: {  	p1 =	seq.s32 s10, $0x1;
	s10 =	sld [smem:$0x3FB6];
	_ =	sdelay $0x3  }
0x37: {  	[smem:$0x3FB6] =	sst s10  }
0x38: {  	s10 =	sld [smem:$0x3FB7]  }
0x39: {  	_ = 	snop;
	(pc) =	sbr.ind lr, $3  }
0x3a: {  	_ = 	snop  }
0x3b: {  	_ = 	snop  }
0x3c: {  	p2 =	seq.s32 s10, $0x1;
	s10 =	sld [smem:$0x3FB6]  }
0x3d: {  	_ =	shalt  }
0x3e: {  	_ =	shalt  }
0x3f: {  	_ =	shalt  }
0x40: {  	_ =	shalt  }
0x41: {  	_ =	shalt  }
0x42: {  	_ =	shalt  }
0x43: {  	_ =	shalt  }
0x44: {  	_ =	shalt  }
0x45: {  	_ =	shalt  }
0x46: {  	_ =	shalt  }
0x47: {  	_ =	shalt  }
0x48: {  	_ =	shalt  }
0x49: {  	_ =	shalt  }
0x4a: {  	_ =	shalt  }
0x4b: {  	_ =	shalt  }
0x4c: {  	_ =	shalt  }
0x4d: {  	_ =	shalt  }
0x4e: {  	_ =	shalt  }
0x4f: {  	_ =	shalt  }
0x50: {  	_ =	shalt  }
0x51: {  	_ =	shalt  }
0x52: {  	_ =	shalt  }
0x53: {  	_ =	shalt  }
0x54: {  	_ =	shalt  }
0x55: {  	_ =	shalt  }
0x56: {  	_ =	shalt  }
0x57: {  	_ =	shalt  }
0x58: {  	_ =	shalt  }
0x59: {  	_ =	shalt  }
0x5a: {  	_ =	shalt  }
0x5b: {  	_ =	shalt  }
0x5c: {  	_ =	shalt  }
0x5d: {  	_ =	shalt  }
0x5e: {  	_ =	shalt  }
0x5f: {  	_ =	shalt  }
0x60: {  	_ =	shalt  }
0x61: {  	_ =	shalt  }
0x62: {  	_ =	shalt  }
0x63: {  	_ =	shalt  }
0x64: {  	_ =	shalt  }
0x65: {  	_ =	shalt  }
0x66: {  	_ =	shalt  }
0x67: {  	_ =	shalt  }
0x68: {  	_ =	shalt  }
0x69: {  	_ =	shalt  }
0x6a: {  	_ =	shalt  }
0x6b: {  	_ =	shalt  }
0x6c: {  	_ =	shalt  }
0x6d: {  	_ =	shalt  }
0x6e: {  	_ =	shalt  }
0x6f: {  	_ =	shalt  }
0x70: {  	_ =	shalt  }
0x71: {  	_ =	shalt  }
0x72: {  	_ =	shalt  }
0x73: {  	_ =	shalt  }
0x74: {  	_ =	shalt  }
0x75: {  	_ =	shalt  }
0x76: {  	_ =	shalt  }
0x77: {  	_ =	shalt  }
0x78: {  	_ =	shalt  }
0x79: {  	_ =	shalt  }
0x7a: {  	_ =	shalt  }
0x7b: {  	_ =	shalt  }
0x7c: {  	_ =	shalt  }
0x7d: {  	_ =	shalt  }
0x7e: {  	_ =	shalt  }
0x7f: {  	_ =	shalt  }
0x80: {  	_ =	shalt  }
0x81: {  	_ =	shalt  }
0x82: {  	_ =	shalt  }
0x83: {  	_ =	shalt  }
0x84: {  	_ =	shalt  }
0x85: {  	_ =	shalt  }
0x86: {  	_ =	shalt  }
0x87: {  	_ =	shalt  }
.Lfunc_end0:
.L_simem_size_0:
called_computation.2_lowered:
.L_overlay_start_0:
0x88: {  	s2 =	sld [smem:$0x3FD9]  }
0x89: {  	s3 =	sld [smem:$0x3FFE];
	_ =	sdelay $0x1  }
0x8a: {  	s1 =	srdreg.scid  }
0x8b: {  	s0 =	sand.u32 $0x1, s1  }
0x8c: {  	s17 =	sshll.u32 s0, $0xA;
	s2 =	sadd.s32 s3, s2  }
0x8d: {  	s2 =	sadd.s32 s2, s17  }
0x8e: {  	[smem:$0x3FC2] =	sst s2  }
0x8f: {  	_ = 	snop  }
0x90: {  	s2 =	sld [smem:$0x3FD0];
	(tm) =	ssettm $0x1  }
0x91: {  	s18 =	sld [smem:$0x3FFB];
	_ =	sdelay $0x3  }
0x92: {  	_ =	strace s18  }
0x93: {  	s3 =	sld [smem:$0x3FFC];
	_ =	sdelay $0x3  }
0x94: {  	_ =	strace s3  }
0x95: {  	s3 =	sld [smem:$0x3FFD];
	_ =	sdelay $0x3  }
0x96: {  	_ =	strace s3  }
0x97: {  	_ =	strace $0x8FFFFFFF  }
0x98: {  	s19 =	sld [smem:$0x3FDB];
	_ =	sdelay $0x1  }
0x99: {  	s4 =	simm.s32 $_scs_section_size  }
0x9a: {  	s5 =	simm.s32 $_size__tile_overlayer_lowered;
	s6 =	simm.s32 $_tile_overlayer_lowered  }
0x9b: {  	s22 =	simm.s32 $0x1BFF;
	s21 =	sshll.u32 s6, $0x1;
	s3 =	sadd.s32 s4, s19  }
0x9c: {  	s7 =	simm.s32 $0x0;
	s20 =	sshll.u32 s5, $0x1;
	s5 =	sadd.s32 s21, s3  }
0x9d: {  	[timem:s7], [sflag:s22] =	dma.local [hbm:s5], s20  }
0x9e: {  	_ =	swait.ge [sflag:s22], s20  }
0x9f: {  	s4 =	ssub.s32 $0x0, s20;
	[sflag:s22] =	ssyncset.done $0x0  }
0xa0: {  	[sflag:s22] =	ssyncadd.s32 s4;
	_ =	sdelay $0x1  }
0xa1: {  	s23 =	simm.s32 $0x1B8B  }
0xa2: {  	_ =	swait.ge [sflag:s23], $0x1  }
0xa3: {  	[sflag:s23] =	ssyncset.done $0x0  }
0xa4: {  	s25 =	simm.s32 $0x1B8E;
	s24 =	sld [smem:$0x3FFE];
	[sflag:s23] =	ssyncadd.s32 $0xFFFFFFFF  }
0xa5: {  	s26 =	simm.s32 $execute0_lowered;
	[smem:$0x3FD2] =	sst s25  }
0xa6: {  	s5 =	sshll.u32 s26, $0x1;
	_ =	strace $0x8000004C;
	[dreg:$0x1] =	wrdreg $0xFFFFFFFF  }
0xa7: {  	s28 =	simm.s32 $_size_execute0_lowered;
	s3 =	sadd.s32 s3, s5;
	[dreg:$0x0] =	wrdreg $0x0  }
0xa8: {  	s5 =	sshll.u32 s28, $0x1;
	[dreg:$0x2] =	wrdreg s3  }
0xa9: {  	[dreg:$0x3] =	wrdreg s5  }
0xaa: {  	[dreg:$0x4] =	wrdreg $0xC0  }
0xab: {  	_ =	task [dreg:s7], $0x5FFFF  }
0xac: {  	[dreg:$0x1] =	wrdreg $0xFFFFFFFF  }
0xad: {  	[dreg:$0x0] =	wrdreg $0x60  }
0xae: {  	[dreg:$0x2] =	wrdreg s24  }
0xaf: {  	[dreg:$0x3] =	wrdreg s2  }
0xb0: {  	[dreg:$0x4] =	wrdreg $0xE5000  }
0xb1: {  	[dreg:$0x5] =	wrdreg $0x10D000  }
0xb2: {  	[dreg:$0x6] =	wrdreg $0x9  }
0xb3: {  	_ =	task.clear_ibuf [dreg:s7], $0x7FFFF;
	_ =	strace $0x9000004C  }
0xb4: {  	s29 =	simm.s32 $0x9;
	_ =	strace $0x8000004E  }
0xb5: {  	_ =	swait.ge [sflag:s29], $0x1  }
0xb6: {  	[sflag:s29] =	ssyncadd.s32 $0xFFFFFFFF  }
0xb7: {  	_ =	strace $0x9000004E  }
0xb8: {  	_ =	sfence  }
0xb9: {  	s30 =	sld [smem:$0x0];
	_ =	sdelay $0x2  }
0xba: {  	s31 =	sshll.u32 s1, $0xD;
	s1 =	sshrl.u32 s1, $0x2  }
0xbb: {  	s3 =	sand.u32 $0x4000, s31;
	s1 =	sadd.s32 s1, s30  }
0xbc: {  	s0 =	sor.u32 s3, s0;
	s1 =	sshll.u32 s1, $0x11  }
0xbd: {  	s0 =	sor.u32 s1, s0  }
0xbe: {  	s0 =	sadd.s32 $0x8F2B, s0  }
0xbf: {  	[sflag:s0] =	ssyncadd.remote.s32 $0x1  }
0xc0: {  	_ =	sfence.sel $0xFFFF  }
0xc1: {  	[dreg:$0x0] =	wrdreg $0xFFFFFFFF;
	(pc) =	sbr.abs _section_cstart, $3  }
0xc2: {  	[dreg:$0x1] =	wrdreg $0xFFFFFFFF  }
0xc3: {  	_ =	task.clear_ibuf [dreg:s7], $0x2FFFF;
	_ =	strace $0x9FFFFFFF  }
0xc4: {  	(tm) =	ssettm $0x7FFFFFFF  }
0xc5: {  	_ =	shalt  }
tec
execute0_lowered:
.L_overlay_start_1:
0x0: {  	(tag) =	ssettag $0x1  }
0x1: {  	s0 =	rddreg [dreg:$0x0]  }
0x2: {  	s3 =	rddreg [dreg:$0x1]  }
0x3: {  	s1 =	rddreg [dreg:$0x2]  }
0x4: {  	s2 =	rddreg [dreg:$0x3];
	s4 =	srdreg.scid  }
0x5: {  	s14 =	stileid.u32;
	s15 =	simm.s32 $0x3;
	s17 =	simm.s32 $0xE000  }
0x6: {  	s21 =	simm.s32 $0x80;
	s29 =	simm.s32 $0x6800;
	s30 =	simm.s32 $0x7000  }
0x7: {  	s31 =	simm.s32 $0x7800;
	s19 =	simm.s32 $0x1;
	s20 =	simm.s32 $0x2  }
0x8: {  	s28 =	simm.s32 $0x0;
	s6 =	sand.u32 $0x1, s4;
	s7 =	smul.u32 $0x2800, s14  }
0x9: {  	s4 =	simm.s32 $0x0;
	s16 =	smul.u32 $0x50, s14;
	s24 =	sshll.u32 s14, $0x6  }
0xa: {  	s5 =	sshll.u32 s6, $0x4;
	[smem:$0x7FF] =	sst s4;
	s9 =	smul.u32 $0x5000, s6  }
0xb: {  	s10 =	ssub.s32 $0x2, s6;
	p0 =	seq.s32 s6, $0x0;
	s5 =	sor.u32 s14, s5  }
0xc: {  	_ =	strace $0x8000004D;
	s8 =	sshrl.u32 s7, $0x3;
	s22 =	sshrl.u32 s10, $0x1  }
0xd: {  	s26 =	sadd.s32 s3, s16;
	s3 =	sadd.s32 $0x500, s3;
	s5 =	smul.u32 $0x500, s5  }
0xe: {  	s11 =	sadd.s32 s8, s0;
	s13 =	ssub.s32 s10, s22;
	[dreg:$0x8] =	wrdreg s26  }
0xf: {  	s18 =	sadd.s32 s16, s3;
	s22 =	simm.s32 $0x5000;
	s26 =	simm.s32 $0x6000  }
0x10: {  	s3 =	simm.s32 $0x8800;
	s23 =	sadd.s32 $0x2800, s11;
	s25 =	sadd.s32 $0x7800, s11  }
0x11: {  	s13 =	smax.u32 s13, $0x1;
	s12 =	sadd.s32 s5, s0;
	s0 =	sadd.s32 s9, s0  }
0x12: {  	s5 =	sadd.s32 s7, s1;
	[dreg:$0x5] =	wrdreg s23;
	s9 =	sor.u32 $0x1C03, s24  }
0x13: {  	[dreg:$0x7] =	wrdreg s25;
	s23 =	simm.s32 $0x5800;
	s25 =	simm.s32 $0xB800  }
0x14: {  	[dreg:$0x6] =	wrdreg s9;
	s10 =	sadd.s32 $0x25200, s12;
	s11 =	sadd.s32 $0x1B200, s12  }
0x15: {  	v0 =	vimm.f32 $1.000000000e+00;
	s12 =	sadd.s32 s7, s2;
	s0 =	sadd.s32 $0xC800, s0;
	s14 =	sshrl.u32 s5, $0x3  }
0x16: {  	v0 =	vpsel !p0, $0x0, v0;
	s9 =	simm.s32 $0x9000;
	s24 =	sadd.s32 s8, s0;
	s0 =	simm.s32 $0x8000  }
.LBB2_1:
0x17: {  	s6 =	rddreg [dreg:$0x5]  }
0x18: {  	s7 =	rddreg [dreg:$0x6]  }
0x19: {  	[spmem:s14], [sflag:s7] =	dma.local [hbm:s6], $0x500  }
0x1a: {  	_ =	swait.ge [sflag:s15], $0x500  }
0x1b: {  	[sflag:s15] =	ssyncset.done $0x0  }
0x1c: {  	s16 =	rddreg [dreg:$0x7];
	[sflag:s15] =	ssyncadd.s32 $0xFFFFFB00  }
0x1d: {  	[tilespmem:s9], [sflag:$0x3] =	stream.linear.gather [hbm4b:s16+s4], $0x2800, $0x38;
	[tilespmem:$0x13500] =	vst v63  }
0x1e: {  	_ =	swait.ge [sflag:s15], $0x2800  }
0x1f: {  	[sflag:s15] =	ssyncset.done $0x0  }
0x20: {  	s7 =	rddreg [dreg:$0x8];
	[sflag:s15] =	ssyncadd.s32 $0xFFFFD800  }
0x21: {  	[tilespmem:s17], [sflag:$0x3] =	stream.linear.gather [hbm4b:s7+s4], $0x280, $0x38;
	[tilespmem:$0x13500] =	vst v63  }
0x22: {  	_ =	swait.ge [sflag:s15], $0x280  }
0x23: {  	[sflag:s15] =	ssyncset.done $0x0  }
0x24: {  	s8 =	simm.s32 $0xE280;
	[sflag:s15] =	ssyncadd.s32 $0xFFFFFD80  }
0x25: {  	[tilespmem:s8], [sflag:$0x3] =	stream.linear.gather [hbm4b:s18+s4], $0x280, $0x38;
	[tilespmem:$0x13500] =	vst v63  }
0x26: {  	_ =	swait.ge [sflag:s15], $0x280  }
0x27: {  	[sflag:s15] =	ssyncset.done $0x0  }
0x28: {  	[sflag:s15] =	ssyncadd.s32 $0xFFFFFD80  }
0x29: {  	[tilespmem:s4], [sflag:$0x3] =	stream.linear.gather [hbm4b:s10+s4], $0x2800, $0x38;
	[tilespmem:$0x13500] =	vst v63  }
0x2a: {  	_ =	swait.ge [sflag:s15], $0x2800  }
0x2b: {  	[sflag:s15] =	ssyncset.done $0x0  }
0x2c: {  	s16 =	simm.s32 $0x2800;
	[sflag:s15] =	ssyncadd.s32 $0xFFFFD800  }
0x2d: {  	[tilespmem:s16], [sflag:$0x3] =	stream.linear.gather [hbm4b:s11+s4], $0x2800, $0x38;
	[tilespmem:$0x13500] =	vst v63  }
0x2e: {  	_ =	swait.ge [sflag:s15], $0x2800  }
0x2f: {  	[sflag:s15] =	ssyncset.done $0x0  }
0x30: {  	s6 =	simm.s32 $0x0;
	[sflag:s15] =	ssyncadd.s32 $0xFFFFD800  }
0x31: {  	s7 =	simm.s32 $0x40;
	v1 =	vld [tilespmem:s6+$0xE280]  }
.LBB2_2:
0x32: {  	p0 =	sne.s32 s7, $0x9C0;
	v2 =	vld [tilespmem:s6+$0xE000];
	_ =	sdelay $0x4  }
0x33: {  	v1 =	vadd.f32 v1, v2;
	_ =	sdelay $0x1  }
0x34: {  	v1 =	vadd.f32 $1.000000000e+00, v1;
	_ =	sdelay $0x1  }
0x35: {  	v2 =	vshra.s32 v1, $0x1;
	v1 =	vmul.f32 $5.000000000e-01, v1  }
0x36: {  	v2 =	vsub.s32 $0x5F3759DF, v2  }
0x37: {  	v3 =	vmul.f32 v2, v1;
	_ =	sdelay $0x1  }
0x38: {  	v3 =	vmul.f32 v2, v3;
	_ =	sdelay $0x1  }
0x39: {  	v3 =	vsub.f32 $1.500000000e+00, v3;
	_ =	sdelay $0x1  }
0x3a: {  	v2 =	vmul.f32 v2, v3;
	_ =	sdelay $0x1  }
0x3b: {  	v3 =	vmul.f32 v2, v1;
	_ =	sdelay $0x1  }
0x3c: {  	v3 =	vmul.f32 v3, v2;
	_ =	sdelay $0x1  }
0x3d: {  	v3 =	vsub.f32 $1.500000000e+00, v3;
	_ =	sdelay $0x1  }
0x3e: {  	v2 =	vmul.f32 v3, v2;
	_ =	sdelay $0x1  }
0x3f: {  	v1 =	vmul.f32 v2, v1;
	_ =	sdelay $0x1  }
0x40: {  	v1 =	vmul.f32 v1, v2;
	_ =	sdelay $0x1  }
.Ltmp0:
0x41: {  	v1 =	vsub.f32 $1.500000000e+00, v1;
	(pc) =	sbr.rel @p0 .LBB2_2-.Ltmp0, $4  }
0x42: {  	_ = 	snop  }
0x43: {  	v2 =	vmul.f32 v1, v2  }
0x44: {  	s8 =	sshra.s32 s7, $0x2  }
0x45: {  	s7 =	sadd.s32 $0x40, s7;
	v1 =	vld [tilespmem:s8+$0xE280];
	[tilespmem:s6+$0xE000] =	vst v2;
	s6 =	smov.u32 s8  }
0x46: {  	v2 =	vld [tilespmem:s6+$0xE000];
	_ =	sdelay $0x4  }
0x47: {  	v1 =	vadd.f32 v1, v2;
	_ =	sdelay $0x1  }
0x48: {  	v1 =	vadd.f32 $1.000000000e+00, v1;
	_ =	sdelay $0x1  }
0x49: {  	v2 =	vshra.s32 v1, $0x1;
	v1 =	vmul.f32 $5.000000000e-01, v1  }
0x4a: {  	v2 =	vsub.s32 $0x5F3759DF, v2  }
0x4b: {  	v3 =	vmul.f32 v2, v1;
	_ =	sdelay $0x1  }
0x4c: {  	v3 =	vmul.f32 v2, v3;
	_ =	sdelay $0x1  }
0x4d: {  	v3 =	vsub.f32 $1.500000000e+00, v3;
	_ =	sdelay $0x1  }
0x4e: {  	v2 =	vmul.f32 v2, v3;
	_ =	sdelay $0x1  }
0x4f: {  	v3 =	vmul.f32 v2, v1;
	_ =	sdelay $0x1  }
0x50: {  	v3 =	vmul.f32 v3, v2;
	_ =	sdelay $0x1  }
0x51: {  	v3 =	vsub.f32 $1.500000000e+00, v3;
	_ =	sdelay $0x1  }
0x52: {  	v2 =	vmul.f32 v3, v2;
	_ =	sdelay $0x1  }
0x53: {  	s7 =	simm.s32 $0x0;
	v1 =	vmul.f32 v2, v1  }
0x54: {  	v3 =	vmov s7  }
0x55: {  	v3 =	vand.u32 $0xFFFFFFFE, v3;
	v1 =	vmul.f32 v1, v2  }
0x56: {  	v3 =	vbroadcast v3, $0x0  }
0x57: {  	v1 =	vsub.f32 $1.500000000e+00, v1;
	_ =	sdelay $0x1  }
0x58: {  	v1 =	vmul.f32 v1, v2;
	_ =	sdelay $0x1  }
0x59: {  	[tilespmem:s6+$0xE000] =	vst v1  }
0x5a: {  	s6 =	simm.s32 $0x9010;
	v1 =	vld.idx.msk [tilespmem:v3+s17+$0x0], $0xffff  }
0x5b: {  	v2 =	vld [tilespmem:s6+$0xFFFFFFF0];
	_ =	sdelay $0x1  }
0x5c: {  	s16 =	simm.s32 $0x1  }
0x5d: {  	v3 =	vmov s16;
	_ =	sdelay $0x1  }
0x5e: {  	v1 =	vmul.f32 v2, v1;
	_ =	sdelay $0x1  }
0x5f: {  	[tilespmem:s6+$0xFFFFFFF0] =	vst v1  }
0x60: {  	s8 =	simm.s32 $0x5;
	s7 =	simm.s32 $0x3;
	s16 =	simm.s32 $0x2;
	v1 =	vld.idx.msk [tilespmem:v3+s17+$0x0], $0xffff  }
.LBB2_4:
0x61: {  	p0 =	sne.s32 s8, $0x27F;
	v2 =	vmov s16;
	v3 =	vld [tilespmem:s6+$0x0]  }
0x62: {  	v2 =	vand.u32 $0xFFFFFFFE, v2  }
0x63: {  	v2 =	vbroadcast v2, $0x0;
	_ =	sdelay $0x2  }
0x64: {  	v1 =	vmul.f32 v3, v1;
	_ =	sdelay $0x1  }
0x65: {  	[tilespmem:s6+$0x0] =	vst v1  }
0x66: {  	s6 =	sadd.s32 $0x20, s6;
	v1 =	vld.idx.msk [tilespmem:v2+s17+$0x0], $0xffff  }
0x67: {  	v2 =	vld [tilespmem:s6+$0xFFFFFFF0];
	_ =	sdelay $0x2  }
0x68: {  	v3 =	vmov s7;
	s7 =	smov.u32 s8  }
.Ltmp1:
0x69: {  	(pc) =	sbr.rel @p0 .LBB2_4-.Ltmp1, $3  }
0x6a: {  	v1 =	vmul.f32 v2, v1;
	_ =	sdelay $0x1  }
0x6b: {  	[tilespmem:s6+$0xFFFFFFF0] =	vst v1  }
0x6c: {  	s8 =	sadd.s32 $0x2, s8;
	s16 =	sadd.s32 $0xFFFFFFFF, s7;
	v1 =	vld.idx.msk [tilespmem:v3+s17+$0x0], $0xffff  }
0x6d: {  	v2 =	vmov s16;
	v3 =	vld [tilespmem:s6+$0x0]  }
0x6e: {  	v2 =	vand.u32 $0xFFFFFFFE, v2  }
0x6f: {  	v2 =	vbroadcast v2, $0x0;
	_ =	sdelay $0x2  }
0x70: {  	v1 =	vmul.f32 v3, v1;
	_ =	sdelay $0x1  }
0x71: {  	[tilespmem:s6+$0x0] =	vst v1  }
0x72: {  	s16 =	sadd.s32 $0x20, s6;
	v1 =	vld.idx.msk [tilespmem:v2+s17+$0x0], $0xffff  }
0x73: {  	v2 =	vld [tilespmem:s16+$0xFFFFFFF0];
	_ =	sdelay $0x2  }
0x74: {  	v3 =	vmov s7;
	_ =	sdelay $0x1  }
0x75: {  	v1 =	vmul.f32 v2, v1;
	_ =	sdelay $0x1  }
0x76: {  	v2 =	vld [tilespmem:s16+$0x0];
	[tilespmem:s16+$0xFFFFFFF0] =	vst v1  }
0x77: {  	v1 =	vld.idx.msk [tilespmem:v3+s17+$0x0], $0xffff;
	_ =	sdelay $0x4  }
0x78: {  	v1 =	vmul.f32 v2, v1;
	_ =	sdelay $0x1  }
0x79: {  	[tilespmem:s16+$0x0] =	vst v1  }
0x7a: {  	[spmem:s12] =	stream.linear.scatter [tilespmem:s9], [sflag:$0x3], $0x2800, $0x38;
	[tilespmem:$0x13500] =	vst v63  }
0x7b: {  	_ =	swait.ge [sflag:s15], $0x2800  }
0x7c: {  	[sflag:s15] =	ssyncset.done $0x0  }
0x7d: {  	[sflag:s15] =	ssyncadd.s32 $0xFFFFD800  }
0x7e: {  	s8 =	simm.s32 $0x0;
	[bflag:$0x0] =	sbarrier.arrive $0xFFFF  }
0x7f: {  	[tilespmem:s22], [sflag:$0x1] =	stream.indirect.gather [spmem:s2], $0x10, s8, s21, $0xb8;
	[tilespmem:$0x13500] =	vst v63  }
0x80: {  	_ = 	snop  }
0x81: {  	[tilespmem:s23], [sflag:$0x1] =	stream.indirect.gather [spmem:s2], $0x10, s21, s21, $0xb8;
	[tilespmem:$0x13500] =	vst v63  }
0x82: {  	s9 =	simm.s32 $0x100  }
0x83: {  	[tilespmem:s26], [sflag:$0x1] =	stream.indirect.gather [spmem:s2], $0x10, s9, s21, $0xb8;
	[tilespmem:$0x13500] =	vst v63  }
0x84: {  	s16 =	simm.s32 $0x180  }
0x85: {  	[tilespmem:s29], [sflag:$0x1] =	stream.indirect.gather [spmem:s2], $0x10, s16, s21, $0xb8;
	[tilespmem:$0x13500] =	vst v63  }
0x86: {  	s7 =	simm.s32 $0x200  }
0x87: {  	[tilespmem:s30], [sflag:$0x2] =	stream.indirect.gather [spmem:s2], $0x10, s7, s21, $0xb8;
	[tilespmem:$0x13500] =	vst v63  }
0x88: {  	s8 =	simm.s32 $0x280  }
0x89: {  	[tilespmem:s31], [sflag:$0x2] =	stream.indirect.gather [spmem:s2], $0x10, s8, s21, $0xb8;
	[tilespmem:$0x13500] =	vst v63  }
0x8a: {  	s9 =	simm.s32 $0x300  }
0x8b: {  	[tilespmem:s0], [sflag:$0x2] =	stream.indirect.gather [spmem:s2], $0x10, s9, s21, $0xb8;
	[tilespmem:$0x13500] =	vst v63  }
0x8c: {  	s16 =	simm.s32 $0x380  }
0x8d: {  	[tilespmem:s3], [sflag:$0x2] =	stream.indirect.gather [spmem:s2], $0x10, s16, s21, $0xb8;
	[tilespmem:$0x13500] =	vst v63  }
0x8e: {  	_ =	swait.ge [sflag:s19], $0x800  }
0x8f: {  	[sflag:s19] =	ssyncset.done $0x0  }
0x90: {  	[sflag:s19] =	ssyncadd.s32 $0xFFFFF800  }
0x91: {  	_ =	swait.ge [sflag:s19], $0x800  }
0x92: {  	[sflag:s19] =	ssyncset.done $0x0  }
0x93: {  	[sflag:s19] =	ssyncadd.s32 $0xFFFFF800  }
0x94: {  	_ =	swait.ge [sflag:s19], $0x800  }
0x95: {  	[sflag:s19] =	ssyncset.done $0x0  }
0x96: {  	[sflag:s19] =	ssyncadd.s32 $0xFFFFF800  }
0x97: {  	_ =	swait.ge [sflag:s19], $0x800  }
0x98: {  	[sflag:s19] =	ssyncset.done $0x0  }
0x99: {  	s7 =	simm.s32 $0x2800;
	[sflag:s19] =	ssyncadd.s32 $0xFFFFF800  }
0x9a: {  	[spmem:s1] =	stream.indirect.scatter.add.f32 [tilespmem:s22], [sflag:$0x3], $0x10, s7, s21, $0xb8;
	[tilespmem:$0x13500] =	vst v63  }
0x9b: {  	_ =	swait.ge [sflag:s15], $0x800  }
0x9c: {  	[sflag:s15] =	ssyncset.done $0x0  }
0x9d: {  	s8 =	simm.s32 $0x2880;
	[sflag:s15] =	ssyncadd.s32 $0xFFFFF800  }
0x9e: {  	[spmem:s1] =	stream.indirect.scatter.add.f32 [tilespmem:s23], [sflag:$0x3], $0x10, s8, s21, $0xb8;
	[tilespmem:$0x13500] =	vst v63  }
0x9f: {  	_ =	swait.ge [sflag:s15], $0x800  }
0xa0: {  	[sflag:s15] =	ssyncset.done $0x0  }
0xa1: {  	s9 =	simm.s32 $0x2900;
	[sflag:s15] =	ssyncadd.s32 $0xFFFFF800  }
0xa2: {  	[spmem:s1] =	stream.indirect.scatter.add.f32 [tilespmem:s26], [sflag:$0x3], $0x10, s9, s21, $0xb8;
	[tilespmem:$0x13500] =	vst v63  }
0xa3: {  	_ =	swait.ge [sflag:s15], $0x800  }
0xa4: {  	[sflag:s15] =	ssyncset.done $0x0  }
0xa5: {  	s16 =	simm.s32 $0x2980;
	[sflag:s15] =	ssyncadd.s32 $0xFFFFF800  }
0xa6: {  	[spmem:s1] =	stream.indirect.scatter.add.f32 [tilespmem:s29], [sflag:$0x3], $0x10, s16, s21, $0xb8;
	[tilespmem:$0x13500] =	vst v63  }
0xa7: {  	_ =	swait.ge [sflag:s15], $0x800  }
0xa8: {  	[sflag:s15] =	ssyncset.done $0x0  }
0xa9: {  	s7 =	simm.s32 $0x400;
	[sflag:s15] =	ssyncadd.s32 $0xFFFFF800  }
0xaa: {  	[tilespmem:s22], [sflag:$0x1] =	stream.indirect.gather [spmem:s2], $0x10, s7, s21, $0xb8;
	[tilespmem:$0x13500] =	vst v63  }
0xab: {  	s8 =	simm.s32 $0x480  }
0xac: {  	[tilespmem:s23], [sflag:$0x1] =	stream.indirect.gather [spmem:s2], $0x10, s8, s21, $0xb8;
	[tilespmem:$0x13500] =	vst v63  }
0xad: {  	s9 =	simm.s32 $0x500  }
0xae: {  	[tilespmem:s26], [sflag:$0x1] =	stream.indirect.gather [spmem:s2], $0x10, s9, s21, $0xb8;
	[tilespmem:$0x13500] =	vst v63  }
0xaf: {  	s16 =	simm.s32 $0x580  }
0xb0: {  	[tilespmem:s29], [sflag:$0x1] =	stream.indirect.gather [spmem:s2], $0x10, s16, s21, $0xb8;
	[tilespmem:$0x13500] =	vst v63  }
0xb1: {  	_ =	swait.ge [sflag:s20], $0x800  }
0xb2: {  	[sflag:s20] =	ssyncset.done $0x0  }
0xb3: {  	[sflag:s20] =	ssyncadd.s32 $0xFFFFF800  }
0xb4: {  	_ =	swait.ge [sflag:s20], $0x800  }
0xb5: {  	[sflag:s20] =	ssyncset.done $0x0  }
0xb6: {  	[sflag:s20] =	ssyncadd.s32 $0xFFFFF800  }
0xb7: {  	_ =	swait.ge [sflag:s20], $0x800  }
0xb8: {  	[sflag:s20] =	ssyncset.done $0x0  }
0xb9: {  	[sflag:s20] =	ssyncadd.s32 $0xFFFFF800  }
0xba: {  	_ =	swait.ge [sflag:s20], $0x800  }
0xbb: {  	[sflag:s20] =	ssyncset.done $0x0  }
0xbc: {  	s7 =	simm.s32 $0x2A00;
	[sflag:s20] =	ssyncadd.s32 $0xFFFFF800  }
0xbd: {  	[spmem:s1] =	stream.indirect.scatter.add.f32 [tilespmem:s30], [sflag:$0x3], $0x10, s7, s21, $0xb8;
	[tilespmem:$0x13500] =	vst v63  }
0xbe: {  	_ =	swait.ge [sflag:s15], $0x800  }
0xbf: {  	[sflag:s15] =	ssyncset.done $0x0  }
0xc0: {  	s8 =	simm.s32 $0x2A80;
	[sflag:s15] =	ssyncadd.s32 $0xFFFFF800  }
0xc1: {  	[spmem:s1] =	stream.indirect.scatter.add.f32 [tilespmem:s31], [sflag:$0x3], $0x10, s8, s21, $0xb8;
	[tilespmem:$0x13500] =	vst v63  }
0xc2: {  	_ =	swait.ge [sflag:s15], $0x800  }
0xc3: {  	[sflag:s15] =	ssyncset.done $0x0  }
0xc4: {  	s9 =	simm.s32 $0x2B00;
	[sflag:s15] =	ssyncadd.s32 $0xFFFFF800  }
0xc5: {  	[spmem:s1] =	stream.indirect.scatter.add.f32 [tilespmem:s0], [sflag:$0x3], $0x10, s9, s21, $0xb8;
	[tilespmem:$0x13500] =	vst v63  }
0xc6: {  	_ =	swait.ge [sflag:s15], $0x800  }
0xc7: {  	[sflag:s15] =	ssyncset.done $0x0  }
0xc8: {  	s16 =	simm.s32 $0x2B80;
	[sflag:s15] =	ssyncadd.s32 $0xFFFFF800  }
0xc9: {  	[spmem:s1] =	stream.indirect.scatter.add.f32 [tilespmem:s3], [sflag:$0x3], $0x10, s16, s21, $0xb8;
	[tilespmem:$0x13500] =	vst v63  }
0xca: {  	_ =	swait.ge [sflag:s15], $0x800  }
0xcb: {  	s6 =	simm.s32 $0x400;
	s8 =	simm.s32 $0x2000;
	[sflag:s15] =	ssyncset.done $0x0  }
.LBB2_6:
0xcc: {  	s9 =	sadd.s32 $0x200, s6  }
0xcd: {  	[sflag:s15] =	ssyncadd.s32 $0xFFFFF800;
	s16 =	smov.u32 s8;
	s7 =	sadd.s32 $0x1000, s8  }
0xce: {  	[tilespmem:s30], [sflag:$0x2] =	stream.indirect.gather [spmem:s2], $0x10, s9, s21, $0xb8;
	[tilespmem:$0x13500] =	vst v63  }
0xcf: {  	p0 =	sne.s32 s8, $0x8000;
	s8 =	sadd.s32 $0x280, s6  }
0xd0: {  	[tilespmem:s31], [sflag:$0x2] =	stream.indirect.gather [spmem:s2], $0x10, s8, s21, $0xb8;
	[tilespmem:$0x13500] =	vst v63  }
0xd1: {  	s8 =	sadd.s32 $0x300, s6  }
0xd2: {  	[tilespmem:s0], [sflag:$0x2] =	stream.indirect.gather [spmem:s2], $0x10, s8, s21, $0xb8;
	[tilespmem:$0x13500] =	vst v63  }
0xd3: {  	s8 =	sadd.s32 $0x380, s6  }
0xd4: {  	[tilespmem:s3], [sflag:$0x2] =	stream.indirect.gather [spmem:s2], $0x10, s8, s21, $0xb8;
	[tilespmem:$0x13500] =	vst v63  }
0xd5: {  	_ =	swait.ge [sflag:s19], $0x800  }
0xd6: {  	[sflag:s19] =	ssyncset.done $0x0  }
0xd7: {  	[sflag:s19] =	ssyncadd.s32 $0xFFFFF800  }
0xd8: {  	_ =	swait.ge [sflag:s19], $0x800  }
0xd9: {  	[sflag:s19] =	ssyncset.done $0x0  }
0xda: {  	[sflag:s19] =	ssyncadd.s32 $0xFFFFF800  }
0xdb: {  	_ =	swait.ge [sflag:s19], $0x800  }
0xdc: {  	[sflag:s19] =	ssyncset.done $0x0  }
0xdd: {  	[sflag:s19] =	ssyncadd.s32 $0xFFFFF800  }
0xde: {  	_ =	swait.ge [sflag:s19], $0x800  }
0xdf: {  	[sflag:s19] =	ssyncset.done $0x0  }
0xe0: {  	s8 =	sadd.s32 $0x2800, s6;
	[sflag:s19] =	ssyncadd.s32 $0xFFFFF800  }
0xe1: {  	[spmem:s1] =	stream.indirect.scatter.add.f32 [tilespmem:s22], [sflag:$0x3], $0x10, s8, s21, $0xb8;
	[tilespmem:$0x13500] =	vst v63  }
0xe2: {  	_ =	swait.ge [sflag:s15], $0x800  }
0xe3: {  	[sflag:s15] =	ssyncset.done $0x0  }
0xe4: {  	s8 =	sadd.s32 $0x2880, s6;
	[sflag:s15] =	ssyncadd.s32 $0xFFFFF800  }
0xe5: {  	[spmem:s1] =	stream.indirect.scatter.add.f32 [tilespmem:s23], [sflag:$0x3], $0x10, s8, s21, $0xb8;
	[tilespmem:$0x13500] =	vst v63  }
0xe6: {  	_ =	swait.ge [sflag:s15], $0x800  }
0xe7: {  	[sflag:s15] =	ssyncset.done $0x0  }
0xe8: {  	s8 =	sadd.s32 $0x2900, s6;
	[sflag:s15] =	ssyncadd.s32 $0xFFFFF800  }
0xe9: {  	[spmem:s1] =	stream.indirect.scatter.add.f32 [tilespmem:s26], [sflag:$0x3], $0x10, s8, s21, $0xb8;
	[tilespmem:$0x13500] =	vst v63  }
0xea: {  	_ =	swait.ge [sflag:s15], $0x800  }
0xeb: {  	[sflag:s15] =	ssyncset.done $0x0  }
0xec: {  	s8 =	sadd.s32 $0x2980, s6;
	[sflag:s15] =	ssyncadd.s32 $0xFFFFF800  }
0xed: {  	[spmem:s1] =	stream.indirect.scatter.add.f32 [tilespmem:s29], [sflag:$0x3], $0x10, s8, s21, $0xb8;
	[tilespmem:$0x13500] =	vst v63  }
0xee: {  	_ =	swait.ge [sflag:s15], $0x800  }
0xef: {  	[sflag:s15] =	ssyncset.done $0x0  }
0xf0: {  	s8 =	sadd.s32 $0x400, s6;
	[sflag:s15] =	ssyncadd.s32 $0xFFFFF800  }
0xf1: {  	[tilespmem:s22], [sflag:$0x1] =	stream.indirect.gather [spmem:s2], $0x10, s8, s21, $0xb8;
	[tilespmem:$0x13500] =	vst v63  }
0xf2: {  	s8 =	sadd.s32 $0x480, s6  }
0xf3: {  	[tilespmem:s23], [sflag:$0x1] =	stream.indirect.gather [spmem:s2], $0x10, s8, s21, $0xb8;
	[tilespmem:$0x13500] =	vst v63  }
0xf4: {  	s8 =	sadd.s32 $0x500, s6  }
0xf5: {  	[tilespmem:s26], [sflag:$0x1] =	stream.indirect.gather [spmem:s2], $0x10, s8, s21, $0xb8;
	[tilespmem:$0x13500] =	vst v63  }
0xf6: {  	s8 =	sadd.s32 $0x580, s6  }
0xf7: {  	[tilespmem:s29], [sflag:$0x1] =	stream.indirect.gather [spmem:s2], $0x10, s8, s21, $0xb8;
	[tilespmem:$0x13500] =	vst v63  }
0xf8: {  	_ =	swait.ge [sflag:s20], $0x800  }
0xf9: {  	[sflag:s20] =	ssyncset.done $0x0  }
0xfa: {  	[sflag:s20] =	ssyncadd.s32 $0xFFFFF800  }
0xfb: {  	_ =	swait.ge [sflag:s20], $0x800  }
0xfc: {  	[sflag:s20] =	ssyncset.done $0x0  }
0xfd: {  	[sflag:s20] =	ssyncadd.s32 $0xFFFFF800  }
0xfe: {  	_ =	swait.ge [sflag:s20], $0x800  }
0xff: {  	[sflag:s20] =	ssyncset.done $0x0  }
0x100: {  	[sflag:s20] =	ssyncadd.s32 $0xFFFFF800  }
0x101: {  	_ =	swait.ge [sflag:s20], $0x800  }
0x102: {  	[sflag:s20] =	ssyncset.done $0x0  }
0x103: {  	s8 =	sadd.s32 $0x2A00, s6;
	[sflag:s20] =	ssyncadd.s32 $0xFFFFF800  }
0x104: {  	[spmem:s1] =	stream.indirect.scatter.add.f32 [tilespmem:s30], [sflag:$0x3], $0x10, s8, s21, $0xb8;
	[tilespmem:$0x13500] =	vst v63  }
0x105: {  	_ =	swait.ge [sflag:s15], $0x800  }
0x106: {  	[sflag:s15] =	ssyncset.done $0x0  }
0x107: {  	s8 =	sadd.s32 $0x2A80, s6;
	[sflag:s15] =	ssyncadd.s32 $0xFFFFF800  }
0x108: {  	[spmem:s1] =	stream.indirect.scatter.add.f32 [tilespmem:s31], [sflag:$0x3], $0x10, s8, s21, $0xb8;
	[tilespmem:$0x13500] =	vst v63  }
0x109: {  	_ =	swait.ge [sflag:s15], $0x800  }
0x10a: {  	[sflag:s15] =	ssyncset.done $0x0  }
0x10b: {  	s8 =	sadd.s32 $0x2B00, s6;
	[sflag:s15] =	ssyncadd.s32 $0xFFFFF800  }
0x10c: {  	[spmem:s1] =	stream.indirect.scatter.add.f32 [tilespmem:s0], [sflag:$0x3], $0x10, s8, s21, $0xb8;
	[tilespmem:$0x13500] =	vst v63  }
0x10d: {  	_ =	swait.ge [sflag:s15], $0x800  }
.Ltmp2:
0x10e: {  	[sflag:s15] =	ssyncset.done $0x0;
	(pc) =	sbr.rel @p0 .LBB2_6-.Ltmp2, $4  }
0x10f: {  	s6 =	sadd.s32 $0x2B80, s6;
	[sflag:s15] =	ssyncadd.s32 $0xFFFFF800  }
0x110: {  	[spmem:s1] =	stream.indirect.scatter.add.f32 [tilespmem:s3], [sflag:$0x3], $0x10, s6, s21, $0xb8;
	[tilespmem:$0x13500] =	vst v63  }
0x111: {  	_ =	swait.ge [sflag:s15], $0x800  }
0x112: {  	s8 =	smov.u32 s7;
	s6 =	sshra.s32 s16, $0x2;
	[sflag:s15] =	ssyncset.done $0x0  }
0x113: {  	s7 =	sadd.s32 $0x200, s6;
	[sflag:s15] =	ssyncadd.s32 $0xFFFFF800  }
0x114: {  	[tilespmem:s30], [sflag:$0x2] =	stream.indirect.gather [spmem:s2], $0x10, s7, s21, $0xb8;
	[tilespmem:$0x13500] =	vst v63  }
0x115: {  	s8 =	sadd.s32 $0x280, s6  }
0x116: {  	[tilespmem:s31], [sflag:$0x2] =	stream.indirect.gather [spmem:s2], $0x10, s8, s21, $0xb8;
	[tilespmem:$0x13500] =	vst v63  }
0x117: {  	s9 =	sadd.s32 $0x300, s6  }
0x118: {  	[tilespmem:s0], [sflag:$0x2] =	stream.indirect.gather [spmem:s2], $0x10, s9, s21, $0xb8;
	[tilespmem:$0x13500] =	vst v63  }
0x119: {  	s16 =	sadd.s32 $0x380, s6  }
0x11a: {  	[tilespmem:s3], [sflag:$0x2] =	stream.indirect.gather [spmem:s2], $0x10, s16, s21, $0xb8;
	[tilespmem:$0x13500] =	vst v63  }
0x11b: {  	_ =	swait.ge [sflag:s19], $0x800  }
0x11c: {  	[sflag:s19] =	ssyncset.done $0x0  }
0x11d: {  	[sflag:s19] =	ssyncadd.s32 $0xFFFFF800  }
0x11e: {  	_ =	swait.ge [sflag:s19], $0x800  }
0x11f: {  	[sflag:s19] =	ssyncset.done $0x0  }
0x120: {  	[sflag:s19] =	ssyncadd.s32 $0xFFFFF800  }
0x121: {  	_ =	swait.ge [sflag:s19], $0x800  }
0x122: {  	[sflag:s19] =	ssyncset.done $0x0  }
0x123: {  	[sflag:s19] =	ssyncadd.s32 $0xFFFFF800  }
0x124: {  	_ =	swait.ge [sflag:s19], $0x800  }
0x125: {  	[sflag:s19] =	ssyncset.done $0x0  }
0x126: {  	s8 =	sadd.s32 $0x2800, s6;
	[sflag:s19] =	ssyncadd.s32 $0xFFFFF800  }
0x127: {  	[spmem:s1] =	stream.indirect.scatter.add.f32 [tilespmem:s22], [sflag:$0x3], $0x10, s8, s21, $0xb8;
	[tilespmem:$0x13500] =	vst v63  }
0x128: {  	_ =	swait.ge [sflag:s15], $0x800  }
0x129: {  	[sflag:s15] =	ssyncset.done $0x0  }
0x12a: {  	s9 =	sadd.s32 $0x2880, s6;
	[sflag:s15] =	ssyncadd.s32 $0xFFFFF800  }
0x12b: {  	[spmem:s1] =	stream.indirect.scatter.add.f32 [tilespmem:s23], [sflag:$0x3], $0x10, s9, s21, $0xb8;
	[tilespmem:$0x13500] =	vst v63  }
0x12c: {  	_ =	swait.ge [sflag:s15], $0x800  }
0x12d: {  	[sflag:s15] =	ssyncset.done $0x0  }
0x12e: {  	s16 =	sadd.s32 $0x2900, s6;
	[sflag:s15] =	ssyncadd.s32 $0xFFFFF800  }
0x12f: {  	[spmem:s1] =	stream.indirect.scatter.add.f32 [tilespmem:s26], [sflag:$0x3], $0x10, s16, s21, $0xb8;
	[tilespmem:$0x13500] =	vst v63  }
0x130: {  	_ =	swait.ge [sflag:s15], $0x800  }
0x131: {  	[sflag:s15] =	ssyncset.done $0x0  }
0x132: {  	s8 =	sadd.s32 $0x2980, s6;
	[sflag:s15] =	ssyncadd.s32 $0xFFFFF800  }
0x133: {  	[spmem:s1] =	stream.indirect.scatter.add.f32 [tilespmem:s29], [sflag:$0x3], $0x10, s8, s21, $0xb8;
	[tilespmem:$0x13500] =	vst v63  }
0x134: {  	_ =	swait.ge [sflag:s15], $0x800  }
0x135: {  	[sflag:s15] =	ssyncset.done $0x0  }
0x136: {  	s9 =	sadd.s32 $0x400, s6;
	[sflag:s15] =	ssyncadd.s32 $0xFFFFF800  }
0x137: {  	[tilespmem:s22], [sflag:$0x1] =	stream.indirect.gather [spmem:s2], $0x10, s9, s21, $0xb8;
	[tilespmem:$0x13500] =	vst v63  }
0x138: {  	s16 =	sadd.s32 $0x480, s6  }
0x139: {  	[tilespmem:s23], [sflag:$0x1] =	stream.indirect.gather [spmem:s2], $0x10, s16, s21, $0xb8;
	[tilespmem:$0x13500] =	vst v63  }
0x13a: {  	s8 =	sadd.s32 $0x500, s6  }
0x13b: {  	[tilespmem:s26], [sflag:$0x1] =	stream.indirect.gather [spmem:s2], $0x10, s8, s21, $0xb8;
	[tilespmem:$0x13500] =	vst v63  }
0x13c: {  	s9 =	sadd.s32 $0x580, s6  }
0x13d: {  	[tilespmem:s29], [sflag:$0x1] =	stream.indirect.gather [spmem:s2], $0x10, s9, s21, $0xb8;
	[tilespmem:$0x13500] =	vst v63  }
0x13e: {  	_ =	swait.ge [sflag:s20], $0x800  }
0x13f: {  	[sflag:s20] =	ssyncset.done $0x0  }
0x140: {  	[sflag:s20] =	ssyncadd.s32 $0xFFFFF800  }
0x141: {  	_ =	swait.ge [sflag:s20], $0x800  }
0x142: {  	[sflag:s20] =	ssyncset.done $0x0  }
0x143: {  	[sflag:s20] =	ssyncadd.s32 $0xFFFFF800  }
0x144: {  	_ =	swait.ge [sflag:s20], $0x800  }
0x145: {  	[sflag:s20] =	ssyncset.done $0x0  }
0x146: {  	[sflag:s20] =	ssyncadd.s32 $0xFFFFF800  }
0x147: {  	_ =	swait.ge [sflag:s20], $0x800  }
0x148: {  	[sflag:s20] =	ssyncset.done $0x0  }
0x149: {  	s16 =	sadd.s32 $0x2A00, s6;
	[sflag:s20] =	ssyncadd.s32 $0xFFFFF800  }
0x14a: {  	[spmem:s1] =	stream.indirect.scatter.add.f32 [tilespmem:s30], [sflag:$0x3], $0x10, s16, s21, $0xb8;
	[tilespmem:$0x13500] =	vst v63  }
0x14b: {  	_ =	swait.ge [sflag:s15], $0x800  }
0x14c: {  	[sflag:s15] =	ssyncset.done $0x0  }
0x14d: {  	s8 =	sadd.s32 $0x2A80, s6;
	[sflag:s15] =	ssyncadd.s32 $0xFFFFF800  }
0x14e: {  	[spmem:s1] =	stream.indirect.scatter.add.f32 [tilespmem:s31], [sflag:$0x3], $0x10, s8, s21, $0xb8;
	[tilespmem:$0x13500] =	vst v63  }
0x14f: {  	_ =	swait.ge [sflag:s15], $0x800  }
0x150: {  	[sflag:s15] =	ssyncset.done $0x0  }
0x151: {  	s9 =	sadd.s32 $0x2B00, s6;
	[sflag:s15] =	ssyncadd.s32 $0xFFFFF800  }
0x152: {  	[spmem:s1] =	stream.indirect.scatter.add.f32 [tilespmem:s0], [sflag:$0x3], $0x10, s9, s21, $0xb8;
	[tilespmem:$0x13500] =	vst v63  }
0x153: {  	_ =	swait.ge [sflag:s15], $0x800  }
0x154: {  	[sflag:s15] =	ssyncset.done $0x0  }
0x155: {  	s16 =	sadd.s32 $0x2B80, s6;
	[sflag:s15] =	ssyncadd.s32 $0xFFFFF800  }
0x156: {  	[spmem:s1] =	stream.indirect.scatter.add.f32 [tilespmem:s3], [sflag:$0x3], $0x10, s16, s21, $0xb8;
	[tilespmem:$0x13500] =	vst v63  }
0x157: {  	_ =	swait.ge [sflag:s15], $0x800  }
0x158: {  	[sflag:s15] =	ssyncset.done $0x0  }
0x159: {  	s7 =	simm.s32 $0x2600;
	[sflag:s15] =	ssyncadd.s32 $0xFFFFF800  }
0x15a: {  	[tilespmem:s30], [sflag:$0x2] =	stream.indirect.gather [spmem:s2], $0x10, s7, s21, $0xb8;
	[tilespmem:$0x13500] =	vst v63  }
0x15b: {  	s8 =	simm.s32 $0x2680  }
0x15c: {  	[tilespmem:s31], [sflag:$0x2] =	stream.indirect.gather [spmem:s2], $0x10, s8, s21, $0xb8;
	[tilespmem:$0x13500] =	vst v63  }
0x15d: {  	s9 =	simm.s32 $0x2700  }
0x15e: {  	[tilespmem:s0], [sflag:$0x2] =	stream.indirect.gather [spmem:s2], $0x10, s9, s21, $0xb8;
	[tilespmem:$0x13500] =	vst v63  }
0x15f: {  	s16 =	simm.s32 $0x2780  }
0x160: {  	[tilespmem:s3], [sflag:$0x2] =	stream.indirect.gather [spmem:s2], $0x10, s16, s21, $0xb8;
	[tilespmem:$0x13500] =	vst v63  }
0x161: {  	s16 =	simm.s32 $0x1  }
0x162: {  	_ =	swait.ge [sflag:s16], $0x800  }
0x163: {  	[sflag:s16] =	ssyncset.done $0x0  }
0x164: {  	[sflag:s16] =	ssyncadd.s32 $0xFFFFF800  }
0x165: {  	_ =	swait.ge [sflag:s16], $0x800  }
0x166: {  	[sflag:s16] =	ssyncset.done $0x0  }
0x167: {  	[sflag:s16] =	ssyncadd.s32 $0xFFFFF800  }
0x168: {  	_ =	swait.ge [sflag:s16], $0x800  }
0x169: {  	[sflag:s16] =	ssyncset.done $0x0  }
0x16a: {  	[sflag:s16] =	ssyncadd.s32 $0xFFFFF800  }
0x16b: {  	_ =	swait.ge [sflag:s16], $0x800  }
0x16c: {  	[sflag:s16] =	ssyncset.done $0x0  }
0x16d: {  	s7 =	simm.s32 $0x4C00;
	[sflag:s16] =	ssyncadd.s32 $0xFFFFF800  }
0x16e: {  	[spmem:s1] =	stream.indirect.scatter.add.f32 [tilespmem:s22], [sflag:$0x3], $0x10, s7, s21, $0xb8;
	[tilespmem:$0x13500] =	vst v63  }
0x16f: {  	_ =	swait.ge [sflag:s15], $0x800  }
0x170: {  	[sflag:s15] =	ssyncset.done $0x0  }
0x171: {  	s8 =	simm.s32 $0x4C80;
	[sflag:s15] =	ssyncadd.s32 $0xFFFFF800  }
0x172: {  	[spmem:s1] =	stream.indirect.scatter.add.f32 [tilespmem:s23], [sflag:$0x3], $0x10, s8, s21, $0xb8;
	[tilespmem:$0x13500] =	vst v63  }
0x173: {  	_ =	swait.ge [sflag:s15], $0x800  }
0x174: {  	[sflag:s15] =	ssyncset.done $0x0  }
0x175: {  	s9 =	simm.s32 $0x4D00;
	[sflag:s15] =	ssyncadd.s32 $0xFFFFF800  }
0x176: {  	[spmem:s1] =	stream.indirect.scatter.add.f32 [tilespmem:s26], [sflag:$0x3], $0x10, s9, s21, $0xb8;
	[tilespmem:$0x13500] =	vst v63  }
0x177: {  	_ =	swait.ge [sflag:s15], $0x800  }
0x178: {  	[sflag:s15] =	ssyncset.done $0x0  }
0x179: {  	s7 =	simm.s32 $0x4D80;
	[sflag:s15] =	ssyncadd.s32 $0xFFFFF800  }
0x17a: {  	[spmem:s1] =	stream.indirect.scatter.add.f32 [tilespmem:s29], [sflag:$0x3], $0x10, s7, s21, $0xb8;
	[tilespmem:$0x13500] =	vst v63  }
0x17b: {  	_ =	swait.ge [sflag:s15], $0x800  }
0x17c: {  	[sflag:s15] =	ssyncset.done $0x0  }
0x17d: {  	[sflag:s15] =	ssyncadd.s32 $0xFFFFF800  }
0x17e: {  	_ =	swait.ge [sflag:s20], $0x800  }
0x17f: {  	[sflag:s20] =	ssyncset.done $0x0  }
0x180: {  	[sflag:s20] =	ssyncadd.s32 $0xFFFFF800  }
0x181: {  	_ =	swait.ge [sflag:s20], $0x800  }
0x182: {  	[sflag:s20] =	ssyncset.done $0x0  }
0x183: {  	[sflag:s20] =	ssyncadd.s32 $0xFFFFF800  }
0x184: {  	_ =	swait.ge [sflag:s20], $0x800  }
0x185: {  	[sflag:s20] =	ssyncset.done $0x0  }
0x186: {  	[sflag:s20] =	ssyncadd.s32 $0xFFFFF800  }
0x187: {  	_ =	swait.ge [sflag:s20], $0x800  }
0x188: {  	[sflag:s20] =	ssyncset.done $0x0  }
0x189: {  	s8 =	simm.s32 $0x4E00;
	[sflag:s20] =	ssyncadd.s32 $0xFFFFF800  }
0x18a: {  	[spmem:s1] =	stream.indirect.scatter.add.f32 [tilespmem:s30], [sflag:$0x3], $0x10, s8, s21, $0xb8;
	[tilespmem:$0x13500] =	vst v63  }
0x18b: {  	_ =	swait.ge [sflag:s15], $0x800  }
0x18c: {  	[sflag:s15] =	ssyncset.done $0x0  }
0x18d: {  	s9 =	simm.s32 $0x4E80;
	[sflag:s15] =	ssyncadd.s32 $0xFFFFF800  }
0x18e: {  	[spmem:s1] =	stream.indirect.scatter.add.f32 [tilespmem:s31], [sflag:$0x3], $0x10, s9, s21, $0xb8;
	[tilespmem:$0x13500] =	vst v63  }
0x18f: {  	_ =	swait.ge [sflag:s15], $0x800  }
0x190: {  	[sflag:s15] =	ssyncset.done $0x0  }
0x191: {  	s7 =	simm.s32 $0x4F00;
	[sflag:s15] =	ssyncadd.s32 $0xFFFFF800  }
0x192: {  	[spmem:s1] =	stream.indirect.scatter.add.f32 [tilespmem:s0], [sflag:$0x3], $0x10, s7, s21, $0xb8;
	[tilespmem:$0x13500] =	vst v63  }
0x193: {  	_ =	swait.ge [sflag:s15], $0x800  }
0x194: {  	[sflag:s15] =	ssyncset.done $0x0  }
0x195: {  	s8 =	simm.s32 $0x4F80;
	[sflag:s15] =	ssyncadd.s32 $0xFFFFF800  }
0x196: {  	[spmem:s1] =	stream.indirect.scatter.add.f32 [tilespmem:s3], [sflag:$0x3], $0x10, s8, s21, $0xb8;
	[tilespmem:$0x13500] =	vst v63  }
0x197: {  	_ =	swait.ge [sflag:s15], $0x800  }
0x198: {  	[sflag:s15] =	ssyncset.done $0x0  }
0x199: {  	[sflag:s15] =	ssyncadd.s32 $0xFFFFF800  }
0x19a: {  	s9 =	simm.s32 $0x0;
	[bflag:$0x0] =	sbarrier.arrive $0xFFFF  }
0x19b: {  	v1 =	vmov s9;
	[tilespmem:s25], [sflag:$0x3] =	stream.linear.gather [spmem:s5], $0x2800, $0x38;
	[tilespmem:$0x13500] =	vst v63  }
0x19c: {  	v1 =	vand.u32 $0xFFFFFFFE, v1;
	_ =	swait.ge [sflag:s15], $0x2800  }
0x19d: {  	v1 =	vbroadcast v1, $0x0;
	[sflag:s15] =	ssyncset.done $0x0  }
0x19e: {  	s7 =	simm.s32 $0x9010;
	[sflag:s15] =	ssyncadd.s32 $0xFFFFD800  }
0x19f: {  	v2 =	vld [tilespmem:s7+$0xFFFFFFF0]  }
0x1a0: {  	s6 =	simm.s32 $0xB810  }
0x1a1: {  	v3 =	vld [tilespmem:s6+$0xFFFFFFF0];
	_ =	sdelay $0x1  }
0x1a2: {  	v1 =	vld.idx.msk [tilespmem:v1+s17+$0x0], $0xffff  }
0x1a3: {  	v2 =	vmul.f32 v2, v0;
	_ =	sdelay $0x1  }
0x1a4: {  	v2 =	vadd.f32 v2, v3;
	_ =	sdelay $0x1  }
0x1a5: {  	v1 =	vmul.f32 v2, v1;
	v2 =	vmov s16;
	_ =	sdelay $0x2  }
0x1a6: {  	[tilespmem:s6+$0xFFFFFFF0] =	vst v1  }
0x1a7: {  	v3 =	vld [tilespmem:s7+$0x0]  }
0x1a8: {  	v1 =	vld.idx.msk [tilespmem:v2+s17+$0x0], $0xffff  }
0x1a9: {  	v2 =	vld [tilespmem:s6+$0x0];
	_ =	sdelay $0x1  }
0x1aa: {  	s8 =	simm.s32 $0x2  }
0x1ab: {  	v4 =	vmov s8;
	v3 =	vmul.f32 v3, v0  }
0x1ac: {  	s8 =	simm.s32 $0x5;
	v4 =	vand.u32 $0xFFFFFFFE, v4;
	s16 =	simm.s32 $0x3  }
.LBB2_8:
0x1ad: {  	p0 =	sne.s32 s8, $0x27F;
	v4 =	vbroadcast v4, $0x0;
	v2 =	vadd.f32 v3, v2;
	_ =	sdelay $0x1  }
0x1ae: {  	v1 =	vmul.f32 v2, v1;
	_ =	sdelay $0x1  }
0x1af: {  	s7 =	sadd.s32 $0x20, s7;
	[tilespmem:s6+$0x0] =	vst v1  }
0x1b0: {  	v1 =	vld [tilespmem:s7+$0xFFFFFFF0]  }
0x1b1: {  	s6 =	sadd.s32 $0x20, s6;
	v2 =	vld.idx.msk [tilespmem:v4+s17+$0x0], $0xffff  }
0x1b2: {  	v3 =	vld [tilespmem:s6+$0xFFFFFFF0];
	_ =	sdelay $0x2  }
0x1b3: {  	v1 =	vmul.f32 v1, v0;
	_ =	sdelay $0x1  }
0x1b4: {  	v1 =	vadd.f32 v1, v3  }
0x1b5: {  	v3 =	vmov s16;
	s16 =	smov.u32 s8  }
0x1b6: {  	v1 =	vmul.f32 v1, v2;
	_ =	sdelay $0x1  }
0x1b7: {  	[tilespmem:s6+$0xFFFFFFF0] =	vst v1  }
0x1b8: {  	v4 =	vld [tilespmem:s7+$0x0]  }
0x1b9: {  	v1 =	vld.idx.msk [tilespmem:v3+s17+$0x0], $0xffff  }
.Ltmp3:
0x1ba: {  	v2 =	vld [tilespmem:s6+$0x0];
	(pc) =	sbr.rel @p0 .LBB2_8-.Ltmp3, $4  }
0x1bb: {  	_ = 	snop  }
0x1bc: {  	s9 =	sadd.s32 $0xFFFFFFFF, s8  }
0x1bd: {  	v5 =	vmov s9;
	v3 =	vmul.f32 v4, v0  }
0x1be: {  	s8 =	sadd.s32 $0x2, s8;
	v4 =	vand.u32 $0xFFFFFFFE, v5  }
0x1bf: {  	v2 =	vadd.f32 v3, v2;
	_ =	sdelay $0x1  }
0x1c0: {  	v1 =	vmul.f32 v2, v1  }
0x1c1: {  	v2 =	vbroadcast v4, $0x0  }
0x1c2: {  	s7 =	sadd.s32 $0x20, s7;
	[tilespmem:s6+$0x0] =	vst v1  }
0x1c3: {  	v1 =	vld [tilespmem:s7+$0xFFFFFFF0]  }
0x1c4: {  	s9 =	sadd.s32 $0x20, s6  }
0x1c5: {  	v3 =	vld [tilespmem:s9+$0xFFFFFFF0];
	_ =	sdelay $0x1  }
0x1c6: {  	v2 =	vld.idx.msk [tilespmem:v2+s17+$0x0], $0xffff  }
0x1c7: {  	v1 =	vmul.f32 v1, v0;
	_ =	sdelay $0x1  }
0x1c8: {  	v1 =	vadd.f32 v1, v3;
	_ =	sdelay $0x1  }
0x1c9: {  	v1 =	vmul.f32 v1, v2;
	_ =	sdelay $0x1  }
0x1ca: {  	v2 =	vmov s16;
	[tilespmem:s9+$0xFFFFFFF0] =	vst v1  }
0x1cb: {  	v1 =	vld [tilespmem:s7+$0x0];
	_ =	sdelay $0x1  }
0x1cc: {  	v3 =	vld [tilespmem:s9+$0x0];
	_ =	sdelay $0x1  }
0x1cd: {  	v2 =	vld.idx.msk [tilespmem:v2+s17+$0x0], $0xffff  }
0x1ce: {  	v1 =	vmul.f32 v1, v0;
	_ =	sdelay $0x1  }
0x1cf: {  	v1 =	vadd.f32 v1, v3;
	_ =	sdelay $0x1  }
0x1d0: {  	s28 =	sadd.s32 $0x1, s28;
	v1 =	vmul.f32 v1, v2  }
0x1d1: {  	p0 =	sne.s32 s28, s13  }
.Ltmp4:
0x1d2: {  	[tilespmem:s9+$0x0] =	vst v1;
	(pc) =	sbr.rel @p0 .LBB2_1-.Ltmp4, $4  }
0x1d3: {  	[hbm4b:s24+s4] =	stream.linear.scatter [tilespmem:s25], [sflag:$0x3], $0x2800, $0x38;
	[tilespmem:$0x13500] =	vst v63  }
0x1d4: {  	_ =	swait.ge [sflag:s15], $0x2800  }
0x1d5: {  	[sflag:s15] =	ssyncset.done $0x0  }
0x1d6: {  	s9 =	simm.s32 $0x9000;
	[sflag:s15] =	ssyncadd.s32 $0xFFFFD800  }
0x1d7: {  	_ =	sfence.sel $0x180000  }
0x1d8: {  	[bflag:$0x0] =	sbarrier.arrive $0xFFFF  }
0x1d9: {  	_ =	strace $0x9000004D  }
0x1da: {  	s0 =	stileid.u32;
	[bflag:$0x2] =	sbarrier.arrive $0xFFFF  }
0x1db: {  	p0 =	sne.s32 s0, $0x0;
	s0 =	rddreg [dreg:$0x4]  }
0x1dc: {  	s0 =	sadd.s32 @!p0 $0x100000, s0  }
0x1dd: {  	[sflag:s0] =	ssyncadd.tile.s32 @!p0 $0x1;
	_ =	shalt  }
.Lfunc_end2:
_tile_overlayer_lowered:
.L_overlay_start_2:
0x1de: {  	(tag) =	ssettag $0x2  }
0x1df: {  	s0 =	rddreg [dreg:$0x0];
	s2 =	stileid.u32  }
0x1e0: {  	s1 =	rddreg [dreg:$0x1];
	p0 =	sne.s32 s2, $0x0  }
0x1e1: {  	s3 =	rddreg [dreg:$0x2];
	[bflag:$0x3] =	sbarrier.arrive $0xFFFF;
	s2 =	simm.s32 @!p0 $0x1C03  }
0x1e2: {  	[timem:s3], [sflag:s2] =	dma.local @!p0 [hbm:s0], s1  }
0x1e3: {  	s0 =	simm.s32 @!p0 $0x3  }
0x1e4: {  	_ =	swait.ge @!p0 [sflag:s0], s1  }
0x1e5: {  	s1 =	ssub.s32 @!p0 $0x0, s1;
	[sflag:s0] =	ssyncset.done @!p0 $0x0  }
0x1e6: {  	[sflag:s0] =	ssyncadd.s32 @!p0 s1  }
0x1e7: {  	[bflag:$0x3] =	sbarrier.arrive $0xFFFF  }
0x1e8: {  	_ =	shalt  }

// kernel: kernel.8.cloned.1.call-start
scs
__scs_entry_jumppad:
0x0: {  	(pc) =	sbr.rel $0x88, $3  }
0x1: {  	(tag) =	ssettag $0x0;
	lr =	simm.s32 $0x1  }
0x2: {  	[smem:$0x3F9B] =	sst lr;
	_ =	strace $0xD0000000  }
0x3: {  	_ = 	snop  }
0x4: {  	_ = 	snop  }
0x5: {  	_ = 	snop  }
0x6: {  	_ = 	snop  }
0x7: {  	_ = 	snop  }
__scs_overlays_trampoline_lowered:
0x8: {  	[smem:$0x3FAA] =	sst s0  }
0x9: {  	[smem:$0x3FAB] =	sst s1  }
0xa: {  	[smem:$0x3FAC] =	sst s2  }
0xb: {  	[smem:$0x3FAD] =	sst s3  }
0xc: {  	[smem:$0x3FAE] =	sst s4  }
0xd: {  	[smem:$0x3FAF] =	sst s5  }
0xe: {  	[smem:$0x3FB0] =	sst s6  }
0xf: {  	[smem:$0x3FB1] =	sst s7  }
0x10: {  	[smem:$0x3FB2] =	sst s8  }
0x11: {  	[smem:$0x3FB3] =	sst s9;
	s0 =	simm.s32 @!p0 $0x0  }
0x12: {  	s1 =	sld [smem:$0x3F99];
	s0 =	simm.s32 @p0 $0x1  }
0x13: {  	[smem:$0x3FB4] =	sst s0;
	s0 =	simm.s32 @!p1 $0x0  }
0x14: {  	s2 =	sld [smem:$0x3F98];
	s0 =	simm.s32 @p1 $0x1  }
0x15: {  	[smem:$0x3FB5] =	sst s0;
	s0 =	simm.s32 @!p2 $0x0  }
0x16: {  	s3 =	sld [smem:$0x3FDB];
	s0 =	simm.s32 @p2 $0x1  }
0x17: {  	s4 =	simm.s32 $0x1BF5;
	[smem:$0x3FB7] =	sst s0  }
0x18: {  	s0 =	sld [smem:$0x3F9A];
	_ =	swait.ge [sflag:s4], $0x0  }
0x19: {  	s7 =	sld [smem:$0x3F9B]  }
0x1a: {  	s8 =	sadd.s32 $0xFFFFE003, lr  }
0x1b: {  	s9 =	sadd.s32 $0xFFFFFEF7, lr;
	s5 =	simm.s32 $0xFFFFFFFF;
	p2 =	slt.u32 s8, $0xFFFFF086  }
0x1c: {  	p1 =	slt.u32 s9, $0xF7A;
	s5 =	simm.s32 @!p2 $0x0  }
0x1d: {  	s5 =	simm.s32 @p1 $0x1;
	p0 =	seq.s32 s7, s2  }
0x1e: {  	s7 =	smul.u32 @!p0 $0xF7A, s2;
	p2 =	seq.s32 @!p0 s5, $0x0  }
0x1f: {  	s9 =	smul.u32 $0xF7A, s1;
	s8 =	simm.s32 @!p0 $0x1BF5;
	p2 =	por !p2, p0  }
0x20: {  	[sflag:s8] =	ssyncset.s32 @!p0 $0xFFFFF086;
	s6 =	sadd.s32 @!p0 s3, s7;
	s7 =	simm.s32 @!p0 $0x108  }
0x21: {  	s3 =	sadd.s32 s3, s9;
	s6 =	sadd.s32 @!p0 $0x88, s6;
	s7 =	simm.s32 @p2 $0x1082  }
0x22: {  	[simem:s7], [sflag:s8] =	dma.local @!p0 [hbm:s6], $0xF7A  }
0x23: {  	s9 =	sor.u32 $0xD0000000, s2;
	s6 =	simm.s32 $0x108;
	_ =	swait.ge @!p0 [sflag:s8], $0x0  }
0x24: {  	s3 =	sadd.s32 $0x88, s3;
	s6 =	simm.s32 @!p1 $0x1082;
	[sflag:s4] =	ssyncset.s32 $0xFFFFF086  }
0x25: {  	[simem:s6], [sflag:s4] =	dma.local [hbm:s3], $0xF7A  }
0x26: {  	[smem:$0x3F9B] =	sst s1;
	(tag) =	ssettag s2;
	_ =	strace s9  }
0x27: {  	s1 =	sld [smem:$0x3FAB]  }
0x28: {  	s2 =	sld [smem:$0x3FAC]  }
0x29: {  	s4 =	sld [smem:$0x3FAE]  }
0x2a: {  	p0 =	seq.s32 s5, $0x0;
	s5 =	sld [smem:$0x3FAF]  }
0x2b: {  	s6 =	sld [smem:$0x3FB0]  }
0x2c: {  	s7 =	sld [smem:$0x3FB1]  }
0x2d: {  	s3 =	simm.s32 $0x108;
	s8 =	sld [smem:$0x3FB2]  }
0x2e: {  	s3 =	simm.s32 @!p0 $0x1082;
	s9 =	sld [smem:$0x3FB3]  }
0x2f: {  	lr =	sadd.s32 s0, s3;
	s0 =	sld [smem:$0x3FAA]  }
0x30: {  	s3 =	sld [smem:$0x3FAD]  }
0x31: {  	[smem:$0x3FB6] =	sst s10  }
0x32: {  	s10 =	sld [smem:$0x3FB4];
	_ =	sdelay $0x3  }
0x33: {  	p0 =	seq.s32 s10, $0x1;
	s10 =	sld [smem:$0x3FB6];
	_ =	sdelay $0x3  }
0x34: {  	[smem:$0x3FB6] =	sst s10  }
0x35: {  	s10 =	sld [smem:$0x3FB5];
	_ =	sdelay $0x3  }
0x36: {  	p1 =	seq.s32 s10, $0x1;
	s10 =	sld [smem:$0x3FB6];
	_ =	sdelay $0x3  }
0x37: {  	[smem:$0x3FB6] =	sst s10  }
0x38: {  	s10 =	sld [smem:$0x3FB7]  }
0x39: {  	_ = 	snop;
	(pc) =	sbr.ind lr, $3  }
0x3a: {  	_ = 	snop  }
0x3b: {  	_ = 	snop  }
0x3c: {  	p2 =	seq.s32 s10, $0x1;
	s10 =	sld [smem:$0x3FB6]  }
0x3d: {  	_ =	shalt  }
0x3e: {  	_ =	shalt  }
0x3f: {  	_ =	shalt  }
0x40: {  	_ =	shalt  }
0x41: {  	_ =	shalt  }
0x42: {  	_ =	shalt  }
0x43: {  	_ =	shalt  }
0x44: {  	_ =	shalt  }
0x45: {  	_ =	shalt  }
0x46: {  	_ =	shalt  }
0x47: {  	_ =	shalt  }
0x48: {  	_ =	shalt  }
0x49: {  	_ =	shalt  }
0x4a: {  	_ =	shalt  }
0x4b: {  	_ =	shalt  }
0x4c: {  	_ =	shalt  }
0x4d: {  	_ =	shalt  }
0x4e: {  	_ =	shalt  }
0x4f: {  	_ =	shalt  }
0x50: {  	_ =	shalt  }
0x51: {  	_ =	shalt  }
0x52: {  	_ =	shalt  }
0x53: {  	_ =	shalt  }
0x54: {  	_ =	shalt  }
0x55: {  	_ =	shalt  }
0x56: {  	_ =	shalt  }
0x57: {  	_ =	shalt  }
0x58: {  	_ =	shalt  }
0x59: {  	_ =	shalt  }
0x5a: {  	_ =	shalt  }
0x5b: {  	_ =	shalt  }
0x5c: {  	_ =	shalt  }
0x5d: {  	_ =	shalt  }
0x5e: {  	_ =	shalt  }
0x5f: {  	_ =	shalt  }
0x60: {  	_ =	shalt  }
0x61: {  	_ =	shalt  }
0x62: {  	_ =	shalt  }
0x63: {  	_ =	shalt  }
0x64: {  	_ =	shalt  }
0x65: {  	_ =	shalt  }
0x66: {  	_ =	shalt  }
0x67: {  	_ =	shalt  }
0x68: {  	_ =	shalt  }
0x69: {  	_ =	shalt  }
0x6a: {  	_ =	shalt  }
0x6b: {  	_ =	shalt  }
0x6c: {  	_ =	shalt  }
0x6d: {  	_ =	shalt  }
0x6e: {  	_ =	shalt  }
0x6f: {  	_ =	shalt  }
0x70: {  	_ =	shalt  }
0x71: {  	_ =	shalt  }
0x72: {  	_ =	shalt  }
0x73: {  	_ =	shalt  }
0x74: {  	_ =	shalt  }
0x75: {  	_ =	shalt  }
0x76: {  	_ =	shalt  }
0x77: {  	_ =	shalt  }
0x78: {  	_ =	shalt  }
0x79: {  	_ =	shalt  }
0x7a: {  	_ =	shalt  }
0x7b: {  	_ =	shalt  }
0x7c: {  	_ =	shalt  }
0x7d: {  	_ =	shalt  }
0x7e: {  	_ =	shalt  }
0x7f: {  	_ =	shalt  }
0x80: {  	_ =	shalt  }
0x81: {  	_ =	shalt  }
0x82: {  	_ =	shalt  }
0x83: {  	_ =	shalt  }
0x84: {  	_ =	shalt  }
0x85: {  	_ =	shalt  }
0x86: {  	_ =	shalt  }
0x87: {  	_ =	shalt  }
.Lfunc_end0:
.L_simem_size_0:
called_computation_lowered:
.L_overlay_start_0:
0x88: {  	s2 =	sld [smem:$0x3FD9]  }
0x89: {  	s3 =	sld [smem:$0x3FFE];
	_ =	sdelay $0x1  }
0x8a: {  	s1 =	srdreg.scid  }
0x8b: {  	s0 =	sand.u32 $0x1, s1  }
0x8c: {  	s17 =	sshll.u32 s0, $0xA;
	s2 =	sadd.s32 s3, s2  }
0x8d: {  	s2 =	sadd.s32 s2, s17  }
0x8e: {  	[smem:$0x3FC2] =	sst s2  }
0x8f: {  	_ = 	snop  }
0x90: {  	s2 =	sld [smem:$0x3FD0];
	(tm) =	ssettm $0x1  }
0x91: {  	s18 =	sld [smem:$0x3FFB];
	_ =	sdelay $0x3  }
0x92: {  	_ =	strace s18  }
0x93: {  	s3 =	sld [smem:$0x3FFC];
	_ =	sdelay $0x3  }
0x94: {  	_ =	strace s3  }
0x95: {  	s3 =	sld [smem:$0x3FFD];
	_ =	sdelay $0x3  }
0x96: {  	_ =	strace s3  }
0x97: {  	_ =	strace $0x8FFFFFFF  }
0x98: {  	s19 =	sld [smem:$0x3FDB];
	_ =	sdelay $0x1  }
0x99: {  	s4 =	simm.s32 $_scs_section_size  }
0x9a: {  	s5 =	simm.s32 $_size__tile_overlayer_lowered;
	s6 =	simm.s32 $_tile_overlayer_lowered  }
0x9b: {  	s22 =	simm.s32 $0x1BFF;
	s21 =	sshll.u32 s6, $0x1;
	s3 =	sadd.s32 s4, s19  }
0x9c: {  	s7 =	simm.s32 $0x0;
	s20 =	sshll.u32 s5, $0x1;
	s5 =	sadd.s32 s21, s3  }
0x9d: {  	[timem:s7], [sflag:s22] =	dma.local [hbm:s5], s20  }
0x9e: {  	_ =	swait.ge [sflag:s22], s20  }
0x9f: {  	s4 =	ssub.s32 $0x0, s20;
	[sflag:s22] =	ssyncset.done $0x0  }
0xa0: {  	[sflag:s22] =	ssyncadd.s32 s4;
	_ =	sdelay $0x1  }
0xa1: {  	s23 =	simm.s32 $0x1B8B  }
0xa2: {  	_ =	swait.ge [sflag:s23], $0x1  }
0xa3: {  	[sflag:s23] =	ssyncset.done $0x0  }
0xa4: {  	s25 =	simm.s32 $0x1B8E;
	s24 =	sld [smem:$0x3FFE];
	[sflag:s23] =	ssyncadd.s32 $0xFFFFFFFF  }
0xa5: {  	s26 =	simm.s32 $execute0_lowered;
	[smem:$0x3FD2] =	sst s25  }
0xa6: {  	s5 =	sshll.u32 s26, $0x1;
	_ =	strace $0x80000046;
	[dreg:$0x1] =	wrdreg $0xFFFFFFFF  }
0xa7: {  	s28 =	simm.s32 $_size_execute0_lowered;
	s3 =	sadd.s32 s3, s5;
	[dreg:$0x0] =	wrdreg $0x0  }
0xa8: {  	s5 =	sshll.u32 s28, $0x1;
	[dreg:$0x2] =	wrdreg s3  }
0xa9: {  	[dreg:$0x3] =	wrdreg s5  }
0xaa: {  	[dreg:$0x4] =	wrdreg $0xC0  }
0xab: {  	_ =	task [dreg:s7], $0x5FFFF  }
0xac: {  	[dreg:$0x1] =	wrdreg $0xFFFFFFFF  }
0xad: {  	[dreg:$0x0] =	wrdreg $0x60  }
0xae: {  	[dreg:$0x2] =	wrdreg s24  }
0xaf: {  	[dreg:$0x3] =	wrdreg s2  }
0xb0: {  	[dreg:$0x4] =	wrdreg $0x54100  }
0xb1: {  	[dreg:$0x5] =	wrdreg $0x9  }
0xb2: {  	_ =	task.clear_ibuf [dreg:s7], $0x6FFFF;
	_ =	strace $0x90000046  }
0xb3: {  	s29 =	simm.s32 $0x9;
	_ =	strace $0x80000048  }
0xb4: {  	_ =	swait.ge [sflag:s29], $0x1  }
0xb5: {  	[sflag:s29] =	ssyncadd.s32 $0xFFFFFFFF  }
0xb6: {  	_ =	strace $0x90000048  }
0xb7: {  	_ =	sfence  }
0xb8: {  	s30 =	sld [smem:$0x0];
	_ =	sdelay $0x2  }
0xb9: {  	s31 =	sshll.u32 s1, $0xD;
	s1 =	sshrl.u32 s1, $0x2  }
0xba: {  	s3 =	sand.u32 $0x4000, s31;
	s1 =	sadd.s32 s1, s30  }
0xbb: {  	s0 =	sor.u32 s3, s0;
	s1 =	sshll.u32 s1, $0x11  }
0xbc: {  	s0 =	sor.u32 s1, s0  }
0xbd: {  	s0 =	sadd.s32 $0x8F2B, s0  }
0xbe: {  	[sflag:s0] =	ssyncadd.remote.s32 $0x1  }
0xbf: {  	_ =	sfence.sel $0xFFFF  }
0xc0: {  	[dreg:$0x0] =	wrdreg $0xFFFFFFFF;
	(pc) =	sbr.abs _section_cstart, $3  }
0xc1: {  	[dreg:$0x1] =	wrdreg $0xFFFFFFFF  }
0xc2: {  	_ =	task.clear_ibuf [dreg:s7], $0x2FFFF;
	_ =	strace $0x9FFFFFFF  }
0xc3: {  	(tm) =	ssettm $0x7FFFFFFF  }
tec
execute0_lowered:
.L_overlay_start_1:
0x0: {  	(tag) =	ssettag $0x1  }
0x1: {  	s3 =	rddreg [dreg:$0x0]  }
0x2: {  	s0 =	srdreg.scid;
	s21 =	rddreg [dreg:$0x1]  }
0x3: {  	s5 =	rddreg [dreg:$0x2];
	s18 =	sand.u32 $0x1, s0;
	s0 =	stileid.u32  }
0x4: {  	s2 =	simm.s32 $0x0;
	s26 =	simm.s32 $0x5190;
	s6 =	smul.u32 $0xA000, s0  }
0x5: {  	s28 =	simm.s32 $0x0;
	s1 =	sshll.u32 s18, $0x4;
	s22 =	smul.u32 $0x280, s0  }
0x6: {  	s7 =	ssub.s32 $0x2, s18;
	s24 =	smul.u32 $0x500, s18;
	s1 =	sor.u32 s0, s1  }
0x7: {  	[smem:$0x7FF] =	sst s2;
	s31 =	sshrl.u32 s7, $0x1;
	s4 =	smul.u32 $0x4E2, s1  }
0x8: {  	s1 =	rddreg [dreg:$0x3];
	_ =	strace $0x80000047;
	s23 =	ssub.s32 s7, s31  }
0x9: {  	s6 =	sshrl.u32 s6, $0x2;
	s24 =	sadd.s32 s21, s24;
	s25 =	sshrl.u32 s22, $0x3  }
0xa: {  	s21 =	smax.u32 s23, $0x1;
	s23 =	simm.s32 $0x2710;
	s24 =	sadd.s32 s25, s24  }
0xb: {  	s25 =	simm.s32 $0x4F10;
	s4 =	sadd.s32 s4, s3;
	s3 =	sadd.s32 s22, s5  }
0xc: {  	s5 =	sadd.s32 s6, s5;
	s22 =	simm.s32 $0x1;
	s4 =	sadd.s32 $0xC440, s4  }
0xd: {  	s6 =	sadd.s32 $0x2800, s3;
	s7 =	sadd.s32 $0x5000, s3;
	s8 =	sadd.s32 $0x7800, s3  }
0xe: {  	s9 =	sadd.s32 $0xA000, s3;
	s10 =	sadd.s32 $0xC800, s3;
	s11 =	sadd.s32 $0xF000, s3  }
0xf: {  	s12 =	sadd.s32 $0x11800, s3;
	s13 =	sadd.s32 $0x14000, s3;
	s14 =	sadd.s32 $0x16800, s3  }
0x10: {  	s15 =	sadd.s32 $0x19000, s3;
	s16 =	sadd.s32 $0x1B800, s3;
	s17 =	sadd.s32 $0x1E000, s3  }
0x11: {  	v0 =	vimm.f32 $0.0e+00;
	s18 =	sadd.s32 $0x20800, s3;
	s19 =	sadd.s32 $0x23000, s3;
	s20 =	sadd.s32 $0x25800, s3  }
.LBB2_1:
0x12: {  	s29 =	simm.s32 $0x40;
	s30 =	simm.s32 $0x0  }
.LBB2_2:
0x13: {  	p0 =	sne.s32 s29, $0x9FC0;
	[tilespmem:s30+$0x2710] =	vst v0;
	s30 =	smov.u32 s29;
	s29 =	sadd.s32 $0x40, s29  }
.Ltmp0:
0x14: {  	(pc) =	sbr.rel @p0 .LBB2_2-.Ltmp0, $2  }
0x15: {  	_ =	sdelay $0x2  }
0x16: {  	s30 =	sshra.s32 s30, $0x2  }
0x17: {  	[tilespmem:s30+$0x2710] =	vst v0;
	s29 =	simm.s32 $0x0  }
0x18: {  	[tilespmem:s29], [sflag:$0x1] =	stream.linear.gather [hbm4b:s4+s29], $0x2710, $0x38;
	[tilespmem:$0x7C10] =	vst v63  }
0x19: {  	_ =	swait.ge [sflag:s22], $0x2710  }
0x1a: {  	[sflag:s22] =	ssyncset.done $0x0  }
0x1b: {  	[sflag:s22] =	ssyncadd.s32 $0xFFFFD8F0  }
.LBB2_4:
0x1c: {  	s30 =	sshra.s32 s29, $0x2  }
0x1d: {  	v1 =	vld [tilespmem:s30+$0x0];
	_ =	sdelay $0x4  }
0x1e: {  	(xrf1) =	vunique.msk.u32 $0xffff, v1;
	_ =	sdelay $0xd  }
0x1f: {  	_, v2, vm0 =	vpop (xrf1);
	_ =	sdelay $0x3  }
0x20: {  	v2 =	vcvt.s32.f32 v2;
	_ =	sdelay $0x1  }
0x21: {  	[tilespmem:v1+s23+$0x0] =	vst.idx.add.f32.msk vm0, v2  }
0x22: {  	v1 =	vld [tilespmem:s30+$0x10];
	_ =	sdelay $0x4  }
0x23: {  	(xrf1) =	vunique.msk.u32 $0xffff, v1;
	_ =	sdelay $0xd  }
0x24: {  	_, v2, vm0 =	vpop (xrf1);
	_ =	sdelay $0x3  }
0x25: {  	v2 =	vcvt.s32.f32 v2;
	_ =	sdelay $0x1  }
0x26: {  	[tilespmem:v1+s23+$0x0] =	vst.idx.add.f32.msk vm0, v2  }
0x27: {  	v1 =	vld [tilespmem:s30+$0x20];
	_ =	sdelay $0x4  }
0x28: {  	(xrf1) =	vunique.msk.u32 $0xffff, v1;
	_ =	sdelay $0xd  }
0x29: {  	_, v2, vm0 =	vpop (xrf1);
	_ =	sdelay $0x3  }
0x2a: {  	v2 =	vcvt.s32.f32 v2;
	_ =	sdelay $0x1  }
0x2b: {  	[tilespmem:v1+s23+$0x0] =	vst.idx.add.f32.msk vm0, v2  }
0x2c: {  	v1 =	vld [tilespmem:s30+$0x30];
	_ =	sdelay $0x4  }
0x2d: {  	(xrf1) =	vunique.msk.u32 $0xffff, v1;
	_ =	sdelay $0xd  }
0x2e: {  	_, v2, vm0 =	vpop (xrf1);
	_ =	sdelay $0x3  }
0x2f: {  	v2 =	vcvt.s32.f32 v2;
	_ =	sdelay $0x1  }
0x30: {  	[tilespmem:v1+s23+$0x0] =	vst.idx.add.f32.msk vm0, v2  }
0x31: {  	v1 =	vld [tilespmem:s30+$0x40];
	_ =	sdelay $0x4  }
0x32: {  	(xrf1) =	vunique.msk.u32 $0xffff, v1;
	_ =	sdelay $0xd  }
0x33: {  	_, v2, vm0 =	vpop (xrf1)  }
0x34: {  	p0 =	sne.s32 s29, $0x9B00  }
.Ltmp1:
0x35: {  	_ = 	snop;
	(pc) =	sbr.rel @p0 .LBB2_4-.Ltmp1, $3  }
0x36: {  	_ = 	snop  }
0x37: {  	v2 =	vcvt.s32.f32 v2;
	_ =	sdelay $0x1  }
0x38: {  	s29 =	sadd.s32 $0x140, s29;
	[tilespmem:v1+s23+$0x0] =	vst.idx.add.f32.msk vm0, v2  }
0x39: {  	[spmem:s5] =	stream.linear.scatter [tilespmem:s23], [sflag:$0x1], $0x2800, $0x38;
	[tilespmem:$0x7C10] =	vst v63  }
0x3a: {  	_ =	swait.ge [sflag:s22], $0x2800  }
0x3b: {  	[sflag:s22] =	ssyncset.done $0x0  }
0x3c: {  	[sflag:s22] =	ssyncadd.s32 $0xFFFFD800  }
0x3d: {  	[bflag:$0x0] =	sbarrier.arrive $0xFFFF  }
0x3e: {  	[tilespmem:$0x5190] =	vst v0  }
0x3f: {  	[tilespmem:$0x51A0] =	vst v0  }
0x40: {  	[tilespmem:$0x51B0] =	vst v0  }
0x41: {  	[tilespmem:$0x51C0] =	vst v0  }
0x42: {  	[tilespmem:$0x51D0] =	vst v0  }
0x43: {  	[tilespmem:$0x51E0] =	vst v0  }
0x44: {  	[tilespmem:$0x51F0] =	vst v0  }
0x45: {  	[tilespmem:$0x5200] =	vst v0  }
0x46: {  	[tilespmem:$0x5210] =	vst v0  }
0x47: {  	[tilespmem:$0x5220] =	vst v0  }
0x48: {  	[tilespmem:$0x5230] =	vst v0  }
0x49: {  	[tilespmem:$0x5240] =	vst v0  }
0x4a: {  	[tilespmem:$0x5250] =	vst v0  }
0x4b: {  	[tilespmem:$0x5260] =	vst v0  }
0x4c: {  	[tilespmem:$0x5270] =	vst v0  }
0x4d: {  	[tilespmem:$0x5280] =	vst v0  }
0x4e: {  	[tilespmem:$0x5290] =	vst v0  }
0x4f: {  	[tilespmem:$0x52A0] =	vst v0  }
0x50: {  	[tilespmem:$0x52B0] =	vst v0  }
0x51: {  	[tilespmem:$0x52C0] =	vst v0  }
0x52: {  	[tilespmem:$0x52D0] =	vst v0  }
0x53: {  	[tilespmem:$0x52E0] =	vst v0  }
0x54: {  	[tilespmem:$0x52F0] =	vst v0  }
0x55: {  	[tilespmem:$0x5300] =	vst v0  }
0x56: {  	[tilespmem:$0x5310] =	vst v0  }
0x57: {  	[tilespmem:$0x5320] =	vst v0  }
0x58: {  	[tilespmem:$0x5330] =	vst v0  }
0x59: {  	[tilespmem:$0x5340] =	vst v0  }
0x5a: {  	[tilespmem:$0x5350] =	vst v0  }
0x5b: {  	[tilespmem:$0x5360] =	vst v0  }
0x5c: {  	[tilespmem:$0x5370] =	vst v0  }
0x5d: {  	[tilespmem:$0x5380] =	vst v0  }
0x5e: {  	[tilespmem:$0x5390] =	vst v0  }
0x5f: {  	[tilespmem:$0x53A0] =	vst v0  }
0x60: {  	[tilespmem:$0x53B0] =	vst v0  }
0x61: {  	[tilespmem:$0x53C0] =	vst v0  }
0x62: {  	[tilespmem:$0x53D0] =	vst v0  }
0x63: {  	[tilespmem:$0x53E0] =	vst v0  }
0x64: {  	[tilespmem:$0x53F0] =	vst v0  }
0x65: {  	[tilespmem:$0x5400] =	vst v0  }
0x66: {  	[tilespmem:s25], [sflag:$0x1] =	stream.linear.gather [spmem:s3], $0x280, $0x38;
	[tilespmem:$0x7C10] =	vst v63  }
0x67: {  	_ =	swait.ge [sflag:s22], $0x280  }
0x68: {  	[sflag:s22] =	ssyncset.done $0x0  }
0x69: {  	s29 =	simm.s32 $0x0;
	[sflag:s22] =	ssyncadd.s32 $0xFFFFFD80  }
0x6a: {  	s30 =	simm.s32 $0x40;
	v1 =	vld [tilespmem:s29+$0x4F10]  }
.LBB2_6:
0x6b: {  	p0 =	sne.s32 s30, $0x9C0;
	v2 =	vld [tilespmem:s29+$0x5190];
	_ =	sdelay $0x2  }
.Ltmp2:
0x6c: {  	(pc) =	sbr.rel @p0 .LBB2_6-.Ltmp2, $4  }
0x6d: {  	_ = 	snop  }
0x6e: {  	v2 =	vadd.f32 v1, v2  }
0x6f: {  	s31 =	sshra.s32 s30, $0x2  }
0x70: {  	s30 =	sadd.s32 $0x40, s30;
	v1 =	vld [tilespmem:s31+$0x4F10];
	[tilespmem:s29+$0x5190] =	vst v2;
	s29 =	smov.u32 s31  }
0x71: {  	v2 =	vld [tilespmem:s29+$0x5190];
	_ =	sdelay $0x4  }
0x72: {  	v1 =	vadd.f32 v1, v2;
	_ =	sdelay $0x1  }
0x73: {  	[tilespmem:s29+$0x5190] =	vst v1  }
0x74: {  	[tilespmem:s25], [sflag:$0x1] =	stream.linear.gather [spmem:s6], $0x280, $0x38;
	[tilespmem:$0x7C10] =	vst v63  }
0x75: {  	_ =	swait.ge [sflag:s22], $0x280  }
0x76: {  	[sflag:s22] =	ssyncset.done $0x0  }
0x77: {  	s29 =	simm.s32 $0x0;
	[sflag:s22] =	ssyncadd.s32 $0xFFFFFD80  }
0x78: {  	s30 =	simm.s32 $0x40;
	v1 =	vld [tilespmem:s29+$0x4F10]  }
.LBB2_8:
0x79: {  	p0 =	sne.s32 s30, $0x9C0;
	v2 =	vld [tilespmem:s29+$0x5190];
	_ =	sdelay $0x2  }
.Ltmp3:
0x7a: {  	(pc) =	sbr.rel @p0 .LBB2_8-.Ltmp3, $4  }
0x7b: {  	_ = 	snop  }
0x7c: {  	v2 =	vadd.f32 v1, v2  }
0x7d: {  	s31 =	sshra.s32 s30, $0x2  }
0x7e: {  	s30 =	sadd.s32 $0x40, s30;
	v1 =	vld [tilespmem:s31+$0x4F10];
	[tilespmem:s29+$0x5190] =	vst v2;
	s29 =	smov.u32 s31  }
0x7f: {  	v2 =	vld [tilespmem:s29+$0x5190];
	_ =	sdelay $0x4  }
0x80: {  	v1 =	vadd.f32 v1, v2;
	_ =	sdelay $0x1  }
0x81: {  	[tilespmem:s29+$0x5190] =	vst v1  }
0x82: {  	[tilespmem:s25], [sflag:$0x1] =	stream.linear.gather [spmem:s7], $0x280, $0x38;
	[tilespmem:$0x7C10] =	vst v63  }
0x83: {  	_ =	swait.ge [sflag:s22], $0x280  }
0x84: {  	[sflag:s22] =	ssyncset.done $0x0  }
0x85: {  	s29 =	simm.s32 $0x0;
	[sflag:s22] =	ssyncadd.s32 $0xFFFFFD80  }
0x86: {  	s30 =	simm.s32 $0x40;
	v1 =	vld [tilespmem:s29+$0x4F10]  }
.LBB2_10:
0x87: {  	p0 =	sne.s32 s30, $0x9C0;
	v2 =	vld [tilespmem:s29+$0x5190];
	_ =	sdelay $0x2  }
.Ltmp4:
0x88: {  	(pc) =	sbr.rel @p0 .LBB2_10-.Ltmp4, $4  }
0x89: {  	_ = 	snop  }
0x8a: {  	v2 =	vadd.f32 v1, v2  }
0x8b: {  	s31 =	sshra.s32 s30, $0x2  }
0x8c: {  	s30 =	sadd.s32 $0x40, s30;
	v1 =	vld [tilespmem:s31+$0x4F10];
	[tilespmem:s29+$0x5190] =	vst v2;
	s29 =	smov.u32 s31  }
0x8d: {  	v2 =	vld [tilespmem:s29+$0x5190];
	_ =	sdelay $0x4  }
0x8e: {  	v1 =	vadd.f32 v1, v2;
	_ =	sdelay $0x1  }
0x8f: {  	[tilespmem:s29+$0x5190] =	vst v1  }
0x90: {  	[tilespmem:s25], [sflag:$0x1] =	stream.linear.gather [spmem:s8], $0x280, $0x38;
	[tilespmem:$0x7C10] =	vst v63  }
0x91: {  	_ =	swait.ge [sflag:s22], $0x280  }
0x92: {  	[sflag:s22] =	ssyncset.done $0x0  }
0x93: {  	s29 =	simm.s32 $0x0;
	[sflag:s22] =	ssyncadd.s32 $0xFFFFFD80  }
0x94: {  	s30 =	simm.s32 $0x40;
	v1 =	vld [tilespmem:s29+$0x4F10]  }
.LBB2_12:
0x95: {  	p0 =	sne.s32 s30, $0x9C0;
	v2 =	vld [tilespmem:s29+$0x5190];
	_ =	sdelay $0x2  }
.Ltmp5:
0x96: {  	(pc) =	sbr.rel @p0 .LBB2_12-.Ltmp5, $4  }
0x97: {  	_ = 	snop  }
0x98: {  	v2 =	vadd.f32 v1, v2  }
0x99: {  	s31 =	sshra.s32 s30, $0x2  }
0x9a: {  	s30 =	sadd.s32 $0x40, s30;
	v1 =	vld [tilespmem:s31+$0x4F10];
	[tilespmem:s29+$0x5190] =	vst v2;
	s29 =	smov.u32 s31  }
0x9b: {  	v2 =	vld [tilespmem:s29+$0x5190];
	_ =	sdelay $0x4  }
0x9c: {  	v1 =	vadd.f32 v1, v2;
	_ =	sdelay $0x1  }
0x9d: {  	[tilespmem:s29+$0x5190] =	vst v1  }
0x9e: {  	[tilespmem:s25], [sflag:$0x1] =	stream.linear.gather [spmem:s9], $0x280, $0x38;
	[tilespmem:$0x7C10] =	vst v63  }
0x9f: {  	_ =	swait.ge [sflag:s22], $0x280  }
0xa0: {  	[sflag:s22] =	ssyncset.done $0x0  }
0xa1: {  	s29 =	simm.s32 $0x0;
	[sflag:s22] =	ssyncadd.s32 $0xFFFFFD80  }
0xa2: {  	s30 =	simm.s32 $0x40;
	v1 =	vld [tilespmem:s29+$0x4F10]  }
.LBB2_14:
0xa3: {  	p0 =	sne.s32 s30, $0x9C0;
	v2 =	vld [tilespmem:s29+$0x5190];
	_ =	sdelay $0x2  }
.Ltmp6:
0xa4: {  	(pc) =	sbr.rel @p0 .LBB2_14-.Ltmp6, $4  }
0xa5: {  	_ = 	snop  }
0xa6: {  	v2 =	vadd.f32 v1, v2  }
0xa7: {  	s31 =	sshra.s32 s30, $0x2  }
0xa8: {  	s30 =	sadd.s32 $0x40, s30;
	v1 =	vld [tilespmem:s31+$0x4F10];
	[tilespmem:s29+$0x5190] =	vst v2;
	s29 =	smov.u32 s31  }
0xa9: {  	v2 =	vld [tilespmem:s29+$0x5190];
	_ =	sdelay $0x4  }
0xaa: {  	v1 =	vadd.f32 v1, v2;
	_ =	sdelay $0x1  }
0xab: {  	[tilespmem:s29+$0x5190] =	vst v1  }
0xac: {  	[tilespmem:s25], [sflag:$0x1] =	stream.linear.gather [spmem:s10], $0x280, $0x38;
	[tilespmem:$0x7C10] =	vst v63  }
0xad: {  	_ =	swait.ge [sflag:s22], $0x280  }
0xae: {  	[sflag:s22] =	ssyncset.done $0x0  }
0xaf: {  	s29 =	simm.s32 $0x0;
	[sflag:s22] =	ssyncadd.s32 $0xFFFFFD80  }
0xb0: {  	s30 =	simm.s32 $0x40;
	v1 =	vld [tilespmem:s29+$0x4F10]  }
.LBB2_16:
0xb1: {  	p0 =	sne.s32 s30, $0x9C0;
	v2 =	vld [tilespmem:s29+$0x5190];
	_ =	sdelay $0x2  }
.Ltmp7:
0xb2: {  	(pc) =	sbr.rel @p0 .LBB2_16-.Ltmp7, $4  }
0xb3: {  	_ = 	snop  }
0xb4: {  	v2 =	vadd.f32 v1, v2  }
0xb5: {  	s31 =	sshra.s32 s30, $0x2  }
0xb6: {  	s30 =	sadd.s32 $0x40, s30;
	v1 =	vld [tilespmem:s31+$0x4F10];
	[tilespmem:s29+$0x5190] =	vst v2;
	s29 =	smov.u32 s31  }
0xb7: {  	v2 =	vld [tilespmem:s29+$0x5190];
	_ =	sdelay $0x4  }
0xb8: {  	v1 =	vadd.f32 v1, v2;
	_ =	sdelay $0x1  }
0xb9: {  	[tilespmem:s29+$0x5190] =	vst v1  }
0xba: {  	[tilespmem:s25], [sflag:$0x1] =	stream.linear.gather [spmem:s11], $0x280, $0x38;
	[tilespmem:$0x7C10] =	vst v63  }
0xbb: {  	_ =	swait.ge [sflag:s22], $0x280  }
0xbc: {  	[sflag:s22] =	ssyncset.done $0x0  }
0xbd: {  	s29 =	simm.s32 $0x0;
	[sflag:s22] =	ssyncadd.s32 $0xFFFFFD80  }
0xbe: {  	s30 =	simm.s32 $0x40;
	v1 =	vld [tilespmem:s29+$0x4F10]  }
.LBB2_18:
0xbf: {  	p0 =	sne.s32 s30, $0x9C0;
	v2 =	vld [tilespmem:s29+$0x5190];
	_ =	sdelay $0x2  }
.Ltmp8:
0xc0: {  	(pc) =	sbr.rel @p0 .LBB2_18-.Ltmp8, $4  }
0xc1: {  	_ = 	snop  }
0xc2: {  	v2 =	vadd.f32 v1, v2  }
0xc3: {  	s31 =	sshra.s32 s30, $0x2  }
0xc4: {  	s30 =	sadd.s32 $0x40, s30;
	v1 =	vld [tilespmem:s31+$0x4F10];
	[tilespmem:s29+$0x5190] =	vst v2;
	s29 =	smov.u32 s31  }
0xc5: {  	v2 =	vld [tilespmem:s29+$0x5190];
	_ =	sdelay $0x4  }
0xc6: {  	v1 =	vadd.f32 v1, v2;
	_ =	sdelay $0x1  }
0xc7: {  	[tilespmem:s29+$0x5190] =	vst v1  }
0xc8: {  	[tilespmem:s25], [sflag:$0x1] =	stream.linear.gather [spmem:s12], $0x280, $0x38;
	[tilespmem:$0x7C10] =	vst v63  }
0xc9: {  	_ =	swait.ge [sflag:s22], $0x280  }
0xca: {  	[sflag:s22] =	ssyncset.done $0x0  }
0xcb: {  	s29 =	simm.s32 $0x0;
	[sflag:s22] =	ssyncadd.s32 $0xFFFFFD80  }
0xcc: {  	s30 =	simm.s32 $0x40;
	v1 =	vld [tilespmem:s29+$0x4F10]  }
.LBB2_20:
0xcd: {  	p0 =	sne.s32 s30, $0x9C0;
	v2 =	vld [tilespmem:s29+$0x5190];
	_ =	sdelay $0x2  }
.Ltmp9:
0xce: {  	(pc) =	sbr.rel @p0 .LBB2_20-.Ltmp9, $4  }
0xcf: {  	_ = 	snop  }
0xd0: {  	v2 =	vadd.f32 v1, v2  }
0xd1: {  	s31 =	sshra.s32 s30, $0x2  }
0xd2: {  	s30 =	sadd.s32 $0x40, s30;
	v1 =	vld [tilespmem:s31+$0x4F10];
	[tilespmem:s29+$0x5190] =	vst v2;
	s29 =	smov.u32 s31  }
0xd3: {  	v2 =	vld [tilespmem:s29+$0x5190];
	_ =	sdelay $0x4  }
0xd4: {  	v1 =	vadd.f32 v1, v2;
	_ =	sdelay $0x1  }
0xd5: {  	[tilespmem:s29+$0x5190] =	vst v1  }
0xd6: {  	[tilespmem:s25], [sflag:$0x1] =	stream.linear.gather [spmem:s13], $0x280, $0x38;
	[tilespmem:$0x7C10] =	vst v63  }
0xd7: {  	_ =	swait.ge [sflag:s22], $0x280  }
0xd8: {  	[sflag:s22] =	ssyncset.done $0x0  }
0xd9: {  	s29 =	simm.s32 $0x0;
	[sflag:s22] =	ssyncadd.s32 $0xFFFFFD80  }
0xda: {  	s30 =	simm.s32 $0x40;
	v1 =	vld [tilespmem:s29+$0x4F10]  }
.LBB2_22:
0xdb: {  	p0 =	sne.s32 s30, $0x9C0;
	v2 =	vld [tilespmem:s29+$0x5190];
	_ =	sdelay $0x2  }
.Ltmp10:
0xdc: {  	(pc) =	sbr.rel @p0 .LBB2_22-.Ltmp10, $4  }
0xdd: {  	_ = 	snop  }
0xde: {  	v2 =	vadd.f32 v1, v2  }
0xdf: {  	s31 =	sshra.s32 s30, $0x2  }
0xe0: {  	s30 =	sadd.s32 $0x40, s30;
	v1 =	vld [tilespmem:s31+$0x4F10];
	[tilespmem:s29+$0x5190] =	vst v2;
	s29 =	smov.u32 s31  }
0xe1: {  	v2 =	vld [tilespmem:s29+$0x5190];
	_ =	sdelay $0x4  }
0xe2: {  	v1 =	vadd.f32 v1, v2;
	_ =	sdelay $0x1  }
0xe3: {  	[tilespmem:s29+$0x5190] =	vst v1  }
0xe4: {  	[tilespmem:s25], [sflag:$0x1] =	stream.linear.gather [spmem:s14], $0x280, $0x38;
	[tilespmem:$0x7C10] =	vst v63  }
0xe5: {  	_ =	swait.ge [sflag:s22], $0x280  }
0xe6: {  	[sflag:s22] =	ssyncset.done $0x0  }
0xe7: {  	s29 =	simm.s32 $0x0;
	[sflag:s22] =	ssyncadd.s32 $0xFFFFFD80  }
0xe8: {  	s30 =	simm.s32 $0x40;
	v1 =	vld [tilespmem:s29+$0x4F10]  }
.LBB2_24:
0xe9: {  	p0 =	sne.s32 s30, $0x9C0;
	v2 =	vld [tilespmem:s29+$0x5190];
	_ =	sdelay $0x2  }
.Ltmp11:
0xea: {  	(pc) =	sbr.rel @p0 .LBB2_24-.Ltmp11, $4  }
0xeb: {  	_ = 	snop  }
0xec: {  	v2 =	vadd.f32 v1, v2  }
0xed: {  	s31 =	sshra.s32 s30, $0x2  }
0xee: {  	s30 =	sadd.s32 $0x40, s30;
	v1 =	vld [tilespmem:s31+$0x4F10];
	[tilespmem:s29+$0x5190] =	vst v2;
	s29 =	smov.u32 s31  }
0xef: {  	v2 =	vld [tilespmem:s29+$0x5190];
	_ =	sdelay $0x4  }
0xf0: {  	v1 =	vadd.f32 v1, v2;
	_ =	sdelay $0x1  }
0xf1: {  	[tilespmem:s29+$0x5190] =	vst v1  }
0xf2: {  	[tilespmem:s25], [sflag:$0x1] =	stream.linear.gather [spmem:s15], $0x280, $0x38;
	[tilespmem:$0x7C10] =	vst v63  }
0xf3: {  	_ =	swait.ge [sflag:s22], $0x280  }
0xf4: {  	[sflag:s22] =	ssyncset.done $0x0  }
0xf5: {  	s29 =	simm.s32 $0x0;
	[sflag:s22] =	ssyncadd.s32 $0xFFFFFD80  }
0xf6: {  	s30 =	simm.s32 $0x40;
	v1 =	vld [tilespmem:s29+$0x4F10]  }
.LBB2_26:
0xf7: {  	p0 =	sne.s32 s30, $0x9C0;
	v2 =	vld [tilespmem:s29+$0x5190];
	_ =	sdelay $0x2  }
.Ltmp12:
0xf8: {  	(pc) =	sbr.rel @p0 .LBB2_26-.Ltmp12, $4  }
0xf9: {  	_ = 	snop  }
0xfa: {  	v2 =	vadd.f32 v1, v2  }
0xfb: {  	s31 =	sshra.s32 s30, $0x2  }
0xfc: {  	s30 =	sadd.s32 $0x40, s30;
	v1 =	vld [tilespmem:s31+$0x4F10];
	[tilespmem:s29+$0x5190] =	vst v2;
	s29 =	smov.u32 s31  }
0xfd: {  	v2 =	vld [tilespmem:s29+$0x5190];
	_ =	sdelay $0x4  }
0xfe: {  	v1 =	vadd.f32 v1, v2;
	_ =	sdelay $0x1  }
0xff: {  	[tilespmem:s29+$0x5190] =	vst v1  }
0x100: {  	[tilespmem:s25], [sflag:$0x1] =	stream.linear.gather [spmem:s16], $0x280, $0x38;
	[tilespmem:$0x7C10] =	vst v63  }
0x101: {  	_ =	swait.ge [sflag:s22], $0x280  }
0x102: {  	[sflag:s22] =	ssyncset.done $0x0  }
0x103: {  	s29 =	simm.s32 $0x0;
	[sflag:s22] =	ssyncadd.s32 $0xFFFFFD80  }
0x104: {  	s30 =	simm.s32 $0x40;
	v1 =	vld [tilespmem:s29+$0x4F10]  }
.LBB2_28:
0x105: {  	p0 =	sne.s32 s30, $0x9C0;
	v2 =	vld [tilespmem:s29+$0x5190];
	_ =	sdelay $0x2  }
.Ltmp13:
0x106: {  	(pc) =	sbr.rel @p0 .LBB2_28-.Ltmp13, $4  }
0x107: {  	_ = 	snop  }
0x108: {  	v2 =	vadd.f32 v1, v2  }
0x109: {  	s31 =	sshra.s32 s30, $0x2  }
0x10a: {  	s30 =	sadd.s32 $0x40, s30;
	v1 =	vld [tilespmem:s31+$0x4F10];
	[tilespmem:s29+$0x5190] =	vst v2;
	s29 =	smov.u32 s31  }
0x10b: {  	v2 =	vld [tilespmem:s29+$0x5190];
	_ =	sdelay $0x4  }
0x10c: {  	v1 =	vadd.f32 v1, v2;
	_ =	sdelay $0x1  }
0x10d: {  	[tilespmem:s29+$0x5190] =	vst v1  }
0x10e: {  	[tilespmem:s25], [sflag:$0x1] =	stream.linear.gather [spmem:s17], $0x280, $0x38;
	[tilespmem:$0x7C10] =	vst v63  }
0x10f: {  	_ =	swait.ge [sflag:s22], $0x280  }
0x110: {  	[sflag:s22] =	ssyncset.done $0x0  }
0x111: {  	s29 =	simm.s32 $0x0;
	[sflag:s22] =	ssyncadd.s32 $0xFFFFFD80  }
0x112: {  	s30 =	simm.s32 $0x40;
	v1 =	vld [tilespmem:s29+$0x4F10]  }
.LBB2_30:
0x113: {  	p0 =	sne.s32 s30, $0x9C0;
	v2 =	vld [tilespmem:s29+$0x5190];
	_ =	sdelay $0x2  }
.Ltmp14:
0x114: {  	(pc) =	sbr.rel @p0 .LBB2_30-.Ltmp14, $4  }
0x115: {  	_ = 	snop  }
0x116: {  	v2 =	vadd.f32 v1, v2  }
0x117: {  	s31 =	sshra.s32 s30, $0x2  }
0x118: {  	s30 =	sadd.s32 $0x40, s30;
	v1 =	vld [tilespmem:s31+$0x4F10];
	[tilespmem:s29+$0x5190] =	vst v2;
	s29 =	smov.u32 s31  }
0x119: {  	v2 =	vld [tilespmem:s29+$0x5190];
	_ =	sdelay $0x4  }
0x11a: {  	v1 =	vadd.f32 v1, v2;
	_ =	sdelay $0x1  }
0x11b: {  	[tilespmem:s29+$0x5190] =	vst v1  }
0x11c: {  	[tilespmem:s25], [sflag:$0x1] =	stream.linear.gather [spmem:s18], $0x280, $0x38;
	[tilespmem:$0x7C10] =	vst v63  }
0x11d: {  	_ =	swait.ge [sflag:s22], $0x280  }
0x11e: {  	[sflag:s22] =	ssyncset.done $0x0  }
0x11f: {  	s29 =	simm.s32 $0x0;
	[sflag:s22] =	ssyncadd.s32 $0xFFFFFD80  }
0x120: {  	s30 =	simm.s32 $0x40;
	v1 =	vld [tilespmem:s29+$0x4F10]  }
.LBB2_32:
0x121: {  	p0 =	sne.s32 s30, $0x9C0;
	v2 =	vld [tilespmem:s29+$0x5190];
	_ =	sdelay $0x2  }
.Ltmp15:
0x122: {  	(pc) =	sbr.rel @p0 .LBB2_32-.Ltmp15, $4  }
0x123: {  	_ = 	snop  }
0x124: {  	v2 =	vadd.f32 v1, v2  }
0x125: {  	s31 =	sshra.s32 s30, $0x2  }
0x126: {  	s30 =	sadd.s32 $0x40, s30;
	v1 =	vld [tilespmem:s31+$0x4F10];
	[tilespmem:s29+$0x5190] =	vst v2;
	s29 =	smov.u32 s31  }
0x127: {  	v2 =	vld [tilespmem:s29+$0x5190];
	_ =	sdelay $0x4  }
0x128: {  	v1 =	vadd.f32 v1, v2;
	_ =	sdelay $0x1  }
0x129: {  	[tilespmem:s29+$0x5190] =	vst v1  }
0x12a: {  	[tilespmem:s25], [sflag:$0x1] =	stream.linear.gather [spmem:s19], $0x280, $0x38;
	[tilespmem:$0x7C10] =	vst v63  }
0x12b: {  	_ =	swait.ge [sflag:s22], $0x280  }
0x12c: {  	[sflag:s22] =	ssyncset.done $0x0  }
0x12d: {  	s29 =	simm.s32 $0x0;
	[sflag:s22] =	ssyncadd.s32 $0xFFFFFD80  }
0x12e: {  	s30 =	simm.s32 $0x40;
	v1 =	vld [tilespmem:s29+$0x4F10]  }
.LBB2_34:
0x12f: {  	p0 =	sne.s32 s30, $0x9C0;
	v2 =	vld [tilespmem:s29+$0x5190];
	_ =	sdelay $0x2  }
.Ltmp16:
0x130: {  	(pc) =	sbr.rel @p0 .LBB2_34-.Ltmp16, $4  }
0x131: {  	_ = 	snop  }
0x132: {  	v2 =	vadd.f32 v1, v2  }
0x133: {  	s31 =	sshra.s32 s30, $0x2  }
0x134: {  	s30 =	sadd.s32 $0x40, s30;
	v1 =	vld [tilespmem:s31+$0x4F10];
	[tilespmem:s29+$0x5190] =	vst v2;
	s29 =	smov.u32 s31  }
0x135: {  	v2 =	vld [tilespmem:s29+$0x5190];
	_ =	sdelay $0x4  }
0x136: {  	v1 =	vadd.f32 v1, v2;
	_ =	sdelay $0x1  }
0x137: {  	[tilespmem:s29+$0x5190] =	vst v1  }
0x138: {  	[tilespmem:s25], [sflag:$0x1] =	stream.linear.gather [spmem:s20], $0x280, $0x38;
	[tilespmem:$0x7C10] =	vst v63  }
0x139: {  	_ =	swait.ge [sflag:s22], $0x280  }
0x13a: {  	[sflag:s22] =	ssyncset.done $0x0  }
0x13b: {  	s29 =	simm.s32 $0x0;
	[sflag:s22] =	ssyncadd.s32 $0xFFFFFD80  }
0x13c: {  	s30 =	simm.s32 $0x40;
	v1 =	vld [tilespmem:s29+$0x4F10]  }
.LBB2_36:
0x13d: {  	p0 =	sne.s32 s30, $0x9C0;
	v2 =	vld [tilespmem:s29+$0x5190];
	_ =	sdelay $0x2  }
.Ltmp17:
0x13e: {  	(pc) =	sbr.rel @p0 .LBB2_36-.Ltmp17, $4  }
0x13f: {  	_ = 	snop  }
0x140: {  	v2 =	vadd.f32 v1, v2  }
0x141: {  	s31 =	sshra.s32 s30, $0x2  }
0x142: {  	s30 =	sadd.s32 $0x40, s30;
	v1 =	vld [tilespmem:s31+$0x4F10];
	[tilespmem:s29+$0x5190] =	vst v2;
	s29 =	smov.u32 s31  }
0x143: {  	v2 =	vld [tilespmem:s29+$0x5190];
	_ =	sdelay $0x4  }
0x144: {  	s28 =	sadd.s32 $0x1, s28;
	v1 =	vadd.f32 v1, v2  }
0x145: {  	p0 =	sne.s32 s28, s21  }
.Ltmp18:
0x146: {  	[tilespmem:s29+$0x5190] =	vst v1;
	(pc) =	sbr.rel @p0 .LBB2_1-.Ltmp18, $4  }
0x147: {  	[hbm4b:s24+s2] =	stream.linear.scatter [tilespmem:s26], [sflag:$0x1], $0x280, $0x38;
	[tilespmem:$0x7C10] =	vst v63  }
0x148: {  	_ =	swait.ge [sflag:s22], $0x280  }
0x149: {  	[sflag:s22] =	ssyncset.done $0x0  }
0x14a: {  	[sflag:s22] =	ssyncadd.s32 $0xFFFFFD80  }
0x14b: {  	_ =	sfence.sel $0x180000  }
0x14c: {  	[bflag:$0x0] =	sbarrier.arrive $0xFFFF  }
0x14d: {  	p0 =	sne.s32 s0, $0x0;
	_ =	strace $0x90000047  }
0x14e: {  	s0 =	sadd.s32 @!p0 $0x100000, s1;
	[bflag:$0x2] =	sbarrier.arrive $0xFFFF  }
0x14f: {  	[sflag:s0] =	ssyncadd.tile.s32 @!p0 $0x1;
	_ =	shalt  }
.Lfunc_end2:
_tile_overlayer_lowered:
.L_overlay_start_2:
0x150: {  	(tag) =	ssettag $0x2  }
0x151: {  	s0 =	rddreg [dreg:$0x0];
	s2 =	stileid.u32  }
0x152: {  	s1 =	rddreg [dreg:$0x1];
	p0 =	sne.s32 s2, $0x0  }
0x153: {  	s3 =	rddreg [dreg:$0x2];
	[bflag:$0x3] =	sbarrier.arrive $0xFFFF;
	s2 =	simm.s32 @!p0 $0x1C01  }
0x154: {  	[timem:s3], [sflag:s2] =	dma.local @!p0 [hbm:s0], s1  }
0x155: {  	s0 =	simm.s32 @!p0 $0x1  }
0x156: {  	_ =	swait.ge @!p0 [sflag:s0], s1  }
0x157: {  	s1 =	ssub.s32 @!p0 $0x0, s1;
	[sflag:s0] =	ssyncset.done @!p0 $0x0  }
0x158: {  	[sflag:s0] =	ssyncadd.s32 @!p0 s1  }
0x159: {  	[bflag:$0x3] =	sbarrier.arrive $0xFFFF  }
0x15a: {  	_ =	shalt  }

</sc_bundles>
